<compile_context>
chip_gen: v7x
topology: tpu7x:2x2x1
jax: 0.10.2.dev20260603
libtpu: 0.0.44.dev20260713+nightly
codegen_flags: <defaults>
</compile_context>

<pallas_src>
import jax
import jax.numpy as jnp
from jax import lax
from jax.experimental import pallas as pl
from jax.experimental.pallas import tpu as pltpu
from jax.experimental.pallas import tpu_sc as plsc

_NT = 32
_T = 32
_B = 8
_V = 10000


def _emit_sc(emitf_hbm, x_hbm, g_hbm, stats_hbm, row_v, idx_v, gout_v, stat_v,
             rsem, gsem):
    a = lax.axis_index("s") * 2 + lax.axis_index("c")
    rowcp = pltpu.async_copy(emitf_hbm.at[pl.ds(a * _V, _V)], row_v, rsem)
    pltpu.sync_copy(x_hbm, idx_v)

    for j in range(_T * _B // 16):
        idx_v[pl.ds(j * 16, 16)] = idx_v[pl.ds(j * 16, 16)] + a * _V
    copies = [
        pltpu.async_copy(emitf_hbm.at[idx_v.at[pl.ds(c * 128, 128)]],
                         gout_v.at[pl.ds(c * 128, 128)], gsem)
        for c in range(_T * _B // 128)
    ]
    rowcp.wait()

    unroll = 25
    n_it = _V // 16 // unroll

    def mbody(i, acc):
        for u in range(unroll):
            acc = jnp.maximum(acc, row_v[pl.ds(i * (16 * unroll) + u * 16, 16)])
        return acc
    macc = lax.fori_loop(0, n_it, mbody,
                         jnp.full((16,), -jnp.inf, jnp.float32))

    def sbody(i, acc):
        for u in range(unroll):
            acc = acc + jnp.exp(
                row_v[pl.ds(i * (16 * unroll) + u * 16, 16)] - macc)
        return acc
    sacc = lax.fori_loop(0, n_it, sbody, jnp.zeros((16,), jnp.float32))

    stat_v[pl.ds(0, 16)] = macc
    stat_v[pl.ds(16, 16)] = sacc
    pltpu.sync_copy(stat_v, stats_hbm.at[a])

    for c in copies:
        c.wait()
    pltpu.sync_copy(gout_v, g_hbm.at[a])


_emit_call_cache = []


def _emit_call(emitf, xt):
    if not _emit_call_cache:
        _emit_call_cache.append(pl.kernel(
            _emit_sc,
            out_type=(
                jax.ShapeDtypeStruct((_NT, _T * _B), jnp.float32),
                jax.ShapeDtypeStruct((_NT, 32), jnp.float32),
            ),
            mesh=plsc.VectorSubcoreMesh(core_axis_name="c",
                                        subcore_axis_name="s"),
            scratch_types=[
                pltpu.VMEM((_V,), jnp.float32),
                pltpu.VMEM((_T * _B,), jnp.int32),
                pltpu.VMEM((_T * _B,), jnp.float32),
                pltpu.VMEM((32,), jnp.float32),
                pltpu.SemaphoreType.DMA,
                pltpu.SemaphoreType.DMA,
            ],
        ))
    return _emit_call_cache[0](emitf, xt)


def _inside_kernel(g_ref, stats_ref, root_ref, rule_ref, out_ref, ch_ref):
    B, T, NT = _B, _T, _NT
    NN = NT * NT

    stats = stats_ref[...]
    tmb = stats[:, 0:16] + jnp.log(stats[:, 16:32])
    tmm = jnp.max(tmb, axis=1, keepdims=True)
    logz = tmm + jnp.log(jnp.sum(jnp.exp(tmb - tmm), axis=1, keepdims=True))
    gn = g_ref[...] - logz
    rown = jax.lax.broadcasted_iota(jnp.int32, (NT, NT), 0)
    coln = jax.lax.broadcasted_iota(jnp.int32, (NT, NT), 1)
    eye = (rown == coln).astype(jnp.float32)
    beta1 = jax.lax.dot_general(gn, eye, (((0,), (0,)), ((), ())),
                                preferred_element_type=jnp.float32,
                                precision=jax.lax.Precision.HIGHEST)
    m1 = jnp.max(jnp.max(beta1, axis=1, keepdims=True), axis=0,
                 keepdims=True)
    e1 = jnp.exp(beta1 - m1)

    rl = rule_ref[...]
    rm = jnp.max(rl, axis=1, keepdims=True)
    re = jnp.exp(rl - rm)
    rprob = re / jnp.sum(re, axis=1, keepdims=True)

    jj = jax.lax.broadcasted_iota(jnp.int32, (NT, NN), 1)
    row = jax.lax.broadcasted_iota(jnp.int32, (NT, NN), 0)
    tilemat = (jj % NT == row).astype(jnp.float32)
    repmat = (jj // NT == row).astype(jnp.float32)

    ch_ref[1, 0:T * B, :] = jnp.dot(e1, tilemat,
                                    preferred_element_type=jnp.float32)
    ch_ref[T, B:(T + 1) * B, :] = jnp.dot(e1, repmat,
                                          preferred_element_type=jnp.float32)
    mv = [None, m1]

    root = root_ref[...]
    rt = jnp.exp(root - jnp.max(root, axis=1, keepdims=True))
    rsm = rt / jnp.sum(rt, axis=1, keepdims=True)

    for w in range(2, T + 1):
        n8 = (T - w + 1) * B
        lo = T + 1 - w
        k = w - 1
        ls = ch_ref[1:w, 0:n8, :]
        rs = ch_ref[lo + 1:T + 1, w * B:(T + 1) * B, :]
        sk = jnp.concatenate([mv[i] + mv[w - i] for i in range(1, w)],
                             axis=0)
        s = jnp.max(sk, axis=0, keepdims=True)
        scale = jnp.exp(sk - s)[:, :, None]
        c = jnp.sum(ls * rs * scale, axis=0)
        v = jax.lax.dot_general(c, rprob, (((1,), (1,)), ((), ())),
                                preferred_element_type=jnp.float32)
        if w < T:
            vmax = jnp.max(jnp.max(v, axis=1, keepdims=True), axis=0,
                           keepdims=True)
            ew = v * (1.0 / vmax)
            mv.append(s + jnp.log(vmax))
            ch_ref[w, 0:n8, :] = jnp.dot(ew, tilemat,
                                         preferred_element_type=jnp.float32)
            ch_ref[lo, w * B:(T + 1) * B, :] = jnp.dot(
                ew, repmat, preferred_element_type=jnp.float32)
        else:
            acc = jnp.sum(v * rsm, axis=1, keepdims=True)
            out_ref[...] = s + jnp.log(acc)


def kernel(x, root_logits, rule_logits, emit_logits):
    xt = x.astype(jnp.int32).T.reshape(_T * _B)
    g, stats = _emit_call(emit_logits.reshape(_NT * _V), xt)
    root2 = root_logits.reshape(1, _NT)
    rule2 = rule_logits.transpose(0, 2, 1).reshape(_NT, _NT * _NT)
    ll = pl.pallas_call(
        _inside_kernel,
        out_shape=jax.ShapeDtypeStruct((_B, 1), jnp.float32),
        scratch_shapes=[
            pltpu.VMEM((_T + 1, (_T + 1) * _B, _NT * _NT), jnp.float32),
        ],
    )(g, stats, root2, rule2)
    return ll.reshape(_B)

# --- scband reference (transcript-rebuilt; emitter-appended) ---
"""Pipeline reference for scband-base-neural-pcfg-53437983096912 (READ-ONLY COPY).

The authoritative reference and input builder live on the scoring server;
editing this copy changes nothing except your own understanding.
"""

import jax, jax.numpy as jnp
import numpy as np

NUM_NT = 32
NUM_T = 10000
B = 8
T = 32


def setup_inputs(seed: int = 0) -> dict:
    key = jax.random.key(seed)
    k1, k2, k3, k4 = jax.random.split(key, 4)
    x = jax.random.randint(k1, (B, T), 0, NUM_T)
    root_logits = jax.random.normal(k2, (NUM_NT,), dtype=jnp.float32)
    rule_logits = jax.random.normal(k3, (NUM_NT, NUM_NT, NUM_NT), dtype=jnp.float32)
    emit_logits = jax.random.normal(k4, (NUM_NT, NUM_T), dtype=jnp.float32)
    return {"x": x, "root_logits": root_logits, "rule_logits": rule_logits, "emit_logits": emit_logits}


def _inside(root_logits, rule_logits, emit_logits, x):
    Bb, Tt = x.shape
    NT = rule_logits.shape[0]
    root_lp = jax.nn.log_softmax(root_logits)
    rule_lp = jax.nn.log_softmax(rule_logits.reshape(NT, NT * NT), axis=-1).reshape(NT, NT, NT)
    emit_lp = jax.nn.log_softmax(emit_logits, axis=-1)
    # width-1 spans: preterminal emission gather, beta[1][b, i, A] = log P(A -> x[b,i])
    beta = {1: jnp.transpose(emit_lp[:, x], (1, 2, 0))}
    for w in range(2, Tt + 1):
        n = Tt - w + 1
        parts = []
        for k in range(1, w):
            left = beta[k][:, :n, :]
            right = beta[w - k][:, k:k + n, :]
            parts.append(left[:, :, :, None] + right[:, :, None, :])
        comb = jax.nn.logsumexp(jnp.stack(parts, axis=2), axis=2)  # [B, n, NT_B, NT_C]
        score = jax.nn.logsumexp(comb[:, :, None, :, :] + rule_lp[None, None, :, :, :], axis=(3, 4))
        beta[w] = score
    ll = beta[Tt][:, 0, :] + root_lp[None, :]
    return jax.nn.logsumexp(ll, axis=-1)


def reference(x, root_logits, rule_logits, emit_logits):
    return _inside(root_logits, rule_logits, emit_logits, x)

if __name__ == "__main__":
    import jax
    _d = setup_inputs()
    print(jax.jit(kernel)(*tuple(_d.values())))

</pallas_src>

<mosaic_0001>
#map = affine_map<(d0, d1) -> (0)>
#map1 = affine_map<(d0, d1) -> (0, 0)>
module attributes {stable_mosaic.version = 14 : i64} {
  func.func @_emit_sc(%arg0: i32, %arg1: i32, %arg2: memref<320000xf32, #tpu.memory_space<hbm>>, %arg3: memref<256xi32, #tpu.memory_space<hbm>>, %arg4: memref<32x256xf32, #tpu.memory_space<hbm>>, %arg5: memref<32x32xf32, #tpu.memory_space<hbm>>, %arg6: memref<10000xf32, #tpu.memory_space<vmem>>, %arg7: memref<256xi32, #tpu.memory_space<vmem>>, %arg8: memref<256xf32, #tpu.memory_space<vmem>>, %arg9: memref<32xf32, #tpu.memory_space<vmem>>, %arg10: memref<!tpu.dma_semaphore, #tpu.memory_space<semaphore_mem>>, %arg11: memref<!tpu.dma_semaphore, #tpu.memory_space<semaphore_mem>>) attributes {dimension_semantics = [#tpu.dimension_semantics<core_parallel>, #tpu.dimension_semantics<subcore_parallel>], iteration_bounds = array<i64: 2, 16>, scalar_prefetch = 0 : i64, scratch_operands = 6 : i64, tpu.core_type = #tpu.core_type<sc_vector_subcore>, window_params = [{transform_indices = #map}, {transform_indices = #map}, {transform_indices = #map1}, {transform_indices = #map1}]} {
    %mul3A = arith.constant 2 : i32
    %mul3A_0 = arith.muli %arg1, %mul3A : i32
    %add3A = arith.addi %mul3A_0, %arg0 : i32
    %mul3A_1 = arith.constant 10000 : i32
    %mul3A_2 = arith.muli %add3A, %mul3A_1 : i32
    %dma_start3A = tpu.memref_slice %arg2[%mul3A_2] : memref<320000xf32, #tpu.memory_space<hbm>> -> memref<10000xf32, #tpu.memory_space<hbm>>
    %dma_start3A_3 = tpu.memref_slice %arg2[%mul3A_2] : memref<320000xf32, #tpu.memory_space<hbm>> -> memref<10000xf32, #tpu.memory_space<hbm>>
    tpu.enqueue_dma source(%dma_start3A_3 : memref<10000xf32, #tpu.memory_space<hbm>>) target(%arg6 : memref<10000xf32, #tpu.memory_space<vmem>>) target_semaphore(%arg10 : memref<!tpu.dma_semaphore, #tpu.memory_space<semaphore_mem>>)
    "tpu.region"() ({
      %run_scoped3A = tpu.sem_alloc : memref<!tpu.dma_semaphore, #tpu.memory_space<semaphore_mem>>
      tpu.enqueue_dma source(%arg3 : memref<256xi32, #tpu.memory_space<hbm>>) target(%arg7 : memref<256xi32, #tpu.memory_space<vmem>>) target_semaphore(%run_scoped3A : memref<!tpu.dma_semaphore, #tpu.memory_space<semaphore_mem>>)
      tpu.wait_dma2 semaphore(%run_scoped3A : memref<!tpu.dma_semaphore, #tpu.memory_space<semaphore_mem>>) src(%arg3 : memref<256xi32, #tpu.memory_space<hbm>>) dst(%arg7 : memref<256xi32, #tpu.memory_space<vmem>>)
      tpu.yield
    }) : () -> ()
    %get3A = arith.constant 0 : index
    %get3A_4 = tpu.vector_load %arg7[%get3A] {strides = array<i32>} : memref<256xi32, #tpu.memory_space<vmem>>, vector<16xi32>,
    %get3A_5 = vector.shape_cast %get3A_4 : vector<16xi32> to vector<16xi32>
    %mul3A_6 = arith.constant 10000 : i32
    %mul3A_7 = arith.muli %add3A, %mul3A_6 : i32
    %add3A_8 = vector.broadcast %mul3A_7 : i32 to vector<16xi32>
    %add3A_9 = arith.addi %get3A_5, %add3A_8 : vector<16xi32>
    %swap3A = arith.constant 0 : index
    %swap3A_10 = tpu.vector_load %arg7[%swap3A] {strides = array<i32>} : memref<256xi32, #tpu.memory_space<vmem>>, vector<16xi32>,
    %swap3A_11 = vector.shape_cast %swap3A_10 : vector<16xi32> to vector<16xi32>
    %swap3A_12 = vector.shape_cast %add3A_9 : vector<16xi32> to vector<16xi32>
    tpu.vector_store %arg7[%swap3A], %swap3A_12 {strides = array<i32>} : memref<256xi32, #tpu.memory_space<vmem>>, vector<16xi32>,
    %get3A_13 = arith.constant 16 : index
    %get3A_14 = tpu.vector_load %arg7[%get3A_13] {strides = array<i32>} : memref<256xi32, #tpu.memory_space<vmem>>, vector<16xi32>,
    %get3A_15 = vector.shape_cast %get3A_14 : vector<16xi32> to vector<16xi32>
    %mul3A_16 = arith.constant 10000 : i32
    %mul3A_17 = arith.muli %add3A, %mul3A_16 : i32
    %add3A_18 = vector.broadcast %mul3A_17 : i32 to vector<16xi32>
    %add3A_19 = arith.addi %get3A_15, %add3A_18 : vector<16xi32>
    %swap3A_20 = arith.constant 16 : index
    %swap3A_21 = tpu.vector_load %arg7[%swap3A_20] {strides = array<i32>} : memref<256xi32, #tpu.memory_space<vmem>>, vector<16xi32>,
    %swap3A_22 = vector.shape_cast %swap3A_21 : vector<16xi32> to vector<16xi32>
    %swap3A_23 = vector.shape_cast %add3A_19 : vector<16xi32> to vector<16xi32>
    tpu.vector_store %arg7[%swap3A_20], %swap3A_23 {strides = array<i32>} : memref<256xi32, #tpu.memory_space<vmem>>, vector<16xi32>,
    %get3A_24 = arith.constant 32 : index
    %get3A_25 = tpu.vector_load %arg7[%get3A_24] {strides = array<i32>} : memref<256xi32, #tpu.memory_space<vmem>>, vector<16xi32>,
    %get3A_26 = vector.shape_cast %get3A_25 : vector<16xi32> to vector<16xi32>
    %mul3A_27 = arith.constant 10000 : i32
    %mul3A_28 = arith.muli %add3A, %mul3A_27 : i32
    %add3A_29 = vector.broadcast %mul3A_28 : i32 to vector<16xi32>
    %add3A_30 = arith.addi %get3A_26, %add3A_29 : vector<16xi32>
    %swap3A_31 = arith.constant 32 : index
    %swap3A_32 = tpu.vector_load %arg7[%swap3A_31] {strides = array<i32>} : memref<256xi32, #tpu.memory_space<vmem>>, vector<16xi32>,
    %swap3A_33 = vector.shape_cast %swap3A_32 : vector<16xi32> to vector<16xi32>
    %swap3A_34 = vector.shape_cast %add3A_30 : vector<16xi32> to vector<16xi32>
    tpu.vector_store %arg7[%swap3A_31], %swap3A_34 {strides = array<i32>} : memref<256xi32, #tpu.memory_space<vmem>>, vector<16xi32>,
    %get3A_35 = arith.constant 48 : index
    %get3A_36 = tpu.vector_load %arg7[%get3A_35] {strides = array<i32>} : memref<256xi32, #tpu.memory_space<vmem>>, vector<16xi32>,
    %get3A_37 = vector.shape_cast %get3A_36 : vector<16xi32> to vector<16xi32>
    %mul3A_38 = arith.constant 10000 : i32
    %mul3A_39 = arith.muli %add3A, %mul3A_38 : i32
    %add3A_40 = vector.broadcast %mul3A_39 : i32 to vector<16xi32>
    %add3A_41 = arith.addi %get3A_37, %add3A_40 : vector<16xi32>
    %swap3A_42 = arith.constant 48 : index
    %swap3A_43 = tpu.vector_load %arg7[%swap3A_42] {strides = array<i32>} : memref<256xi32, #tpu.memory_space<vmem>>, vector<16xi32>,
    %swap3A_44 = vector.shape_cast %swap3A_43 : vector<16xi32> to vector<16xi32>
    %swap3A_45 = vector.shape_cast %add3A_41 : vector<16xi32> to vector<16xi32>
    tpu.vector_store %arg7[%swap3A_42], %swap3A_45 {strides = array<i32>} : memref<256xi32, #tpu.memory_space<vmem>>, vector<16xi32>,
    %get3A_46 = arith.constant 64 : index
    %get3A_47 = tpu.vector_load %arg7[%get3A_46] {strides = array<i32>} : memref<256xi32, #tpu.memory_space<vmem>>, vector<16xi32>,
    %get3A_48 = vector.shape_cast %get3A_47 : vector<16xi32> to vector<16xi32>
    %mul3A_49 = arith.constant 10000 : i32
    %mul3A_50 = arith.muli %add3A, %mul3A_49 : i32
    %add3A_51 = vector.broadcast %mul3A_50 : i32 to vector<16xi32>
    %add3A_52 = arith.addi %get3A_48, %add3A_51 : vector<16xi32>
    %swap3A_53 = arith.constant 64 : index
    %swap3A_54 = tpu.vector_load %arg7[%swap3A_53] {strides = array<i32>} : memref<256xi32, #tpu.memory_space<vmem>>, vector<16xi32>,
    %swap3A_55 = vector.shape_cast %swap3A_54 : vector<16xi32> to vector<16xi32>
    %swap3A_56 = vector.shape_cast %add3A_52 : vector<16xi32> to vector<16xi32>
    tpu.vector_store %arg7[%swap3A_53], %swap3A_56 {strides = array<i32>} : memref<256xi32, #tpu.memory_space<vmem>>, vector<16xi32>,
    %get3A_57 = arith.constant 80 : index
    %get3A_58 = tpu.vector_load %arg7[%get3A_57] {strides = array<i32>} : memref<256xi32, #tpu.memory_space<vmem>>, vector<16xi32>,
    %get3A_59 = vector.shape_cast %get3A_58 : vector<16xi32> to vector<16xi32>
    %mul3A_60 = arith.constant 10000 : i32
    %mul3A_61 = arith.muli %add3A, %mul3A_60 : i32
    %add3A_62 = vector.broadcast %mul3A_61 : i32 to vector<16xi32>
    %add3A_63 = arith.addi %get3A_59, %add3A_62 : vector<16xi32>
    %swap3A_64 = arith.constant 80 : index
    %swap3A_65 = tpu.vector_load %arg7[%swap3A_64] {strides = array<i32>} : memref<256xi32, #tpu.memory_space<vmem>>, vector<16xi32>,
    %swap3A_66 = vector.shape_cast %swap3A_65 : vector<16xi32> to vector<16xi32>
    %swap3A_67 = vector.shape_cast %add3A_63 : vector<16xi32> to vector<16xi32>
    tpu.vector_store %arg7[%swap3A_64], %swap3A_67 {strides = array<i32>} : memref<256xi32, #tpu.memory_space<vmem>>, vector<16xi32>,
    %get3A_68 = arith.constant 96 : index
    %get3A_69 = tpu.vector_load %arg7[%get3A_68] {strides = array<i32>} : memref<256xi32, #tpu.memory_space<vmem>>, vector<16xi32>,
    %get3A_70 = vector.shape_cast %get3A_69 : vector<16xi32> to vector<16xi32>
    %mul3A_71 = arith.constant 10000 : i32
    %mul3A_72 = arith.muli %add3A, %mul3A_71 : i32
    %add3A_73 = vector.broadcast %mul3A_72 : i32 to vector<16xi32>
    %add3A_74 = arith.addi %get3A_70, %add3A_73 : vector<16xi32>
    %swap3A_75 = arith.constant 96 : index
    %swap3A_76 = tpu.vector_load %arg7[%swap3A_75] {strides = array<i32>} : memref<256xi32, #tpu.memory_space<vmem>>, vector<16xi32>,
    %swap3A_77 = vector.shape_cast %swap3A_76 : vector<16xi32> to vector<16xi32>
    %swap3A_78 = vector.shape_cast %add3A_74 : vector<16xi32> to vector<16xi32>
    tpu.vector_store %arg7[%swap3A_75], %swap3A_78 {strides = array<i32>} : memref<256xi32, #tpu.memory_space<vmem>>, vector<16xi32>,
    %get3A_79 = arith.constant 112 : index
    %get3A_80 = tpu.vector_load %arg7[%get3A_79] {strides = array<i32>} : memref<256xi32, #tpu.memory_space<vmem>>, vector<16xi32>,
    %get3A_81 = vector.shape_cast %get3A_80 : vector<16xi32> to vector<16xi32>
    %mul3A_82 = arith.constant 10000 : i32
    %mul3A_83 = arith.muli %add3A, %mul3A_82 : i32
    %add3A_84 = vector.broadcast %mul3A_83 : i32 to vector<16xi32>
    %add3A_85 = arith.addi %get3A_81, %add3A_84 : vector<16xi32>
    %swap3A_86 = arith.constant 112 : index
    %swap3A_87 = tpu.vector_load %arg7[%swap3A_86] {strides = array<i32>} : memref<256xi32, #tpu.memory_space<vmem>>, vector<16xi32>,
    %swap3A_88 = vector.shape_cast %swap3A_87 : vector<16xi32> to vector<16xi32>
    %swap3A_89 = vector.shape_cast %add3A_85 : vector<16xi32> to vector<16xi32>
    tpu.vector_store %arg7[%swap3A_86], %swap3A_89 {strides = array<i32>} : memref<256xi32, #tpu.memory_space<vmem>>, vector<16xi32>,
    %get3A_90 = arith.constant 128 : index
    %get3A_91 = tpu.vector_load %arg7[%get3A_90] {strides = array<i32>} : memref<256xi32, #tpu.memory_space<vmem>>, vector<16xi32>,
    %get3A_92 = vector.shape_cast %get3A_91 : vector<16xi32> to vector<16xi32>
    %mul3A_93 = arith.constant 10000 : i32
    %mul3A_94 = arith.muli %add3A, %mul3A_93 : i32
    %add3A_95 = vector.broadcast %mul3A_94 : i32 to vector<16xi32>
    %add3A_96 = arith.addi %get3A_92, %add3A_95 : vector<16xi32>
    %swap3A_97 = arith.constant 128 : index
    %swap3A_98 = tpu.vector_load %arg7[%swap3A_97] {strides = array<i32>} : memref<256xi32, #tpu.memory_space<vmem>>, vector<16xi32>,
    %swap3A_99 = vector.shape_cast %swap3A_98 : vector<16xi32> to vector<16xi32>
    %swap3A_100 = vector.shape_cast %add3A_96 : vector<16xi32> to vector<16xi32>
    tpu.vector_store %arg7[%swap3A_97], %swap3A_100 {strides = array<i32>} : memref<256xi32, #tpu.memory_space<vmem>>, vector<16xi32>,
    %get3A_101 = arith.constant 144 : index
    %get3A_102 = tpu.vector_load %arg7[%get3A_101] {strides = array<i32>} : memref<256xi32, #tpu.memory_space<vmem>>, vector<16xi32>,
    %get3A_103 = vector.shape_cast %get3A_102 : vector<16xi32> to vector<16xi32>
    %mul3A_104 = arith.constant 10000 : i32
    %mul3A_105 = arith.muli %add3A, %mul3A_104 : i32
    %add3A_106 = vector.broadcast %mul3A_105 : i32 to vector<16xi32>
    %add3A_107 = arith.addi %get3A_103, %add3A_106 : vector<16xi32>
    %swap3A_108 = arith.constant 144 : index
    %swap3A_109 = tpu.vector_load %arg7[%swap3A_108] {strides = array<i32>} : memref<256xi32, #tpu.memory_space<vmem>>, vector<16xi32>,
    %swap3A_110 = vector.shape_cast %swap3A_109 : vector<16xi32> to vector<16xi32>
    %swap3A_111 = vector.shape_cast %add3A_107 : vector<16xi32> to vector<16xi32>
    tpu.vector_store %arg7[%swap3A_108], %swap3A_111 {strides = array<i32>} : memref<256xi32, #tpu.memory_space<vmem>>, vector<16xi32>,
    %get3A_112 = arith.constant 160 : index
    %get3A_113 = tpu.vector_load %arg7[%get3A_112] {strides = array<i32>} : memref<256xi32, #tpu.memory_space<vmem>>, vector<16xi32>,
    %get3A_114 = vector.shape_cast %get3A_113 : vector<16xi32> to vector<16xi32>
    %mul3A_115 = arith.constant 10000 : i32
    %mul3A_116 = arith.muli %add3A, %mul3A_115 : i32
    %add3A_117 = vector.broadcast %mul3A_116 : i32 to vector<16xi32>
    %add3A_118 = arith.addi %get3A_114, %add3A_117 : vector<16xi32>
    %swap3A_119 = arith.constant 160 : index
    %swap3A_120 = tpu.vector_load %arg7[%swap3A_119] {strides = array<i32>} : memref<256xi32, #tpu.memory_space<vmem>>, vector<16xi32>,
    %swap3A_121 = vector.shape_cast %swap3A_120 : vector<16xi32> to vector<16xi32>
    %swap3A_122 = vector.shape_cast %add3A_118 : vector<16xi32> to vector<16xi32>
    tpu.vector_store %arg7[%swap3A_119], %swap3A_122 {strides = array<i32>} : memref<256xi32, #tpu.memory_space<vmem>>, vector<16xi32>,
    %get3A_123 = arith.constant 176 : index
    %get3A_124 = tpu.vector_load %arg7[%get3A_123] {strides = array<i32>} : memref<256xi32, #tpu.memory_space<vmem>>, vector<16xi32>,
    %get3A_125 = vector.shape_cast %get3A_124 : vector<16xi32> to vector<16xi32>
    %mul3A_126 = arith.constant 10000 : i32
    %mul3A_127 = arith.muli %add3A, %mul3A_126 : i32
    %add3A_128 = vector.broadcast %mul3A_127 : i32 to vector<16xi32>
    %add3A_129 = arith.addi %get3A_125, %add3A_128 : vector<16xi32>
    %swap3A_130 = arith.constant 176 : index
    %swap3A_131 = tpu.vector_load %arg7[%swap3A_130] {strides = array<i32>} : memref<256xi32, #tpu.memory_space<vmem>>, vector<16xi32>,
    %swap3A_132 = vector.shape_cast %swap3A_131 : vector<16xi32> to vector<16xi32>
    %swap3A_133 = vector.shape_cast %add3A_129 : vector<16xi32> to vector<16xi32>
    tpu.vector_store %arg7[%swap3A_130], %swap3A_133 {strides = array<i32>} : memref<256xi32, #tpu.memory_space<vmem>>, vector<16xi32>,
    %get3A_134 = arith.constant 192 : index
    %get3A_135 = tpu.vector_load %arg7[%get3A_134] {strides = array<i32>} : memref<256xi32, #tpu.memory_space<vmem>>, vector<16xi32>,
    %get3A_136 = vector.shape_cast %get3A_135 : vector<16xi32> to vector<16xi32>
    %mul3A_137 = arith.constant 10000 : i32
    %mul3A_138 = arith.muli %add3A, %mul3A_137 : i32
    %add3A_139 = vector.broadcast %mul3A_138 : i32 to vector<16xi32>
    %add3A_140 = arith.addi %get3A_136, %add3A_139 : vector<16xi32>
    %swap3A_141 = arith.constant 192 : index
    %swap3A_142 = tpu.vector_load %arg7[%swap3A_141] {strides = array<i32>} : memref<256xi32, #tpu.memory_space<vmem>>, vector<16xi32>,
    %swap3A_143 = vector.shape_cast %swap3A_142 : vector<16xi32> to vector<16xi32>
    %swap3A_144 = vector.shape_cast %add3A_140 : vector<16xi32> to vector<16xi32>
    tpu.vector_store %arg7[%swap3A_141], %swap3A_144 {strides = array<i32>} : memref<256xi32, #tpu.memory_space<vmem>>, vector<16xi32>,
    %get3A_145 = arith.constant 208 : index
    %get3A_146 = tpu.vector_load %arg7[%get3A_145] {strides = array<i32>} : memref<256xi32, #tpu.memory_space<vmem>>, vector<16xi32>,
    %get3A_147 = vector.shape_cast %get3A_146 : vector<16xi32> to vector<16xi32>
    %mul3A_148 = arith.constant 10000 : i32
    %mul3A_149 = arith.muli %add3A, %mul3A_148 : i32
    %add3A_150 = vector.broadcast %mul3A_149 : i32 to vector<16xi32>
    %add3A_151 = arith.addi %get3A_147, %add3A_150 : vector<16xi32>
    %swap3A_152 = arith.constant 208 : index
    %swap3A_153 = tpu.vector_load %arg7[%swap3A_152] {strides = array<i32>} : memref<256xi32, #tpu.memory_space<vmem>>, vector<16xi32>,
    %swap3A_154 = vector.shape_cast %swap3A_153 : vector<16xi32> to vector<16xi32>
    %swap3A_155 = vector.shape_cast %add3A_151 : vector<16xi32> to vector<16xi32>
    tpu.vector_store %arg7[%swap3A_152], %swap3A_155 {strides = array<i32>} : memref<256xi32, #tpu.memory_space<vmem>>, vector<16xi32>,
    %get3A_156 = arith.constant 224 : index
    %get3A_157 = tpu.vector_load %arg7[%get3A_156] {strides = array<i32>} : memref<256xi32, #tpu.memory_space<vmem>>, vector<16xi32>,
    %get3A_158 = vector.shape_cast %get3A_157 : vector<16xi32> to vector<16xi32>
    %mul3A_159 = arith.constant 10000 : i32
    %mul3A_160 = arith.muli %add3A, %mul3A_159 : i32
    %add3A_161 = vector.broadcast %mul3A_160 : i32 to vector<16xi32>
    %add3A_162 = arith.addi %get3A_158, %add3A_161 : vector<16xi32>
    %swap3A_163 = arith.constant 224 : index
    %swap3A_164 = tpu.vector_load %arg7[%swap3A_163] {strides = array<i32>} : memref<256xi32, #tpu.memory_space<vmem>>, vector<16xi32>,
    %swap3A_165 = vector.shape_cast %swap3A_164 : vector<16xi32> to vector<16xi32>
    %swap3A_166 = vector.shape_cast %add3A_162 : vector<16xi32> to vector<16xi32>
    tpu.vector_store %arg7[%swap3A_163], %swap3A_166 {strides = array<i32>} : memref<256xi32, #tpu.memory_space<vmem>>, vector<16xi32>,
    %get3A_167 = arith.constant 240 : index
    %get3A_168 = tpu.vector_load %arg7[%get3A_167] {strides = array<i32>} : memref<256xi32, #tpu.memory_space<vmem>>, vector<16xi32>,
    %get3A_169 = vector.shape_cast %get3A_168 : vector<16xi32> to vector<16xi32>
    %mul3A_170 = arith.constant 10000 : i32
    %mul3A_171 = arith.muli %add3A, %mul3A_170 : i32
    %add3A_172 = vector.broadcast %mul3A_171 : i32 to vector<16xi32>
    %add3A_173 = arith.addi %get3A_169, %add3A_172 : vector<16xi32>
    %swap3A_174 = arith.constant 240 : index
    %swap3A_175 = tpu.vector_load %arg7[%swap3A_174] {strides = array<i32>} : memref<256xi32, #tpu.memory_space<vmem>>, vector<16xi32>,
    %swap3A_176 = vector.shape_cast %swap3A_175 : vector<16xi32> to vector<16xi32>
    %swap3A_177 = vector.shape_cast %add3A_173 : vector<16xi32> to vector<16xi32>
    tpu.vector_store %arg7[%swap3A_174], %swap3A_177 {strides = array<i32>} : memref<256xi32, #tpu.memory_space<vmem>>, vector<16xi32>,
    %dma_start3A_178 = arith.constant 0 : i32
    %dma_start3A_179 = tpu.memref_slice %arg8[%dma_start3A_178] : memref<256xf32, #tpu.memory_space<vmem>> -> memref<128xf32, #tpu.memory_space<vmem>>
    %dma_start3A_180 = arith.constant 0 : i32
    %dma_start3A_181 = tpu.memref_slice %arg7[%dma_start3A_180] : memref<256xi32, #tpu.memory_space<vmem>> -> memref<128xi32, #tpu.memory_space<vmem>>
    %dma_start3A_182 = arith.constant 0 : i32
    %dma_start3A_183 = tpu.memref_slice %arg2[%dma_start3A_182] : memref<320000xf32, #tpu.memory_space<hbm>> -> memref<320000xf32, #tpu.memory_space<hbm>>
    tpu.enqueue_indirect_dma source(%dma_start3A_183 : memref<320000xf32, #tpu.memory_space<hbm>>) target(%dma_start3A_179 : memref<128xf32, #tpu.memory_space<vmem>>) offsets(%dma_start3A_181 : memref<128xi32, #tpu.memory_space<vmem>>) semaphore(%arg11 : memref<!tpu.dma_semaphore, #tpu.memory_space<semaphore_mem>>)
    %dma_start3A_184 = arith.constant 128 : i32
    %dma_start3A_185 = tpu.memref_slice %arg8[%dma_start3A_184] : memref<256xf32, #tpu.memory_space<vmem>> -> memref<128xf32, #tpu.memory_space<vmem>>
    %dma_start3A_186 = arith.constant 128 : i32
    %dma_start3A_187 = tpu.memref_slice %arg7[%dma_start3A_186] : memref<256xi32, #tpu.memory_space<vmem>> -> memref<128xi32, #tpu.memory_space<vmem>>
    %dma_start3A_188 = arith.constant 0 : i32
    %dma_start3A_189 = tpu.memref_slice %arg2[%dma_start3A_188] : memref<320000xf32, #tpu.memory_space<hbm>> -> memref<320000xf32, #tpu.memory_space<hbm>>
    tpu.enqueue_indirect_dma source(%dma_start3A_189 : memref<320000xf32, #tpu.memory_space<hbm>>) target(%dma_start3A_185 : memref<128xf32, #tpu.memory_space<vmem>>) offsets(%dma_start3A_187 : memref<128xi32, #tpu.memory_space<vmem>>) semaphore(%arg11 : memref<!tpu.dma_semaphore, #tpu.memory_space<semaphore_mem>>)
    %dma_wait3A = tpu.memref_slice %arg2[%mul3A_2] : memref<320000xf32, #tpu.memory_space<hbm>> -> memref<10000xf32, #tpu.memory_space<hbm>>
    %dma_wait3A_190 = tpu.memref_slice %arg2[%mul3A_2] : memref<320000xf32, #tpu.memory_space<hbm>> -> memref<10000xf32, #tpu.memory_space<hbm>>
    tpu.wait_dma2 semaphore(%arg10 : memref<!tpu.dma_semaphore, #tpu.memory_space<semaphore_mem>>) src(%dma_wait3A_190 : memref<10000xf32, #tpu.memory_space<hbm>>) dst(%arg6 : memref<10000xf32, #tpu.memory_space<vmem>>)
    %broadcast_in_dim3A = arith.constant 0xFF800000 : f32
    %broadcast_in_dim3A_191 = vector.broadcast %broadcast_in_dim3A : f32 to vector<16xf32>
    %scan3A = arith.constant 0 : i32
    %scan3A_192 = arith.constant 25 : i32
    %scan3A_193 = arith.addi %scan3A, %scan3A_192 : i32
    %scan3A_194 = arith.constant 1 : i32
    %scan3A_195 = scf.for %scan3A_225 = %scan3A to %scan3A_193 step %scan3A_194 iter_args(%scan3A_226 = %broadcast_in_dim3A_191) -> (vector<16xf32>)  : i32 {
      %mul3A_227 = arith.constant 400 : i32
      %mul3A_228 = arith.muli %scan3A_225, %mul3A_227 : i32
      %add3A_229 = arith.constant 0 : i32
      %add3A_230 = arith.addi %mul3A_228, %add3A_229 : i32
      %get3A_231 = arith.index_cast %add3A_230 : i32 to index
      %get3A_232 = tpu.vector_load %arg6[%get3A_231] {strides = array<i32>} : memref<10000xf32, #tpu.memory_space<vmem>>, vector<16xf32>,
      %get3A_233 = vector.shape_cast %get3A_232 : vector<16xf32> to vector<16xf32>
      %max3A = arith.maximumf %scan3A_226, %get3A_233 : vector<16xf32>
      %mul3A_234 = arith.constant 400 : i32
      %mul3A_235 = arith.muli %scan3A_225, %mul3A_234 : i32
      %add3A_236 = arith.constant 16 : i32
      %add3A_237 = arith.addi %mul3A_235, %add3A_236 : i32
      %get3A_238 = arith.index_cast %add3A_237 : i32 to index
      %get3A_239 = tpu.vector_load %arg6[%get3A_238] {strides = array<i32>} : memref<10000xf32, #tpu.memory_space<vmem>>, vector<16xf32>,
      %get3A_240 = vector.shape_cast %get3A_239 : vector<16xf32> to vector<16xf32>
      %max3A_241 = arith.maximumf %max3A, %get3A_240 : vector<16xf32>
      %mul3A_242 = arith.constant 400 : i32
      %mul3A_243 = arith.muli %scan3A_225, %mul3A_242 : i32
      %add3A_244 = arith.constant 32 : i32
      %add3A_245 = arith.addi %mul3A_243, %add3A_244 : i32
      %get3A_246 = arith.index_cast %add3A_245 : i32 to index
      %get3A_247 = tpu.vector_load %arg6[%get3A_246] {strides = array<i32>} : memref<10000xf32, #tpu.memory_space<vmem>>, vector<16xf32>,
      %get3A_248 = vector.shape_cast %get3A_247 : vector<16xf32> to vector<16xf32>
      %max3A_249 = arith.maximumf %max3A_241, %get3A_248 : vector<16xf32>
      %mul3A_250 = arith.constant 400 : i32
      %mul3A_251 = arith.muli %scan3A_225, %mul3A_250 : i32
      %add3A_252 = arith.constant 48 : i32
      %add3A_253 = arith.addi %mul3A_251, %add3A_252 : i32
      %get3A_254 = arith.index_cast %add3A_253 : i32 to index
      %get3A_255 = tpu.vector_load %arg6[%get3A_254] {strides = array<i32>} : memref<10000xf32, #tpu.memory_space<vmem>>, vector<16xf32>,
      %get3A_256 = vector.shape_cast %get3A_255 : vector<16xf32> to vector<16xf32>
      %max3A_257 = arith.maximumf %max3A_249, %get3A_256 : vector<16xf32>
      %mul3A_258 = arith.constant 400 : i32
      %mul3A_259 = arith.muli %scan3A_225, %mul3A_258 : i32
      %add3A_260 = arith.constant 64 : i32
      %add3A_261 = arith.addi %mul3A_259, %add3A_260 : i32
      %get3A_262 = arith.index_cast %add3A_261 : i32 to index
      %get3A_263 = tpu.vector_load %arg6[%get3A_262] {strides = array<i32>} : memref<10000xf32, #tpu.memory_space<vmem>>, vector<16xf32>,
      %get3A_264 = vector.shape_cast %get3A_263 : vector<16xf32> to vector<16xf32>
      %max3A_265 = arith.maximumf %max3A_257, %get3A_264 : vector<16xf32>
      %mul3A_266 = arith.constant 400 : i32
      %mul3A_267 = arith.muli %scan3A_225, %mul3A_266 : i32
      %add3A_268 = arith.constant 80 : i32
      %add3A_269 = arith.addi %mul3A_267, %add3A_268 : i32
      %get3A_270 = arith.index_cast %add3A_269 : i32 to index
      %get3A_271 = tpu.vector_load %arg6[%get3A_270] {strides = array<i32>} : memref<10000xf32, #tpu.memory_space<vmem>>, vector<16xf32>,
      %get3A_272 = vector.shape_cast %get3A_271 : vector<16xf32> to vector<16xf32>
      %max3A_273 = arith.maximumf %max3A_265, %get3A_272 : vector<16xf32>
      %mul3A_274 = arith.constant 400 : i32
      %mul3A_275 = arith.muli %scan3A_225, %mul3A_274 : i32
      %add3A_276 = arith.constant 96 : i32
      %add3A_277 = arith.addi %mul3A_275, %add3A_276 : i32
      %get3A_278 = arith.index_cast %add3A_277 : i32 to index
      %get3A_279 = tpu.vector_load %arg6[%get3A_278] {strides = array<i32>} : memref<10000xf32, #tpu.memory_space<vmem>>, vector<16xf32>,
      %get3A_280 = vector.shape_cast %get3A_279 : vector<16xf32> to vector<16xf32>
      %max3A_281 = arith.maximumf %max3A_273, %get3A_280 : vector<16xf32>
      %mul3A_282 = arith.constant 400 : i32
      %mul3A_283 = arith.muli %scan3A_225, %mul3A_282 : i32
      %add3A_284 = arith.constant 112 : i32
      %add3A_285 = arith.addi %mul3A_283, %add3A_284 : i32
      %get3A_286 = arith.index_cast %add3A_285 : i32 to index
      %get3A_287 = tpu.vector_load %arg6[%get3A_286] {strides = array<i32>} : memref<10000xf32, #tpu.memory_space<vmem>>, vector<16xf32>,
      %get3A_288 = vector.shape_cast %get3A_287 : vector<16xf32> to vector<16xf32>
      %max3A_289 = arith.maximumf %max3A_281, %get3A_288 : vector<16xf32>
      %mul3A_290 = arith.constant 400 : i32
      %mul3A_291 = arith.muli %scan3A_225, %mul3A_290 : i32
      %add3A_292 = arith.constant 128 : i32
      %add3A_293 = arith.addi %mul3A_291, %add3A_292 : i32
      %get3A_294 = arith.index_cast %add3A_293 : i32 to index
      %get3A_295 = tpu.vector_load %arg6[%get3A_294] {strides = array<i32>} : memref<10000xf32, #tpu.memory_space<vmem>>, vector<16xf32>,
      %get3A_296 = vector.shape_cast %get3A_295 : vector<16xf32> to vector<16xf32>
      %max3A_297 = arith.maximumf %max3A_289, %get3A_296 : vector<16xf32>
      %mul3A_298 = arith.constant 400 : i32
      %mul3A_299 = arith.muli %scan3A_225, %mul3A_298 : i32
      %add3A_300 = arith.constant 144 : i32
      %add3A_301 = arith.addi %mul3A_299, %add3A_300 : i32
      %get3A_302 = arith.index_cast %add3A_301 : i32 to index
      %get3A_303 = tpu.vector_load %arg6[%get3A_302] {strides = array<i32>} : memref<10000xf32, #tpu.memory_space<vmem>>, vector<16xf32>,
      %get3A_304 = vector.shape_cast %get3A_303 : vector<16xf32> to vector<16xf32>
      %max3A_305 = arith.maximumf %max3A_297, %get3A_304 : vector<16xf32>
      %mul3A_306 = arith.constant 400 : i32
      %mul3A_307 = arith.muli %scan3A_225, %mul3A_306 : i32
      %add3A_308 = arith.constant 160 : i32
      %add3A_309 = arith.addi %mul3A_307, %add3A_308 : i32
      %get3A_310 = arith.index_cast %add3A_309 : i32 to index
      %get3A_311 = tpu.vector_load %arg6[%get3A_310] {strides = array<i32>} : memref<10000xf32, #tpu.memory_space<vmem>>, vector<16xf32>,
      %get3A_312 = vector.shape_cast %get3A_311 : vector<16xf32> to vector<16xf32>
      %max3A_313 = arith.maximumf %max3A_305, %get3A_312 : vector<16xf32>
      %mul3A_314 = arith.constant 400 : i32
      %mul3A_315 = arith.muli %scan3A_225, %mul3A_314 : i32
      %add3A_316 = arith.constant 176 : i32
      %add3A_317 = arith.addi %mul3A_315, %add3A_316 : i32
      %get3A_318 = arith.index_cast %add3A_317 : i32 to index
      %get3A_319 = tpu.vector_load %arg6[%get3A_318] {strides = array<i32>} : memref<10000xf32, #tpu.memory_space<vmem>>, vector<16xf32>,
      %get3A_320 = vector.shape_cast %get3A_319 : vector<16xf32> to vector<16xf32>
      %max3A_321 = arith.maximumf %max3A_313, %get3A_320 : vector<16xf32>
      %mul3A_322 = arith.constant 400 : i32
      %mul3A_323 = arith.muli %scan3A_225, %mul3A_322 : i32
      %add3A_324 = arith.constant 192 : i32
      %add3A_325 = arith.addi %mul3A_323, %add3A_324 : i32
      %get3A_326 = arith.index_cast %add3A_325 : i32 to index
      %get3A_327 = tpu.vector_load %arg6[%get3A_326] {strides = array<i32>} : memref<10000xf32, #tpu.memory_space<vmem>>, vector<16xf32>,
      %get3A_328 = vector.shape_cast %get3A_327 : vector<16xf32> to vector<16xf32>
      %max3A_329 = arith.maximumf %max3A_321, %get3A_328 : vector<16xf32>
      %mul3A_330 = arith.constant 400 : i32
      %mul3A_331 = arith.muli %scan3A_225, %mul3A_330 : i32
      %add3A_332 = arith.constant 208 : i32
      %add3A_333 = arith.addi %mul3A_331, %add3A_332 : i32
      %get3A_334 = arith.index_cast %add3A_333 : i32 to index
      %get3A_335 = tpu.vector_load %arg6[%get3A_334] {strides = array<i32>} : memref<10000xf32, #tpu.memory_space<vmem>>, vector<16xf32>,
      %get3A_336 = vector.shape_cast %get3A_335 : vector<16xf32> to vector<16xf32>
      %max3A_337 = arith.maximumf %max3A_329, %get3A_336 : vector<16xf32>
      %mul3A_338 = arith.constant 400 : i32
      %mul3A_339 = arith.muli %scan3A_225, %mul3A_338 : i32
      %add3A_340 = arith.constant 224 : i32
      %add3A_341 = arith.addi %mul3A_339, %add3A_340 : i32
      %get3A_342 = arith.index_cast %add3A_341 : i32 to index
      %get3A_343 = tpu.vector_load %arg6[%get3A_342] {strides = array<i32>} : memref<10000xf32, #tpu.memory_space<vmem>>, vector<16xf32>,
      %get3A_344 = vector.shape_cast %get3A_343 : vector<16xf32> to vector<16xf32>
      %max3A_345 = arith.maximumf %max3A_337, %get3A_344 : vector<16xf32>
      %mul3A_346 = arith.constant 400 : i32
      %mul3A_347 = arith.muli %scan3A_225, %mul3A_346 : i32
      %add3A_348 = arith.constant 240 : i32
      %add3A_349 = arith.addi %mul3A_347, %add3A_348 : i32
      %get3A_350 = arith.index_cast %add3A_349 : i32 to index
      %get3A_351 = tpu.vector_load %arg6[%get3A_350] {strides = array<i32>} : memref<10000xf32, #tpu.memory_space<vmem>>, vector<16xf32>,
      %get3A_352 = vector.shape_cast %get3A_351 : vector<16xf32> to vector<16xf32>
      %max3A_353 = arith.maximumf %max3A_345, %get3A_352 : vector<16xf32>
      %mul3A_354 = arith.constant 400 : i32
      %mul3A_355 = arith.muli %scan3A_225, %mul3A_354 : i32
      %add3A_356 = arith.constant 256 : i32
      %add3A_357 = arith.addi %mul3A_355, %add3A_356 : i32
      %get3A_358 = arith.index_cast %add3A_357 : i32 to index
      %get3A_359 = tpu.vector_load %arg6[%get3A_358] {strides = array<i32>} : memref<10000xf32, #tpu.memory_space<vmem>>, vector<16xf32>,
      %get3A_360 = vector.shape_cast %get3A_359 : vector<16xf32> to vector<16xf32>
      %max3A_361 = arith.maximumf %max3A_353, %get3A_360 : vector<16xf32>
      %mul3A_362 = arith.constant 400 : i32
      %mul3A_363 = arith.muli %scan3A_225, %mul3A_362 : i32
      %add3A_364 = arith.constant 272 : i32
      %add3A_365 = arith.addi %mul3A_363, %add3A_364 : i32
      %get3A_366 = arith.index_cast %add3A_365 : i32 to index
      %get3A_367 = tpu.vector_load %arg6[%get3A_366] {strides = array<i32>} : memref<10000xf32, #tpu.memory_space<vmem>>, vector<16xf32>,
      %get3A_368 = vector.shape_cast %get3A_367 : vector<16xf32> to vector<16xf32>
      %max3A_369 = arith.maximumf %max3A_361, %get3A_368 : vector<16xf32>
      %mul3A_370 = arith.constant 400 : i32
      %mul3A_371 = arith.muli %scan3A_225, %mul3A_370 : i32
      %add3A_372 = arith.constant 288 : i32
      %add3A_373 = arith.addi %mul3A_371, %add3A_372 : i32
      %get3A_374 = arith.index_cast %add3A_373 : i32 to index
      %get3A_375 = tpu.vector_load %arg6[%get3A_374] {strides = array<i32>} : memref<10000xf32, #tpu.memory_space<vmem>>, vector<16xf32>,
      %get3A_376 = vector.shape_cast %get3A_375 : vector<16xf32> to vector<16xf32>
      %max3A_377 = arith.maximumf %max3A_369, %get3A_376 : vector<16xf32>
      %mul3A_378 = arith.constant 400 : i32
      %mul3A_379 = arith.muli %scan3A_225, %mul3A_378 : i32
      %add3A_380 = arith.constant 304 : i32
      %add3A_381 = arith.addi %mul3A_379, %add3A_380 : i32
      %get3A_382 = arith.index_cast %add3A_381 : i32 to index
      %get3A_383 = tpu.vector_load %arg6[%get3A_382] {strides = array<i32>} : memref<10000xf32, #tpu.memory_space<vmem>>, vector<16xf32>,
      %get3A_384 = vector.shape_cast %get3A_383 : vector<16xf32> to vector<16xf32>
      %max3A_385 = arith.maximumf %max3A_377, %get3A_384 : vector<16xf32>
      %mul3A_386 = arith.constant 400 : i32
      %mul3A_387 = arith.muli %scan3A_225, %mul3A_386 : i32
      %add3A_388 = arith.constant 320 : i32
      %add3A_389 = arith.addi %mul3A_387, %add3A_388 : i32
      %get3A_390 = arith.index_cast %add3A_389 : i32 to index
      %get3A_391 = tpu.vector_load %arg6[%get3A_390] {strides = array<i32>} : memref<10000xf32, #tpu.memory_space<vmem>>, vector<16xf32>,
      %get3A_392 = vector.shape_cast %get3A_391 : vector<16xf32> to vector<16xf32>
      %max3A_393 = arith.maximumf %max3A_385, %get3A_392 : vector<16xf32>
      %mul3A_394 = arith.constant 400 : i32
      %mul3A_395 = arith.muli %scan3A_225, %mul3A_394 : i32
      %add3A_396 = arith.constant 336 : i32
      %add3A_397 = arith.addi %mul3A_395, %add3A_396 : i32
      %get3A_398 = arith.index_cast %add3A_397 : i32 to index
      %get3A_399 = tpu.vector_load %arg6[%get3A_398] {strides = array<i32>} : memref<10000xf32, #tpu.memory_space<vmem>>, vector<16xf32>,
      %get3A_400 = vector.shape_cast %get3A_399 : vector<16xf32> to vector<16xf32>
      %max3A_401 = arith.maximumf %max3A_393, %get3A_400 : vector<16xf32>
      %mul3A_402 = arith.constant 400 : i32
      %mul3A_403 = arith.muli %scan3A_225, %mul3A_402 : i32
      %add3A_404 = arith.constant 352 : i32
      %add3A_405 = arith.addi %mul3A_403, %add3A_404 : i32
      %get3A_406 = arith.index_cast %add3A_405 : i32 to index
      %get3A_407 = tpu.vector_load %arg6[%get3A_406] {strides = array<i32>} : memref<10000xf32, #tpu.memory_space<vmem>>, vector<16xf32>,
      %get3A_408 = vector.shape_cast %get3A_407 : vector<16xf32> to vector<16xf32>
      %max3A_409 = arith.maximumf %max3A_401, %get3A_408 : vector<16xf32>
      %mul3A_410 = arith.constant 400 : i32
      %mul3A_411 = arith.muli %scan3A_225, %mul3A_410 : i32
      %add3A_412 = arith.constant 368 : i32
      %add3A_413 = arith.addi %mul3A_411, %add3A_412 : i32
      %get3A_414 = arith.index_cast %add3A_413 : i32 to index
      %get3A_415 = tpu.vector_load %arg6[%get3A_414] {strides = array<i32>} : memref<10000xf32, #tpu.memory_space<vmem>>, vector<16xf32>,
      %get3A_416 = vector.shape_cast %get3A_415 : vector<16xf32> to vector<16xf32>
      %max3A_417 = arith.maximumf %max3A_409, %get3A_416 : vector<16xf32>
      %mul3A_418 = arith.constant 400 : i32
      %mul3A_419 = arith.muli %scan3A_225, %mul3A_418 : i32
      %add3A_420 = arith.constant 384 : i32
      %add3A_421 = arith.addi %mul3A_419, %add3A_420 : i32
      %get3A_422 = arith.index_cast %add3A_421 : i32 to index
      %get3A_423 = tpu.vector_load %arg6[%get3A_422] {strides = array<i32>} : memref<10000xf32, #tpu.memory_space<vmem>>, vector<16xf32>,
      %get3A_424 = vector.shape_cast %get3A_423 : vector<16xf32> to vector<16xf32>
      %max3A_425 = arith.maximumf %max3A_417, %get3A_424 : vector<16xf32>
      scf.yield %max3A_425 : vector<16xf32>
    }
    %scan3A_196 = arith.constant 25 : i32
    %broadcast_in_dim3A_197 = arith.constant 0.000000e+00 : f32
    %broadcast_in_dim3A_198 = vector.broadcast %broadcast_in_dim3A_197 : f32 to vector<16xf32>
    %scan3A_199 = arith.constant 0 : i32
    %scan3A_200 = arith.constant 25 : i32
    %scan3A_201 = arith.addi %scan3A_199, %scan3A_200 : i32
    %scan3A_202 = arith.constant 1 : i32
    %scan3A_203 = scf.for %scan3A_225 = %scan3A_199 to %scan3A_201 step %scan3A_202 iter_args(%scan3A_226 = %broadcast_in_dim3A_198) -> (vector<16xf32>)  : i32 {
      %mul3A_227 = arith.constant 400 : i32
      %mul3A_228 = arith.muli %scan3A_225, %mul3A_227 : i32
      %add3A_229 = arith.constant 0 : i32
      %add3A_230 = arith.addi %mul3A_228, %add3A_229 : i32
      %get3A_231 = arith.index_cast %add3A_230 : i32 to index
      %get3A_232 = tpu.vector_load %arg6[%get3A_231] {strides = array<i32>} : memref<10000xf32, #tpu.memory_space<vmem>>, vector<16xf32>,
      %get3A_233 = vector.shape_cast %get3A_232 : vector<16xf32> to vector<16xf32>
      %sub3A = arith.subf %get3A_233, %scan3A_195 : vector<16xf32>
      %exp3A = math.exp %sub3A : vector<16xf32>
      %add3A_234 = arith.addf %scan3A_226, %exp3A : vector<16xf32>
      %mul3A_235 = arith.constant 400 : i32
      %mul3A_236 = arith.muli %scan3A_225, %mul3A_235 : i32
      %add3A_237 = arith.constant 16 : i32
      %add3A_238 = arith.addi %mul3A_236, %add3A_237 : i32
      %get3A_239 = arith.index_cast %add3A_238 : i32 to index
      %get3A_240 = tpu.vector_load %arg6[%get3A_239] {strides = array<i32>} : memref<10000xf32, #tpu.memory_space<vmem>>, vector<16xf32>,
      %get3A_241 = vector.shape_cast %get3A_240 : vector<16xf32> to vector<16xf32>
      %sub3A_242 = arith.subf %get3A_241, %scan3A_195 : vector<16xf32>
      %exp3A_243 = math.exp %sub3A_242 : vector<16xf32>
      %add3A_244 = arith.addf %add3A_234, %exp3A_243 : vector<16xf32>
      %mul3A_245 = arith.constant 400 : i32
      %mul3A_246 = arith.muli %scan3A_225, %mul3A_245 : i32
      %add3A_247 = arith.constant 32 : i32
      %add3A_248 = arith.addi %mul3A_246, %add3A_247 : i32
      %get3A_249 = arith.index_cast %add3A_248 : i32 to index
      %get3A_250 = tpu.vector_load %arg6[%get3A_249] {strides = array<i32>} : memref<10000xf32, #tpu.memory_space<vmem>>, vector<16xf32>,
      %get3A_251 = vector.shape_cast %get3A_250 : vector<16xf32> to vector<16xf32>
      %sub3A_252 = arith.subf %get3A_251, %scan3A_195 : vector<16xf32>
      %exp3A_253 = math.exp %sub3A_252 : vector<16xf32>
      %add3A_254 = arith.addf %add3A_244, %exp3A_253 : vector<16xf32>
      %mul3A_255 = arith.constant 400 : i32
      %mul3A_256 = arith.muli %scan3A_225, %mul3A_255 : i32
      %add3A_257 = arith.constant 48 : i32
      %add3A_258 = arith.addi %mul3A_256, %add3A_257 : i32
      %get3A_259 = arith.index_cast %add3A_258 : i32 to index
      %get3A_260 = tpu.vector_load %arg6[%get3A_259] {strides = array<i32>} : memref<10000xf32, #tpu.memory_space<vmem>>, vector<16xf32>,
      %get3A_261 = vector.shape_cast %get3A_260 : vector<16xf32> to vector<16xf32>
      %sub3A_262 = arith.subf %get3A_261, %scan3A_195 : vector<16xf32>
      %exp3A_263 = math.exp %sub3A_262 : vector<16xf32>
      %add3A_264 = arith.addf %add3A_254, %exp3A_263 : vector<16xf32>
      %mul3A_265 = arith.constant 400 : i32
      %mul3A_266 = arith.muli %scan3A_225, %mul3A_265 : i32
      %add3A_267 = arith.constant 64 : i32
      %add3A_268 = arith.addi %mul3A_266, %add3A_267 : i32
      %get3A_269 = arith.index_cast %add3A_268 : i32 to index
      %get3A_270 = tpu.vector_load %arg6[%get3A_269] {strides = array<i32>} : memref<10000xf32, #tpu.memory_space<vmem>>, vector<16xf32>,
      %get3A_271 = vector.shape_cast %get3A_270 : vector<16xf32> to vector<16xf32>
      %sub3A_272 = arith.subf %get3A_271, %scan3A_195 : vector<16xf32>
      %exp3A_273 = math.exp %sub3A_272 : vector<16xf32>
      %add3A_274 = arith.addf %add3A_264, %exp3A_273 : vector<16xf32>
      %mul3A_275 = arith.constant 400 : i32
      %mul3A_276 = arith.muli %scan3A_225, %mul3A_275 : i32
      %add3A_277 = arith.constant 80 : i32
      %add3A_278 = arith.addi %mul3A_276, %add3A_277 : i32
      %get3A_279 = arith.index_cast %add3A_278 : i32 to index
      %get3A_280 = tpu.vector_load %arg6[%get3A_279] {strides = array<i32>} : memref<10000xf32, #tpu.memory_space<vmem>>, vector<16xf32>,
      %get3A_281 = vector.shape_cast %get3A_280 : vector<16xf32> to vector<16xf32>
      %sub3A_282 = arith.subf %get3A_281, %scan3A_195 : vector<16xf32>
      %exp3A_283 = math.exp %sub3A_282 : vector<16xf32>
      %add3A_284 = arith.addf %add3A_274, %exp3A_283 : vector<16xf32>
      %mul3A_285 = arith.constant 400 : i32
      %mul3A_286 = arith.muli %scan3A_225, %mul3A_285 : i32
      %add3A_287 = arith.constant 96 : i32
      %add3A_288 = arith.addi %mul3A_286, %add3A_287 : i32
      %get3A_289 = arith.index_cast %add3A_288 : i32 to index
      %get3A_290 = tpu.vector_load %arg6[%get3A_289] {strides = array<i32>} : memref<10000xf32, #tpu.memory_space<vmem>>, vector<16xf32>,
      %get3A_291 = vector.shape_cast %get3A_290 : vector<16xf32> to vector<16xf32>
      %sub3A_292 = arith.subf %get3A_291, %scan3A_195 : vector<16xf32>
      %exp3A_293 = math.exp %sub3A_292 : vector<16xf32>
      %add3A_294 = arith.addf %add3A_284, %exp3A_293 : vector<16xf32>
      %mul3A_295 = arith.constant 400 : i32
      %mul3A_296 = arith.muli %scan3A_225, %mul3A_295 : i32
      %add3A_297 = arith.constant 112 : i32
      %add3A_298 = arith.addi %mul3A_296, %add3A_297 : i32
      %get3A_299 = arith.index_cast %add3A_298 : i32 to index
      %get3A_300 = tpu.vector_load %arg6[%get3A_299] {strides = array<i32>} : memref<10000xf32, #tpu.memory_space<vmem>>, vector<16xf32>,
      %get3A_301 = vector.shape_cast %get3A_300 : vector<16xf32> to vector<16xf32>
      %sub3A_302 = arith.subf %get3A_301, %scan3A_195 : vector<16xf32>
      %exp3A_303 = math.exp %sub3A_302 : vector<16xf32>
      %add3A_304 = arith.addf %add3A_294, %exp3A_303 : vector<16xf32>
      %mul3A_305 = arith.constant 400 : i32
      %mul3A_306 = arith.muli %scan3A_225, %mul3A_305 : i32
      %add3A_307 = arith.constant 128 : i32
      %add3A_308 = arith.addi %mul3A_306, %add3A_307 : i32
      %get3A_309 = arith.index_cast %add3A_308 : i32 to index
      %get3A_310 = tpu.vector_load %arg6[%get3A_309] {strides = array<i32>} : memref<10000xf32, #tpu.memory_space<vmem>>, vector<16xf32>,
      %get3A_311 = vector.shape_cast %get3A_310 : vector<16xf32> to vector<16xf32>
      %sub3A_312 = arith.subf %get3A_311, %scan3A_195 : vector<16xf32>
      %exp3A_313 = math.exp %sub3A_312 : vector<16xf32>
      %add3A_314 = arith.addf %add3A_304, %exp3A_313 : vector<16xf32>
      %mul3A_315 = arith.constant 400 : i32
      %mul3A_316 = arith.muli %scan3A_225, %mul3A_315 : i32
      %add3A_317 = arith.constant 144 : i32
      %add3A_318 = arith.addi %mul3A_316, %add3A_317 : i32
      %get3A_319 = arith.index_cast %add3A_318 : i32 to index
      %get3A_320 = tpu.vector_load %arg6[%get3A_319] {strides = array<i32>} : memref<10000xf32, #tpu.memory_space<vmem>>, vector<16xf32>,
      %get3A_321 = vector.shape_cast %get3A_320 : vector<16xf32> to vector<16xf32>
      %sub3A_322 = arith.subf %get3A_321, %scan3A_195 : vector<16xf32>
      %exp3A_323 = math.exp %sub3A_322 : vector<16xf32>
      %add3A_324 = arith.addf %add3A_314, %exp3A_323 : vector<16xf32>
      %mul3A_325 = arith.constant 400 : i32
      %mul3A_326 = arith.muli %scan3A_225, %mul3A_325 : i32
      %add3A_327 = arith.constant 160 : i32
      %add3A_328 = arith.addi %mul3A_326, %add3A_327 : i32
      %get3A_329 = arith.index_cast %add3A_328 : i32 to index
      %get3A_330 = tpu.vector_load %arg6[%get3A_329] {strides = array<i32>} : memref<10000xf32, #tpu.memory_space<vmem>>, vector<16xf32>,
      %get3A_331 = vector.shape_cast %get3A_330 : vector<16xf32> to vector<16xf32>
      %sub3A_332 = arith.subf %get3A_331, %scan3A_195 : vector<16xf32>
      %exp3A_333 = math.exp %sub3A_332 : vector<16xf32>
      %add3A_334 = arith.addf %add3A_324, %exp3A_333 : vector<16xf32>
      %mul3A_335 = arith.constant 400 : i32
      %mul3A_336 = arith.muli %scan3A_225, %mul3A_335 : i32
      %add3A_337 = arith.constant 176 : i32
      %add3A_338 = arith.addi %mul3A_336, %add3A_337 : i32
      %get3A_339 = arith.index_cast %add3A_338 : i32 to index
      %get3A_340 = tpu.vector_load %arg6[%get3A_339] {strides = array<i32>} : memref<10000xf32, #tpu.memory_space<vmem>>, vector<16xf32>,
      %get3A_341 = vector.shape_cast %get3A_340 : vector<16xf32> to vector<16xf32>
      %sub3A_342 = arith.subf %get3A_341, %scan3A_195 : vector<16xf32>
      %exp3A_343 = math.exp %sub3A_342 : vector<16xf32>
      %add3A_344 = arith.addf %add3A_334, %exp3A_343 : vector<16xf32>
      %mul3A_345 = arith.constant 400 : i32
      %mul3A_346 = arith.muli %scan3A_225, %mul3A_345 : i32
      %add3A_347 = arith.constant 192 : i32
      %add3A_348 = arith.addi %mul3A_346, %add3A_347 : i32
      %get3A_349 = arith.index_cast %add3A_348 : i32 to index
      %get3A_350 = tpu.vector_load %arg6[%get3A_349] {strides = array<i32>} : memref<10000xf32, #tpu.memory_space<vmem>>, vector<16xf32>,
      %get3A_351 = vector.shape_cast %get3A_350 : vector<16xf32> to vector<16xf32>
      %sub3A_352 = arith.subf %get3A_351, %scan3A_195 : vector<16xf32>
      %exp3A_353 = math.exp %sub3A_352 : vector<16xf32>
      %add3A_354 = arith.addf %add3A_344, %exp3A_353 : vector<16xf32>
      %mul3A_355 = arith.constant 400 : i32
      %mul3A_356 = arith.muli %scan3A_225, %mul3A_355 : i32
      %add3A_357 = arith.constant 208 : i32
      %add3A_358 = arith.addi %mul3A_356, %add3A_357 : i32
      %get3A_359 = arith.index_cast %add3A_358 : i32 to index
      %get3A_360 = tpu.vector_load %arg6[%get3A_359] {strides = array<i32>} : memref<10000xf32, #tpu.memory_space<vmem>>, vector<16xf32>,
      %get3A_361 = vector.shape_cast %get3A_360 : vector<16xf32> to vector<16xf32>
      %sub3A_362 = arith.subf %get3A_361, %scan3A_195 : vector<16xf32>
      %exp3A_363 = math.exp %sub3A_362 : vector<16xf32>
      %add3A_364 = arith.addf %add3A_354, %exp3A_363 : vector<16xf32>
      %mul3A_365 = arith.constant 400 : i32
      %mul3A_366 = arith.muli %scan3A_225, %mul3A_365 : i32
      %add3A_367 = arith.constant 224 : i32
      %add3A_368 = arith.addi %mul3A_366, %add3A_367 : i32
      %get3A_369 = arith.index_cast %add3A_368 : i32 to index
      %get3A_370 = tpu.vector_load %arg6[%get3A_369] {strides = array<i32>} : memref<10000xf32, #tpu.memory_space<vmem>>, vector<16xf32>,
      %get3A_371 = vector.shape_cast %get3A_370 : vector<16xf32> to vector<16xf32>
      %sub3A_372 = arith.subf %get3A_371, %scan3A_195 : vector<16xf32>
      %exp3A_373 = math.exp %sub3A_372 : vector<16xf32>
      %add3A_374 = arith.addf %add3A_364, %exp3A_373 : vector<16xf32>
      %mul3A_375 = arith.constant 400 : i32
      %mul3A_376 = arith.muli %scan3A_225, %mul3A_375 : i32
      %add3A_377 = arith.constant 240 : i32
      %add3A_378 = arith.addi %mul3A_376, %add3A_377 : i32
      %get3A_379 = arith.index_cast %add3A_378 : i32 to index
      %get3A_380 = tpu.vector_load %arg6[%get3A_379] {strides = array<i32>} : memref<10000xf32, #tpu.memory_space<vmem>>, vector<16xf32>,
      %get3A_381 = vector.shape_cast %get3A_380 : vector<16xf32> to vector<16xf32>
      %sub3A_382 = arith.subf %get3A_381, %scan3A_195 : vector<16xf32>
      %exp3A_383 = math.exp %sub3A_382 : vector<16xf32>
      %add3A_384 = arith.addf %add3A_374, %exp3A_383 : vector<16xf32>
      %mul3A_385 = arith.constant 400 : i32
      %mul3A_386 = arith.muli %scan3A_225, %mul3A_385 : i32
      %add3A_387 = arith.constant 256 : i32
      %add3A_388 = arith.addi %mul3A_386, %add3A_387 : i32
      %get3A_389 = arith.index_cast %add3A_388 : i32 to index
      %get3A_390 = tpu.vector_load %arg6[%get3A_389] {strides = array<i32>} : memref<10000xf32, #tpu.memory_space<vmem>>, vector<16xf32>,
      %get3A_391 = vector.shape_cast %get3A_390 : vector<16xf32> to vector<16xf32>
      %sub3A_392 = arith.subf %get3A_391, %scan3A_195 : vector<16xf32>
      %exp3A_393 = math.exp %sub3A_392 : vector<16xf32>
      %add3A_394 = arith.addf %add3A_384, %exp3A_393 : vector<16xf32>
      %mul3A_395 = arith.constant 400 : i32
      %mul3A_396 = arith.muli %scan3A_225, %mul3A_395 : i32
      %add3A_397 = arith.constant 272 : i32
      %add3A_398 = arith.addi %mul3A_396, %add3A_397 : i32
      %get3A_399 = arith.index_cast %add3A_398 : i32 to index
      %get3A_400 = tpu.vector_load %arg6[%get3A_399] {strides = array<i32>} : memref<10000xf32, #tpu.memory_space<vmem>>, vector<16xf32>,
      %get3A_401 = vector.shape_cast %get3A_400 : vector<16xf32> to vector<16xf32>
      %sub3A_402 = arith.subf %get3A_401, %scan3A_195 : vector<16xf32>
      %exp3A_403 = math.exp %sub3A_402 : vector<16xf32>
      %add3A_404 = arith.addf %add3A_394, %exp3A_403 : vector<16xf32>
      %mul3A_405 = arith.constant 400 : i32
      %mul3A_406 = arith.muli %scan3A_225, %mul3A_405 : i32
      %add3A_407 = arith.constant 288 : i32
      %add3A_408 = arith.addi %mul3A_406, %add3A_407 : i32
      %get3A_409 = arith.index_cast %add3A_408 : i32 to index
      %get3A_410 = tpu.vector_load %arg6[%get3A_409] {strides = array<i32>} : memref<10000xf32, #tpu.memory_space<vmem>>, vector<16xf32>,
      %get3A_411 = vector.shape_cast %get3A_410 : vector<16xf32> to vector<16xf32>
      %sub3A_412 = arith.subf %get3A_411, %scan3A_195 : vector<16xf32>
      %exp3A_413 = math.exp %sub3A_412 : vector<16xf32>
      %add3A_414 = arith.addf %add3A_404, %exp3A_413 : vector<16xf32>
      %mul3A_415 = arith.constant 400 : i32
      %mul3A_416 = arith.muli %scan3A_225, %mul3A_415 : i32
      %add3A_417 = arith.constant 304 : i32
      %add3A_418 = arith.addi %mul3A_416, %add3A_417 : i32
      %get3A_419 = arith.index_cast %add3A_418 : i32 to index
      %get3A_420 = tpu.vector_load %arg6[%get3A_419] {strides = array<i32>} : memref<10000xf32, #tpu.memory_space<vmem>>, vector<16xf32>,
      %get3A_421 = vector.shape_cast %get3A_420 : vector<16xf32> to vector<16xf32>
      %sub3A_422 = arith.subf %get3A_421, %scan3A_195 : vector<16xf32>
      %exp3A_423 = math.exp %sub3A_422 : vector<16xf32>
      %add3A_424 = arith.addf %add3A_414, %exp3A_423 : vector<16xf32>
      %mul3A_425 = arith.constant 400 : i32
      %mul3A_426 = arith.muli %scan3A_225, %mul3A_425 : i32
      %add3A_427 = arith.constant 320 : i32
      %add3A_428 = arith.addi %mul3A_426, %add3A_427 : i32
      %get3A_429 = arith.index_cast %add3A_428 : i32 to index
      %get3A_430 = tpu.vector_load %arg6[%get3A_429] {strides = array<i32>} : memref<10000xf32, #tpu.memory_space<vmem>>, vector<16xf32>,
      %get3A_431 = vector.shape_cast %get3A_430 : vector<16xf32> to vector<16xf32>
      %sub3A_432 = arith.subf %get3A_431, %scan3A_195 : vector<16xf32>
      %exp3A_433 = math.exp %sub3A_432 : vector<16xf32>
      %add3A_434 = arith.addf %add3A_424, %exp3A_433 : vector<16xf32>
      %mul3A_435 = arith.constant 400 : i32
      %mul3A_436 = arith.muli %scan3A_225, %mul3A_435 : i32
      %add3A_437 = arith.constant 336 : i32
      %add3A_438 = arith.addi %mul3A_436, %add3A_437 : i32
      %get3A_439 = arith.index_cast %add3A_438 : i32 to index
      %get3A_440 = tpu.vector_load %arg6[%get3A_439] {strides = array<i32>} : memref<10000xf32, #tpu.memory_space<vmem>>, vector<16xf32>,
      %get3A_441 = vector.shape_cast %get3A_440 : vector<16xf32> to vector<16xf32>
      %sub3A_442 = arith.subf %get3A_441, %scan3A_195 : vector<16xf32>
      %exp3A_443 = math.exp %sub3A_442 : vector<16xf32>
      %add3A_444 = arith.addf %add3A_434, %exp3A_443 : vector<16xf32>
      %mul3A_445 = arith.constant 400 : i32
      %mul3A_446 = arith.muli %scan3A_225, %mul3A_445 : i32
      %add3A_447 = arith.constant 352 : i32
      %add3A_448 = arith.addi %mul3A_446, %add3A_447 : i32
      %get3A_449 = arith.index_cast %add3A_448 : i32 to index
      %get3A_450 = tpu.vector_load %arg6[%get3A_449] {strides = array<i32>} : memref<10000xf32, #tpu.memory_space<vmem>>, vector<16xf32>,
      %get3A_451 = vector.shape_cast %get3A_450 : vector<16xf32> to vector<16xf32>
      %sub3A_452 = arith.subf %get3A_451, %scan3A_195 : vector<16xf32>
      %exp3A_453 = math.exp %sub3A_452 : vector<16xf32>
      %add3A_454 = arith.addf %add3A_444, %exp3A_453 : vector<16xf32>
      %mul3A_455 = arith.constant 400 : i32
      %mul3A_456 = arith.muli %scan3A_225, %mul3A_455 : i32
      %add3A_457 = arith.constant 368 : i32
      %add3A_458 = arith.addi %mul3A_456, %add3A_457 : i32
      %get3A_459 = arith.index_cast %add3A_458 : i32 to index
      %get3A_460 = tpu.vector_load %arg6[%get3A_459] {strides = array<i32>} : memref<10000xf32, #tpu.memory_space<vmem>>, vector<16xf32>,
      %get3A_461 = vector.shape_cast %get3A_460 : vector<16xf32> to vector<16xf32>
      %sub3A_462 = arith.subf %get3A_461, %scan3A_195 : vector<16xf32>
      %exp3A_463 = math.exp %sub3A_462 : vector<16xf32>
      %add3A_464 = arith.addf %add3A_454, %exp3A_463 : vector<16xf32>
      %mul3A_465 = arith.constant 400 : i32
      %mul3A_466 = arith.muli %scan3A_225, %mul3A_465 : i32
      %add3A_467 = arith.constant 384 : i32
      %add3A_468 = arith.addi %mul3A_466, %add3A_467 : i32
      %get3A_469 = arith.index_cast %add3A_468 : i32 to index
      %get3A_470 = tpu.vector_load %arg6[%get3A_469] {strides = array<i32>} : memref<10000xf32, #tpu.memory_space<vmem>>, vector<16xf32>,
      %get3A_471 = vector.shape_cast %get3A_470 : vector<16xf32> to vector<16xf32>
      %sub3A_472 = arith.subf %get3A_471, %scan3A_195 : vector<16xf32>
      %exp3A_473 = math.exp %sub3A_472 : vector<16xf32>
      %add3A_474 = arith.addf %add3A_464, %exp3A_473 : vector<16xf32>
      scf.yield %add3A_474 : vector<16xf32>
    }
    %scan3A_204 = arith.constant 25 : i32
    %swap3A_205 = arith.constant 0 : index
    %swap3A_206 = tpu.vector_load %arg9[%swap3A_205] {strides = array<i32>} : memref<32xf32, #tpu.memory_space<vmem>>, vector<16xf32>,
    %swap3A_207 = vector.shape_cast %swap3A_206 : vector<16xf32> to vector<16xf32>
    %swap3A_208 = vector.shape_cast %scan3A_195 : vector<16xf32> to vector<16xf32>
    tpu.vector_store %arg9[%swap3A_205], %swap3A_208 {strides = array<i32>} : memref<32xf32, #tpu.memory_space<vmem>>, vector<16xf32>,
    %swap3A_209 = arith.constant 16 : index
    %swap3A_210 = tpu.vector_load %arg9[%swap3A_209] {strides = array<i32>} : memref<32xf32, #tpu.memory_space<vmem>>, vector<16xf32>,
    %swap3A_211 = vector.shape_cast %swap3A_210 : vector<16xf32> to vector<16xf32>
    %swap3A_212 = vector.shape_cast %scan3A_203 : vector<16xf32> to vector<16xf32>
    tpu.vector_store %arg9[%swap3A_209], %swap3A_212 {strides = array<i32>} : memref<32xf32, #tpu.memory_space<vmem>>, vector<16xf32>,
    "tpu.region"() ({
      %run_scoped3A = tpu.sem_alloc : memref<!tpu.dma_semaphore, #tpu.memory_space<semaphore_mem>>
      %dma_start3A_225 = arith.constant 0 : i32
      %dma_start3A_226 = tpu.memref_slice %arg5[%add3A, %dma_start3A_225] : memref<32x32xf32, #tpu.memory_space<hbm>> -> memref<1x32xf32, #tpu.memory_space<hbm>>
      %dma_start3A_227 = tpu.memref_squeeze %dma_start3A_226 : memref<1x32xf32, #tpu.memory_space<hbm>> -> memref<32xf32, #tpu.memory_space<hbm>>
      %dma_start3A_228 = arith.constant 0 : i32
      %dma_start3A_229 = tpu.memref_slice %arg5[%add3A, %dma_start3A_228] : memref<32x32xf32, #tpu.memory_space<hbm>> -> memref<1x32xf32, #tpu.memory_space<hbm>>
      %dma_start3A_230 = tpu.memref_squeeze %dma_start3A_229 : memref<1x32xf32, #tpu.memory_space<hbm>> -> memref<32xf32, #tpu.memory_space<hbm>>
      tpu.enqueue_dma source(%arg9 : memref<32xf32, #tpu.memory_space<vmem>>) target(%dma_start3A_230 : memref<32xf32, #tpu.memory_space<hbm>>) target_semaphore(%run_scoped3A : memref<!tpu.dma_semaphore, #tpu.memory_space<semaphore_mem>>)
      %dma_wait3A_231 = arith.constant 0 : i32
      %dma_wait3A_232 = tpu.memref_slice %arg5[%add3A, %dma_wait3A_231] : memref<32x32xf32, #tpu.memory_space<hbm>> -> memref<1x32xf32, #tpu.memory_space<hbm>>
      %dma_wait3A_233 = tpu.memref_squeeze %dma_wait3A_232 : memref<1x32xf32, #tpu.memory_space<hbm>> -> memref<32xf32, #tpu.memory_space<hbm>>
      %dma_wait3A_234 = arith.constant 0 : i32
      %dma_wait3A_235 = tpu.memref_slice %arg5[%add3A, %dma_wait3A_234] : memref<32x32xf32, #tpu.memory_space<hbm>> -> memref<1x32xf32, #tpu.memory_space<hbm>>
      %dma_wait3A_236 = tpu.memref_squeeze %dma_wait3A_235 : memref<1x32xf32, #tpu.memory_space<hbm>> -> memref<32xf32, #tpu.memory_space<hbm>>
      tpu.wait_dma2 semaphore(%run_scoped3A : memref<!tpu.dma_semaphore, #tpu.memory_space<semaphore_mem>>) src(%arg9 : memref<32xf32, #tpu.memory_space<vmem>>) dst(%dma_wait3A_236 : memref<32xf32, #tpu.memory_space<hbm>>)
      tpu.yield
    }) : () -> ()
    %dma_wait3A_213 = arith.constant 0 : i32
    %dma_wait3A_214 = tpu.memref_slice %arg8[%dma_wait3A_213] : memref<256xf32, #tpu.memory_space<vmem>> -> memref<128xf32, #tpu.memory_space<vmem>>
    %dma_wait3A_215 = arith.constant 0 : i32
    %dma_wait3A_216 = tpu.memref_slice %arg7[%dma_wait3A_215] : memref<256xi32, #tpu.memory_space<vmem>> -> memref<128xi32, #tpu.memory_space<vmem>>
    %dma_wait3A_217 = arith.constant 0 : i32
    %dma_wait3A_218 = tpu.memref_slice %arg2[%dma_wait3A_217] : memref<320000xf32, #tpu.memory_space<hbm>> -> memref<320000xf32, #tpu.memory_space<hbm>>
    tpu.wait_indirect_dma semaphore(%arg11 : memref<!tpu.dma_semaphore, #tpu.memory_space<semaphore_mem>>) src(%dma_wait3A_218 : memref<320000xf32, #tpu.memory_space<hbm>>) dst(%dma_wait3A_214 : memref<128xf32, #tpu.memory_space<vmem>>)
    %dma_wait3A_219 = arith.constant 128 : i32
    %dma_wait3A_220 = tpu.memref_slice %arg8[%dma_wait3A_219] : memref<256xf32, #tpu.memory_space<vmem>> -> memref<128xf32, #tpu.memory_space<vmem>>
    %dma_wait3A_221 = arith.constant 128 : i32
    %dma_wait3A_222 = tpu.memref_slice %arg7[%dma_wait3A_221] : memref<256xi32, #tpu.memory_space<vmem>> -> memref<128xi32, #tpu.memory_space<vmem>>
    %dma_wait3A_223 = arith.constant 0 : i32
    %dma_wait3A_224 = tpu.memref_slice %arg2[%dma_wait3A_223] : memref<320000xf32, #tpu.memory_space<hbm>> -> memref<320000xf32, #tpu.memory_space<hbm>>
    tpu.wait_indirect_dma semaphore(%arg11 : memref<!tpu.dma_semaphore, #tpu.memory_space<semaphore_mem>>) src(%dma_wait3A_224 : memref<320000xf32, #tpu.memory_space<hbm>>) dst(%dma_wait3A_220 : memref<128xf32, #tpu.memory_space<vmem>>)
    "tpu.region"() ({
      %run_scoped3A = tpu.sem_alloc : memref<!tpu.dma_semaphore, #tpu.memory_space<semaphore_mem>>
      %dma_start3A_225 = arith.constant 0 : i32
      %dma_start3A_226 = tpu.memref_slice %arg4[%add3A, %dma_start3A_225] : memref<32x256xf32, #tpu.memory_space<hbm>> -> memref<1x256xf32, #tpu.memory_space<hbm>>
      %dma_start3A_227 = tpu.memref_squeeze %dma_start3A_226 : memref<1x256xf32, #tpu.memory_space<hbm>> -> memref<256xf32, #tpu.memory_space<hbm>>
      %dma_start3A_228 = arith.constant 0 : i32
      %dma_start3A_229 = tpu.memref_slice %arg4[%add3A, %dma_start3A_228] : memref<32x256xf32, #tpu.memory_space<hbm>> -> memref<1x256xf32, #tpu.memory_space<hbm>>
      %dma_start3A_230 = tpu.memref_squeeze %dma_start3A_229 : memref<1x256xf32, #tpu.memory_space<hbm>> -> memref<256xf32, #tpu.memory_space<hbm>>
      tpu.enqueue_dma source(%arg8 : memref<256xf32, #tpu.memory_space<vmem>>) target(%dma_start3A_230 : memref<256xf32, #tpu.memory_space<hbm>>) target_semaphore(%run_scoped3A : memref<!tpu.dma_semaphore, #tpu.memory_space<semaphore_mem>>)
      %dma_wait3A_231 = arith.constant 0 : i32
      %dma_wait3A_232 = tpu.memref_slice %arg4[%add3A, %dma_wait3A_231] : memref<32x256xf32, #tpu.memory_space<hbm>> -> memref<1x256xf32, #tpu.memory_space<hbm>>
      %dma_wait3A_233 = tpu.memref_squeeze %dma_wait3A_232 : memref<1x256xf32, #tpu.memory_space<hbm>> -> memref<256xf32, #tpu.memory_space<hbm>>
      %dma_wait3A_234 = arith.constant 0 : i32
      %dma_wait3A_235 = tpu.memref_slice %arg4[%add3A, %dma_wait3A_234] : memref<32x256xf32, #tpu.memory_space<hbm>> -> memref<1x256xf32, #tpu.memory_space<hbm>>
      %dma_wait3A_236 = tpu.memref_squeeze %dma_wait3A_235 : memref<1x256xf32, #tpu.memory_space<hbm>> -> memref<256xf32, #tpu.memory_space<hbm>>
      tpu.wait_dma2 semaphore(%run_scoped3A : memref<!tpu.dma_semaphore, #tpu.memory_space<semaphore_mem>>) src(%arg8 : memref<256xf32, #tpu.memory_space<vmem>>) dst(%dma_wait3A_236 : memref<256xf32, #tpu.memory_space<hbm>>)
      tpu.yield
    }) : () -> ()
    return
  }
}

module attributes {stable_mosaic.version = 14 : i64} {
  func.func @_inside_kernel(%arg0: memref<32x256xf32, #tpu.memory_space<vmem>>, %arg1: memref<32x32xf32, #tpu.memory_space<vmem>>, %arg2: memref<1x32xf32, #tpu.memory_space<vmem>>, %arg3: memref<32x1024xf32, #tpu.memory_space<vmem>>, %arg4: memref<8x1xf32, #tpu.memory_space<vmem>>, %arg5: memref<33x264x1024xf32, #tpu.memory_space<vmem>>) attributes {dimension_semantics = [], scalar_prefetch = 0 : i64, scratch_operands = 1 : i64, tpu.core_type = #tpu.core_type<tc>} {
    %get3A = arith.constant 0 : index
    %get3A_0 = arith.constant 0 : index
    %get3A_1 = vector.load %arg1[%get3A, %get3A_0] : memref<32x32xf32, #tpu.memory_space<vmem>>, vector<32x32xf32>
    %slice3A = vector.extract_strided_slice %get3A_1 {offsets = [0, 0], sizes = [32, 16], strides = [1, 1]} : vector<32x32xf32> to vector<32x16xf32>
    %slice3A_2 = vector.extract_strided_slice %get3A_1 {offsets = [0, 16], sizes = [32, 16], strides = [1, 1]} : vector<32x32xf32> to vector<32x16xf32>
    %log3A = math.log %slice3A_2 : vector<32x16xf32>
    %add3A = arith.addf %slice3A, %log3A : vector<32x16xf32>
    %reduce_max3A = arith.constant dense<0xFF800000> : vector<32xf32>
    %reduce_max3A_3 = vector.multi_reduction <maximumf>, %add3A, %reduce_max3A [1] : vector<32x16xf32> to vector<32xf32>
    %broadcast_in_dim3A = vector.shape_cast %reduce_max3A_3 : vector<32xf32> to vector<32x1xf32>
    %sub3A = vector.broadcast %broadcast_in_dim3A : vector<32x1xf32> to vector<32x16xf32>
    %sub3A_4 = arith.subf %add3A, %sub3A : vector<32x16xf32>
    %exp3A = math.exp %sub3A_4 : vector<32x16xf32>
    %reduce_sum3A = arith.constant dense<0.000000e+00> : vector<32xf32>
    %reduce_sum3A_5 = vector.multi_reduction <add>, %exp3A, %reduce_sum3A [1] : vector<32x16xf32> to vector<32xf32>
    %broadcast_in_dim3A_6 = vector.shape_cast %reduce_sum3A_5 : vector<32xf32> to vector<32x1xf32>
    %log3A_7 = math.log %broadcast_in_dim3A_6 : vector<32x1xf32>
    %add3A_8 = arith.addf %broadcast_in_dim3A, %log3A_7 : vector<32x1xf32>
    %get3A_9 = arith.constant 0 : index
    %get3A_10 = arith.constant 0 : index
    %get3A_11 = vector.load %arg0[%get3A_9, %get3A_10] : memref<32x256xf32, #tpu.memory_space<vmem>>, vector<32x256xf32>
    %sub3A_12 = vector.broadcast %add3A_8 : vector<32x1xf32> to vector<32x256xf32>
    %sub3A_13 = arith.subf %get3A_11, %sub3A_12 : vector<32x256xf32>
    %iota3A = tpu.iota {dimensions = array<i32: 0>} : vector<32x32xi32>
    %iota3A_14 = tpu.iota {dimensions = array<i32: 1>} : vector<32x32xi32>
    %eq3A = arith.cmpi eq, %iota3A, %iota3A_14 : vector<32x32xi32>
    %convert_element_type3A = arith.extui %eq3A : vector<32x32xi1> to vector<32x32xi32>
    %convert_element_type3A_15 = arith.sitofp %convert_element_type3A : vector<32x32xi32> to vector<32x32xf32>
    %dot_general3A = arith.constant dense<0.000000e+00> : vector<256x32xf32>
    %dot_general3A_16 = tpu.matmul %sub3A_13, %convert_element_type3A_15, %dot_general3A {dimension_numbers = #tpu.dot_dimension_numbers<[0], [0], [1], [1], [0, 1, 1, 1], [], []>, precision = #tpu.contract_precision<fp32>, transpose_lhs_hint = false} : vector<32x256xf32>, vector<32x32xf32>, vector<256x32xf32> -> vector<256x32xf32>
    %reduce_max3A_17 = arith.constant dense<0xFF800000> : vector<256xf32>
    %reduce_max3A_18 = vector.multi_reduction <maximumf>, %dot_general3A_16, %reduce_max3A_17 [1] : vector<256x32xf32> to vector<256xf32>
    %broadcast_in_dim3A_19 = vector.shape_cast %reduce_max3A_18 : vector<256xf32> to vector<256x1xf32>
    %reduce_max3A_20 = arith.constant dense<0xFF800000> : vector<1xf32>
    %reduce_max3A_21 = vector.multi_reduction <maximumf>, %broadcast_in_dim3A_19, %reduce_max3A_20 [0] : vector<256x1xf32> to vector<1xf32>
    %broadcast_in_dim3A_22 = vector.shape_cast %reduce_max3A_21 : vector<1xf32> to vector<1x1xf32>
    %sub3A_23 = vector.broadcast %broadcast_in_dim3A_22 : vector<1x1xf32> to vector<256x32xf32>
    %sub3A_24 = arith.subf %dot_general3A_16, %sub3A_23 : vector<256x32xf32>
    %exp3A_25 = math.exp %sub3A_24 : vector<256x32xf32>
    %get3A_26 = arith.constant 0 : index
    %get3A_27 = arith.constant 0 : index
    %get3A_28 = vector.load %arg3[%get3A_26, %get3A_27] : memref<32x1024xf32, #tpu.memory_space<vmem>>, vector<32x1024xf32>
    %reduce_max3A_29 = arith.constant dense<0xFF800000> : vector<32xf32>
    %reduce_max3A_30 = vector.multi_reduction <maximumf>, %get3A_28, %reduce_max3A_29 [1] : vector<32x1024xf32> to vector<32xf32>
    %broadcast_in_dim3A_31 = vector.shape_cast %reduce_max3A_30 : vector<32xf32> to vector<32x1xf32>
    %sub3A_32 = vector.broadcast %broadcast_in_dim3A_31 : vector<32x1xf32> to vector<32x1024xf32>
    %sub3A_33 = arith.subf %get3A_28, %sub3A_32 : vector<32x1024xf32>
    %exp3A_34 = math.exp %sub3A_33 : vector<32x1024xf32>
    %reduce_sum3A_35 = arith.constant dense<0.000000e+00> : vector<32xf32>
    %reduce_sum3A_36 = vector.multi_reduction <add>, %exp3A_34, %reduce_sum3A_35 [1] : vector<32x1024xf32> to vector<32xf32>
    %broadcast_in_dim3A_37 = vector.shape_cast %reduce_sum3A_36 : vector<32xf32> to vector<32x1xf32>
    %div3A = vector.broadcast %broadcast_in_dim3A_37 : vector<32x1xf32> to vector<32x1024xf32>
    %div3A_38 = arith.divf %exp3A_34, %div3A : vector<32x1024xf32>
    %iota3A_39 = tpu.iota {dimensions = array<i32: 1>} : vector<32x1024xi32>
    %iota3A_40 = tpu.iota {dimensions = array<i32: 0>} : vector<32x1024xi32>
    %jit3A = arith.constant 32 : i32
    %eq3A_41 = arith.constant 0 : i32
    %eq3A_42 = arith.cmpi eq, %jit3A, %eq3A_41 : i32
    %jit3A_43 = arith.constant 1 : i32
    %select_n3A = arith.select %eq3A_42, %jit3A_43, %jit3A : i32
    %rem3A = vector.broadcast %select_n3A : i32 to vector<32x1024xi32>
    %rem3A_44 = arith.remsi %iota3A_39, %rem3A : vector<32x1024xi32>
    %ne3A = arith.constant 0 : i32
    %ne3A_45 = vector.broadcast %ne3A : i32 to vector<32x1024xi32>
    %ne3A_46 = arith.cmpi ne, %rem3A_44, %ne3A_45 : vector<32x1024xi32>
    %lt3A = arith.constant 0 : i32
    %lt3A_47 = vector.broadcast %lt3A : i32 to vector<32x1024xi32>
    %lt3A_48 = arith.cmpi slt, %rem3A_44, %lt3A_47 : vector<32x1024xi32>
    %lt3A_49 = arith.constant 0 : i32
    %lt3A_50 = arith.cmpi slt, %select_n3A, %lt3A_49 : i32
    %ne3A_51 = vector.broadcast %lt3A_50 : i1 to vector<32x1024xi1>
    %ne3A_52 = vector.broadcast %ne3A_51 : vector<32x1024xi1> to vector<32x1024xi1>
    %ne3A_53 = arith.xori %lt3A_48, %ne3A_52 : vector<32x1024xi1>
    %and3A = arith.andi %ne3A_53, %ne3A_46 : vector<32x1024xi1>
    %add3A_54 = vector.broadcast %select_n3A : i32 to vector<32x1024xi32>
    %add3A_55 = arith.addi %rem3A_44, %add3A_54 : vector<32x1024xi32>
    %select_n3A_56 = arith.select %and3A, %add3A_55, %rem3A_44 : vector<32x1024xi1>, vector<32x1024xi32>
    %eq3A_57 = arith.cmpi eq, %select_n3A_56, %iota3A_40 : vector<32x1024xi32>
    %convert_element_type3A_58 = arith.extui %eq3A_57 : vector<32x1024xi1> to vector<32x1024xi32>
    %convert_element_type3A_59 = arith.sitofp %convert_element_type3A_58 : vector<32x1024xi32> to vector<32x1024xf32>
    %jit3A_60 = arith.constant 32 : i32
    %div3A_61 = vector.broadcast %jit3A_60 : i32 to vector<32x1024xi32>
    %div3A_62 = arith.divsi %iota3A_39, %div3A_61 : vector<32x1024xi32>
    %sign3A = arith.constant 0 : i32
    %sign3A_63 = vector.broadcast %sign3A : i32 to vector<32x1024xi32>
    %sign3A_64 = arith.cmpi sgt, %iota3A_39, %sign3A_63 : vector<32x1024xi32>
    %sign3A_65 = arith.extui %sign3A_64 : vector<32x1024xi1> to vector<32x1024xi32>
    %sign3A_66 = arith.constant 0 : i32
    %sign3A_67 = vector.broadcast %sign3A_66 : i32 to vector<32x1024xi32>
    %sign3A_68 = arith.cmpi slt, %iota3A_39, %sign3A_67 : vector<32x1024xi32>
    %sign3A_69 = arith.extui %sign3A_68 : vector<32x1024xi1> to vector<32x1024xi32>
    %sign3A_70 = arith.subi %sign3A_65, %sign3A_69 : vector<32x1024xi32>
    %sign3A_71 = arith.constant 0 : i32
    %sign3A_72 = arith.cmpi sgt, %jit3A_60, %sign3A_71 : i32
    %sign3A_73 = arith.extui %sign3A_72 : i1 to i32
    %sign3A_74 = arith.constant 0 : i32
    %sign3A_75 = arith.cmpi slt, %jit3A_60, %sign3A_74 : i32
    %sign3A_76 = arith.extui %sign3A_75 : i1 to i32
    %sign3A_77 = arith.subi %sign3A_73, %sign3A_76 : i32
    %ne3A_78 = vector.broadcast %sign3A_77 : i32 to vector<32x1024xi32>
    %ne3A_79 = arith.cmpi ne, %sign3A_70, %ne3A_78 : vector<32x1024xi32>
    %rem3A_80 = vector.broadcast %jit3A_60 : i32 to vector<32x1024xi32>
    %rem3A_81 = arith.remsi %iota3A_39, %rem3A_80 : vector<32x1024xi32>
    %ne3A_82 = arith.constant 0 : i32
    %ne3A_83 = vector.broadcast %ne3A_82 : i32 to vector<32x1024xi32>
    %ne3A_84 = arith.cmpi ne, %rem3A_81, %ne3A_83 : vector<32x1024xi32>
    %and3A_85 = arith.andi %ne3A_79, %ne3A_84 : vector<32x1024xi1>
    %sub3A_86 = arith.constant 1 : i32
    %sub3A_87 = vector.broadcast %sub3A_86 : i32 to vector<32x1024xi32>
    %sub3A_88 = arith.subi %div3A_62, %sub3A_87 : vector<32x1024xi32>
    %select_n3A_89 = arith.select %and3A_85, %sub3A_88, %div3A_62 : vector<32x1024xi1>, vector<32x1024xi32>
    %eq3A_90 = arith.cmpi eq, %select_n3A_89, %iota3A_40 : vector<32x1024xi32>
    %convert_element_type3A_91 = arith.extui %eq3A_90 : vector<32x1024xi1> to vector<32x1024xi32>
    %convert_element_type3A_92 = arith.sitofp %convert_element_type3A_91 : vector<32x1024xi32> to vector<32x1024xf32>
    %dot_general3A_93 = arith.constant dense<0.000000e+00> : vector<256x1024xf32>
    %dot_general3A_94 = tpu.matmul %exp3A_25, %convert_element_type3A_59, %dot_general3A_93 {dimension_numbers = #tpu.dot_dimension_numbers<[1], [0], [0], [1], [0, 0, 1, 1], [], []>, transpose_lhs_hint = false} : vector<256x32xf32>, vector<32x1024xf32>, vector<256x1024xf32> -> vector<256x1024xf32>
    %swap3A = arith.constant 1 : index
    %swap3A_95 = arith.constant 0 : index
    %swap3A_96 = arith.constant 0 : index
    %swap3A_97 = vector.load %arg5[%swap3A, %swap3A_95, %swap3A_96] : memref<33x264x1024xf32, #tpu.memory_space<vmem>>, vector<1x256x1024xf32>
    %swap3A_98 = vector.shape_cast %swap3A_97 : vector<1x256x1024xf32> to vector<256x1024xf32>
    %swap3A_99 = vector.shape_cast %dot_general3A_94 : vector<256x1024xf32> to vector<1x256x1024xf32>
    tpu.vector_store %arg5[%swap3A, %swap3A_95, %swap3A_96], %swap3A_99 {strides = array<i32>} : memref<33x264x1024xf32, #tpu.memory_space<vmem>>, vector<1x256x1024xf32>,
    %dot_general3A_100 = arith.constant dense<0.000000e+00> : vector<256x1024xf32>
    %dot_general3A_101 = tpu.matmul %exp3A_25, %convert_element_type3A_92, %dot_general3A_100 {dimension_numbers = #tpu.dot_dimension_numbers<[1], [0], [0], [1], [0, 0, 1, 1], [], []>, transpose_lhs_hint = false} : vector<256x32xf32>, vector<32x1024xf32>, vector<256x1024xf32> -> vector<256x1024xf32>
    %swap3A_102 = arith.constant 32 : index
    %swap3A_103 = arith.constant 8 : index
    %swap3A_104 = arith.constant 0 : index
    %swap3A_105 = vector.load %arg5[%swap3A_102, %swap3A_103, %swap3A_104] : memref<33x264x1024xf32, #tpu.memory_space<vmem>>, vector<1x256x1024xf32>
    %swap3A_106 = vector.shape_cast %swap3A_105 : vector<1x256x1024xf32> to vector<256x1024xf32>
    %swap3A_107 = vector.shape_cast %dot_general3A_101 : vector<256x1024xf32> to vector<1x256x1024xf32>
    tpu.vector_store %arg5[%swap3A_102, %swap3A_103, %swap3A_104], %swap3A_107 {strides = array<i32>} : memref<33x264x1024xf32, #tpu.memory_space<vmem>>, vector<1x256x1024xf32>,
    %get3A_108 = arith.constant 0 : index
    %get3A_109 = arith.constant 0 : index
    %get3A_110 = vector.load %arg2[%get3A_108, %get3A_109] : memref<1x32xf32, #tpu.memory_space<vmem>>, vector<1x32xf32>
    %reduce_max3A_111 = arith.constant dense<0xFF800000> : vector<1xf32>
    %reduce_max3A_112 = vector.multi_reduction <maximumf>, %get3A_110, %reduce_max3A_111 [1] : vector<1x32xf32> to vector<1xf32>
    %broadcast_in_dim3A_113 = vector.shape_cast %reduce_max3A_112 : vector<1xf32> to vector<1x1xf32>
    %sub3A_114 = vector.broadcast %broadcast_in_dim3A_113 : vector<1x1xf32> to vector<1x32xf32>
    %sub3A_115 = arith.subf %get3A_110, %sub3A_114 : vector<1x32xf32>
    %exp3A_116 = math.exp %sub3A_115 : vector<1x32xf32>
    %reduce_sum3A_117 = arith.constant dense<0.000000e+00> : vector<1xf32>
    %reduce_sum3A_118 = vector.multi_reduction <add>, %exp3A_116, %reduce_sum3A_117 [1] : vector<1x32xf32> to vector<1xf32>
    %broadcast_in_dim3A_119 = vector.shape_cast %reduce_sum3A_118 : vector<1xf32> to vector<1x1xf32>
    %div3A_120 = vector.broadcast %broadcast_in_dim3A_119 : vector<1x1xf32> to vector<1x32xf32>
    %div3A_121 = arith.divf %exp3A_116, %div3A_120 : vector<1x32xf32>
    %get3A_122 = arith.constant 1 : index
    %get3A_123 = arith.constant 0 : index
    %get3A_124 = arith.constant 0 : index
    %get3A_125 = vector.load %arg5[%get3A_122, %get3A_123, %get3A_124] : memref<33x264x1024xf32, #tpu.memory_space<vmem>>, vector<1x248x1024xf32>
    %get3A_126 = arith.constant 32 : index
    %get3A_127 = arith.constant 16 : index
    %get3A_128 = arith.constant 0 : index
    %get3A_129 = vector.load %arg5[%get3A_126, %get3A_127, %get3A_128] : memref<33x264x1024xf32, #tpu.memory_space<vmem>>, vector<1x248x1024xf32>
    %add3A_130 = arith.addf %broadcast_in_dim3A_22, %broadcast_in_dim3A_22 : vector<1x1xf32>
    %reduce_max3A_131 = arith.constant dense<0xFF800000> : vector<1xf32>
    %reduce_max3A_132 = vector.multi_reduction <maximumf>, %add3A_130, %reduce_max3A_131 [0] : vector<1x1xf32> to vector<1xf32>
    %broadcast_in_dim3A_133 = vector.shape_cast %reduce_max3A_132 : vector<1xf32> to vector<1x1xf32>
    %sub3A_134 = arith.subf %add3A_130, %broadcast_in_dim3A_133 : vector<1x1xf32>
    %exp3A_135 = math.exp %sub3A_134 : vector<1x1xf32>
    %broadcast_in_dim3A_136 = vector.shape_cast %exp3A_135 : vector<1x1xf32> to vector<1x1x1xf32>
    %mul3A = arith.mulf %get3A_125, %get3A_129 : vector<1x248x1024xf32>
    %mul3A_137 = vector.broadcast %broadcast_in_dim3A_136 : vector<1x1x1xf32> to vector<1x248x1024xf32>
    %mul3A_138 = arith.mulf %mul3A, %mul3A_137 : vector<1x248x1024xf32>
    %reduce_sum3A_139 = arith.constant dense<0.000000e+00> : vector<248x1024xf32>
    %reduce_sum3A_140 = vector.multi_reduction <add>, %mul3A_138, %reduce_sum3A_139 [0] : vector<1x248x1024xf32> to vector<248x1024xf32>
    %dot_general3A_141 = arith.constant dense<0.000000e+00> : vector<248x32xf32>
    %dot_general3A_142 = tpu.matmul %reduce_sum3A_140, %div3A_38, %dot_general3A_141 {dimension_numbers = #tpu.dot_dimension_numbers<[1], [1], [0], [0], [0, 0, 1, 0], [], []>, transpose_lhs_hint = false} : vector<248x1024xf32>, vector<32x1024xf32>, vector<248x32xf32> -> vector<248x32xf32>
    %reduce_max3A_143 = arith.constant dense<0xFF800000> : vector<248xf32>
    %reduce_max3A_144 = vector.multi_reduction <maximumf>, %dot_general3A_142, %reduce_max3A_143 [1] : vector<248x32xf32> to vector<248xf32>
    %broadcast_in_dim3A_145 = vector.shape_cast %reduce_max3A_144 : vector<248xf32> to vector<248x1xf32>
    %reduce_max3A_146 = arith.constant dense<0xFF800000> : vector<1xf32>
    %reduce_max3A_147 = vector.multi_reduction <maximumf>, %broadcast_in_dim3A_145, %reduce_max3A_146 [0] : vector<248x1xf32> to vector<1xf32>
    %broadcast_in_dim3A_148 = vector.shape_cast %reduce_max3A_147 : vector<1xf32> to vector<1x1xf32>
    %div3A_149 = arith.constant 1.000000e+00 : f32
    %div3A_150 = vector.broadcast %div3A_149 : f32 to vector<1x1xf32>
    %div3A_151 = arith.divf %div3A_150, %broadcast_in_dim3A_148 : vector<1x1xf32>
    %mul3A_152 = vector.broadcast %div3A_151 : vector<1x1xf32> to vector<248x32xf32>
    %mul3A_153 = arith.mulf %dot_general3A_142, %mul3A_152 : vector<248x32xf32>
    %log3A_154 = math.log %broadcast_in_dim3A_148 : vector<1x1xf32>
    %add3A_155 = arith.addf %broadcast_in_dim3A_133, %log3A_154 : vector<1x1xf32>
    %dot_general3A_156 = arith.constant dense<0.000000e+00> : vector<248x1024xf32>
    %dot_general3A_157 = tpu.matmul %mul3A_153, %convert_element_type3A_59, %dot_general3A_156 {dimension_numbers = #tpu.dot_dimension_numbers<[1], [0], [0], [1], [0, 0, 1, 1], [], []>, transpose_lhs_hint = false} : vector<248x32xf32>, vector<32x1024xf32>, vector<248x1024xf32> -> vector<248x1024xf32>
    %swap3A_158 = arith.constant 2 : index
    %swap3A_159 = arith.constant 0 : index
    %swap3A_160 = arith.constant 0 : index
    %swap3A_161 = vector.load %arg5[%swap3A_158, %swap3A_159, %swap3A_160] : memref<33x264x1024xf32, #tpu.memory_space<vmem>>, vector<1x248x1024xf32>
    %swap3A_162 = vector.shape_cast %swap3A_161 : vector<1x248x1024xf32> to vector<248x1024xf32>
    %swap3A_163 = vector.shape_cast %dot_general3A_157 : vector<248x1024xf32> to vector<1x248x1024xf32>
    tpu.vector_store %arg5[%swap3A_158, %swap3A_159, %swap3A_160], %swap3A_163 {strides = array<i32>} : memref<33x264x1024xf32, #tpu.memory_space<vmem>>, vector<1x248x1024xf32>,
    %dot_general3A_164 = arith.constant dense<0.000000e+00> : vector<248x1024xf32>
    %dot_general3A_165 = tpu.matmul %mul3A_153, %convert_element_type3A_92, %dot_general3A_164 {dimension_numbers = #tpu.dot_dimension_numbers<[1], [0], [0], [1], [0, 0, 1, 1], [], []>, transpose_lhs_hint = false} : vector<248x32xf32>, vector<32x1024xf32>, vector<248x1024xf32> -> vector<248x1024xf32>
    %swap3A_166 = arith.constant 31 : index
    %swap3A_167 = arith.constant 16 : index
    %swap3A_168 = arith.constant 0 : index
    %swap3A_169 = vector.load %arg5[%swap3A_166, %swap3A_167, %swap3A_168] : memref<33x264x1024xf32, #tpu.memory_space<vmem>>, vector<1x248x1024xf32>
    %swap3A_170 = vector.shape_cast %swap3A_169 : vector<1x248x1024xf32> to vector<248x1024xf32>
    %swap3A_171 = vector.shape_cast %dot_general3A_165 : vector<248x1024xf32> to vector<1x248x1024xf32>
    tpu.vector_store %arg5[%swap3A_166, %swap3A_167, %swap3A_168], %swap3A_171 {strides = array<i32>} : memref<33x264x1024xf32, #tpu.memory_space<vmem>>, vector<1x248x1024xf32>,
    %get3A_172 = arith.constant 1 : index
    %get3A_173 = arith.constant 0 : index
    %get3A_174 = arith.constant 0 : index
    %get3A_175 = vector.load %arg5[%get3A_172, %get3A_173, %get3A_174] : memref<33x264x1024xf32, #tpu.memory_space<vmem>>, vector<2x240x1024xf32>
    %get3A_176 = arith.constant 31 : index
    %get3A_177 = arith.constant 24 : index
    %get3A_178 = arith.constant 0 : index
    %get3A_179 = vector.load %arg5[%get3A_176, %get3A_177, %get3A_178] : memref<33x264x1024xf32, #tpu.memory_space<vmem>>, vector<2x240x1024xf32>
    %add3A_180 = arith.addf %broadcast_in_dim3A_22, %add3A_155 : vector<1x1xf32>
    %add3A_181 = arith.addf %add3A_155, %broadcast_in_dim3A_22 : vector<1x1xf32>
    %concatenate3A = tpu.concatenate %add3A_180, %add3A_181 in 0 : vector<1x1xf32>, vector<1x1xf32> -> vector<2x1xf32>
    %reduce_max3A_182 = arith.constant dense<0xFF800000> : vector<1xf32>
    %reduce_max3A_183 = vector.multi_reduction <maximumf>, %concatenate3A, %reduce_max3A_182 [0] : vector<2x1xf32> to vector<1xf32>
    %broadcast_in_dim3A_184 = vector.shape_cast %reduce_max3A_183 : vector<1xf32> to vector<1x1xf32>
    %sub3A_185 = vector.broadcast %broadcast_in_dim3A_184 : vector<1x1xf32> to vector<2x1xf32>
    %sub3A_186 = arith.subf %concatenate3A, %sub3A_185 : vector<2x1xf32>
    %exp3A_187 = math.exp %sub3A_186 : vector<2x1xf32>
    %broadcast_in_dim3A_188 = vector.shape_cast %exp3A_187 : vector<2x1xf32> to vector<2x1x1xf32>
    %mul3A_189 = arith.mulf %get3A_175, %get3A_179 : vector<2x240x1024xf32>
    %mul3A_190 = vector.broadcast %broadcast_in_dim3A_188 : vector<2x1x1xf32> to vector<2x240x1024xf32>
    %mul3A_191 = arith.mulf %mul3A_189, %mul3A_190 : vector<2x240x1024xf32>
    %reduce_sum3A_192 = arith.constant dense<0.000000e+00> : vector<240x1024xf32>
    %reduce_sum3A_193 = vector.multi_reduction <add>, %mul3A_191, %reduce_sum3A_192 [0] : vector<2x240x1024xf32> to vector<240x1024xf32>
    %dot_general3A_194 = arith.constant dense<0.000000e+00> : vector<240x32xf32>
    %dot_general3A_195 = tpu.matmul %reduce_sum3A_193, %div3A_38, %dot_general3A_194 {dimension_numbers = #tpu.dot_dimension_numbers<[1], [1], [0], [0], [0, 0, 1, 0], [], []>, transpose_lhs_hint = false} : vector<240x1024xf32>, vector<32x1024xf32>, vector<240x32xf32> -> vector<240x32xf32>
    %reduce_max3A_196 = arith.constant dense<0xFF800000> : vector<240xf32>
    %reduce_max3A_197 = vector.multi_reduction <maximumf>, %dot_general3A_195, %reduce_max3A_196 [1] : vector<240x32xf32> to vector<240xf32>
    %broadcast_in_dim3A_198 = vector.shape_cast %reduce_max3A_197 : vector<240xf32> to vector<240x1xf32>
    %reduce_max3A_199 = arith.constant dense<0xFF800000> : vector<1xf32>
    %reduce_max3A_200 = vector.multi_reduction <maximumf>, %broadcast_in_dim3A_198, %reduce_max3A_199 [0] : vector<240x1xf32> to vector<1xf32>
    %broadcast_in_dim3A_201 = vector.shape_cast %reduce_max3A_200 : vector<1xf32> to vector<1x1xf32>
    %div3A_202 = arith.constant 1.000000e+00 : f32
    %div3A_203 = vector.broadcast %div3A_202 : f32 to vector<1x1xf32>
    %div3A_204 = arith.divf %div3A_203, %broadcast_in_dim3A_201 : vector<1x1xf32>
    %mul3A_205 = vector.broadcast %div3A_204 : vector<1x1xf32> to vector<240x32xf32>
    %mul3A_206 = arith.mulf %dot_general3A_195, %mul3A_205 : vector<240x32xf32>
    %log3A_207 = math.log %broadcast_in_dim3A_201 : vector<1x1xf32>
    %add3A_208 = arith.addf %broadcast_in_dim3A_184, %log3A_207 : vector<1x1xf32>
    %dot_general3A_209 = arith.constant dense<0.000000e+00> : vector<240x1024xf32>
    %dot_general3A_210 = tpu.matmul %mul3A_206, %convert_element_type3A_59, %dot_general3A_209 {dimension_numbers = #tpu.dot_dimension_numbers<[1], [0], [0], [1], [0, 0, 1, 1], [], []>, transpose_lhs_hint = false} : vector<240x32xf32>, vector<32x1024xf32>, vector<240x1024xf32> -> vector<240x1024xf32>
    %swap3A_211 = arith.constant 3 : index
    %swap3A_212 = arith.constant 0 : index
    %swap3A_213 = arith.constant 0 : index
    %swap3A_214 = vector.load %arg5[%swap3A_211, %swap3A_212, %swap3A_213] : memref<33x264x1024xf32, #tpu.memory_space<vmem>>, vector<1x240x1024xf32>
    %swap3A_215 = vector.shape_cast %swap3A_214 : vector<1x240x1024xf32> to vector<240x1024xf32>
    %swap3A_216 = vector.shape_cast %dot_general3A_210 : vector<240x1024xf32> to vector<1x240x1024xf32>
    tpu.vector_store %arg5[%swap3A_211, %swap3A_212, %swap3A_213], %swap3A_216 {strides = array<i32>} : memref<33x264x1024xf32, #tpu.memory_space<vmem>>, vector<1x240x1024xf32>,
    %dot_general3A_217 = arith.constant dense<0.000000e+00> : vector<240x1024xf32>
    %dot_general3A_218 = tpu.matmul %mul3A_206, %convert_element_type3A_92, %dot_general3A_217 {dimension_numbers = #tpu.dot_dimension_numbers<[1], [0], [0], [1], [0, 0, 1, 1], [], []>, transpose_lhs_hint = false} : vector<240x32xf32>, vector<32x1024xf32>, vector<240x1024xf32> -> vector<240x1024xf32>
    %swap3A_219 = arith.constant 30 : index
    %swap3A_220 = arith.constant 24 : index
    %swap3A_221 = arith.constant 0 : index
    %swap3A_222 = vector.load %arg5[%swap3A_219, %swap3A_220, %swap3A_221] : memref<33x264x1024xf32, #tpu.memory_space<vmem>>, vector<1x240x1024xf32>
    %swap3A_223 = vector.shape_cast %swap3A_222 : vector<1x240x1024xf32> to vector<240x1024xf32>
    %swap3A_224 = vector.shape_cast %dot_general3A_218 : vector<240x1024xf32> to vector<1x240x1024xf32>
    tpu.vector_store %arg5[%swap3A_219, %swap3A_220, %swap3A_221], %swap3A_224 {strides = array<i32>} : memref<33x264x1024xf32, #tpu.memory_space<vmem>>, vector<1x240x1024xf32>,
    %get3A_225 = arith.constant 1 : index
    %get3A_226 = arith.constant 0 : index
    %get3A_227 = arith.constant 0 : index
    %get3A_228 = vector.load %arg5[%get3A_225, %get3A_226, %get3A_227] : memref<33x264x1024xf32, #tpu.memory_space<vmem>>, vector<3x232x1024xf32>
    %get3A_229 = arith.constant 30 : index
    %get3A_230 = arith.constant 32 : index
    %get3A_231 = arith.constant 0 : index
    %get3A_232 = vector.load %arg5[%get3A_229, %get3A_230, %get3A_231] : memref<33x264x1024xf32, #tpu.memory_space<vmem>>, vector<3x232x1024xf32>
    %add3A_233 = arith.addf %broadcast_in_dim3A_22, %add3A_208 : vector<1x1xf32>
    %add3A_234 = arith.addf %add3A_155, %add3A_155 : vector<1x1xf32>
    %add3A_235 = arith.addf %add3A_208, %broadcast_in_dim3A_22 : vector<1x1xf32>
    %concatenate3A_236 = tpu.concatenate %add3A_233, %add3A_234, %add3A_235 in 0 : vector<1x1xf32>, vector<1x1xf32>, vector<1x1xf32> -> vector<3x1xf32>
    %reduce_max3A_237 = arith.constant dense<0xFF800000> : vector<1xf32>
    %reduce_max3A_238 = vector.multi_reduction <maximumf>, %concatenate3A_236, %reduce_max3A_237 [0] : vector<3x1xf32> to vector<1xf32>
    %broadcast_in_dim3A_239 = vector.shape_cast %reduce_max3A_238 : vector<1xf32> to vector<1x1xf32>
    %sub3A_240 = vector.broadcast %broadcast_in_dim3A_239 : vector<1x1xf32> to vector<3x1xf32>
    %sub3A_241 = arith.subf %concatenate3A_236, %sub3A_240 : vector<3x1xf32>
    %exp3A_242 = math.exp %sub3A_241 : vector<3x1xf32>
    %broadcast_in_dim3A_243 = vector.shape_cast %exp3A_242 : vector<3x1xf32> to vector<3x1x1xf32>
    %mul3A_244 = arith.mulf %get3A_228, %get3A_232 : vector<3x232x1024xf32>
    %mul3A_245 = vector.broadcast %broadcast_in_dim3A_243 : vector<3x1x1xf32> to vector<3x232x1024xf32>
    %mul3A_246 = arith.mulf %mul3A_244, %mul3A_245 : vector<3x232x1024xf32>
    %reduce_sum3A_247 = arith.constant dense<0.000000e+00> : vector<232x1024xf32>
    %reduce_sum3A_248 = vector.multi_reduction <add>, %mul3A_246, %reduce_sum3A_247 [0] : vector<3x232x1024xf32> to vector<232x1024xf32>
    %dot_general3A_249 = arith.constant dense<0.000000e+00> : vector<232x32xf32>
    %dot_general3A_250 = tpu.matmul %reduce_sum3A_248, %div3A_38, %dot_general3A_249 {dimension_numbers = #tpu.dot_dimension_numbers<[1], [1], [0], [0], [0, 0, 1, 0], [], []>, transpose_lhs_hint = false} : vector<232x1024xf32>, vector<32x1024xf32>, vector<232x32xf32> -> vector<232x32xf32>
    %reduce_max3A_251 = arith.constant dense<0xFF800000> : vector<232xf32>
    %reduce_max3A_252 = vector.multi_reduction <maximumf>, %dot_general3A_250, %reduce_max3A_251 [1] : vector<232x32xf32> to vector<232xf32>
    %broadcast_in_dim3A_253 = vector.shape_cast %reduce_max3A_252 : vector<232xf32> to vector<232x1xf32>
    %reduce_max3A_254 = arith.constant dense<0xFF800000> : vector<1xf32>
    %reduce_max3A_255 = vector.multi_reduction <maximumf>, %broadcast_in_dim3A_253, %reduce_max3A_254 [0] : vector<232x1xf32> to vector<1xf32>
    %broadcast_in_dim3A_256 = vector.shape_cast %reduce_max3A_255 : vector<1xf32> to vector<1x1xf32>
    %div3A_257 = arith.constant 1.000000e+00 : f32
    %div3A_258 = vector.broadcast %div3A_257 : f32 to vector<1x1xf32>
    %div3A_259 = arith.divf %div3A_258, %broadcast_in_dim3A_256 : vector<1x1xf32>
    %mul3A_260 = vector.broadcast %div3A_259 : vector<1x1xf32> to vector<232x32xf32>
    %mul3A_261 = arith.mulf %dot_general3A_250, %mul3A_260 : vector<232x32xf32>
    %log3A_262 = math.log %broadcast_in_dim3A_256 : vector<1x1xf32>
    %add3A_263 = arith.addf %broadcast_in_dim3A_239, %log3A_262 : vector<1x1xf32>
    %dot_general3A_264 = arith.constant dense<0.000000e+00> : vector<232x1024xf32>
    %dot_general3A_265 = tpu.matmul %mul3A_261, %convert_element_type3A_59, %dot_general3A_264 {dimension_numbers = #tpu.dot_dimension_numbers<[1], [0], [0], [1], [0, 0, 1, 1], [], []>, transpose_lhs_hint = false} : vector<232x32xf32>, vector<32x1024xf32>, vector<232x1024xf32> -> vector<232x1024xf32>
    %swap3A_266 = arith.constant 4 : index
    %swap3A_267 = arith.constant 0 : index
    %swap3A_268 = arith.constant 0 : index
    %swap3A_269 = vector.load %arg5[%swap3A_266, %swap3A_267, %swap3A_268] : memref<33x264x1024xf32, #tpu.memory_space<vmem>>, vector<1x232x1024xf32>
    %swap3A_270 = vector.shape_cast %swap3A_269 : vector<1x232x1024xf32> to vector<232x1024xf32>
    %swap3A_271 = vector.shape_cast %dot_general3A_265 : vector<232x1024xf32> to vector<1x232x1024xf32>
    tpu.vector_store %arg5[%swap3A_266, %swap3A_267, %swap3A_268], %swap3A_271 {strides = array<i32>} : memref<33x264x1024xf32, #tpu.memory_space<vmem>>, vector<1x232x1024xf32>,
    %dot_general3A_272 = arith.constant dense<0.000000e+00> : vector<232x1024xf32>
    %dot_general3A_273 = tpu.matmul %mul3A_261, %convert_element_type3A_92, %dot_general3A_272 {dimension_numbers = #tpu.dot_dimension_numbers<[1], [0], [0], [1], [0, 0, 1, 1], [], []>, transpose_lhs_hint = false} : vector<232x32xf32>, vector<32x1024xf32>, vector<232x1024xf32> -> vector<232x1024xf32>
    %swap3A_274 = arith.constant 29 : index
    %swap3A_275 = arith.constant 32 : index
    %swap3A_276 = arith.constant 0 : index
    %swap3A_277 = vector.load %arg5[%swap3A_274, %swap3A_275, %swap3A_276] : memref<33x264x1024xf32, #tpu.memory_space<vmem>>, vector<1x232x1024xf32>
    %swap3A_278 = vector.shape_cast %swap3A_277 : vector<1x232x1024xf32> to vector<232x1024xf32>
    %swap3A_279 = vector.shape_cast %dot_general3A_273 : vector<232x1024xf32> to vector<1x232x1024xf32>
    tpu.vector_store %arg5[%swap3A_274, %swap3A_275, %swap3A_276], %swap3A_279 {strides = array<i32>} : memref<33x264x1024xf32, #tpu.memory_space<vmem>>, vector<1x232x1024xf32>,
    %get3A_280 = arith.constant 1 : index
    %get3A_281 = arith.constant 0 : index
    %get3A_282 = arith.constant 0 : index
    %get3A_283 = vector.load %arg5[%get3A_280, %get3A_281, %get3A_282] : memref<33x264x1024xf32, #tpu.memory_space<vmem>>, vector<4x224x1024xf32>
    %get3A_284 = arith.constant 29 : index
    %get3A_285 = arith.constant 40 : index
    %get3A_286 = arith.constant 0 : index
    %get3A_287 = vector.load %arg5[%get3A_284, %get3A_285, %get3A_286] : memref<33x264x1024xf32, #tpu.memory_space<vmem>>, vector<4x224x1024xf32>
    %add3A_288 = arith.addf %broadcast_in_dim3A_22, %add3A_263 : vector<1x1xf32>
    %add3A_289 = arith.addf %add3A_155, %add3A_208 : vector<1x1xf32>
    %add3A_290 = arith.addf %add3A_208, %add3A_155 : vector<1x1xf32>
    %add3A_291 = arith.addf %add3A_263, %broadcast_in_dim3A_22 : vector<1x1xf32>
    %concatenate3A_292 = tpu.concatenate %add3A_288, %add3A_289, %add3A_290, %add3A_291 in 0 : vector<1x1xf32>, vector<1x1xf32>, vector<1x1xf32>, vector<1x1xf32> -> vector<4x1xf32>
    %reduce_max3A_293 = arith.constant dense<0xFF800000> : vector<1xf32>
    %reduce_max3A_294 = vector.multi_reduction <maximumf>, %concatenate3A_292, %reduce_max3A_293 [0] : vector<4x1xf32> to vector<1xf32>
    %broadcast_in_dim3A_295 = vector.shape_cast %reduce_max3A_294 : vector<1xf32> to vector<1x1xf32>
    %sub3A_296 = vector.broadcast %broadcast_in_dim3A_295 : vector<1x1xf32> to vector<4x1xf32>
    %sub3A_297 = arith.subf %concatenate3A_292, %sub3A_296 : vector<4x1xf32>
    %exp3A_298 = math.exp %sub3A_297 : vector<4x1xf32>
    %broadcast_in_dim3A_299 = vector.shape_cast %exp3A_298 : vector<4x1xf32> to vector<4x1x1xf32>
    %mul3A_300 = arith.mulf %get3A_283, %get3A_287 : vector<4x224x1024xf32>
    %mul3A_301 = vector.broadcast %broadcast_in_dim3A_299 : vector<4x1x1xf32> to vector<4x224x1024xf32>
    %mul3A_302 = arith.mulf %mul3A_300, %mul3A_301 : vector<4x224x1024xf32>
    %reduce_sum3A_303 = arith.constant dense<0.000000e+00> : vector<224x1024xf32>
    %reduce_sum3A_304 = vector.multi_reduction <add>, %mul3A_302, %reduce_sum3A_303 [0] : vector<4x224x1024xf32> to vector<224x1024xf32>
    %dot_general3A_305 = arith.constant dense<0.000000e+00> : vector<224x32xf32>
    %dot_general3A_306 = tpu.matmul %reduce_sum3A_304, %div3A_38, %dot_general3A_305 {dimension_numbers = #tpu.dot_dimension_numbers<[1], [1], [0], [0], [0, 0, 1, 0], [], []>, transpose_lhs_hint = false} : vector<224x1024xf32>, vector<32x1024xf32>, vector<224x32xf32> -> vector<224x32xf32>
    %reduce_max3A_307 = arith.constant dense<0xFF800000> : vector<224xf32>
    %reduce_max3A_308 = vector.multi_reduction <maximumf>, %dot_general3A_306, %reduce_max3A_307 [1] : vector<224x32xf32> to vector<224xf32>
    %broadcast_in_dim3A_309 = vector.shape_cast %reduce_max3A_308 : vector<224xf32> to vector<224x1xf32>
    %reduce_max3A_310 = arith.constant dense<0xFF800000> : vector<1xf32>
    %reduce_max3A_311 = vector.multi_reduction <maximumf>, %broadcast_in_dim3A_309, %reduce_max3A_310 [0] : vector<224x1xf32> to vector<1xf32>
    %broadcast_in_dim3A_312 = vector.shape_cast %reduce_max3A_311 : vector<1xf32> to vector<1x1xf32>
    %div3A_313 = arith.constant 1.000000e+00 : f32
    %div3A_314 = vector.broadcast %div3A_313 : f32 to vector<1x1xf32>
    %div3A_315 = arith.divf %div3A_314, %broadcast_in_dim3A_312 : vector<1x1xf32>
    %mul3A_316 = vector.broadcast %div3A_315 : vector<1x1xf32> to vector<224x32xf32>
    %mul3A_317 = arith.mulf %dot_general3A_306, %mul3A_316 : vector<224x32xf32>
    %log3A_318 = math.log %broadcast_in_dim3A_312 : vector<1x1xf32>
    %add3A_319 = arith.addf %broadcast_in_dim3A_295, %log3A_318 : vector<1x1xf32>
    %dot_general3A_320 = arith.constant dense<0.000000e+00> : vector<224x1024xf32>
    %dot_general3A_321 = tpu.matmul %mul3A_317, %convert_element_type3A_59, %dot_general3A_320 {dimension_numbers = #tpu.dot_dimension_numbers<[1], [0], [0], [1], [0, 0, 1, 1], [], []>, transpose_lhs_hint = false} : vector<224x32xf32>, vector<32x1024xf32>, vector<224x1024xf32> -> vector<224x1024xf32>
    %swap3A_322 = arith.constant 5 : index
    %swap3A_323 = arith.constant 0 : index
    %swap3A_324 = arith.constant 0 : index
    %swap3A_325 = vector.load %arg5[%swap3A_322, %swap3A_323, %swap3A_324] : memref<33x264x1024xf32, #tpu.memory_space<vmem>>, vector<1x224x1024xf32>
    %swap3A_326 = vector.shape_cast %swap3A_325 : vector<1x224x1024xf32> to vector<224x1024xf32>
    %swap3A_327 = vector.shape_cast %dot_general3A_321 : vector<224x1024xf32> to vector<1x224x1024xf32>
    tpu.vector_store %arg5[%swap3A_322, %swap3A_323, %swap3A_324], %swap3A_327 {strides = array<i32>} : memref<33x264x1024xf32, #tpu.memory_space<vmem>>, vector<1x224x1024xf32>,
    %dot_general3A_328 = arith.constant dense<0.000000e+00> : vector<224x1024xf32>
    %dot_general3A_329 = tpu.matmul %mul3A_317, %convert_element_type3A_92, %dot_general3A_328 {dimension_numbers = #tpu.dot_dimension_numbers<[1], [0], [0], [1], [0, 0, 1, 1], [], []>, transpose_lhs_hint = false} : vector<224x32xf32>, vector<32x1024xf32>, vector<224x1024xf32> -> vector<224x1024xf32>
    %swap3A_330 = arith.constant 28 : index
    %swap3A_331 = arith.constant 40 : index
    %swap3A_332 = arith.constant 0 : index
    %swap3A_333 = vector.load %arg5[%swap3A_330, %swap3A_331, %swap3A_332] : memref<33x264x1024xf32, #tpu.memory_space<vmem>>, vector<1x224x1024xf32>
    %swap3A_334 = vector.shape_cast %swap3A_333 : vector<1x224x1024xf32> to vector<224x1024xf32>
    %swap3A_335 = vector.shape_cast %dot_general3A_329 : vector<224x1024xf32> to vector<1x224x1024xf32>
    tpu.vector_store %arg5[%swap3A_330, %swap3A_331, %swap3A_332], %swap3A_335 {strides = array<i32>} : memref<33x264x1024xf32, #tpu.memory_space<vmem>>, vector<1x224x1024xf32>,
    %get3A_336 = arith.constant 1 : index
    %get3A_337 = arith.constant 0 : index
    %get3A_338 = arith.constant 0 : index
    %get3A_339 = vector.load %arg5[%get3A_336, %get3A_337, %get3A_338] : memref<33x264x1024xf32, #tpu.memory_space<vmem>>, vector<5x216x1024xf32>
    %get3A_340 = arith.constant 28 : index
    %get3A_341 = arith.constant 48 : index
    %get3A_342 = arith.constant 0 : index
    %get3A_343 = vector.load %arg5[%get3A_340, %get3A_341, %get3A_342] : memref<33x264x1024xf32, #tpu.memory_space<vmem>>, vector<5x216x1024xf32>
    %add3A_344 = arith.addf %broadcast_in_dim3A_22, %add3A_319 : vector<1x1xf32>
    %add3A_345 = arith.addf %add3A_155, %add3A_263 : vector<1x1xf32>
    %add3A_346 = arith.addf %add3A_208, %add3A_208 : vector<1x1xf32>
    %add3A_347 = arith.addf %add3A_263, %add3A_155 : vector<1x1xf32>
    %add3A_348 = arith.addf %add3A_319, %broadcast_in_dim3A_22 : vector<1x1xf32>
    %concatenate3A_349 = tpu.concatenate %add3A_344, %add3A_345, %add3A_346, %add3A_347, %add3A_348 in 0 : vector<1x1xf32>, vector<1x1xf32>, vector<1x1xf32>, vector<1x1xf32>, vector<1x1xf32> -> vector<5x1xf32>
    %reduce_max3A_350 = arith.constant dense<0xFF800000> : vector<1xf32>
    %reduce_max3A_351 = vector.multi_reduction <maximumf>, %concatenate3A_349, %reduce_max3A_350 [0] : vector<5x1xf32> to vector<1xf32>
    %broadcast_in_dim3A_352 = vector.shape_cast %reduce_max3A_351 : vector<1xf32> to vector<1x1xf32>
    %sub3A_353 = vector.broadcast %broadcast_in_dim3A_352 : vector<1x1xf32> to vector<5x1xf32>
    %sub3A_354 = arith.subf %concatenate3A_349, %sub3A_353 : vector<5x1xf32>
    %exp3A_355 = math.exp %sub3A_354 : vector<5x1xf32>
    %broadcast_in_dim3A_356 = vector.shape_cast %exp3A_355 : vector<5x1xf32> to vector<5x1x1xf32>
    %mul3A_357 = arith.mulf %get3A_339, %get3A_343 : vector<5x216x1024xf32>
    %mul3A_358 = vector.broadcast %broadcast_in_dim3A_356 : vector<5x1x1xf32> to vector<5x216x1024xf32>
    %mul3A_359 = arith.mulf %mul3A_357, %mul3A_358 : vector<5x216x1024xf32>
    %reduce_sum3A_360 = arith.constant dense<0.000000e+00> : vector<216x1024xf32>
    %reduce_sum3A_361 = vector.multi_reduction <add>, %mul3A_359, %reduce_sum3A_360 [0] : vector<5x216x1024xf32> to vector<216x1024xf32>
    %dot_general3A_362 = arith.constant dense<0.000000e+00> : vector<216x32xf32>
    %dot_general3A_363 = tpu.matmul %reduce_sum3A_361, %div3A_38, %dot_general3A_362 {dimension_numbers = #tpu.dot_dimension_numbers<[1], [1], [0], [0], [0, 0, 1, 0], [], []>, transpose_lhs_hint = false} : vector<216x1024xf32>, vector<32x1024xf32>, vector<216x32xf32> -> vector<216x32xf32>
    %reduce_max3A_364 = arith.constant dense<0xFF800000> : vector<216xf32>
    %reduce_max3A_365 = vector.multi_reduction <maximumf>, %dot_general3A_363, %reduce_max3A_364 [1] : vector<216x32xf32> to vector<216xf32>
    %broadcast_in_dim3A_366 = vector.shape_cast %reduce_max3A_365 : vector<216xf32> to vector<216x1xf32>
    %reduce_max3A_367 = arith.constant dense<0xFF800000> : vector<1xf32>
    %reduce_max3A_368 = vector.multi_reduction <maximumf>, %broadcast_in_dim3A_366, %reduce_max3A_367 [0] : vector<216x1xf32> to vector<1xf32>
    %broadcast_in_dim3A_369 = vector.shape_cast %reduce_max3A_368 : vector<1xf32> to vector<1x1xf32>
    %div3A_370 = arith.constant 1.000000e+00 : f32
    %div3A_371 = vector.broadcast %div3A_370 : f32 to vector<1x1xf32>
    %div3A_372 = arith.divf %div3A_371, %broadcast_in_dim3A_369 : vector<1x1xf32>
    %mul3A_373 = vector.broadcast %div3A_372 : vector<1x1xf32> to vector<216x32xf32>
    %mul3A_374 = arith.mulf %dot_general3A_363, %mul3A_373 : vector<216x32xf32>
    %log3A_375 = math.log %broadcast_in_dim3A_369 : vector<1x1xf32>
    %add3A_376 = arith.addf %broadcast_in_dim3A_352, %log3A_375 : vector<1x1xf32>
    %dot_general3A_377 = arith.constant dense<0.000000e+00> : vector<216x1024xf32>
    %dot_general3A_378 = tpu.matmul %mul3A_374, %convert_element_type3A_59, %dot_general3A_377 {dimension_numbers = #tpu.dot_dimension_numbers<[1], [0], [0], [1], [0, 0, 1, 1], [], []>, transpose_lhs_hint = false} : vector<216x32xf32>, vector<32x1024xf32>, vector<216x1024xf32> -> vector<216x1024xf32>
    %swap3A_379 = arith.constant 6 : index
    %swap3A_380 = arith.constant 0 : index
    %swap3A_381 = arith.constant 0 : index
    %swap3A_382 = vector.load %arg5[%swap3A_379, %swap3A_380, %swap3A_381] : memref<33x264x1024xf32, #tpu.memory_space<vmem>>, vector<1x216x1024xf32>
    %swap3A_383 = vector.shape_cast %swap3A_382 : vector<1x216x1024xf32> to vector<216x1024xf32>
    %swap3A_384 = vector.shape_cast %dot_general3A_378 : vector<216x1024xf32> to vector<1x216x1024xf32>
    tpu.vector_store %arg5[%swap3A_379, %swap3A_380, %swap3A_381], %swap3A_384 {strides = array<i32>} : memref<33x264x1024xf32, #tpu.memory_space<vmem>>, vector<1x216x1024xf32>,
    %dot_general3A_385 = arith.constant dense<0.000000e+00> : vector<216x1024xf32>
    %dot_general3A_386 = tpu.matmul %mul3A_374, %convert_element_type3A_92, %dot_general3A_385 {dimension_numbers = #tpu.dot_dimension_numbers<[1], [0], [0], [1], [0, 0, 1, 1], [], []>, transpose_lhs_hint = false} : vector<216x32xf32>, vector<32x1024xf32>, vector<216x1024xf32> -> vector<216x1024xf32>
    %swap3A_387 = arith.constant 27 : index
    %swap3A_388 = arith.constant 48 : index
    %swap3A_389 = arith.constant 0 : index
    %swap3A_390 = vector.load %arg5[%swap3A_387, %swap3A_388, %swap3A_389] : memref<33x264x1024xf32, #tpu.memory_space<vmem>>, vector<1x216x1024xf32>
    %swap3A_391 = vector.shape_cast %swap3A_390 : vector<1x216x1024xf32> to vector<216x1024xf32>
    %swap3A_392 = vector.shape_cast %dot_general3A_386 : vector<216x1024xf32> to vector<1x216x1024xf32>
    tpu.vector_store %arg5[%swap3A_387, %swap3A_388, %swap3A_389], %swap3A_392 {strides = array<i32>} : memref<33x264x1024xf32, #tpu.memory_space<vmem>>, vector<1x216x1024xf32>,
    %get3A_393 = arith.constant 1 : index
    %get3A_394 = arith.constant 0 : index
    %get3A_395 = arith.constant 0 : index
    %get3A_396 = vector.load %arg5[%get3A_393, %get3A_394, %get3A_395] : memref<33x264x1024xf32, #tpu.memory_space<vmem>>, vector<6x208x1024xf32>
    %get3A_397 = arith.constant 27 : index
    %get3A_398 = arith.constant 56 : index
    %get3A_399 = arith.constant 0 : index
    %get3A_400 = vector.load %arg5[%get3A_397, %get3A_398, %get3A_399] : memref<33x264x1024xf32, #tpu.memory_space<vmem>>, vector<6x208x1024xf32>
    %add3A_401 = arith.addf %broadcast_in_dim3A_22, %add3A_376 : vector<1x1xf32>
    %add3A_402 = arith.addf %add3A_155, %add3A_319 : vector<1x1xf32>
    %add3A_403 = arith.addf %add3A_208, %add3A_263 : vector<1x1xf32>
    %add3A_404 = arith.addf %add3A_263, %add3A_208 : vector<1x1xf32>
    %add3A_405 = arith.addf %add3A_319, %add3A_155 : vector<1x1xf32>
    %add3A_406 = arith.addf %add3A_376, %broadcast_in_dim3A_22 : vector<1x1xf32>
    %concatenate3A_407 = tpu.concatenate %add3A_401, %add3A_402, %add3A_403, %add3A_404, %add3A_405, %add3A_406 in 0 : vector<1x1xf32>, vector<1x1xf32>, vector<1x1xf32>, vector<1x1xf32>, vector<1x1xf32>, vector<1x1xf32> -> vector<6x1xf32>
    %reduce_max3A_408 = arith.constant dense<0xFF800000> : vector<1xf32>
    %reduce_max3A_409 = vector.multi_reduction <maximumf>, %concatenate3A_407, %reduce_max3A_408 [0] : vector<6x1xf32> to vector<1xf32>
    %broadcast_in_dim3A_410 = vector.shape_cast %reduce_max3A_409 : vector<1xf32> to vector<1x1xf32>
    %sub3A_411 = vector.broadcast %broadcast_in_dim3A_410 : vector<1x1xf32> to vector<6x1xf32>
    %sub3A_412 = arith.subf %concatenate3A_407, %sub3A_411 : vector<6x1xf32>
    %exp3A_413 = math.exp %sub3A_412 : vector<6x1xf32>
    %broadcast_in_dim3A_414 = vector.shape_cast %exp3A_413 : vector<6x1xf32> to vector<6x1x1xf32>
    %mul3A_415 = arith.mulf %get3A_396, %get3A_400 : vector<6x208x1024xf32>
    %mul3A_416 = vector.broadcast %broadcast_in_dim3A_414 : vector<6x1x1xf32> to vector<6x208x1024xf32>
    %mul3A_417 = arith.mulf %mul3A_415, %mul3A_416 : vector<6x208x1024xf32>
    %reduce_sum3A_418 = arith.constant dense<0.000000e+00> : vector<208x1024xf32>
    %reduce_sum3A_419 = vector.multi_reduction <add>, %mul3A_417, %reduce_sum3A_418 [0] : vector<6x208x1024xf32> to vector<208x1024xf32>
    %dot_general3A_420 = arith.constant dense<0.000000e+00> : vector<208x32xf32>
    %dot_general3A_421 = tpu.matmul %reduce_sum3A_419, %div3A_38, %dot_general3A_420 {dimension_numbers = #tpu.dot_dimension_numbers<[1], [1], [0], [0], [0, 0, 1, 0], [], []>, transpose_lhs_hint = false} : vector<208x1024xf32>, vector<32x1024xf32>, vector<208x32xf32> -> vector<208x32xf32>
    %reduce_max3A_422 = arith.constant dense<0xFF800000> : vector<208xf32>
    %reduce_max3A_423 = vector.multi_reduction <maximumf>, %dot_general3A_421, %reduce_max3A_422 [1] : vector<208x32xf32> to vector<208xf32>
    %broadcast_in_dim3A_424 = vector.shape_cast %reduce_max3A_423 : vector<208xf32> to vector<208x1xf32>
    %reduce_max3A_425 = arith.constant dense<0xFF800000> : vector<1xf32>
    %reduce_max3A_426 = vector.multi_reduction <maximumf>, %broadcast_in_dim3A_424, %reduce_max3A_425 [0] : vector<208x1xf32> to vector<1xf32>
    %broadcast_in_dim3A_427 = vector.shape_cast %reduce_max3A_426 : vector<1xf32> to vector<1x1xf32>
    %div3A_428 = arith.constant 1.000000e+00 : f32
    %div3A_429 = vector.broadcast %div3A_428 : f32 to vector<1x1xf32>
    %div3A_430 = arith.divf %div3A_429, %broadcast_in_dim3A_427 : vector<1x1xf32>
    %mul3A_431 = vector.broadcast %div3A_430 : vector<1x1xf32> to vector<208x32xf32>
    %mul3A_432 = arith.mulf %dot_general3A_421, %mul3A_431 : vector<208x32xf32>
    %log3A_433 = math.log %broadcast_in_dim3A_427 : vector<1x1xf32>
    %add3A_434 = arith.addf %broadcast_in_dim3A_410, %log3A_433 : vector<1x1xf32>
    %dot_general3A_435 = arith.constant dense<0.000000e+00> : vector<208x1024xf32>
    %dot_general3A_436 = tpu.matmul %mul3A_432, %convert_element_type3A_59, %dot_general3A_435 {dimension_numbers = #tpu.dot_dimension_numbers<[1], [0], [0], [1], [0, 0, 1, 1], [], []>, transpose_lhs_hint = false} : vector<208x32xf32>, vector<32x1024xf32>, vector<208x1024xf32> -> vector<208x1024xf32>
    %swap3A_437 = arith.constant 7 : index
    %swap3A_438 = arith.constant 0 : index
    %swap3A_439 = arith.constant 0 : index
    %swap3A_440 = vector.load %arg5[%swap3A_437, %swap3A_438, %swap3A_439] : memref<33x264x1024xf32, #tpu.memory_space<vmem>>, vector<1x208x1024xf32>
    %swap3A_441 = vector.shape_cast %swap3A_440 : vector<1x208x1024xf32> to vector<208x1024xf32>
    %swap3A_442 = vector.shape_cast %dot_general3A_436 : vector<208x1024xf32> to vector<1x208x1024xf32>
    tpu.vector_store %arg5[%swap3A_437, %swap3A_438, %swap3A_439], %swap3A_442 {strides = array<i32>} : memref<33x264x1024xf32, #tpu.memory_space<vmem>>, vector<1x208x1024xf32>,
    %dot_general3A_443 = arith.constant dense<0.000000e+00> : vector<208x1024xf32>
    %dot_general3A_444 = tpu.matmul %mul3A_432, %convert_element_type3A_92, %dot_general3A_443 {dimension_numbers = #tpu.dot_dimension_numbers<[1], [0], [0], [1], [0, 0, 1, 1], [], []>, transpose_lhs_hint = false} : vector<208x32xf32>, vector<32x1024xf32>, vector<208x1024xf32> -> vector<208x1024xf32>
    %swap3A_445 = arith.constant 26 : index
    %swap3A_446 = arith.constant 56 : index
    %swap3A_447 = arith.constant 0 : index
    %swap3A_448 = vector.load %arg5[%swap3A_445, %swap3A_446, %swap3A_447] : memref<33x264x1024xf32, #tpu.memory_space<vmem>>, vector<1x208x1024xf32>
    %swap3A_449 = vector.shape_cast %swap3A_448 : vector<1x208x1024xf32> to vector<208x1024xf32>
    %swap3A_450 = vector.shape_cast %dot_general3A_444 : vector<208x1024xf32> to vector<1x208x1024xf32>
    tpu.vector_store %arg5[%swap3A_445, %swap3A_446, %swap3A_447], %swap3A_450 {strides = array<i32>} : memref<33x264x1024xf32, #tpu.memory_space<vmem>>, vector<1x208x1024xf32>,
    %get3A_451 = arith.constant 1 : index
    %get3A_452 = arith.constant 0 : index
    %get3A_453 = arith.constant 0 : index
    %get3A_454 = vector.load %arg5[%get3A_451, %get3A_452, %get3A_453] : memref<33x264x1024xf32, #tpu.memory_space<vmem>>, vector<7x200x1024xf32>
    %get3A_455 = arith.constant 26 : index
    %get3A_456 = arith.constant 64 : index
    %get3A_457 = arith.constant 0 : index
    %get3A_458 = vector.load %arg5[%get3A_455, %get3A_456, %get3A_457] : memref<33x264x1024xf32, #tpu.memory_space<vmem>>, vector<7x200x1024xf32>
    %add3A_459 = arith.addf %broadcast_in_dim3A_22, %add3A_434 : vector<1x1xf32>
    %add3A_460 = arith.addf %add3A_155, %add3A_376 : vector<1x1xf32>
    %add3A_461 = arith.addf %add3A_208, %add3A_319 : vector<1x1xf32>
    %add3A_462 = arith.addf %add3A_263, %add3A_263 : vector<1x1xf32>
    %add3A_463 = arith.addf %add3A_319, %add3A_208 : vector<1x1xf32>
    %add3A_464 = arith.addf %add3A_376, %add3A_155 : vector<1x1xf32>
    %add3A_465 = arith.addf %add3A_434, %broadcast_in_dim3A_22 : vector<1x1xf32>
    %concatenate3A_466 = tpu.concatenate %add3A_459, %add3A_460, %add3A_461, %add3A_462, %add3A_463, %add3A_464, %add3A_465 in 0 : vector<1x1xf32>, vector<1x1xf32>, vector<1x1xf32>, vector<1x1xf32>, vector<1x1xf32>, vector<1x1xf32>, vector<1x1xf32> -> vector<7x1xf32>
    %reduce_max3A_467 = arith.constant dense<0xFF800000> : vector<1xf32>
    %reduce_max3A_468 = vector.multi_reduction <maximumf>, %concatenate3A_466, %reduce_max3A_467 [0] : vector<7x1xf32> to vector<1xf32>
    %broadcast_in_dim3A_469 = vector.shape_cast %reduce_max3A_468 : vector<1xf32> to vector<1x1xf32>
    %sub3A_470 = vector.broadcast %broadcast_in_dim3A_469 : vector<1x1xf32> to vector<7x1xf32>
    %sub3A_471 = arith.subf %concatenate3A_466, %sub3A_470 : vector<7x1xf32>
    %exp3A_472 = math.exp %sub3A_471 : vector<7x1xf32>
    %broadcast_in_dim3A_473 = vector.shape_cast %exp3A_472 : vector<7x1xf32> to vector<7x1x1xf32>
    %mul3A_474 = arith.mulf %get3A_454, %get3A_458 : vector<7x200x1024xf32>
    %mul3A_475 = vector.broadcast %broadcast_in_dim3A_473 : vector<7x1x1xf32> to vector<7x200x1024xf32>
    %mul3A_476 = arith.mulf %mul3A_474, %mul3A_475 : vector<7x200x1024xf32>
    %reduce_sum3A_477 = arith.constant dense<0.000000e+00> : vector<200x1024xf32>
    %reduce_sum3A_478 = vector.multi_reduction <add>, %mul3A_476, %reduce_sum3A_477 [0] : vector<7x200x1024xf32> to vector<200x1024xf32>
    %dot_general3A_479 = arith.constant dense<0.000000e+00> : vector<200x32xf32>
    %dot_general3A_480 = tpu.matmul %reduce_sum3A_478, %div3A_38, %dot_general3A_479 {dimension_numbers = #tpu.dot_dimension_numbers<[1], [1], [0], [0], [0, 0, 1, 0], [], []>, transpose_lhs_hint = false} : vector<200x1024xf32>, vector<32x1024xf32>, vector<200x32xf32> -> vector<200x32xf32>
    %reduce_max3A_481 = arith.constant dense<0xFF800000> : vector<200xf32>
    %reduce_max3A_482 = vector.multi_reduction <maximumf>, %dot_general3A_480, %reduce_max3A_481 [1] : vector<200x32xf32> to vector<200xf32>
    %broadcast_in_dim3A_483 = vector.shape_cast %reduce_max3A_482 : vector<200xf32> to vector<200x1xf32>
    %reduce_max3A_484 = arith.constant dense<0xFF800000> : vector<1xf32>
    %reduce_max3A_485 = vector.multi_reduction <maximumf>, %broadcast_in_dim3A_483, %reduce_max3A_484 [0] : vector<200x1xf32> to vector<1xf32>
    %broadcast_in_dim3A_486 = vector.shape_cast %reduce_max3A_485 : vector<1xf32> to vector<1x1xf32>
    %div3A_487 = arith.constant 1.000000e+00 : f32
    %div3A_488 = vector.broadcast %div3A_487 : f32 to vector<1x1xf32>
    %div3A_489 = arith.divf %div3A_488, %broadcast_in_dim3A_486 : vector<1x1xf32>
    %mul3A_490 = vector.broadcast %div3A_489 : vector<1x1xf32> to vector<200x32xf32>
    %mul3A_491 = arith.mulf %dot_general3A_480, %mul3A_490 : vector<200x32xf32>
    %log3A_492 = math.log %broadcast_in_dim3A_486 : vector<1x1xf32>
    %add3A_493 = arith.addf %broadcast_in_dim3A_469, %log3A_492 : vector<1x1xf32>
    %dot_general3A_494 = arith.constant dense<0.000000e+00> : vector<200x1024xf32>
    %dot_general3A_495 = tpu.matmul %mul3A_491, %convert_element_type3A_59, %dot_general3A_494 {dimension_numbers = #tpu.dot_dimension_numbers<[1], [0], [0], [1], [0, 0, 1, 1], [], []>, transpose_lhs_hint = false} : vector<200x32xf32>, vector<32x1024xf32>, vector<200x1024xf32> -> vector<200x1024xf32>
    %swap3A_496 = arith.constant 8 : index
    %swap3A_497 = arith.constant 0 : index
    %swap3A_498 = arith.constant 0 : index
    %swap3A_499 = vector.load %arg5[%swap3A_496, %swap3A_497, %swap3A_498] : memref<33x264x1024xf32, #tpu.memory_space<vmem>>, vector<1x200x1024xf32>
    %swap3A_500 = vector.shape_cast %swap3A_499 : vector<1x200x1024xf32> to vector<200x1024xf32>
    %swap3A_501 = vector.shape_cast %dot_general3A_495 : vector<200x1024xf32> to vector<1x200x1024xf32>
    tpu.vector_store %arg5[%swap3A_496, %swap3A_497, %swap3A_498], %swap3A_501 {strides = array<i32>} : memref<33x264x1024xf32, #tpu.memory_space<vmem>>, vector<1x200x1024xf32>,
    %dot_general3A_502 = arith.constant dense<0.000000e+00> : vector<200x1024xf32>
    %dot_general3A_503 = tpu.matmul %mul3A_491, %convert_element_type3A_92, %dot_general3A_502 {dimension_numbers = #tpu.dot_dimension_numbers<[1], [0], [0], [1], [0, 0, 1, 1], [], []>, transpose_lhs_hint = false} : vector<200x32xf32>, vector<32x1024xf32>, vector<200x1024xf32> -> vector<200x1024xf32>
    %swap3A_504 = arith.constant 25 : index
    %swap3A_505 = arith.constant 64 : index
    %swap3A_506 = arith.constant 0 : index
    %swap3A_507 = vector.load %arg5[%swap3A_504, %swap3A_505, %swap3A_506] : memref<33x264x1024xf32, #tpu.memory_space<vmem>>, vector<1x200x1024xf32>
    %swap3A_508 = vector.shape_cast %swap3A_507 : vector<1x200x1024xf32> to vector<200x1024xf32>
    %swap3A_509 = vector.shape_cast %dot_general3A_503 : vector<200x1024xf32> to vector<1x200x1024xf32>
    tpu.vector_store %arg5[%swap3A_504, %swap3A_505, %swap3A_506], %swap3A_509 {strides = array<i32>} : memref<33x264x1024xf32, #tpu.memory_space<vmem>>, vector<1x200x1024xf32>,
    %get3A_510 = arith.constant 1 : index
    %get3A_511 = arith.constant 0 : index
    %get3A_512 = arith.constant 0 : index
    %get3A_513 = vector.load %arg5[%get3A_510, %get3A_511, %get3A_512] : memref<33x264x1024xf32, #tpu.memory_space<vmem>>, vector<8x192x1024xf32>
    %get3A_514 = arith.constant 25 : index
    %get3A_515 = arith.constant 72 : index
    %get3A_516 = arith.constant 0 : index
    %get3A_517 = vector.load %arg5[%get3A_514, %get3A_515, %get3A_516] : memref<33x264x1024xf32, #tpu.memory_space<vmem>>, vector<8x192x1024xf32>
    %add3A_518 = arith.addf %broadcast_in_dim3A_22, %add3A_493 : vector<1x1xf32>
    %add3A_519 = arith.addf %add3A_155, %add3A_434 : vector<1x1xf32>
    %add3A_520 = arith.addf %add3A_208, %add3A_376 : vector<1x1xf32>
    %add3A_521 = arith.addf %add3A_263, %add3A_319 : vector<1x1xf32>
    %add3A_522 = arith.addf %add3A_319, %add3A_263 : vector<1x1xf32>
    %add3A_523 = arith.addf %add3A_376, %add3A_208 : vector<1x1xf32>
    %add3A_524 = arith.addf %add3A_434, %add3A_155 : vector<1x1xf32>
    %add3A_525 = arith.addf %add3A_493, %broadcast_in_dim3A_22 : vector<1x1xf32>
    %concatenate3A_526 = tpu.concatenate %add3A_518, %add3A_519, %add3A_520, %add3A_521, %add3A_522, %add3A_523, %add3A_524, %add3A_525 in 0 : vector<1x1xf32>, vector<1x1xf32>, vector<1x1xf32>, vector<1x1xf32>, vector<1x1xf32>, vector<1x1xf32>, vector<1x1xf32>, vector<1x1xf32> -> vector<8x1xf32>
    %reduce_max3A_527 = arith.constant dense<0xFF800000> : vector<1xf32>
    %reduce_max3A_528 = vector.multi_reduction <maximumf>, %concatenate3A_526, %reduce_max3A_527 [0] : vector<8x1xf32> to vector<1xf32>
    %broadcast_in_dim3A_529 = vector.shape_cast %reduce_max3A_528 : vector<1xf32> to vector<1x1xf32>
    %sub3A_530 = vector.broadcast %broadcast_in_dim3A_529 : vector<1x1xf32> to vector<8x1xf32>
    %sub3A_531 = arith.subf %concatenate3A_526, %sub3A_530 : vector<8x1xf32>
    %exp3A_532 = math.exp %sub3A_531 : vector<8x1xf32>
    %broadcast_in_dim3A_533 = vector.shape_cast %exp3A_532 : vector<8x1xf32> to vector<8x1x1xf32>
    %mul3A_534 = arith.mulf %get3A_513, %get3A_517 : vector<8x192x1024xf32>
    %mul3A_535 = vector.broadcast %broadcast_in_dim3A_533 : vector<8x1x1xf32> to vector<8x192x1024xf32>
    %mul3A_536 = arith.mulf %mul3A_534, %mul3A_535 : vector<8x192x1024xf32>
    %reduce_sum3A_537 = arith.constant dense<0.000000e+00> : vector<192x1024xf32>
    %reduce_sum3A_538 = vector.multi_reduction <add>, %mul3A_536, %reduce_sum3A_537 [0] : vector<8x192x1024xf32> to vector<192x1024xf32>
    %dot_general3A_539 = arith.constant dense<0.000000e+00> : vector<192x32xf32>
    %dot_general3A_540 = tpu.matmul %reduce_sum3A_538, %div3A_38, %dot_general3A_539 {dimension_numbers = #tpu.dot_dimension_numbers<[1], [1], [0], [0], [0, 0, 1, 0], [], []>, transpose_lhs_hint = false} : vector<192x1024xf32>, vector<32x1024xf32>, vector<192x32xf32> -> vector<192x32xf32>
    %reduce_max3A_541 = arith.constant dense<0xFF800000> : vector<192xf32>
    %reduce_max3A_542 = vector.multi_reduction <maximumf>, %dot_general3A_540, %reduce_max3A_541 [1] : vector<192x32xf32> to vector<192xf32>
    %broadcast_in_dim3A_543 = vector.shape_cast %reduce_max3A_542 : vector<192xf32> to vector<192x1xf32>
    %reduce_max3A_544 = arith.constant dense<0xFF800000> : vector<1xf32>
    %reduce_max3A_545 = vector.multi_reduction <maximumf>, %broadcast_in_dim3A_543, %reduce_max3A_544 [0] : vector<192x1xf32> to vector<1xf32>
    %broadcast_in_dim3A_546 = vector.shape_cast %reduce_max3A_545 : vector<1xf32> to vector<1x1xf32>
    %div3A_547 = arith.constant 1.000000e+00 : f32
    %div3A_548 = vector.broadcast %div3A_547 : f32 to vector<1x1xf32>
    %div3A_549 = arith.divf %div3A_548, %broadcast_in_dim3A_546 : vector<1x1xf32>
    %mul3A_550 = vector.broadcast %div3A_549 : vector<1x1xf32> to vector<192x32xf32>
    %mul3A_551 = arith.mulf %dot_general3A_540, %mul3A_550 : vector<192x32xf32>
    %log3A_552 = math.log %broadcast_in_dim3A_546 : vector<1x1xf32>
    %add3A_553 = arith.addf %broadcast_in_dim3A_529, %log3A_552 : vector<1x1xf32>
    %dot_general3A_554 = arith.constant dense<0.000000e+00> : vector<192x1024xf32>
    %dot_general3A_555 = tpu.matmul %mul3A_551, %convert_element_type3A_59, %dot_general3A_554 {dimension_numbers = #tpu.dot_dimension_numbers<[1], [0], [0], [1], [0, 0, 1, 1], [], []>, transpose_lhs_hint = false} : vector<192x32xf32>, vector<32x1024xf32>, vector<192x1024xf32> -> vector<192x1024xf32>
    %swap3A_556 = arith.constant 9 : index
    %swap3A_557 = arith.constant 0 : index
    %swap3A_558 = arith.constant 0 : index
    %swap3A_559 = vector.load %arg5[%swap3A_556, %swap3A_557, %swap3A_558] : memref<33x264x1024xf32, #tpu.memory_space<vmem>>, vector<1x192x1024xf32>
    %swap3A_560 = vector.shape_cast %swap3A_559 : vector<1x192x1024xf32> to vector<192x1024xf32>
    %swap3A_561 = vector.shape_cast %dot_general3A_555 : vector<192x1024xf32> to vector<1x192x1024xf32>
    tpu.vector_store %arg5[%swap3A_556, %swap3A_557, %swap3A_558], %swap3A_561 {strides = array<i32>} : memref<33x264x1024xf32, #tpu.memory_space<vmem>>, vector<1x192x1024xf32>,
    %dot_general3A_562 = arith.constant dense<0.000000e+00> : vector<192x1024xf32>
    %dot_general3A_563 = tpu.matmul %mul3A_551, %convert_element_type3A_92, %dot_general3A_562 {dimension_numbers = #tpu.dot_dimension_numbers<[1], [0], [0], [1], [0, 0, 1, 1], [], []>, transpose_lhs_hint = false} : vector<192x32xf32>, vector<32x1024xf32>, vector<192x1024xf32> -> vector<192x1024xf32>
    %swap3A_564 = arith.constant 24 : index
    %swap3A_565 = arith.constant 72 : index
    %swap3A_566 = arith.constant 0 : index
    %swap3A_567 = vector.load %arg5[%swap3A_564, %swap3A_565, %swap3A_566] : memref<33x264x1024xf32, #tpu.memory_space<vmem>>, vector<1x192x1024xf32>
    %swap3A_568 = vector.shape_cast %swap3A_567 : vector<1x192x1024xf32> to vector<192x1024xf32>
    %swap3A_569 = vector.shape_cast %dot_general3A_563 : vector<192x1024xf32> to vector<1x192x1024xf32>
    tpu.vector_store %arg5[%swap3A_564, %swap3A_565, %swap3A_566], %swap3A_569 {strides = array<i32>} : memref<33x264x1024xf32, #tpu.memory_space<vmem>>, vector<1x192x1024xf32>,
    %get3A_570 = arith.constant 1 : index
    %get3A_571 = arith.constant 0 : index
    %get3A_572 = arith.constant 0 : index
    %get3A_573 = vector.load %arg5[%get3A_570, %get3A_571, %get3A_572] : memref<33x264x1024xf32, #tpu.memory_space<vmem>>, vector<9x184x1024xf32>
    %get3A_574 = arith.constant 24 : index
    %get3A_575 = arith.constant 80 : index
    %get3A_576 = arith.constant 0 : index
    %get3A_577 = vector.load %arg5[%get3A_574, %get3A_575, %get3A_576] : memref<33x264x1024xf32, #tpu.memory_space<vmem>>, vector<9x184x1024xf32>
    %add3A_578 = arith.addf %broadcast_in_dim3A_22, %add3A_553 : vector<1x1xf32>
    %add3A_579 = arith.addf %add3A_155, %add3A_493 : vector<1x1xf32>
    %add3A_580 = arith.addf %add3A_208, %add3A_434 : vector<1x1xf32>
    %add3A_581 = arith.addf %add3A_263, %add3A_376 : vector<1x1xf32>
    %add3A_582 = arith.addf %add3A_319, %add3A_319 : vector<1x1xf32>
    %add3A_583 = arith.addf %add3A_376, %add3A_263 : vector<1x1xf32>
    %add3A_584 = arith.addf %add3A_434, %add3A_208 : vector<1x1xf32>
    %add3A_585 = arith.addf %add3A_493, %add3A_155 : vector<1x1xf32>
    %add3A_586 = arith.addf %add3A_553, %broadcast_in_dim3A_22 : vector<1x1xf32>
    %concatenate3A_587 = tpu.concatenate %add3A_578, %add3A_579, %add3A_580, %add3A_581, %add3A_582, %add3A_583, %add3A_584, %add3A_585, %add3A_586 in 0 : vector<1x1xf32>, vector<1x1xf32>, vector<1x1xf32>, vector<1x1xf32>, vector<1x1xf32>, vector<1x1xf32>, vector<1x1xf32>, vector<1x1xf32>, vector<1x1xf32> -> vector<9x1xf32>
    %reduce_max3A_588 = arith.constant dense<0xFF800000> : vector<1xf32>
    %reduce_max3A_589 = vector.multi_reduction <maximumf>, %concatenate3A_587, %reduce_max3A_588 [0] : vector<9x1xf32> to vector<1xf32>
    %broadcast_in_dim3A_590 = vector.shape_cast %reduce_max3A_589 : vector<1xf32> to vector<1x1xf32>
    %sub3A_591 = vector.broadcast %broadcast_in_dim3A_590 : vector<1x1xf32> to vector<9x1xf32>
    %sub3A_592 = arith.subf %concatenate3A_587, %sub3A_591 : vector<9x1xf32>
    %exp3A_593 = math.exp %sub3A_592 : vector<9x1xf32>
    %broadcast_in_dim3A_594 = vector.shape_cast %exp3A_593 : vector<9x1xf32> to vector<9x1x1xf32>
    %mul3A_595 = arith.mulf %get3A_573, %get3A_577 : vector<9x184x1024xf32>
    %mul3A_596 = vector.broadcast %broadcast_in_dim3A_594 : vector<9x1x1xf32> to vector<9x184x1024xf32>
    %mul3A_597 = arith.mulf %mul3A_595, %mul3A_596 : vector<9x184x1024xf32>
    %reduce_sum3A_598 = arith.constant dense<0.000000e+00> : vector<184x1024xf32>
    %reduce_sum3A_599 = vector.multi_reduction <add>, %mul3A_597, %reduce_sum3A_598 [0] : vector<9x184x1024xf32> to vector<184x1024xf32>
    %dot_general3A_600 = arith.constant dense<0.000000e+00> : vector<184x32xf32>
    %dot_general3A_601 = tpu.matmul %reduce_sum3A_599, %div3A_38, %dot_general3A_600 {dimension_numbers = #tpu.dot_dimension_numbers<[1], [1], [0], [0], [0, 0, 1, 0], [], []>, transpose_lhs_hint = false} : vector<184x1024xf32>, vector<32x1024xf32>, vector<184x32xf32> -> vector<184x32xf32>
    %reduce_max3A_602 = arith.constant dense<0xFF800000> : vector<184xf32>
    %reduce_max3A_603 = vector.multi_reduction <maximumf>, %dot_general3A_601, %reduce_max3A_602 [1] : vector<184x32xf32> to vector<184xf32>
    %broadcast_in_dim3A_604 = vector.shape_cast %reduce_max3A_603 : vector<184xf32> to vector<184x1xf32>
    %reduce_max3A_605 = arith.constant dense<0xFF800000> : vector<1xf32>
    %reduce_max3A_606 = vector.multi_reduction <maximumf>, %broadcast_in_dim3A_604, %reduce_max3A_605 [0] : vector<184x1xf32> to vector<1xf32>
    %broadcast_in_dim3A_607 = vector.shape_cast %reduce_max3A_606 : vector<1xf32> to vector<1x1xf32>
    %div3A_608 = arith.constant 1.000000e+00 : f32
    %div3A_609 = vector.broadcast %div3A_608 : f32 to vector<1x1xf32>
    %div3A_610 = arith.divf %div3A_609, %broadcast_in_dim3A_607 : vector<1x1xf32>
    %mul3A_611 = vector.broadcast %div3A_610 : vector<1x1xf32> to vector<184x32xf32>
    %mul3A_612 = arith.mulf %dot_general3A_601, %mul3A_611 : vector<184x32xf32>
    %log3A_613 = math.log %broadcast_in_dim3A_607 : vector<1x1xf32>
    %add3A_614 = arith.addf %broadcast_in_dim3A_590, %log3A_613 : vector<1x1xf32>
    %dot_general3A_615 = arith.constant dense<0.000000e+00> : vector<184x1024xf32>
    %dot_general3A_616 = tpu.matmul %mul3A_612, %convert_element_type3A_59, %dot_general3A_615 {dimension_numbers = #tpu.dot_dimension_numbers<[1], [0], [0], [1], [0, 0, 1, 1], [], []>, transpose_lhs_hint = false} : vector<184x32xf32>, vector<32x1024xf32>, vector<184x1024xf32> -> vector<184x1024xf32>
    %swap3A_617 = arith.constant 10 : index
    %swap3A_618 = arith.constant 0 : index
    %swap3A_619 = arith.constant 0 : index
    %swap3A_620 = vector.load %arg5[%swap3A_617, %swap3A_618, %swap3A_619] : memref<33x264x1024xf32, #tpu.memory_space<vmem>>, vector<1x184x1024xf32>
    %swap3A_621 = vector.shape_cast %swap3A_620 : vector<1x184x1024xf32> to vector<184x1024xf32>
    %swap3A_622 = vector.shape_cast %dot_general3A_616 : vector<184x1024xf32> to vector<1x184x1024xf32>
    tpu.vector_store %arg5[%swap3A_617, %swap3A_618, %swap3A_619], %swap3A_622 {strides = array<i32>} : memref<33x264x1024xf32, #tpu.memory_space<vmem>>, vector<1x184x1024xf32>,
    %dot_general3A_623 = arith.constant dense<0.000000e+00> : vector<184x1024xf32>
    %dot_general3A_624 = tpu.matmul %mul3A_612, %convert_element_type3A_92, %dot_general3A_623 {dimension_numbers = #tpu.dot_dimension_numbers<[1], [0], [0], [1], [0, 0, 1, 1], [], []>, transpose_lhs_hint = false} : vector<184x32xf32>, vector<32x1024xf32>, vector<184x1024xf32> -> vector<184x1024xf32>
    %swap3A_625 = arith.constant 23 : index
    %swap3A_626 = arith.constant 80 : index
    %swap3A_627 = arith.constant 0 : index
    %swap3A_628 = vector.load %arg5[%swap3A_625, %swap3A_626, %swap3A_627] : memref<33x264x1024xf32, #tpu.memory_space<vmem>>, vector<1x184x1024xf32>
    %swap3A_629 = vector.shape_cast %swap3A_628 : vector<1x184x1024xf32> to vector<184x1024xf32>
    %swap3A_630 = vector.shape_cast %dot_general3A_624 : vector<184x1024xf32> to vector<1x184x1024xf32>
    tpu.vector_store %arg5[%swap3A_625, %swap3A_626, %swap3A_627], %swap3A_630 {strides = array<i32>} : memref<33x264x1024xf32, #tpu.memory_space<vmem>>, vector<1x184x1024xf32>,
    %get3A_631 = arith.constant 1 : index
    %get3A_632 = arith.constant 0 : index
    %get3A_633 = arith.constant 0 : index
    %get3A_634 = vector.load %arg5[%get3A_631, %get3A_632, %get3A_633] : memref<33x264x1024xf32, #tpu.memory_space<vmem>>, vector<10x176x1024xf32>
    %get3A_635 = arith.constant 23 : index
    %get3A_636 = arith.constant 88 : index
    %get3A_637 = arith.constant 0 : index
    %get3A_638 = vector.load %arg5[%get3A_635, %get3A_636, %get3A_637] : memref<33x264x1024xf32, #tpu.memory_space<vmem>>, vector<10x176x1024xf32>
    %add3A_639 = arith.addf %broadcast_in_dim3A_22, %add3A_614 : vector<1x1xf32>
    %add3A_640 = arith.addf %add3A_155, %add3A_553 : vector<1x1xf32>
    %add3A_641 = arith.addf %add3A_208, %add3A_493 : vector<1x1xf32>
    %add3A_642 = arith.addf %add3A_263, %add3A_434 : vector<1x1xf32>
    %add3A_643 = arith.addf %add3A_319, %add3A_376 : vector<1x1xf32>
    %add3A_644 = arith.addf %add3A_376, %add3A_319 : vector<1x1xf32>
    %add3A_645 = arith.addf %add3A_434, %add3A_263 : vector<1x1xf32>
    %add3A_646 = arith.addf %add3A_493, %add3A_208 : vector<1x1xf32>
    %add3A_647 = arith.addf %add3A_553, %add3A_155 : vector<1x1xf32>
    %add3A_648 = arith.addf %add3A_614, %broadcast_in_dim3A_22 : vector<1x1xf32>
    %concatenate3A_649 = tpu.concatenate %add3A_639, %add3A_640, %add3A_641, %add3A_642, %add3A_643, %add3A_644, %add3A_645, %add3A_646, %add3A_647, %add3A_648 in 0 : vector<1x1xf32>, vector<1x1xf32>, vector<1x1xf32>, vector<1x1xf32>, vector<1x1xf32>, vector<1x1xf32>, vector<1x1xf32>, vector<1x1xf32>, vector<1x1xf32>, vector<1x1xf32> -> vector<10x1xf32>
    %reduce_max3A_650 = arith.constant dense<0xFF800000> : vector<1xf32>
    %reduce_max3A_651 = vector.multi_reduction <maximumf>, %concatenate3A_649, %reduce_max3A_650 [0] : vector<10x1xf32> to vector<1xf32>
    %broadcast_in_dim3A_652 = vector.shape_cast %reduce_max3A_651 : vector<1xf32> to vector<1x1xf32>
    %sub3A_653 = vector.broadcast %broadcast_in_dim3A_652 : vector<1x1xf32> to vector<10x1xf32>
    %sub3A_654 = arith.subf %concatenate3A_649, %sub3A_653 : vector<10x1xf32>
    %exp3A_655 = math.exp %sub3A_654 : vector<10x1xf32>
    %broadcast_in_dim3A_656 = vector.shape_cast %exp3A_655 : vector<10x1xf32> to vector<10x1x1xf32>
    %mul3A_657 = arith.mulf %get3A_634, %get3A_638 : vector<10x176x1024xf32>
    %mul3A_658 = vector.broadcast %broadcast_in_dim3A_656 : vector<10x1x1xf32> to vector<10x176x1024xf32>
    %mul3A_659 = arith.mulf %mul3A_657, %mul3A_658 : vector<10x176x1024xf32>
    %reduce_sum3A_660 = arith.constant dense<0.000000e+00> : vector<176x1024xf32>
    %reduce_sum3A_661 = vector.multi_reduction <add>, %mul3A_659, %reduce_sum3A_660 [0] : vector<10x176x1024xf32> to vector<176x1024xf32>
    %dot_general3A_662 = arith.constant dense<0.000000e+00> : vector<176x32xf32>
    %dot_general3A_663 = tpu.matmul %reduce_sum3A_661, %div3A_38, %dot_general3A_662 {dimension_numbers = #tpu.dot_dimension_numbers<[1], [1], [0], [0], [0, 0, 1, 0], [], []>, transpose_lhs_hint = false} : vector<176x1024xf32>, vector<32x1024xf32>, vector<176x32xf32> -> vector<176x32xf32>
    %reduce_max3A_664 = arith.constant dense<0xFF800000> : vector<176xf32>
    %reduce_max3A_665 = vector.multi_reduction <maximumf>, %dot_general3A_663, %reduce_max3A_664 [1] : vector<176x32xf32> to vector<176xf32>
    %broadcast_in_dim3A_666 = vector.shape_cast %reduce_max3A_665 : vector<176xf32> to vector<176x1xf32>
    %reduce_max3A_667 = arith.constant dense<0xFF800000> : vector<1xf32>
    %reduce_max3A_668 = vector.multi_reduction <maximumf>, %broadcast_in_dim3A_666, %reduce_max3A_667 [0] : vector<176x1xf32> to vector<1xf32>
    %broadcast_in_dim3A_669 = vector.shape_cast %reduce_max3A_668 : vector<1xf32> to vector<1x1xf32>
    %div3A_670 = arith.constant 1.000000e+00 : f32
    %div3A_671 = vector.broadcast %div3A_670 : f32 to vector<1x1xf32>
    %div3A_672 = arith.divf %div3A_671, %broadcast_in_dim3A_669 : vector<1x1xf32>
    %mul3A_673 = vector.broadcast %div3A_672 : vector<1x1xf32> to vector<176x32xf32>
    %mul3A_674 = arith.mulf %dot_general3A_663, %mul3A_673 : vector<176x32xf32>
    %log3A_675 = math.log %broadcast_in_dim3A_669 : vector<1x1xf32>
    %add3A_676 = arith.addf %broadcast_in_dim3A_652, %log3A_675 : vector<1x1xf32>
    %dot_general3A_677 = arith.constant dense<0.000000e+00> : vector<176x1024xf32>
    %dot_general3A_678 = tpu.matmul %mul3A_674, %convert_element_type3A_59, %dot_general3A_677 {dimension_numbers = #tpu.dot_dimension_numbers<[1], [0], [0], [1], [0, 0, 1, 1], [], []>, transpose_lhs_hint = false} : vector<176x32xf32>, vector<32x1024xf32>, vector<176x1024xf32> -> vector<176x1024xf32>
    %swap3A_679 = arith.constant 11 : index
    %swap3A_680 = arith.constant 0 : index
    %swap3A_681 = arith.constant 0 : index
    %swap3A_682 = vector.load %arg5[%swap3A_679, %swap3A_680, %swap3A_681] : memref<33x264x1024xf32, #tpu.memory_space<vmem>>, vector<1x176x1024xf32>
    %swap3A_683 = vector.shape_cast %swap3A_682 : vector<1x176x1024xf32> to vector<176x1024xf32>
    %swap3A_684 = vector.shape_cast %dot_general3A_678 : vector<176x1024xf32> to vector<1x176x1024xf32>
    tpu.vector_store %arg5[%swap3A_679, %swap3A_680, %swap3A_681], %swap3A_684 {strides = array<i32>} : memref<33x264x1024xf32, #tpu.memory_space<vmem>>, vector<1x176x1024xf32>,
    %dot_general3A_685 = arith.constant dense<0.000000e+00> : vector<176x1024xf32>
    %dot_general3A_686 = tpu.matmul %mul3A_674, %convert_element_type3A_92, %dot_general3A_685 {dimension_numbers = #tpu.dot_dimension_numbers<[1], [0], [0], [1], [0, 0, 1, 1], [], []>, transpose_lhs_hint = false} : vector<176x32xf32>, vector<32x1024xf32>, vector<176x1024xf32> -> vector<176x1024xf32>
    %swap3A_687 = arith.constant 22 : index
    %swap3A_688 = arith.constant 88 : index
    %swap3A_689 = arith.constant 0 : index
    %swap3A_690 = vector.load %arg5[%swap3A_687, %swap3A_688, %swap3A_689] : memref<33x264x1024xf32, #tpu.memory_space<vmem>>, vector<1x176x1024xf32>
    %swap3A_691 = vector.shape_cast %swap3A_690 : vector<1x176x1024xf32> to vector<176x1024xf32>
    %swap3A_692 = vector.shape_cast %dot_general3A_686 : vector<176x1024xf32> to vector<1x176x1024xf32>
    tpu.vector_store %arg5[%swap3A_687, %swap3A_688, %swap3A_689], %swap3A_692 {strides = array<i32>} : memref<33x264x1024xf32, #tpu.memory_space<vmem>>, vector<1x176x1024xf32>,
    %get3A_693 = arith.constant 1 : index
    %get3A_694 = arith.constant 0 : index
    %get3A_695 = arith.constant 0 : index
    %get3A_696 = vector.load %arg5[%get3A_693, %get3A_694, %get3A_695] : memref<33x264x1024xf32, #tpu.memory_space<vmem>>, vector<11x168x1024xf32>
    %get3A_697 = arith.constant 22 : index
    %get3A_698 = arith.constant 96 : index
    %get3A_699 = arith.constant 0 : index
    %get3A_700 = vector.load %arg5[%get3A_697, %get3A_698, %get3A_699] : memref<33x264x1024xf32, #tpu.memory_space<vmem>>, vector<11x168x1024xf32>
    %add3A_701 = arith.addf %broadcast_in_dim3A_22, %add3A_676 : vector<1x1xf32>
    %add3A_702 = arith.addf %add3A_155, %add3A_614 : vector<1x1xf32>
    %add3A_703 = arith.addf %add3A_208, %add3A_553 : vector<1x1xf32>
    %add3A_704 = arith.addf %add3A_263, %add3A_493 : vector<1x1xf32>
    %add3A_705 = arith.addf %add3A_319, %add3A_434 : vector<1x1xf32>
    %add3A_706 = arith.addf %add3A_376, %add3A_376 : vector<1x1xf32>
    %add3A_707 = arith.addf %add3A_434, %add3A_319 : vector<1x1xf32>
    %add3A_708 = arith.addf %add3A_493, %add3A_263 : vector<1x1xf32>
    %add3A_709 = arith.addf %add3A_553, %add3A_208 : vector<1x1xf32>
    %add3A_710 = arith.addf %add3A_614, %add3A_155 : vector<1x1xf32>
    %add3A_711 = arith.addf %add3A_676, %broadcast_in_dim3A_22 : vector<1x1xf32>
    %concatenate3A_712 = tpu.concatenate %add3A_701, %add3A_702, %add3A_703, %add3A_704, %add3A_705, %add3A_706, %add3A_707, %add3A_708, %add3A_709, %add3A_710, %add3A_711 in 0 : vector<1x1xf32>, vector<1x1xf32>, vector<1x1xf32>, vector<1x1xf32>, vector<1x1xf32>, vector<1x1xf32>, vector<1x1xf32>, vector<1x1xf32>, vector<1x1xf32>, vector<1x1xf32>, vector<1x1xf32> -> vector<11x1xf32>
    %reduce_max3A_713 = arith.constant dense<0xFF800000> : vector<1xf32>
    %reduce_max3A_714 = vector.multi_reduction <maximumf>, %concatenate3A_712, %reduce_max3A_713 [0] : vector<11x1xf32> to vector<1xf32>
    %broadcast_in_dim3A_715 = vector.shape_cast %reduce_max3A_714 : vector<1xf32> to vector<1x1xf32>
    %sub3A_716 = vector.broadcast %broadcast_in_dim3A_715 : vector<1x1xf32> to vector<11x1xf32>
    %sub3A_717 = arith.subf %concatenate3A_712, %sub3A_716 : vector<11x1xf32>
    %exp3A_718 = math.exp %sub3A_717 : vector<11x1xf32>
    %broadcast_in_dim3A_719 = vector.shape_cast %exp3A_718 : vector<11x1xf32> to vector<11x1x1xf32>
    %mul3A_720 = arith.mulf %get3A_696, %get3A_700 : vector<11x168x1024xf32>
    %mul3A_721 = vector.broadcast %broadcast_in_dim3A_719 : vector<11x1x1xf32> to vector<11x168x1024xf32>
    %mul3A_722 = arith.mulf %mul3A_720, %mul3A_721 : vector<11x168x1024xf32>
    %reduce_sum3A_723 = arith.constant dense<0.000000e+00> : vector<168x1024xf32>
    %reduce_sum3A_724 = vector.multi_reduction <add>, %mul3A_722, %reduce_sum3A_723 [0] : vector<11x168x1024xf32> to vector<168x1024xf32>
    %dot_general3A_725 = arith.constant dense<0.000000e+00> : vector<168x32xf32>
    %dot_general3A_726 = tpu.matmul %reduce_sum3A_724, %div3A_38, %dot_general3A_725 {dimension_numbers = #tpu.dot_dimension_numbers<[1], [1], [0], [0], [0, 0, 1, 0], [], []>, transpose_lhs_hint = false} : vector<168x1024xf32>, vector<32x1024xf32>, vector<168x32xf32> -> vector<168x32xf32>
    %reduce_max3A_727 = arith.constant dense<0xFF800000> : vector<168xf32>
    %reduce_max3A_728 = vector.multi_reduction <maximumf>, %dot_general3A_726, %reduce_max3A_727 [1] : vector<168x32xf32> to vector<168xf32>
    %broadcast_in_dim3A_729 = vector.shape_cast %reduce_max3A_728 : vector<168xf32> to vector<168x1xf32>
    %reduce_max3A_730 = arith.constant dense<0xFF800000> : vector<1xf32>
    %reduce_max3A_731 = vector.multi_reduction <maximumf>, %broadcast_in_dim3A_729, %reduce_max3A_730 [0] : vector<168x1xf32> to vector<1xf32>
    %broadcast_in_dim3A_732 = vector.shape_cast %reduce_max3A_731 : vector<1xf32> to vector<1x1xf32>
    %div3A_733 = arith.constant 1.000000e+00 : f32
    %div3A_734 = vector.broadcast %div3A_733 : f32 to vector<1x1xf32>
    %div3A_735 = arith.divf %div3A_734, %broadcast_in_dim3A_732 : vector<1x1xf32>
    %mul3A_736 = vector.broadcast %div3A_735 : vector<1x1xf32> to vector<168x32xf32>
    %mul3A_737 = arith.mulf %dot_general3A_726, %mul3A_736 : vector<168x32xf32>
    %log3A_738 = math.log %broadcast_in_dim3A_732 : vector<1x1xf32>
    %add3A_739 = arith.addf %broadcast_in_dim3A_715, %log3A_738 : vector<1x1xf32>
    %dot_general3A_740 = arith.constant dense<0.000000e+00> : vector<168x1024xf32>
    %dot_general3A_741 = tpu.matmul %mul3A_737, %convert_element_type3A_59, %dot_general3A_740 {dimension_numbers = #tpu.dot_dimension_numbers<[1], [0], [0], [1], [0, 0, 1, 1], [], []>, transpose_lhs_hint = false} : vector<168x32xf32>, vector<32x1024xf32>, vector<168x1024xf32> -> vector<168x1024xf32>
    %swap3A_742 = arith.constant 12 : index
    %swap3A_743 = arith.constant 0 : index
    %swap3A_744 = arith.constant 0 : index
    %swap3A_745 = vector.load %arg5[%swap3A_742, %swap3A_743, %swap3A_744] : memref<33x264x1024xf32, #tpu.memory_space<vmem>>, vector<1x168x1024xf32>
    %swap3A_746 = vector.shape_cast %swap3A_745 : vector<1x168x1024xf32> to vector<168x1024xf32>
    %swap3A_747 = vector.shape_cast %dot_general3A_741 : vector<168x1024xf32> to vector<1x168x1024xf32>
    tpu.vector_store %arg5[%swap3A_742, %swap3A_743, %swap3A_744], %swap3A_747 {strides = array<i32>} : memref<33x264x1024xf32, #tpu.memory_space<vmem>>, vector<1x168x1024xf32>,
    %dot_general3A_748 = arith.constant dense<0.000000e+00> : vector<168x1024xf32>
    %dot_general3A_749 = tpu.matmul %mul3A_737, %convert_element_type3A_92, %dot_general3A_748 {dimension_numbers = #tpu.dot_dimension_numbers<[1], [0], [0], [1], [0, 0, 1, 1], [], []>, transpose_lhs_hint = false} : vector<168x32xf32>, vector<32x1024xf32>, vector<168x1024xf32> -> vector<168x1024xf32>
    %swap3A_750 = arith.constant 21 : index
    %swap3A_751 = arith.constant 96 : index
    %swap3A_752 = arith.constant 0 : index
    %swap3A_753 = vector.load %arg5[%swap3A_750, %swap3A_751, %swap3A_752] : memref<33x264x1024xf32, #tpu.memory_space<vmem>>, vector<1x168x1024xf32>
    %swap3A_754 = vector.shape_cast %swap3A_753 : vector<1x168x1024xf32> to vector<168x1024xf32>
    %swap3A_755 = vector.shape_cast %dot_general3A_749 : vector<168x1024xf32> to vector<1x168x1024xf32>
    tpu.vector_store %arg5[%swap3A_750, %swap3A_751, %swap3A_752], %swap3A_755 {strides = array<i32>} : memref<33x264x1024xf32, #tpu.memory_space<vmem>>, vector<1x168x1024xf32>,
    %get3A_756 = arith.constant 1 : index
    %get3A_757 = arith.constant 0 : index
    %get3A_758 = arith.constant 0 : index
    %get3A_759 = vector.load %arg5[%get3A_756, %get3A_757, %get3A_758] : memref<33x264x1024xf32, #tpu.memory_space<vmem>>, vector<12x160x1024xf32>
    %get3A_760 = arith.constant 21 : index
    %get3A_761 = arith.constant 104 : index
    %get3A_762 = arith.constant 0 : index
    %get3A_763 = vector.load %arg5[%get3A_760, %get3A_761, %get3A_762] : memref<33x264x1024xf32, #tpu.memory_space<vmem>>, vector<12x160x1024xf32>
    %add3A_764 = arith.addf %broadcast_in_dim3A_22, %add3A_739 : vector<1x1xf32>
    %add3A_765 = arith.addf %add3A_155, %add3A_676 : vector<1x1xf32>
    %add3A_766 = arith.addf %add3A_208, %add3A_614 : vector<1x1xf32>
    %add3A_767 = arith.addf %add3A_263, %add3A_553 : vector<1x1xf32>
    %add3A_768 = arith.addf %add3A_319, %add3A_493 : vector<1x1xf32>
    %add3A_769 = arith.addf %add3A_376, %add3A_434 : vector<1x1xf32>
    %add3A_770 = arith.addf %add3A_434, %add3A_376 : vector<1x1xf32>
    %add3A_771 = arith.addf %add3A_493, %add3A_319 : vector<1x1xf32>
    %add3A_772 = arith.addf %add3A_553, %add3A_263 : vector<1x1xf32>
    %add3A_773 = arith.addf %add3A_614, %add3A_208 : vector<1x1xf32>
    %add3A_774 = arith.addf %add3A_676, %add3A_155 : vector<1x1xf32>
    %add3A_775 = arith.addf %add3A_739, %broadcast_in_dim3A_22 : vector<1x1xf32>
    %concatenate3A_776 = tpu.concatenate %add3A_764, %add3A_765, %add3A_766, %add3A_767, %add3A_768, %add3A_769, %add3A_770, %add3A_771, %add3A_772, %add3A_773, %add3A_774, %add3A_775 in 0 : vector<1x1xf32>, vector<1x1xf32>, vector<1x1xf32>, vector<1x1xf32>, vector<1x1xf32>, vector<1x1xf32>, vector<1x1xf32>, vector<1x1xf32>, vector<1x1xf32>, vector<1x1xf32>, vector<1x1xf32>, vector<1x1xf32> -> vector<12x1xf32>
    %reduce_max3A_777 = arith.constant dense<0xFF800000> : vector<1xf32>
    %reduce_max3A_778 = vector.multi_reduction <maximumf>, %concatenate3A_776, %reduce_max3A_777 [0] : vector<12x1xf32> to vector<1xf32>
    %broadcast_in_dim3A_779 = vector.shape_cast %reduce_max3A_778 : vector<1xf32> to vector<1x1xf32>
    %sub3A_780 = vector.broadcast %broadcast_in_dim3A_779 : vector<1x1xf32> to vector<12x1xf32>
    %sub3A_781 = arith.subf %concatenate3A_776, %sub3A_780 : vector<12x1xf32>
    %exp3A_782 = math.exp %sub3A_781 : vector<12x1xf32>
    %broadcast_in_dim3A_783 = vector.shape_cast %exp3A_782 : vector<12x1xf32> to vector<12x1x1xf32>
    %mul3A_784 = arith.mulf %get3A_759, %get3A_763 : vector<12x160x1024xf32>
    %mul3A_785 = vector.broadcast %broadcast_in_dim3A_783 : vector<12x1x1xf32> to vector<12x160x1024xf32>
    %mul3A_786 = arith.mulf %mul3A_784, %mul3A_785 : vector<12x160x1024xf32>
    %reduce_sum3A_787 = arith.constant dense<0.000000e+00> : vector<160x1024xf32>
    %reduce_sum3A_788 = vector.multi_reduction <add>, %mul3A_786, %reduce_sum3A_787 [0] : vector<12x160x1024xf32> to vector<160x1024xf32>
    %dot_general3A_789 = arith.constant dense<0.000000e+00> : vector<160x32xf32>
    %dot_general3A_790 = tpu.matmul %reduce_sum3A_788, %div3A_38, %dot_general3A_789 {dimension_numbers = #tpu.dot_dimension_numbers<[1], [1], [0], [0], [0, 0, 1, 0], [], []>, transpose_lhs_hint = false} : vector<160x1024xf32>, vector<32x1024xf32>, vector<160x32xf32> -> vector<160x32xf32>
    %reduce_max3A_791 = arith.constant dense<0xFF800000> : vector<160xf32>
    %reduce_max3A_792 = vector.multi_reduction <maximumf>, %dot_general3A_790, %reduce_max3A_791 [1] : vector<160x32xf32> to vector<160xf32>
    %broadcast_in_dim3A_793 = vector.shape_cast %reduce_max3A_792 : vector<160xf32> to vector<160x1xf32>
    %reduce_max3A_794 = arith.constant dense<0xFF800000> : vector<1xf32>
    %reduce_max3A_795 = vector.multi_reduction <maximumf>, %broadcast_in_dim3A_793, %reduce_max3A_794 [0] : vector<160x1xf32> to vector<1xf32>
    %broadcast_in_dim3A_796 = vector.shape_cast %reduce_max3A_795 : vector<1xf32> to vector<1x1xf32>
    %div3A_797 = arith.constant 1.000000e+00 : f32
    %div3A_798 = vector.broadcast %div3A_797 : f32 to vector<1x1xf32>
    %div3A_799 = arith.divf %div3A_798, %broadcast_in_dim3A_796 : vector<1x1xf32>
    %mul3A_800 = vector.broadcast %div3A_799 : vector<1x1xf32> to vector<160x32xf32>
    %mul3A_801 = arith.mulf %dot_general3A_790, %mul3A_800 : vector<160x32xf32>
    %log3A_802 = math.log %broadcast_in_dim3A_796 : vector<1x1xf32>
    %add3A_803 = arith.addf %broadcast_in_dim3A_779, %log3A_802 : vector<1x1xf32>
    %dot_general3A_804 = arith.constant dense<0.000000e+00> : vector<160x1024xf32>
    %dot_general3A_805 = tpu.matmul %mul3A_801, %convert_element_type3A_59, %dot_general3A_804 {dimension_numbers = #tpu.dot_dimension_numbers<[1], [0], [0], [1], [0, 0, 1, 1], [], []>, transpose_lhs_hint = false} : vector<160x32xf32>, vector<32x1024xf32>, vector<160x1024xf32> -> vector<160x1024xf32>
    %swap3A_806 = arith.constant 13 : index
    %swap3A_807 = arith.constant 0 : index
    %swap3A_808 = arith.constant 0 : index
    %swap3A_809 = vector.load %arg5[%swap3A_806, %swap3A_807, %swap3A_808] : memref<33x264x1024xf32, #tpu.memory_space<vmem>>, vector<1x160x1024xf32>
    %swap3A_810 = vector.shape_cast %swap3A_809 : vector<1x160x1024xf32> to vector<160x1024xf32>
    %swap3A_811 = vector.shape_cast %dot_general3A_805 : vector<160x1024xf32> to vector<1x160x1024xf32>
    tpu.vector_store %arg5[%swap3A_806, %swap3A_807, %swap3A_808], %swap3A_811 {strides = array<i32>} : memref<33x264x1024xf32, #tpu.memory_space<vmem>>, vector<1x160x1024xf32>,
    %dot_general3A_812 = arith.constant dense<0.000000e+00> : vector<160x1024xf32>
    %dot_general3A_813 = tpu.matmul %mul3A_801, %convert_element_type3A_92, %dot_general3A_812 {dimension_numbers = #tpu.dot_dimension_numbers<[1], [0], [0], [1], [0, 0, 1, 1], [], []>, transpose_lhs_hint = false} : vector<160x32xf32>, vector<32x1024xf32>, vector<160x1024xf32> -> vector<160x1024xf32>
    %swap3A_814 = arith.constant 20 : index
    %swap3A_815 = arith.constant 104 : index
    %swap3A_816 = arith.constant 0 : index
    %swap3A_817 = vector.load %arg5[%swap3A_814, %swap3A_815, %swap3A_816] : memref<33x264x1024xf32, #tpu.memory_space<vmem>>, vector<1x160x1024xf32>
    %swap3A_818 = vector.shape_cast %swap3A_817 : vector<1x160x1024xf32> to vector<160x1024xf32>
    %swap3A_819 = vector.shape_cast %dot_general3A_813 : vector<160x1024xf32> to vector<1x160x1024xf32>
    tpu.vector_store %arg5[%swap3A_814, %swap3A_815, %swap3A_816], %swap3A_819 {strides = array<i32>} : memref<33x264x1024xf32, #tpu.memory_space<vmem>>, vector<1x160x1024xf32>,
    %get3A_820 = arith.constant 1 : index
    %get3A_821 = arith.constant 0 : index
    %get3A_822 = arith.constant 0 : index
    %get3A_823 = vector.load %arg5[%get3A_820, %get3A_821, %get3A_822] : memref<33x264x1024xf32, #tpu.memory_space<vmem>>, vector<13x152x1024xf32>
    %get3A_824 = arith.constant 20 : index
    %get3A_825 = arith.constant 112 : index
    %get3A_826 = arith.constant 0 : index
    %get3A_827 = vector.load %arg5[%get3A_824, %get3A_825, %get3A_826] : memref<33x264x1024xf32, #tpu.memory_space<vmem>>, vector<13x152x1024xf32>
    %add3A_828 = arith.addf %broadcast_in_dim3A_22, %add3A_803 : vector<1x1xf32>
    %add3A_829 = arith.addf %add3A_155, %add3A_739 : vector<1x1xf32>
    %add3A_830 = arith.addf %add3A_208, %add3A_676 : vector<1x1xf32>
    %add3A_831 = arith.addf %add3A_263, %add3A_614 : vector<1x1xf32>
    %add3A_832 = arith.addf %add3A_319, %add3A_553 : vector<1x1xf32>
    %add3A_833 = arith.addf %add3A_376, %add3A_493 : vector<1x1xf32>
    %add3A_834 = arith.addf %add3A_434, %add3A_434 : vector<1x1xf32>
    %add3A_835 = arith.addf %add3A_493, %add3A_376 : vector<1x1xf32>
    %add3A_836 = arith.addf %add3A_553, %add3A_319 : vector<1x1xf32>
    %add3A_837 = arith.addf %add3A_614, %add3A_263 : vector<1x1xf32>
    %add3A_838 = arith.addf %add3A_676, %add3A_208 : vector<1x1xf32>
    %add3A_839 = arith.addf %add3A_739, %add3A_155 : vector<1x1xf32>
    %add3A_840 = arith.addf %add3A_803, %broadcast_in_dim3A_22 : vector<1x1xf32>
    %concatenate3A_841 = tpu.concatenate %add3A_828, %add3A_829, %add3A_830, %add3A_831, %add3A_832, %add3A_833, %add3A_834, %add3A_835, %add3A_836, %add3A_837, %add3A_838, %add3A_839, %add3A_840 in 0 : vector<1x1xf32>, vector<1x1xf32>, vector<1x1xf32>, vector<1x1xf32>, vector<1x1xf32>, vector<1x1xf32>, vector<1x1xf32>, vector<1x1xf32>, vector<1x1xf32>, vector<1x1xf32>, vector<1x1xf32>, vector<1x1xf32>, vector<1x1xf32> -> vector<13x1xf32>
    %reduce_max3A_842 = arith.constant dense<0xFF800000> : vector<1xf32>
    %reduce_max3A_843 = vector.multi_reduction <maximumf>, %concatenate3A_841, %reduce_max3A_842 [0] : vector<13x1xf32> to vector<1xf32>
    %broadcast_in_dim3A_844 = vector.shape_cast %reduce_max3A_843 : vector<1xf32> to vector<1x1xf32>
    %sub3A_845 = vector.broadcast %broadcast_in_dim3A_844 : vector<1x1xf32> to vector<13x1xf32>
    %sub3A_846 = arith.subf %concatenate3A_841, %sub3A_845 : vector<13x1xf32>
    %exp3A_847 = math.exp %sub3A_846 : vector<13x1xf32>
    %broadcast_in_dim3A_848 = vector.shape_cast %exp3A_847 : vector<13x1xf32> to vector<13x1x1xf32>
    %mul3A_849 = arith.mulf %get3A_823, %get3A_827 : vector<13x152x1024xf32>
    %mul3A_850 = vector.broadcast %broadcast_in_dim3A_848 : vector<13x1x1xf32> to vector<13x152x1024xf32>
    %mul3A_851 = arith.mulf %mul3A_849, %mul3A_850 : vector<13x152x1024xf32>
    %reduce_sum3A_852 = arith.constant dense<0.000000e+00> : vector<152x1024xf32>
    %reduce_sum3A_853 = vector.multi_reduction <add>, %mul3A_851, %reduce_sum3A_852 [0] : vector<13x152x1024xf32> to vector<152x1024xf32>
    %dot_general3A_854 = arith.constant dense<0.000000e+00> : vector<152x32xf32>
    %dot_general3A_855 = tpu.matmul %reduce_sum3A_853, %div3A_38, %dot_general3A_854 {dimension_numbers = #tpu.dot_dimension_numbers<[1], [1], [0], [0], [0, 0, 1, 0], [], []>, transpose_lhs_hint = false} : vector<152x1024xf32>, vector<32x1024xf32>, vector<152x32xf32> -> vector<152x32xf32>
    %reduce_max3A_856 = arith.constant dense<0xFF800000> : vector<152xf32>
    %reduce_max3A_857 = vector.multi_reduction <maximumf>, %dot_general3A_855, %reduce_max3A_856 [1] : vector<152x32xf32> to vector<152xf32>
    %broadcast_in_dim3A_858 = vector.shape_cast %reduce_max3A_857 : vector<152xf32> to vector<152x1xf32>
    %reduce_max3A_859 = arith.constant dense<0xFF800000> : vector<1xf32>
    %reduce_max3A_860 = vector.multi_reduction <maximumf>, %broadcast_in_dim3A_858, %reduce_max3A_859 [0] : vector<152x1xf32> to vector<1xf32>
    %broadcast_in_dim3A_861 = vector.shape_cast %reduce_max3A_860 : vector<1xf32> to vector<1x1xf32>
    %div3A_862 = arith.constant 1.000000e+00 : f32
    %div3A_863 = vector.broadcast %div3A_862 : f32 to vector<1x1xf32>
    %div3A_864 = arith.divf %div3A_863, %broadcast_in_dim3A_861 : vector<1x1xf32>
    %mul3A_865 = vector.broadcast %div3A_864 : vector<1x1xf32> to vector<152x32xf32>
    %mul3A_866 = arith.mulf %dot_general3A_855, %mul3A_865 : vector<152x32xf32>
    %log3A_867 = math.log %broadcast_in_dim3A_861 : vector<1x1xf32>
    %add3A_868 = arith.addf %broadcast_in_dim3A_844, %log3A_867 : vector<1x1xf32>
    %dot_general3A_869 = arith.constant dense<0.000000e+00> : vector<152x1024xf32>
    %dot_general3A_870 = tpu.matmul %mul3A_866, %convert_element_type3A_59, %dot_general3A_869 {dimension_numbers = #tpu.dot_dimension_numbers<[1], [0], [0], [1], [0, 0, 1, 1], [], []>, transpose_lhs_hint = false} : vector<152x32xf32>, vector<32x1024xf32>, vector<152x1024xf32> -> vector<152x1024xf32>
    %swap3A_871 = arith.constant 14 : index
    %swap3A_872 = arith.constant 0 : index
    %swap3A_873 = arith.constant 0 : index
    %swap3A_874 = vector.load %arg5[%swap3A_871, %swap3A_872, %swap3A_873] : memref<33x264x1024xf32, #tpu.memory_space<vmem>>, vector<1x152x1024xf32>
    %swap3A_875 = vector.shape_cast %swap3A_874 : vector<1x152x1024xf32> to vector<152x1024xf32>
    %swap3A_876 = vector.shape_cast %dot_general3A_870 : vector<152x1024xf32> to vector<1x152x1024xf32>
    tpu.vector_store %arg5[%swap3A_871, %swap3A_872, %swap3A_873], %swap3A_876 {strides = array<i32>} : memref<33x264x1024xf32, #tpu.memory_space<vmem>>, vector<1x152x1024xf32>,
    %dot_general3A_877 = arith.constant dense<0.000000e+00> : vector<152x1024xf32>
    %dot_general3A_878 = tpu.matmul %mul3A_866, %convert_element_type3A_92, %dot_general3A_877 {dimension_numbers = #tpu.dot_dimension_numbers<[1], [0], [0], [1], [0, 0, 1, 1], [], []>, transpose_lhs_hint = false} : vector<152x32xf32>, vector<32x1024xf32>, vector<152x1024xf32> -> vector<152x1024xf32>
    %swap3A_879 = arith.constant 19 : index
    %swap3A_880 = arith.constant 112 : index
    %swap3A_881 = arith.constant 0 : index
    %swap3A_882 = vector.load %arg5[%swap3A_879, %swap3A_880, %swap3A_881] : memref<33x264x1024xf32, #tpu.memory_space<vmem>>, vector<1x152x1024xf32>
    %swap3A_883 = vector.shape_cast %swap3A_882 : vector<1x152x1024xf32> to vector<152x1024xf32>
    %swap3A_884 = vector.shape_cast %dot_general3A_878 : vector<152x1024xf32> to vector<1x152x1024xf32>
    tpu.vector_store %arg5[%swap3A_879, %swap3A_880, %swap3A_881], %swap3A_884 {strides = array<i32>} : memref<33x264x1024xf32, #tpu.memory_space<vmem>>, vector<1x152x1024xf32>,
    %get3A_885 = arith.constant 1 : index
    %get3A_886 = arith.constant 0 : index
    %get3A_887 = arith.constant 0 : index
    %get3A_888 = vector.load %arg5[%get3A_885, %get3A_886, %get3A_887] : memref<33x264x1024xf32, #tpu.memory_space<vmem>>, vector<14x144x1024xf32>
    %get3A_889 = arith.constant 19 : index
    %get3A_890 = arith.constant 120 : index
    %get3A_891 = arith.constant 0 : index
    %get3A_892 = vector.load %arg5[%get3A_889, %get3A_890, %get3A_891] : memref<33x264x1024xf32, #tpu.memory_space<vmem>>, vector<14x144x1024xf32>
    %add3A_893 = arith.addf %broadcast_in_dim3A_22, %add3A_868 : vector<1x1xf32>
    %add3A_894 = arith.addf %add3A_155, %add3A_803 : vector<1x1xf32>
    %add3A_895 = arith.addf %add3A_208, %add3A_739 : vector<1x1xf32>
    %add3A_896 = arith.addf %add3A_263, %add3A_676 : vector<1x1xf32>
    %add3A_897 = arith.addf %add3A_319, %add3A_614 : vector<1x1xf32>
    %add3A_898 = arith.addf %add3A_376, %add3A_553 : vector<1x1xf32>
    %add3A_899 = arith.addf %add3A_434, %add3A_493 : vector<1x1xf32>
    %add3A_900 = arith.addf %add3A_493, %add3A_434 : vector<1x1xf32>
    %add3A_901 = arith.addf %add3A_553, %add3A_376 : vector<1x1xf32>
    %add3A_902 = arith.addf %add3A_614, %add3A_319 : vector<1x1xf32>
    %add3A_903 = arith.addf %add3A_676, %add3A_263 : vector<1x1xf32>
    %add3A_904 = arith.addf %add3A_739, %add3A_208 : vector<1x1xf32>
    %add3A_905 = arith.addf %add3A_803, %add3A_155 : vector<1x1xf32>
    %add3A_906 = arith.addf %add3A_868, %broadcast_in_dim3A_22 : vector<1x1xf32>
    %concatenate3A_907 = tpu.concatenate %add3A_893, %add3A_894, %add3A_895, %add3A_896, %add3A_897, %add3A_898, %add3A_899, %add3A_900, %add3A_901, %add3A_902, %add3A_903, %add3A_904, %add3A_905, %add3A_906 in 0 : vector<1x1xf32>, vector<1x1xf32>, vector<1x1xf32>, vector<1x1xf32>, vector<1x1xf32>, vector<1x1xf32>, vector<1x1xf32>, vector<1x1xf32>, vector<1x1xf32>, vector<1x1xf32>, vector<1x1xf32>, vector<1x1xf32>, vector<1x1xf32>, vector<1x1xf32> -> vector<14x1xf32>
    %reduce_max3A_908 = arith.constant dense<0xFF800000> : vector<1xf32>
    %reduce_max3A_909 = vector.multi_reduction <maximumf>, %concatenate3A_907, %reduce_max3A_908 [0] : vector<14x1xf32> to vector<1xf32>
    %broadcast_in_dim3A_910 = vector.shape_cast %reduce_max3A_909 : vector<1xf32> to vector<1x1xf32>
    %sub3A_911 = vector.broadcast %broadcast_in_dim3A_910 : vector<1x1xf32> to vector<14x1xf32>
    %sub3A_912 = arith.subf %concatenate3A_907, %sub3A_911 : vector<14x1xf32>
    %exp3A_913 = math.exp %sub3A_912 : vector<14x1xf32>
    %broadcast_in_dim3A_914 = vector.shape_cast %exp3A_913 : vector<14x1xf32> to vector<14x1x1xf32>
    %mul3A_915 = arith.mulf %get3A_888, %get3A_892 : vector<14x144x1024xf32>
    %mul3A_916 = vector.broadcast %broadcast_in_dim3A_914 : vector<14x1x1xf32> to vector<14x144x1024xf32>
    %mul3A_917 = arith.mulf %mul3A_915, %mul3A_916 : vector<14x144x1024xf32>
    %reduce_sum3A_918 = arith.constant dense<0.000000e+00> : vector<144x1024xf32>
    %reduce_sum3A_919 = vector.multi_reduction <add>, %mul3A_917, %reduce_sum3A_918 [0] : vector<14x144x1024xf32> to vector<144x1024xf32>
    %dot_general3A_920 = arith.constant dense<0.000000e+00> : vector<144x32xf32>
    %dot_general3A_921 = tpu.matmul %reduce_sum3A_919, %div3A_38, %dot_general3A_920 {dimension_numbers = #tpu.dot_dimension_numbers<[1], [1], [0], [0], [0, 0, 1, 0], [], []>, transpose_lhs_hint = false} : vector<144x1024xf32>, vector<32x1024xf32>, vector<144x32xf32> -> vector<144x32xf32>
    %reduce_max3A_922 = arith.constant dense<0xFF800000> : vector<144xf32>
    %reduce_max3A_923 = vector.multi_reduction <maximumf>, %dot_general3A_921, %reduce_max3A_922 [1] : vector<144x32xf32> to vector<144xf32>
    %broadcast_in_dim3A_924 = vector.shape_cast %reduce_max3A_923 : vector<144xf32> to vector<144x1xf32>
    %reduce_max3A_925 = arith.constant dense<0xFF800000> : vector<1xf32>
    %reduce_max3A_926 = vector.multi_reduction <maximumf>, %broadcast_in_dim3A_924, %reduce_max3A_925 [0] : vector<144x1xf32> to vector<1xf32>
    %broadcast_in_dim3A_927 = vector.shape_cast %reduce_max3A_926 : vector<1xf32> to vector<1x1xf32>
    %div3A_928 = arith.constant 1.000000e+00 : f32
    %div3A_929 = vector.broadcast %div3A_928 : f32 to vector<1x1xf32>
    %div3A_930 = arith.divf %div3A_929, %broadcast_in_dim3A_927 : vector<1x1xf32>
    %mul3A_931 = vector.broadcast %div3A_930 : vector<1x1xf32> to vector<144x32xf32>
    %mul3A_932 = arith.mulf %dot_general3A_921, %mul3A_931 : vector<144x32xf32>
    %log3A_933 = math.log %broadcast_in_dim3A_927 : vector<1x1xf32>
    %add3A_934 = arith.addf %broadcast_in_dim3A_910, %log3A_933 : vector<1x1xf32>
    %dot_general3A_935 = arith.constant dense<0.000000e+00> : vector<144x1024xf32>
    %dot_general3A_936 = tpu.matmul %mul3A_932, %convert_element_type3A_59, %dot_general3A_935 {dimension_numbers = #tpu.dot_dimension_numbers<[1], [0], [0], [1], [0, 0, 1, 1], [], []>, transpose_lhs_hint = false} : vector<144x32xf32>, vector<32x1024xf32>, vector<144x1024xf32> -> vector<144x1024xf32>
    %swap3A_937 = arith.constant 15 : index
    %swap3A_938 = arith.constant 0 : index
    %swap3A_939 = arith.constant 0 : index
    %swap3A_940 = vector.load %arg5[%swap3A_937, %swap3A_938, %swap3A_939] : memref<33x264x1024xf32, #tpu.memory_space<vmem>>, vector<1x144x1024xf32>
    %swap3A_941 = vector.shape_cast %swap3A_940 : vector<1x144x1024xf32> to vector<144x1024xf32>
    %swap3A_942 = vector.shape_cast %dot_general3A_936 : vector<144x1024xf32> to vector<1x144x1024xf32>
    tpu.vector_store %arg5[%swap3A_937, %swap3A_938, %swap3A_939], %swap3A_942 {strides = array<i32>} : memref<33x264x1024xf32, #tpu.memory_space<vmem>>, vector<1x144x1024xf32>,
    %dot_general3A_943 = arith.constant dense<0.000000e+00> : vector<144x1024xf32>
    %dot_general3A_944 = tpu.matmul %mul3A_932, %convert_element_type3A_92, %dot_general3A_943 {dimension_numbers = #tpu.dot_dimension_numbers<[1], [0], [0], [1], [0, 0, 1, 1], [], []>, transpose_lhs_hint = false} : vector<144x32xf32>, vector<32x1024xf32>, vector<144x1024xf32> -> vector<144x1024xf32>
    %swap3A_945 = arith.constant 18 : index
    %swap3A_946 = arith.constant 120 : index
    %swap3A_947 = arith.constant 0 : index
    %swap3A_948 = vector.load %arg5[%swap3A_945, %swap3A_946, %swap3A_947] : memref<33x264x1024xf32, #tpu.memory_space<vmem>>, vector<1x144x1024xf32>
    %swap3A_949 = vector.shape_cast %swap3A_948 : vector<1x144x1024xf32> to vector<144x1024xf32>
    %swap3A_950 = vector.shape_cast %dot_general3A_944 : vector<144x1024xf32> to vector<1x144x1024xf32>
    tpu.vector_store %arg5[%swap3A_945, %swap3A_946, %swap3A_947], %swap3A_950 {strides = array<i32>} : memref<33x264x1024xf32, #tpu.memory_space<vmem>>, vector<1x144x1024xf32>,
    %get3A_951 = arith.constant 1 : index
    %get3A_952 = arith.constant 0 : index
    %get3A_953 = arith.constant 0 : index
    %get3A_954 = vector.load %arg5[%get3A_951, %get3A_952, %get3A_953] : memref<33x264x1024xf32, #tpu.memory_space<vmem>>, vector<15x136x1024xf32>
    %get3A_955 = arith.constant 18 : index
    %get3A_956 = arith.constant 128 : index
    %get3A_957 = arith.constant 0 : index
    %get3A_958 = vector.load %arg5[%get3A_955, %get3A_956, %get3A_957] : memref<33x264x1024xf32, #tpu.memory_space<vmem>>, vector<15x136x1024xf32>
    %add3A_959 = arith.addf %broadcast_in_dim3A_22, %add3A_934 : vector<1x1xf32>
    %add3A_960 = arith.addf %add3A_155, %add3A_868 : vector<1x1xf32>
    %add3A_961 = arith.addf %add3A_208, %add3A_803 : vector<1x1xf32>
    %add3A_962 = arith.addf %add3A_263, %add3A_739 : vector<1x1xf32>
    %add3A_963 = arith.addf %add3A_319, %add3A_676 : vector<1x1xf32>
    %add3A_964 = arith.addf %add3A_376, %add3A_614 : vector<1x1xf32>
    %add3A_965 = arith.addf %add3A_434, %add3A_553 : vector<1x1xf32>
    %add3A_966 = arith.addf %add3A_493, %add3A_493 : vector<1x1xf32>
    %add3A_967 = arith.addf %add3A_553, %add3A_434 : vector<1x1xf32>
    %add3A_968 = arith.addf %add3A_614, %add3A_376 : vector<1x1xf32>
    %add3A_969 = arith.addf %add3A_676, %add3A_319 : vector<1x1xf32>
    %add3A_970 = arith.addf %add3A_739, %add3A_263 : vector<1x1xf32>
    %add3A_971 = arith.addf %add3A_803, %add3A_208 : vector<1x1xf32>
    %add3A_972 = arith.addf %add3A_868, %add3A_155 : vector<1x1xf32>
    %add3A_973 = arith.addf %add3A_934, %broadcast_in_dim3A_22 : vector<1x1xf32>
    %concatenate3A_974 = tpu.concatenate %add3A_959, %add3A_960, %add3A_961, %add3A_962, %add3A_963, %add3A_964, %add3A_965, %add3A_966, %add3A_967, %add3A_968, %add3A_969, %add3A_970, %add3A_971, %add3A_972, %add3A_973 in 0 : vector<1x1xf32>, vector<1x1xf32>, vector<1x1xf32>, vector<1x1xf32>, vector<1x1xf32>, vector<1x1xf32>, vector<1x1xf32>, vector<1x1xf32>, vector<1x1xf32>, vector<1x1xf32>, vector<1x1xf32>, vector<1x1xf32>, vector<1x1xf32>, vector<1x1xf32>, vector<1x1xf32> -> vector<15x1xf32>
    %reduce_max3A_975 = arith.constant dense<0xFF800000> : vector<1xf32>
    %reduce_max3A_976 = vector.multi_reduction <maximumf>, %concatenate3A_974, %reduce_max3A_975 [0] : vector<15x1xf32> to vector<1xf32>
    %broadcast_in_dim3A_977 = vector.shape_cast %reduce_max3A_976 : vector<1xf32> to vector<1x1xf32>
    %sub3A_978 = vector.broadcast %broadcast_in_dim3A_977 : vector<1x1xf32> to vector<15x1xf32>
    %sub3A_979 = arith.subf %concatenate3A_974, %sub3A_978 : vector<15x1xf32>
    %exp3A_980 = math.exp %sub3A_979 : vector<15x1xf32>
    %broadcast_in_dim3A_981 = vector.shape_cast %exp3A_980 : vector<15x1xf32> to vector<15x1x1xf32>
    %mul3A_982 = arith.mulf %get3A_954, %get3A_958 : vector<15x136x1024xf32>
    %mul3A_983 = vector.broadcast %broadcast_in_dim3A_981 : vector<15x1x1xf32> to vector<15x136x1024xf32>
    %mul3A_984 = arith.mulf %mul3A_982, %mul3A_983 : vector<15x136x1024xf32>
    %reduce_sum3A_985 = arith.constant dense<0.000000e+00> : vector<136x1024xf32>
    %reduce_sum3A_986 = vector.multi_reduction <add>, %mul3A_984, %reduce_sum3A_985 [0] : vector<15x136x1024xf32> to vector<136x1024xf32>
    %dot_general3A_987 = arith.constant dense<0.000000e+00> : vector<136x32xf32>
    %dot_general3A_988 = tpu.matmul %reduce_sum3A_986, %div3A_38, %dot_general3A_987 {dimension_numbers = #tpu.dot_dimension_numbers<[1], [1], [0], [0], [0, 0, 1, 0], [], []>, transpose_lhs_hint = false} : vector<136x1024xf32>, vector<32x1024xf32>, vector<136x32xf32> -> vector<136x32xf32>
    %reduce_max3A_989 = arith.constant dense<0xFF800000> : vector<136xf32>
    %reduce_max3A_990 = vector.multi_reduction <maximumf>, %dot_general3A_988, %reduce_max3A_989 [1] : vector<136x32xf32> to vector<136xf32>
    %broadcast_in_dim3A_991 = vector.shape_cast %reduce_max3A_990 : vector<136xf32> to vector<136x1xf32>
    %reduce_max3A_992 = arith.constant dense<0xFF800000> : vector<1xf32>
    %reduce_max3A_993 = vector.multi_reduction <maximumf>, %broadcast_in_dim3A_991, %reduce_max3A_992 [0] : vector<136x1xf32> to vector<1xf32>
    %broadcast_in_dim3A_994 = vector.shape_cast %reduce_max3A_993 : vector<1xf32> to vector<1x1xf32>
    %div3A_995 = arith.constant 1.000000e+00 : f32
    %div3A_996 = vector.broadcast %div3A_995 : f32 to vector<1x1xf32>
    %div3A_997 = arith.divf %div3A_996, %broadcast_in_dim3A_994 : vector<1x1xf32>
    %mul3A_998 = vector.broadcast %div3A_997 : vector<1x1xf32> to vector<136x32xf32>
    %mul3A_999 = arith.mulf %dot_general3A_988, %mul3A_998 : vector<136x32xf32>
    %log3A_1000 = math.log %broadcast_in_dim3A_994 : vector<1x1xf32>
    %add3A_1001 = arith.addf %broadcast_in_dim3A_977, %log3A_1000 : vector<1x1xf32>
    %dot_general3A_1002 = arith.constant dense<0.000000e+00> : vector<136x1024xf32>
    %dot_general3A_1003 = tpu.matmul %mul3A_999, %convert_element_type3A_59, %dot_general3A_1002 {dimension_numbers = #tpu.dot_dimension_numbers<[1], [0], [0], [1], [0, 0, 1, 1], [], []>, transpose_lhs_hint = false} : vector<136x32xf32>, vector<32x1024xf32>, vector<136x1024xf32> -> vector<136x1024xf32>
    %swap3A_1004 = arith.constant 16 : index
    %swap3A_1005 = arith.constant 0 : index
    %swap3A_1006 = arith.constant 0 : index
    %swap3A_1007 = vector.load %arg5[%swap3A_1004, %swap3A_1005, %swap3A_1006] : memref<33x264x1024xf32, #tpu.memory_space<vmem>>, vector<1x136x1024xf32>
    %swap3A_1008 = vector.shape_cast %swap3A_1007 : vector<1x136x1024xf32> to vector<136x1024xf32>
    %swap3A_1009 = vector.shape_cast %dot_general3A_1003 : vector<136x1024xf32> to vector<1x136x1024xf32>
    tpu.vector_store %arg5[%swap3A_1004, %swap3A_1005, %swap3A_1006], %swap3A_1009 {strides = array<i32>} : memref<33x264x1024xf32, #tpu.memory_space<vmem>>, vector<1x136x1024xf32>,
    %dot_general3A_1010 = arith.constant dense<0.000000e+00> : vector<136x1024xf32>
    %dot_general3A_1011 = tpu.matmul %mul3A_999, %convert_element_type3A_92, %dot_general3A_1010 {dimension_numbers = #tpu.dot_dimension_numbers<[1], [0], [0], [1], [0, 0, 1, 1], [], []>, transpose_lhs_hint = false} : vector<136x32xf32>, vector<32x1024xf32>, vector<136x1024xf32> -> vector<136x1024xf32>
    %swap3A_1012 = arith.constant 17 : index
    %swap3A_1013 = arith.constant 128 : index
    %swap3A_1014 = arith.constant 0 : index
    %swap3A_1015 = vector.load %arg5[%swap3A_1012, %swap3A_1013, %swap3A_1014] : memref<33x264x1024xf32, #tpu.memory_space<vmem>>, vector<1x136x1024xf32>
    %swap3A_1016 = vector.shape_cast %swap3A_1015 : vector<1x136x1024xf32> to vector<136x1024xf32>
    %swap3A_1017 = vector.shape_cast %dot_general3A_1011 : vector<136x1024xf32> to vector<1x136x1024xf32>
    tpu.vector_store %arg5[%swap3A_1012, %swap3A_1013, %swap3A_1014], %swap3A_1017 {strides = array<i32>} : memref<33x264x1024xf32, #tpu.memory_space<vmem>>, vector<1x136x1024xf32>,
    %get3A_1018 = arith.constant 1 : index
    %get3A_1019 = arith.constant 0 : index
    %get3A_1020 = arith.constant 0 : index
    %get3A_1021 = vector.load %arg5[%get3A_1018, %get3A_1019, %get3A_1020] : memref<33x264x1024xf32, #tpu.memory_space<vmem>>, vector<16x128x1024xf32>
    %get3A_1022 = arith.constant 17 : index
    %get3A_1023 = arith.constant 136 : index
    %get3A_1024 = arith.constant 0 : index
    %get3A_1025 = vector.load %arg5[%get3A_1022, %get3A_1023, %get3A_1024] : memref<33x264x1024xf32, #tpu.memory_space<vmem>>, vector<16x128x1024xf32>
    %add3A_1026 = arith.addf %broadcast_in_dim3A_22, %add3A_1001 : vector<1x1xf32>
    %add3A_1027 = arith.addf %add3A_155, %add3A_934 : vector<1x1xf32>
    %add3A_1028 = arith.addf %add3A_208, %add3A_868 : vector<1x1xf32>
    %add3A_1029 = arith.addf %add3A_263, %add3A_803 : vector<1x1xf32>
    %add3A_1030 = arith.addf %add3A_319, %add3A_739 : vector<1x1xf32>
    %add3A_1031 = arith.addf %add3A_376, %add3A_676 : vector<1x1xf32>
    %add3A_1032 = arith.addf %add3A_434, %add3A_614 : vector<1x1xf32>
    %add3A_1033 = arith.addf %add3A_493, %add3A_553 : vector<1x1xf32>
    %add3A_1034 = arith.addf %add3A_553, %add3A_493 : vector<1x1xf32>
    %add3A_1035 = arith.addf %add3A_614, %add3A_434 : vector<1x1xf32>
    %add3A_1036 = arith.addf %add3A_676, %add3A_376 : vector<1x1xf32>
    %add3A_1037 = arith.addf %add3A_739, %add3A_319 : vector<1x1xf32>
    %add3A_1038 = arith.addf %add3A_803, %add3A_263 : vector<1x1xf32>
    %add3A_1039 = arith.addf %add3A_868, %add3A_208 : vector<1x1xf32>
    %add3A_1040 = arith.addf %add3A_934, %add3A_155 : vector<1x1xf32>
    %add3A_1041 = arith.addf %add3A_1001, %broadcast_in_dim3A_22 : vector<1x1xf32>
    %concatenate3A_1042 = tpu.concatenate %add3A_1026, %add3A_1027, %add3A_1028, %add3A_1029, %add3A_1030, %add3A_1031, %add3A_1032, %add3A_1033, %add3A_1034, %add3A_1035, %add3A_1036, %add3A_1037, %add3A_1038, %add3A_1039, %add3A_1040, %add3A_1041 in 0 : vector<1x1xf32>, vector<1x1xf32>, vector<1x1xf32>, vector<1x1xf32>, vector<1x1xf32>, vector<1x1xf32>, vector<1x1xf32>, vector<1x1xf32>, vector<1x1xf32>, vector<1x1xf32>, vector<1x1xf32>, vector<1x1xf32>, vector<1x1xf32>, vector<1x1xf32>, vector<1x1xf32>, vector<1x1xf32> -> vector<16x1xf32>
    %reduce_max3A_1043 = arith.constant dense<0xFF800000> : vector<1xf32>
    %reduce_max3A_1044 = vector.multi_reduction <maximumf>, %concatenate3A_1042, %reduce_max3A_1043 [0] : vector<16x1xf32> to vector<1xf32>
    %broadcast_in_dim3A_1045 = vector.shape_cast %reduce_max3A_1044 : vector<1xf32> to vector<1x1xf32>
    %sub3A_1046 = vector.broadcast %broadcast_in_dim3A_1045 : vector<1x1xf32> to vector<16x1xf32>
    %sub3A_1047 = arith.subf %concatenate3A_1042, %sub3A_1046 : vector<16x1xf32>
    %exp3A_1048 = math.exp %sub3A_1047 : vector<16x1xf32>
    %broadcast_in_dim3A_1049 = vector.shape_cast %exp3A_1048 : vector<16x1xf32> to vector<16x1x1xf32>
    %mul3A_1050 = arith.mulf %get3A_1021, %get3A_1025 : vector<16x128x1024xf32>
    %mul3A_1051 = vector.broadcast %broadcast_in_dim3A_1049 : vector<16x1x1xf32> to vector<16x128x1024xf32>
    %mul3A_1052 = arith.mulf %mul3A_1050, %mul3A_1051 : vector<16x128x1024xf32>
    %reduce_sum3A_1053 = arith.constant dense<0.000000e+00> : vector<128x1024xf32>
    %reduce_sum3A_1054 = vector.multi_reduction <add>, %mul3A_1052, %reduce_sum3A_1053 [0] : vector<16x128x1024xf32> to vector<128x1024xf32>
    %dot_general3A_1055 = arith.constant dense<0.000000e+00> : vector<128x32xf32>
    %dot_general3A_1056 = tpu.matmul %reduce_sum3A_1054, %div3A_38, %dot_general3A_1055 {dimension_numbers = #tpu.dot_dimension_numbers<[1], [1], [0], [0], [0, 0, 1, 0], [], []>, transpose_lhs_hint = false} : vector<128x1024xf32>, vector<32x1024xf32>, vector<128x32xf32> -> vector<128x32xf32>
    %reduce_max3A_1057 = arith.constant dense<0xFF800000> : vector<128xf32>
    %reduce_max3A_1058 = vector.multi_reduction <maximumf>, %dot_general3A_1056, %reduce_max3A_1057 [1] : vector<128x32xf32> to vector<128xf32>
    %broadcast_in_dim3A_1059 = vector.shape_cast %reduce_max3A_1058 : vector<128xf32> to vector<128x1xf32>
    %reduce_max3A_1060 = arith.constant dense<0xFF800000> : vector<1xf32>
    %reduce_max3A_1061 = vector.multi_reduction <maximumf>, %broadcast_in_dim3A_1059, %reduce_max3A_1060 [0] : vector<128x1xf32> to vector<1xf32>
    %broadcast_in_dim3A_1062 = vector.shape_cast %reduce_max3A_1061 : vector<1xf32> to vector<1x1xf32>
    %div3A_1063 = arith.constant 1.000000e+00 : f32
    %div3A_1064 = vector.broadcast %div3A_1063 : f32 to vector<1x1xf32>
    %div3A_1065 = arith.divf %div3A_1064, %broadcast_in_dim3A_1062 : vector<1x1xf32>
    %mul3A_1066 = vector.broadcast %div3A_1065 : vector<1x1xf32> to vector<128x32xf32>
    %mul3A_1067 = arith.mulf %dot_general3A_1056, %mul3A_1066 : vector<128x32xf32>
    %log3A_1068 = math.log %broadcast_in_dim3A_1062 : vector<1x1xf32>
    %add3A_1069 = arith.addf %broadcast_in_dim3A_1045, %log3A_1068 : vector<1x1xf32>
    %dot_general3A_1070 = arith.constant dense<0.000000e+00> : vector<128x1024xf32>
    %dot_general3A_1071 = tpu.matmul %mul3A_1067, %convert_element_type3A_59, %dot_general3A_1070 {dimension_numbers = #tpu.dot_dimension_numbers<[1], [0], [0], [1], [0, 0, 1, 1], [], []>, transpose_lhs_hint = false} : vector<128x32xf32>, vector<32x1024xf32>, vector<128x1024xf32> -> vector<128x1024xf32>
    %swap3A_1072 = arith.constant 17 : index
    %swap3A_1073 = arith.constant 0 : index
    %swap3A_1074 = arith.constant 0 : index
    %swap3A_1075 = vector.load %arg5[%swap3A_1072, %swap3A_1073, %swap3A_1074] : memref<33x264x1024xf32, #tpu.memory_space<vmem>>, vector<1x128x1024xf32>
    %swap3A_1076 = vector.shape_cast %swap3A_1075 : vector<1x128x1024xf32> to vector<128x1024xf32>
    %swap3A_1077 = vector.shape_cast %dot_general3A_1071 : vector<128x1024xf32> to vector<1x128x1024xf32>
    tpu.vector_store %arg5[%swap3A_1072, %swap3A_1073, %swap3A_1074], %swap3A_1077 {strides = array<i32>} : memref<33x264x1024xf32, #tpu.memory_space<vmem>>, vector<1x128x1024xf32>,
    %dot_general3A_1078 = arith.constant dense<0.000000e+00> : vector<128x1024xf32>
    %dot_general3A_1079 = tpu.matmul %mul3A_1067, %convert_element_type3A_92, %dot_general3A_1078 {dimension_numbers = #tpu.dot_dimension_numbers<[1], [0], [0], [1], [0, 0, 1, 1], [], []>, transpose_lhs_hint = false} : vector<128x32xf32>, vector<32x1024xf32>, vector<128x1024xf32> -> vector<128x1024xf32>
    %swap3A_1080 = arith.constant 16 : index
    %swap3A_1081 = arith.constant 136 : index
    %swap3A_1082 = arith.constant 0 : index
    %swap3A_1083 = vector.load %arg5[%swap3A_1080, %swap3A_1081, %swap3A_1082] : memref<33x264x1024xf32, #tpu.memory_space<vmem>>, vector<1x128x1024xf32>
    %swap3A_1084 = vector.shape_cast %swap3A_1083 : vector<1x128x1024xf32> to vector<128x1024xf32>
    %swap3A_1085 = vector.shape_cast %dot_general3A_1079 : vector<128x1024xf32> to vector<1x128x1024xf32>
    tpu.vector_store %arg5[%swap3A_1080, %swap3A_1081, %swap3A_1082], %swap3A_1085 {strides = array<i32>} : memref<33x264x1024xf32, #tpu.memory_space<vmem>>, vector<1x128x1024xf32>,
    %get3A_1086 = arith.constant 1 : index
    %get3A_1087 = arith.constant 0 : index
    %get3A_1088 = arith.constant 0 : index
    %get3A_1089 = vector.load %arg5[%get3A_1086, %get3A_1087, %get3A_1088] : memref<33x264x1024xf32, #tpu.memory_space<vmem>>, vector<17x120x1024xf32>
    %get3A_1090 = arith.constant 16 : index
    %get3A_1091 = arith.constant 144 : index
    %get3A_1092 = arith.constant 0 : index
    %get3A_1093 = vector.load %arg5[%get3A_1090, %get3A_1091, %get3A_1092] : memref<33x264x1024xf32, #tpu.memory_space<vmem>>, vector<17x120x1024xf32>
    %add3A_1094 = arith.addf %broadcast_in_dim3A_22, %add3A_1069 : vector<1x1xf32>
    %add3A_1095 = arith.addf %add3A_155, %add3A_1001 : vector<1x1xf32>
    %add3A_1096 = arith.addf %add3A_208, %add3A_934 : vector<1x1xf32>
    %add3A_1097 = arith.addf %add3A_263, %add3A_868 : vector<1x1xf32>
    %add3A_1098 = arith.addf %add3A_319, %add3A_803 : vector<1x1xf32>
    %add3A_1099 = arith.addf %add3A_376, %add3A_739 : vector<1x1xf32>
    %add3A_1100 = arith.addf %add3A_434, %add3A_676 : vector<1x1xf32>
    %add3A_1101 = arith.addf %add3A_493, %add3A_614 : vector<1x1xf32>
    %add3A_1102 = arith.addf %add3A_553, %add3A_553 : vector<1x1xf32>
    %add3A_1103 = arith.addf %add3A_614, %add3A_493 : vector<1x1xf32>
    %add3A_1104 = arith.addf %add3A_676, %add3A_434 : vector<1x1xf32>
    %add3A_1105 = arith.addf %add3A_739, %add3A_376 : vector<1x1xf32>
    %add3A_1106 = arith.addf %add3A_803, %add3A_319 : vector<1x1xf32>
    %add3A_1107 = arith.addf %add3A_868, %add3A_263 : vector<1x1xf32>
    %add3A_1108 = arith.addf %add3A_934, %add3A_208 : vector<1x1xf32>
    %add3A_1109 = arith.addf %add3A_1001, %add3A_155 : vector<1x1xf32>
    %add3A_1110 = arith.addf %add3A_1069, %broadcast_in_dim3A_22 : vector<1x1xf32>
    %concatenate3A_1111 = tpu.concatenate %add3A_1094, %add3A_1095, %add3A_1096, %add3A_1097, %add3A_1098, %add3A_1099, %add3A_1100, %add3A_1101, %add3A_1102, %add3A_1103, %add3A_1104, %add3A_1105, %add3A_1106, %add3A_1107, %add3A_1108, %add3A_1109, %add3A_1110 in 0 : vector<1x1xf32>, vector<1x1xf32>, vector<1x1xf32>, vector<1x1xf32>, vector<1x1xf32>, vector<1x1xf32>, vector<1x1xf32>, vector<1x1xf32>, vector<1x1xf32>, vector<1x1xf32>, vector<1x1xf32>, vector<1x1xf32>, vector<1x1xf32>, vector<1x1xf32>, vector<1x1xf32>, vector<1x1xf32>, vector<1x1xf32> -> vector<17x1xf32>
    %reduce_max3A_1112 = arith.constant dense<0xFF800000> : vector<1xf32>
    %reduce_max3A_1113 = vector.multi_reduction <maximumf>, %concatenate3A_1111, %reduce_max3A_1112 [0] : vector<17x1xf32> to vector<1xf32>
    %broadcast_in_dim3A_1114 = vector.shape_cast %reduce_max3A_1113 : vector<1xf32> to vector<1x1xf32>
    %sub3A_1115 = vector.broadcast %broadcast_in_dim3A_1114 : vector<1x1xf32> to vector<17x1xf32>
    %sub3A_1116 = arith.subf %concatenate3A_1111, %sub3A_1115 : vector<17x1xf32>
    %exp3A_1117 = math.exp %sub3A_1116 : vector<17x1xf32>
    %broadcast_in_dim3A_1118 = vector.shape_cast %exp3A_1117 : vector<17x1xf32> to vector<17x1x1xf32>
    %mul3A_1119 = arith.mulf %get3A_1089, %get3A_1093 : vector<17x120x1024xf32>
    %mul3A_1120 = vector.broadcast %broadcast_in_dim3A_1118 : vector<17x1x1xf32> to vector<17x120x1024xf32>
    %mul3A_1121 = arith.mulf %mul3A_1119, %mul3A_1120 : vector<17x120x1024xf32>
    %reduce_sum3A_1122 = arith.constant dense<0.000000e+00> : vector<120x1024xf32>
    %reduce_sum3A_1123 = vector.multi_reduction <add>, %mul3A_1121, %reduce_sum3A_1122 [0] : vector<17x120x1024xf32> to vector<120x1024xf32>
    %dot_general3A_1124 = arith.constant dense<0.000000e+00> : vector<120x32xf32>
    %dot_general3A_1125 = tpu.matmul %reduce_sum3A_1123, %div3A_38, %dot_general3A_1124 {dimension_numbers = #tpu.dot_dimension_numbers<[1], [1], [0], [0], [0, 0, 1, 0], [], []>, transpose_lhs_hint = false} : vector<120x1024xf32>, vector<32x1024xf32>, vector<120x32xf32> -> vector<120x32xf32>
    %reduce_max3A_1126 = arith.constant dense<0xFF800000> : vector<120xf32>
    %reduce_max3A_1127 = vector.multi_reduction <maximumf>, %dot_general3A_1125, %reduce_max3A_1126 [1] : vector<120x32xf32> to vector<120xf32>
    %broadcast_in_dim3A_1128 = vector.shape_cast %reduce_max3A_1127 : vector<120xf32> to vector<120x1xf32>
    %reduce_max3A_1129 = arith.constant dense<0xFF800000> : vector<1xf32>
    %reduce_max3A_1130 = vector.multi_reduction <maximumf>, %broadcast_in_dim3A_1128, %reduce_max3A_1129 [0] : vector<120x1xf32> to vector<1xf32>
    %broadcast_in_dim3A_1131 = vector.shape_cast %reduce_max3A_1130 : vector<1xf32> to vector<1x1xf32>
    %div3A_1132 = arith.constant 1.000000e+00 : f32
    %div3A_1133 = vector.broadcast %div3A_1132 : f32 to vector<1x1xf32>
    %div3A_1134 = arith.divf %div3A_1133, %broadcast_in_dim3A_1131 : vector<1x1xf32>
    %mul3A_1135 = vector.broadcast %div3A_1134 : vector<1x1xf32> to vector<120x32xf32>
    %mul3A_1136 = arith.mulf %dot_general3A_1125, %mul3A_1135 : vector<120x32xf32>
    %log3A_1137 = math.log %broadcast_in_dim3A_1131 : vector<1x1xf32>
    %add3A_1138 = arith.addf %broadcast_in_dim3A_1114, %log3A_1137 : vector<1x1xf32>
    %dot_general3A_1139 = arith.constant dense<0.000000e+00> : vector<120x1024xf32>
    %dot_general3A_1140 = tpu.matmul %mul3A_1136, %convert_element_type3A_59, %dot_general3A_1139 {dimension_numbers = #tpu.dot_dimension_numbers<[1], [0], [0], [1], [0, 0, 1, 1], [], []>, transpose_lhs_hint = false} : vector<120x32xf32>, vector<32x1024xf32>, vector<120x1024xf32> -> vector<120x1024xf32>
    %swap3A_1141 = arith.constant 18 : index
    %swap3A_1142 = arith.constant 0 : index
    %swap3A_1143 = arith.constant 0 : index
    %swap3A_1144 = vector.load %arg5[%swap3A_1141, %swap3A_1142, %swap3A_1143] : memref<33x264x1024xf32, #tpu.memory_space<vmem>>, vector<1x120x1024xf32>
    %swap3A_1145 = vector.shape_cast %swap3A_1144 : vector<1x120x1024xf32> to vector<120x1024xf32>
    %swap3A_1146 = vector.shape_cast %dot_general3A_1140 : vector<120x1024xf32> to vector<1x120x1024xf32>
    tpu.vector_store %arg5[%swap3A_1141, %swap3A_1142, %swap3A_1143], %swap3A_1146 {strides = array<i32>} : memref<33x264x1024xf32, #tpu.memory_space<vmem>>, vector<1x120x1024xf32>,
    %dot_general3A_1147 = arith.constant dense<0.000000e+00> : vector<120x1024xf32>
    %dot_general3A_1148 = tpu.matmul %mul3A_1136, %convert_element_type3A_92, %dot_general3A_1147 {dimension_numbers = #tpu.dot_dimension_numbers<[1], [0], [0], [1], [0, 0, 1, 1], [], []>, transpose_lhs_hint = false} : vector<120x32xf32>, vector<32x1024xf32>, vector<120x1024xf32> -> vector<120x1024xf32>
    %swap3A_1149 = arith.constant 15 : index
    %swap3A_1150 = arith.constant 144 : index
    %swap3A_1151 = arith.constant 0 : index
    %swap3A_1152 = vector.load %arg5[%swap3A_1149, %swap3A_1150, %swap3A_1151] : memref<33x264x1024xf32, #tpu.memory_space<vmem>>, vector<1x120x1024xf32>
    %swap3A_1153 = vector.shape_cast %swap3A_1152 : vector<1x120x1024xf32> to vector<120x1024xf32>
    %swap3A_1154 = vector.shape_cast %dot_general3A_1148 : vector<120x1024xf32> to vector<1x120x1024xf32>
    tpu.vector_store %arg5[%swap3A_1149, %swap3A_1150, %swap3A_1151], %swap3A_1154 {strides = array<i32>} : memref<33x264x1024xf32, #tpu.memory_space<vmem>>, vector<1x120x1024xf32>,
    %get3A_1155 = arith.constant 1 : index
    %get3A_1156 = arith.constant 0 : index
    %get3A_1157 = arith.constant 0 : index
    %get3A_1158 = vector.load %arg5[%get3A_1155, %get3A_1156, %get3A_1157] : memref<33x264x1024xf32, #tpu.memory_space<vmem>>, vector<18x112x1024xf32>
    %get3A_1159 = arith.constant 15 : index
    %get3A_1160 = arith.constant 152 : index
    %get3A_1161 = arith.constant 0 : index
    %get3A_1162 = vector.load %arg5[%get3A_1159, %get3A_1160, %get3A_1161] : memref<33x264x1024xf32, #tpu.memory_space<vmem>>, vector<18x112x1024xf32>
    %add3A_1163 = arith.addf %broadcast_in_dim3A_22, %add3A_1138 : vector<1x1xf32>
    %add3A_1164 = arith.addf %add3A_155, %add3A_1069 : vector<1x1xf32>
    %add3A_1165 = arith.addf %add3A_208, %add3A_1001 : vector<1x1xf32>
    %add3A_1166 = arith.addf %add3A_263, %add3A_934 : vector<1x1xf32>
    %add3A_1167 = arith.addf %add3A_319, %add3A_868 : vector<1x1xf32>
    %add3A_1168 = arith.addf %add3A_376, %add3A_803 : vector<1x1xf32>
    %add3A_1169 = arith.addf %add3A_434, %add3A_739 : vector<1x1xf32>
    %add3A_1170 = arith.addf %add3A_493, %add3A_676 : vector<1x1xf32>
    %add3A_1171 = arith.addf %add3A_553, %add3A_614 : vector<1x1xf32>
    %add3A_1172 = arith.addf %add3A_614, %add3A_553 : vector<1x1xf32>
    %add3A_1173 = arith.addf %add3A_676, %add3A_493 : vector<1x1xf32>
    %add3A_1174 = arith.addf %add3A_739, %add3A_434 : vector<1x1xf32>
    %add3A_1175 = arith.addf %add3A_803, %add3A_376 : vector<1x1xf32>
    %add3A_1176 = arith.addf %add3A_868, %add3A_319 : vector<1x1xf32>
    %add3A_1177 = arith.addf %add3A_934, %add3A_263 : vector<1x1xf32>
    %add3A_1178 = arith.addf %add3A_1001, %add3A_208 : vector<1x1xf32>
    %add3A_1179 = arith.addf %add3A_1069, %add3A_155 : vector<1x1xf32>
    %add3A_1180 = arith.addf %add3A_1138, %broadcast_in_dim3A_22 : vector<1x1xf32>
    %concatenate3A_1181 = tpu.concatenate %add3A_1163, %add3A_1164, %add3A_1165, %add3A_1166, %add3A_1167, %add3A_1168, %add3A_1169, %add3A_1170, %add3A_1171, %add3A_1172, %add3A_1173, %add3A_1174, %add3A_1175, %add3A_1176, %add3A_1177, %add3A_1178, %add3A_1179, %add3A_1180 in 0 : vector<1x1xf32>, vector<1x1xf32>, vector<1x1xf32>, vector<1x1xf32>, vector<1x1xf32>, vector<1x1xf32>, vector<1x1xf32>, vector<1x1xf32>, vector<1x1xf32>, vector<1x1xf32>, vector<1x1xf32>, vector<1x1xf32>, vector<1x1xf32>, vector<1x1xf32>, vector<1x1xf32>, vector<1x1xf32>, vector<1x1xf32>, vector<1x1xf32> -> vector<18x1xf32>
    %reduce_max3A_1182 = arith.constant dense<0xFF800000> : vector<1xf32>
    %reduce_max3A_1183 = vector.multi_reduction <maximumf>, %concatenate3A_1181, %reduce_max3A_1182 [0] : vector<18x1xf32> to vector<1xf32>
    %broadcast_in_dim3A_1184 = vector.shape_cast %reduce_max3A_1183 : vector<1xf32> to vector<1x1xf32>
    %sub3A_1185 = vector.broadcast %broadcast_in_dim3A_1184 : vector<1x1xf32> to vector<18x1xf32>
    %sub3A_1186 = arith.subf %concatenate3A_1181, %sub3A_1185 : vector<18x1xf32>
    %exp3A_1187 = math.exp %sub3A_1186 : vector<18x1xf32>
    %broadcast_in_dim3A_1188 = vector.shape_cast %exp3A_1187 : vector<18x1xf32> to vector<18x1x1xf32>
    %mul3A_1189 = arith.mulf %get3A_1158, %get3A_1162 : vector<18x112x1024xf32>
    %mul3A_1190 = vector.broadcast %broadcast_in_dim3A_1188 : vector<18x1x1xf32> to vector<18x112x1024xf32>
    %mul3A_1191 = arith.mulf %mul3A_1189, %mul3A_1190 : vector<18x112x1024xf32>
    %reduce_sum3A_1192 = arith.constant dense<0.000000e+00> : vector<112x1024xf32>
    %reduce_sum3A_1193 = vector.multi_reduction <add>, %mul3A_1191, %reduce_sum3A_1192 [0] : vector<18x112x1024xf32> to vector<112x1024xf32>
    %dot_general3A_1194 = arith.constant dense<0.000000e+00> : vector<112x32xf32>
    %dot_general3A_1195 = tpu.matmul %reduce_sum3A_1193, %div3A_38, %dot_general3A_1194 {dimension_numbers = #tpu.dot_dimension_numbers<[1], [1], [0], [0], [0, 0, 1, 0], [], []>, transpose_lhs_hint = false} : vector<112x1024xf32>, vector<32x1024xf32>, vector<112x32xf32> -> vector<112x32xf32>
    %reduce_max3A_1196 = arith.constant dense<0xFF800000> : vector<112xf32>
    %reduce_max3A_1197 = vector.multi_reduction <maximumf>, %dot_general3A_1195, %reduce_max3A_1196 [1] : vector<112x32xf32> to vector<112xf32>
    %broadcast_in_dim3A_1198 = vector.shape_cast %reduce_max3A_1197 : vector<112xf32> to vector<112x1xf32>
    %reduce_max3A_1199 = arith.constant dense<0xFF800000> : vector<1xf32>
    %reduce_max3A_1200 = vector.multi_reduction <maximumf>, %broadcast_in_dim3A_1198, %reduce_max3A_1199 [0] : vector<112x1xf32> to vector<1xf32>
    %broadcast_in_dim3A_1201 = vector.shape_cast %reduce_max3A_1200 : vector<1xf32> to vector<1x1xf32>
    %div3A_1202 = arith.constant 1.000000e+00 : f32
    %div3A_1203 = vector.broadcast %div3A_1202 : f32 to vector<1x1xf32>
    %div3A_1204 = arith.divf %div3A_1203, %broadcast_in_dim3A_1201 : vector<1x1xf32>
    %mul3A_1205 = vector.broadcast %div3A_1204 : vector<1x1xf32> to vector<112x32xf32>
    %mul3A_1206 = arith.mulf %dot_general3A_1195, %mul3A_1205 : vector<112x32xf32>
    %log3A_1207 = math.log %broadcast_in_dim3A_1201 : vector<1x1xf32>
    %add3A_1208 = arith.addf %broadcast_in_dim3A_1184, %log3A_1207 : vector<1x1xf32>
    %dot_general3A_1209 = arith.constant dense<0.000000e+00> : vector<112x1024xf32>
    %dot_general3A_1210 = tpu.matmul %mul3A_1206, %convert_element_type3A_59, %dot_general3A_1209 {dimension_numbers = #tpu.dot_dimension_numbers<[1], [0], [0], [1], [0, 0, 1, 1], [], []>, transpose_lhs_hint = false} : vector<112x32xf32>, vector<32x1024xf32>, vector<112x1024xf32> -> vector<112x1024xf32>
    %swap3A_1211 = arith.constant 19 : index
    %swap3A_1212 = arith.constant 0 : index
    %swap3A_1213 = arith.constant 0 : index
    %swap3A_1214 = vector.load %arg5[%swap3A_1211, %swap3A_1212, %swap3A_1213] : memref<33x264x1024xf32, #tpu.memory_space<vmem>>, vector<1x112x1024xf32>
    %swap3A_1215 = vector.shape_cast %swap3A_1214 : vector<1x112x1024xf32> to vector<112x1024xf32>
    %swap3A_1216 = vector.shape_cast %dot_general3A_1210 : vector<112x1024xf32> to vector<1x112x1024xf32>
    tpu.vector_store %arg5[%swap3A_1211, %swap3A_1212, %swap3A_1213], %swap3A_1216 {strides = array<i32>} : memref<33x264x1024xf32, #tpu.memory_space<vmem>>, vector<1x112x1024xf32>,
    %dot_general3A_1217 = arith.constant dense<0.000000e+00> : vector<112x1024xf32>
    %dot_general3A_1218 = tpu.matmul %mul3A_1206, %convert_element_type3A_92, %dot_general3A_1217 {dimension_numbers = #tpu.dot_dimension_numbers<[1], [0], [0], [1], [0, 0, 1, 1], [], []>, transpose_lhs_hint = false} : vector<112x32xf32>, vector<32x1024xf32>, vector<112x1024xf32> -> vector<112x1024xf32>
    %swap3A_1219 = arith.constant 14 : index
    %swap3A_1220 = arith.constant 152 : index
    %swap3A_1221 = arith.constant 0 : index
    %swap3A_1222 = vector.load %arg5[%swap3A_1219, %swap3A_1220, %swap3A_1221] : memref<33x264x1024xf32, #tpu.memory_space<vmem>>, vector<1x112x1024xf32>
    %swap3A_1223 = vector.shape_cast %swap3A_1222 : vector<1x112x1024xf32> to vector<112x1024xf32>
    %swap3A_1224 = vector.shape_cast %dot_general3A_1218 : vector<112x1024xf32> to vector<1x112x1024xf32>
    tpu.vector_store %arg5[%swap3A_1219, %swap3A_1220, %swap3A_1221], %swap3A_1224 {strides = array<i32>} : memref<33x264x1024xf32, #tpu.memory_space<vmem>>, vector<1x112x1024xf32>,
    %get3A_1225 = arith.constant 1 : index
    %get3A_1226 = arith.constant 0 : index
    %get3A_1227 = arith.constant 0 : index
    %get3A_1228 = vector.load %arg5[%get3A_1225, %get3A_1226, %get3A_1227] : memref<33x264x1024xf32, #tpu.memory_space<vmem>>, vector<19x104x1024xf32>
    %get3A_1229 = arith.constant 14 : index
    %get3A_1230 = arith.constant 160 : index
    %get3A_1231 = arith.constant 0 : index
    %get3A_1232 = vector.load %arg5[%get3A_1229, %get3A_1230, %get3A_1231] : memref<33x264x1024xf32, #tpu.memory_space<vmem>>, vector<19x104x1024xf32>
    %add3A_1233 = arith.addf %broadcast_in_dim3A_22, %add3A_1208 : vector<1x1xf32>
    %add3A_1234 = arith.addf %add3A_155, %add3A_1138 : vector<1x1xf32>
    %add3A_1235 = arith.addf %add3A_208, %add3A_1069 : vector<1x1xf32>
    %add3A_1236 = arith.addf %add3A_263, %add3A_1001 : vector<1x1xf32>
    %add3A_1237 = arith.addf %add3A_319, %add3A_934 : vector<1x1xf32>
    %add3A_1238 = arith.addf %add3A_376, %add3A_868 : vector<1x1xf32>
    %add3A_1239 = arith.addf %add3A_434, %add3A_803 : vector<1x1xf32>
    %add3A_1240 = arith.addf %add3A_493, %add3A_739 : vector<1x1xf32>
    %add3A_1241 = arith.addf %add3A_553, %add3A_676 : vector<1x1xf32>
    %add3A_1242 = arith.addf %add3A_614, %add3A_614 : vector<1x1xf32>
    %add3A_1243 = arith.addf %add3A_676, %add3A_553 : vector<1x1xf32>
    %add3A_1244 = arith.addf %add3A_739, %add3A_493 : vector<1x1xf32>
    %add3A_1245 = arith.addf %add3A_803, %add3A_434 : vector<1x1xf32>
    %add3A_1246 = arith.addf %add3A_868, %add3A_376 : vector<1x1xf32>
    %add3A_1247 = arith.addf %add3A_934, %add3A_319 : vector<1x1xf32>
    %add3A_1248 = arith.addf %add3A_1001, %add3A_263 : vector<1x1xf32>
    %add3A_1249 = arith.addf %add3A_1069, %add3A_208 : vector<1x1xf32>
    %add3A_1250 = arith.addf %add3A_1138, %add3A_155 : vector<1x1xf32>
    %add3A_1251 = arith.addf %add3A_1208, %broadcast_in_dim3A_22 : vector<1x1xf32>
    %concatenate3A_1252 = tpu.concatenate %add3A_1233, %add3A_1234, %add3A_1235, %add3A_1236, %add3A_1237, %add3A_1238, %add3A_1239, %add3A_1240, %add3A_1241, %add3A_1242, %add3A_1243, %add3A_1244, %add3A_1245, %add3A_1246, %add3A_1247, %add3A_1248, %add3A_1249, %add3A_1250, %add3A_1251 in 0 : vector<1x1xf32>, vector<1x1xf32>, vector<1x1xf32>, vector<1x1xf32>, vector<1x1xf32>, vector<1x1xf32>, vector<1x1xf32>, vector<1x1xf32>, vector<1x1xf32>, vector<1x1xf32>, vector<1x1xf32>, vector<1x1xf32>, vector<1x1xf32>, vector<1x1xf32>, vector<1x1xf32>, vector<1x1xf32>, vector<1x1xf32>, vector<1x1xf32>, vector<1x1xf32> -> vector<19x1xf32>
    %reduce_max3A_1253 = arith.constant dense<0xFF800000> : vector<1xf32>
    %reduce_max3A_1254 = vector.multi_reduction <maximumf>, %concatenate3A_1252, %reduce_max3A_1253 [0] : vector<19x1xf32> to vector<1xf32>
    %broadcast_in_dim3A_1255 = vector.shape_cast %reduce_max3A_1254 : vector<1xf32> to vector<1x1xf32>
    %sub3A_1256 = vector.broadcast %broadcast_in_dim3A_1255 : vector<1x1xf32> to vector<19x1xf32>
    %sub3A_1257 = arith.subf %concatenate3A_1252, %sub3A_1256 : vector<19x1xf32>
    %exp3A_1258 = math.exp %sub3A_1257 : vector<19x1xf32>
    %broadcast_in_dim3A_1259 = vector.shape_cast %exp3A_1258 : vector<19x1xf32> to vector<19x1x1xf32>
    %mul3A_1260 = arith.mulf %get3A_1228, %get3A_1232 : vector<19x104x1024xf32>
    %mul3A_1261 = vector.broadcast %broadcast_in_dim3A_1259 : vector<19x1x1xf32> to vector<19x104x1024xf32>
    %mul3A_1262 = arith.mulf %mul3A_1260, %mul3A_1261 : vector<19x104x1024xf32>
    %reduce_sum3A_1263 = arith.constant dense<0.000000e+00> : vector<104x1024xf32>
    %reduce_sum3A_1264 = vector.multi_reduction <add>, %mul3A_1262, %reduce_sum3A_1263 [0] : vector<19x104x1024xf32> to vector<104x1024xf32>
    %dot_general3A_1265 = arith.constant dense<0.000000e+00> : vector<104x32xf32>
    %dot_general3A_1266 = tpu.matmul %reduce_sum3A_1264, %div3A_38, %dot_general3A_1265 {dimension_numbers = #tpu.dot_dimension_numbers<[1], [1], [0], [0], [0, 0, 1, 0], [], []>, transpose_lhs_hint = false} : vector<104x1024xf32>, vector<32x1024xf32>, vector<104x32xf32> -> vector<104x32xf32>
    %reduce_max3A_1267 = arith.constant dense<0xFF800000> : vector<104xf32>
    %reduce_max3A_1268 = vector.multi_reduction <maximumf>, %dot_general3A_1266, %reduce_max3A_1267 [1] : vector<104x32xf32> to vector<104xf32>
    %broadcast_in_dim3A_1269 = vector.shape_cast %reduce_max3A_1268 : vector<104xf32> to vector<104x1xf32>
    %reduce_max3A_1270 = arith.constant dense<0xFF800000> : vector<1xf32>
    %reduce_max3A_1271 = vector.multi_reduction <maximumf>, %broadcast_in_dim3A_1269, %reduce_max3A_1270 [0] : vector<104x1xf32> to vector<1xf32>
    %broadcast_in_dim3A_1272 = vector.shape_cast %reduce_max3A_1271 : vector<1xf32> to vector<1x1xf32>
    %div3A_1273 = arith.constant 1.000000e+00 : f32
    %div3A_1274 = vector.broadcast %div3A_1273 : f32 to vector<1x1xf32>
    %div3A_1275 = arith.divf %div3A_1274, %broadcast_in_dim3A_1272 : vector<1x1xf32>
    %mul3A_1276 = vector.broadcast %div3A_1275 : vector<1x1xf32> to vector<104x32xf32>
    %mul3A_1277 = arith.mulf %dot_general3A_1266, %mul3A_1276 : vector<104x32xf32>
    %log3A_1278 = math.log %broadcast_in_dim3A_1272 : vector<1x1xf32>
    %add3A_1279 = arith.addf %broadcast_in_dim3A_1255, %log3A_1278 : vector<1x1xf32>
    %dot_general3A_1280 = arith.constant dense<0.000000e+00> : vector<104x1024xf32>
    %dot_general3A_1281 = tpu.matmul %mul3A_1277, %convert_element_type3A_59, %dot_general3A_1280 {dimension_numbers = #tpu.dot_dimension_numbers<[1], [0], [0], [1], [0, 0, 1, 1], [], []>, transpose_lhs_hint = false} : vector<104x32xf32>, vector<32x1024xf32>, vector<104x1024xf32> -> vector<104x1024xf32>
    %swap3A_1282 = arith.constant 20 : index
    %swap3A_1283 = arith.constant 0 : index
    %swap3A_1284 = arith.constant 0 : index
    %swap3A_1285 = vector.load %arg5[%swap3A_1282, %swap3A_1283, %swap3A_1284] : memref<33x264x1024xf32, #tpu.memory_space<vmem>>, vector<1x104x1024xf32>
    %swap3A_1286 = vector.shape_cast %swap3A_1285 : vector<1x104x1024xf32> to vector<104x1024xf32>
    %swap3A_1287 = vector.shape_cast %dot_general3A_1281 : vector<104x1024xf32> to vector<1x104x1024xf32>
    tpu.vector_store %arg5[%swap3A_1282, %swap3A_1283, %swap3A_1284], %swap3A_1287 {strides = array<i32>} : memref<33x264x1024xf32, #tpu.memory_space<vmem>>, vector<1x104x1024xf32>,
    %dot_general3A_1288 = arith.constant dense<0.000000e+00> : vector<104x1024xf32>
    %dot_general3A_1289 = tpu.matmul %mul3A_1277, %convert_element_type3A_92, %dot_general3A_1288 {dimension_numbers = #tpu.dot_dimension_numbers<[1], [0], [0], [1], [0, 0, 1, 1], [], []>, transpose_lhs_hint = false} : vector<104x32xf32>, vector<32x1024xf32>, vector<104x1024xf32> -> vector<104x1024xf32>
    %swap3A_1290 = arith.constant 13 : index
    %swap3A_1291 = arith.constant 160 : index
    %swap3A_1292 = arith.constant 0 : index
    %swap3A_1293 = vector.load %arg5[%swap3A_1290, %swap3A_1291, %swap3A_1292] : memref<33x264x1024xf32, #tpu.memory_space<vmem>>, vector<1x104x1024xf32>
    %swap3A_1294 = vector.shape_cast %swap3A_1293 : vector<1x104x1024xf32> to vector<104x1024xf32>
    %swap3A_1295 = vector.shape_cast %dot_general3A_1289 : vector<104x1024xf32> to vector<1x104x1024xf32>
    tpu.vector_store %arg5[%swap3A_1290, %swap3A_1291, %swap3A_1292], %swap3A_1295 {strides = array<i32>} : memref<33x264x1024xf32, #tpu.memory_space<vmem>>, vector<1x104x1024xf32>,
    %get3A_1296 = arith.constant 1 : index
    %get3A_1297 = arith.constant 0 : index
    %get3A_1298 = arith.constant 0 : index
    %get3A_1299 = vector.load %arg5[%get3A_1296, %get3A_1297, %get3A_1298] : memref<33x264x1024xf32, #tpu.memory_space<vmem>>, vector<20x96x1024xf32>
    %get3A_1300 = arith.constant 13 : index
    %get3A_1301 = arith.constant 168 : index
    %get3A_1302 = arith.constant 0 : index
    %get3A_1303 = vector.load %arg5[%get3A_1300, %get3A_1301, %get3A_1302] : memref<33x264x1024xf32, #tpu.memory_space<vmem>>, vector<20x96x1024xf32>
    %add3A_1304 = arith.addf %broadcast_in_dim3A_22, %add3A_1279 : vector<1x1xf32>
    %add3A_1305 = arith.addf %add3A_155, %add3A_1208 : vector<1x1xf32>
    %add3A_1306 = arith.addf %add3A_208, %add3A_1138 : vector<1x1xf32>
    %add3A_1307 = arith.addf %add3A_263, %add3A_1069 : vector<1x1xf32>
    %add3A_1308 = arith.addf %add3A_319, %add3A_1001 : vector<1x1xf32>
    %add3A_1309 = arith.addf %add3A_376, %add3A_934 : vector<1x1xf32>
    %add3A_1310 = arith.addf %add3A_434, %add3A_868 : vector<1x1xf32>
    %add3A_1311 = arith.addf %add3A_493, %add3A_803 : vector<1x1xf32>
    %add3A_1312 = arith.addf %add3A_553, %add3A_739 : vector<1x1xf32>
    %add3A_1313 = arith.addf %add3A_614, %add3A_676 : vector<1x1xf32>
    %add3A_1314 = arith.addf %add3A_676, %add3A_614 : vector<1x1xf32>
    %add3A_1315 = arith.addf %add3A_739, %add3A_553 : vector<1x1xf32>
    %add3A_1316 = arith.addf %add3A_803, %add3A_493 : vector<1x1xf32>
    %add3A_1317 = arith.addf %add3A_868, %add3A_434 : vector<1x1xf32>
    %add3A_1318 = arith.addf %add3A_934, %add3A_376 : vector<1x1xf32>
    %add3A_1319 = arith.addf %add3A_1001, %add3A_319 : vector<1x1xf32>
    %add3A_1320 = arith.addf %add3A_1069, %add3A_263 : vector<1x1xf32>
    %add3A_1321 = arith.addf %add3A_1138, %add3A_208 : vector<1x1xf32>
    %add3A_1322 = arith.addf %add3A_1208, %add3A_155 : vector<1x1xf32>
    %add3A_1323 = arith.addf %add3A_1279, %broadcast_in_dim3A_22 : vector<1x1xf32>
    %concatenate3A_1324 = tpu.concatenate %add3A_1304, %add3A_1305, %add3A_1306, %add3A_1307, %add3A_1308, %add3A_1309, %add3A_1310, %add3A_1311, %add3A_1312, %add3A_1313, %add3A_1314, %add3A_1315, %add3A_1316, %add3A_1317, %add3A_1318, %add3A_1319, %add3A_1320, %add3A_1321, %add3A_1322, %add3A_1323 in 0 : vector<1x1xf32>, vector<1x1xf32>, vector<1x1xf32>, vector<1x1xf32>, vector<1x1xf32>, vector<1x1xf32>, vector<1x1xf32>, vector<1x1xf32>, vector<1x1xf32>, vector<1x1xf32>, vector<1x1xf32>, vector<1x1xf32>, vector<1x1xf32>, vector<1x1xf32>, vector<1x1xf32>, vector<1x1xf32>, vector<1x1xf32>, vector<1x1xf32>, vector<1x1xf32>, vector<1x1xf32> -> vector<20x1xf32>
    %reduce_max3A_1325 = arith.constant dense<0xFF800000> : vector<1xf32>
    %reduce_max3A_1326 = vector.multi_reduction <maximumf>, %concatenate3A_1324, %reduce_max3A_1325 [0] : vector<20x1xf32> to vector<1xf32>
    %broadcast_in_dim3A_1327 = vector.shape_cast %reduce_max3A_1326 : vector<1xf32> to vector<1x1xf32>
    %sub3A_1328 = vector.broadcast %broadcast_in_dim3A_1327 : vector<1x1xf32> to vector<20x1xf32>
    %sub3A_1329 = arith.subf %concatenate3A_1324, %sub3A_1328 : vector<20x1xf32>
    %exp3A_1330 = math.exp %sub3A_1329 : vector<20x1xf32>
    %broadcast_in_dim3A_1331 = vector.shape_cast %exp3A_1330 : vector<20x1xf32> to vector<20x1x1xf32>
    %mul3A_1332 = arith.mulf %get3A_1299, %get3A_1303 : vector<20x96x1024xf32>
    %mul3A_1333 = vector.broadcast %broadcast_in_dim3A_1331 : vector<20x1x1xf32> to vector<20x96x1024xf32>
    %mul3A_1334 = arith.mulf %mul3A_1332, %mul3A_1333 : vector<20x96x1024xf32>
    %reduce_sum3A_1335 = arith.constant dense<0.000000e+00> : vector<96x1024xf32>
    %reduce_sum3A_1336 = vector.multi_reduction <add>, %mul3A_1334, %reduce_sum3A_1335 [0] : vector<20x96x1024xf32> to vector<96x1024xf32>
    %dot_general3A_1337 = arith.constant dense<0.000000e+00> : vector<96x32xf32>
    %dot_general3A_1338 = tpu.matmul %reduce_sum3A_1336, %div3A_38, %dot_general3A_1337 {dimension_numbers = #tpu.dot_dimension_numbers<[1], [1], [0], [0], [0, 0, 1, 0], [], []>, transpose_lhs_hint = false} : vector<96x1024xf32>, vector<32x1024xf32>, vector<96x32xf32> -> vector<96x32xf32>
    %reduce_max3A_1339 = arith.constant dense<0xFF800000> : vector<96xf32>
    %reduce_max3A_1340 = vector.multi_reduction <maximumf>, %dot_general3A_1338, %reduce_max3A_1339 [1] : vector<96x32xf32> to vector<96xf32>
    %broadcast_in_dim3A_1341 = vector.shape_cast %reduce_max3A_1340 : vector<96xf32> to vector<96x1xf32>
    %reduce_max3A_1342 = arith.constant dense<0xFF800000> : vector<1xf32>
    %reduce_max3A_1343 = vector.multi_reduction <maximumf>, %broadcast_in_dim3A_1341, %reduce_max3A_1342 [0] : vector<96x1xf32> to vector<1xf32>
    %broadcast_in_dim3A_1344 = vector.shape_cast %reduce_max3A_1343 : vector<1xf32> to vector<1x1xf32>
    %div3A_1345 = arith.constant 1.000000e+00 : f32
    %div3A_1346 = vector.broadcast %div3A_1345 : f32 to vector<1x1xf32>
    %div3A_1347 = arith.divf %div3A_1346, %broadcast_in_dim3A_1344 : vector<1x1xf32>
    %mul3A_1348 = vector.broadcast %div3A_1347 : vector<1x1xf32> to vector<96x32xf32>
    %mul3A_1349 = arith.mulf %dot_general3A_1338, %mul3A_1348 : vector<96x32xf32>
    %log3A_1350 = math.log %broadcast_in_dim3A_1344 : vector<1x1xf32>
    %add3A_1351 = arith.addf %broadcast_in_dim3A_1327, %log3A_1350 : vector<1x1xf32>
    %dot_general3A_1352 = arith.constant dense<0.000000e+00> : vector<96x1024xf32>
    %dot_general3A_1353 = tpu.matmul %mul3A_1349, %convert_element_type3A_59, %dot_general3A_1352 {dimension_numbers = #tpu.dot_dimension_numbers<[1], [0], [0], [1], [0, 0, 1, 1], [], []>, transpose_lhs_hint = false} : vector<96x32xf32>, vector<32x1024xf32>, vector<96x1024xf32> -> vector<96x1024xf32>
    %swap3A_1354 = arith.constant 21 : index
    %swap3A_1355 = arith.constant 0 : index
    %swap3A_1356 = arith.constant 0 : index
    %swap3A_1357 = vector.load %arg5[%swap3A_1354, %swap3A_1355, %swap3A_1356] : memref<33x264x1024xf32, #tpu.memory_space<vmem>>, vector<1x96x1024xf32>
    %swap3A_1358 = vector.shape_cast %swap3A_1357 : vector<1x96x1024xf32> to vector<96x1024xf32>
    %swap3A_1359 = vector.shape_cast %dot_general3A_1353 : vector<96x1024xf32> to vector<1x96x1024xf32>
    tpu.vector_store %arg5[%swap3A_1354, %swap3A_1355, %swap3A_1356], %swap3A_1359 {strides = array<i32>} : memref<33x264x1024xf32, #tpu.memory_space<vmem>>, vector<1x96x1024xf32>,
    %dot_general3A_1360 = arith.constant dense<0.000000e+00> : vector<96x1024xf32>
    %dot_general3A_1361 = tpu.matmul %mul3A_1349, %convert_element_type3A_92, %dot_general3A_1360 {dimension_numbers = #tpu.dot_dimension_numbers<[1], [0], [0], [1], [0, 0, 1, 1], [], []>, transpose_lhs_hint = false} : vector<96x32xf32>, vector<32x1024xf32>, vector<96x1024xf32> -> vector<96x1024xf32>
    %swap3A_1362 = arith.constant 12 : index
    %swap3A_1363 = arith.constant 168 : index
    %swap3A_1364 = arith.constant 0 : index
    %swap3A_1365 = vector.load %arg5[%swap3A_1362, %swap3A_1363, %swap3A_1364] : memref<33x264x1024xf32, #tpu.memory_space<vmem>>, vector<1x96x1024xf32>
    %swap3A_1366 = vector.shape_cast %swap3A_1365 : vector<1x96x1024xf32> to vector<96x1024xf32>
    %swap3A_1367 = vector.shape_cast %dot_general3A_1361 : vector<96x1024xf32> to vector<1x96x1024xf32>
    tpu.vector_store %arg5[%swap3A_1362, %swap3A_1363, %swap3A_1364], %swap3A_1367 {strides = array<i32>} : memref<33x264x1024xf32, #tpu.memory_space<vmem>>, vector<1x96x1024xf32>,
    %get3A_1368 = arith.constant 1 : index
    %get3A_1369 = arith.constant 0 : index
    %get3A_1370 = arith.constant 0 : index
    %get3A_1371 = vector.load %arg5[%get3A_1368, %get3A_1369, %get3A_1370] : memref<33x264x1024xf32, #tpu.memory_space<vmem>>, vector<21x88x1024xf32>
    %get3A_1372 = arith.constant 12 : index
    %get3A_1373 = arith.constant 176 : index
    %get3A_1374 = arith.constant 0 : index
    %get3A_1375 = vector.load %arg5[%get3A_1372, %get3A_1373, %get3A_1374] : memref<33x264x1024xf32, #tpu.memory_space<vmem>>, vector<21x88x1024xf32>
    %add3A_1376 = arith.addf %broadcast_in_dim3A_22, %add3A_1351 : vector<1x1xf32>
    %add3A_1377 = arith.addf %add3A_155, %add3A_1279 : vector<1x1xf32>
    %add3A_1378 = arith.addf %add3A_208, %add3A_1208 : vector<1x1xf32>
    %add3A_1379 = arith.addf %add3A_263, %add3A_1138 : vector<1x1xf32>
    %add3A_1380 = arith.addf %add3A_319, %add3A_1069 : vector<1x1xf32>
    %add3A_1381 = arith.addf %add3A_376, %add3A_1001 : vector<1x1xf32>
    %add3A_1382 = arith.addf %add3A_434, %add3A_934 : vector<1x1xf32>
    %add3A_1383 = arith.addf %add3A_493, %add3A_868 : vector<1x1xf32>
    %add3A_1384 = arith.addf %add3A_553, %add3A_803 : vector<1x1xf32>
    %add3A_1385 = arith.addf %add3A_614, %add3A_739 : vector<1x1xf32>
    %add3A_1386 = arith.addf %add3A_676, %add3A_676 : vector<1x1xf32>
    %add3A_1387 = arith.addf %add3A_739, %add3A_614 : vector<1x1xf32>
    %add3A_1388 = arith.addf %add3A_803, %add3A_553 : vector<1x1xf32>
    %add3A_1389 = arith.addf %add3A_868, %add3A_493 : vector<1x1xf32>
    %add3A_1390 = arith.addf %add3A_934, %add3A_434 : vector<1x1xf32>
    %add3A_1391 = arith.addf %add3A_1001, %add3A_376 : vector<1x1xf32>
    %add3A_1392 = arith.addf %add3A_1069, %add3A_319 : vector<1x1xf32>
    %add3A_1393 = arith.addf %add3A_1138, %add3A_263 : vector<1x1xf32>
    %add3A_1394 = arith.addf %add3A_1208, %add3A_208 : vector<1x1xf32>
    %add3A_1395 = arith.addf %add3A_1279, %add3A_155 : vector<1x1xf32>
    %add3A_1396 = arith.addf %add3A_1351, %broadcast_in_dim3A_22 : vector<1x1xf32>
    %concatenate3A_1397 = tpu.concatenate %add3A_1376, %add3A_1377, %add3A_1378, %add3A_1379, %add3A_1380, %add3A_1381, %add3A_1382, %add3A_1383, %add3A_1384, %add3A_1385, %add3A_1386, %add3A_1387, %add3A_1388, %add3A_1389, %add3A_1390, %add3A_1391, %add3A_1392, %add3A_1393, %add3A_1394, %add3A_1395, %add3A_1396 in 0 : vector<1x1xf32>, vector<1x1xf32>, vector<1x1xf32>, vector<1x1xf32>, vector<1x1xf32>, vector<1x1xf32>, vector<1x1xf32>, vector<1x1xf32>, vector<1x1xf32>, vector<1x1xf32>, vector<1x1xf32>, vector<1x1xf32>, vector<1x1xf32>, vector<1x1xf32>, vector<1x1xf32>, vector<1x1xf32>, vector<1x1xf32>, vector<1x1xf32>, vector<1x1xf32>, vector<1x1xf32>, vector<1x1xf32> -> vector<21x1xf32>
    %reduce_max3A_1398 = arith.constant dense<0xFF800000> : vector<1xf32>
    %reduce_max3A_1399 = vector.multi_reduction <maximumf>, %concatenate3A_1397, %reduce_max3A_1398 [0] : vector<21x1xf32> to vector<1xf32>
    %broadcast_in_dim3A_1400 = vector.shape_cast %reduce_max3A_1399 : vector<1xf32> to vector<1x1xf32>
    %sub3A_1401 = vector.broadcast %broadcast_in_dim3A_1400 : vector<1x1xf32> to vector<21x1xf32>
    %sub3A_1402 = arith.subf %concatenate3A_1397, %sub3A_1401 : vector<21x1xf32>
    %exp3A_1403 = math.exp %sub3A_1402 : vector<21x1xf32>
    %broadcast_in_dim3A_1404 = vector.shape_cast %exp3A_1403 : vector<21x1xf32> to vector<21x1x1xf32>
    %mul3A_1405 = arith.mulf %get3A_1371, %get3A_1375 : vector<21x88x1024xf32>
    %mul3A_1406 = vector.broadcast %broadcast_in_dim3A_1404 : vector<21x1x1xf32> to vector<21x88x1024xf32>
    %mul3A_1407 = arith.mulf %mul3A_1405, %mul3A_1406 : vector<21x88x1024xf32>
    %reduce_sum3A_1408 = arith.constant dense<0.000000e+00> : vector<88x1024xf32>
    %reduce_sum3A_1409 = vector.multi_reduction <add>, %mul3A_1407, %reduce_sum3A_1408 [0] : vector<21x88x1024xf32> to vector<88x1024xf32>
    %dot_general3A_1410 = arith.constant dense<0.000000e+00> : vector<88x32xf32>
    %dot_general3A_1411 = tpu.matmul %reduce_sum3A_1409, %div3A_38, %dot_general3A_1410 {dimension_numbers = #tpu.dot_dimension_numbers<[1], [1], [0], [0], [0, 0, 1, 0], [], []>, transpose_lhs_hint = false} : vector<88x1024xf32>, vector<32x1024xf32>, vector<88x32xf32> -> vector<88x32xf32>
    %reduce_max3A_1412 = arith.constant dense<0xFF800000> : vector<88xf32>
    %reduce_max3A_1413 = vector.multi_reduction <maximumf>, %dot_general3A_1411, %reduce_max3A_1412 [1] : vector<88x32xf32> to vector<88xf32>
    %broadcast_in_dim3A_1414 = vector.shape_cast %reduce_max3A_1413 : vector<88xf32> to vector<88x1xf32>
    %reduce_max3A_1415 = arith.constant dense<0xFF800000> : vector<1xf32>
    %reduce_max3A_1416 = vector.multi_reduction <maximumf>, %broadcast_in_dim3A_1414, %reduce_max3A_1415 [0] : vector<88x1xf32> to vector<1xf32>
    %broadcast_in_dim3A_1417 = vector.shape_cast %reduce_max3A_1416 : vector<1xf32> to vector<1x1xf32>
    %div3A_1418 = arith.constant 1.000000e+00 : f32
    %div3A_1419 = vector.broadcast %div3A_1418 : f32 to vector<1x1xf32>
    %div3A_1420 = arith.divf %div3A_1419, %broadcast_in_dim3A_1417 : vector<1x1xf32>
    %mul3A_1421 = vector.broadcast %div3A_1420 : vector<1x1xf32> to vector<88x32xf32>
    %mul3A_1422 = arith.mulf %dot_general3A_1411, %mul3A_1421 : vector<88x32xf32>
    %log3A_1423 = math.log %broadcast_in_dim3A_1417 : vector<1x1xf32>
    %add3A_1424 = arith.addf %broadcast_in_dim3A_1400, %log3A_1423 : vector<1x1xf32>
    %dot_general3A_1425 = arith.constant dense<0.000000e+00> : vector<88x1024xf32>
    %dot_general3A_1426 = tpu.matmul %mul3A_1422, %convert_element_type3A_59, %dot_general3A_1425 {dimension_numbers = #tpu.dot_dimension_numbers<[1], [0], [0], [1], [0, 0, 1, 1], [], []>, transpose_lhs_hint = false} : vector<88x32xf32>, vector<32x1024xf32>, vector<88x1024xf32> -> vector<88x1024xf32>
    %swap3A_1427 = arith.constant 22 : index
    %swap3A_1428 = arith.constant 0 : index
    %swap3A_1429 = arith.constant 0 : index
    %swap3A_1430 = vector.load %arg5[%swap3A_1427, %swap3A_1428, %swap3A_1429] : memref<33x264x1024xf32, #tpu.memory_space<vmem>>, vector<1x88x1024xf32>
    %swap3A_1431 = vector.shape_cast %swap3A_1430 : vector<1x88x1024xf32> to vector<88x1024xf32>
    %swap3A_1432 = vector.shape_cast %dot_general3A_1426 : vector<88x1024xf32> to vector<1x88x1024xf32>
    tpu.vector_store %arg5[%swap3A_1427, %swap3A_1428, %swap3A_1429], %swap3A_1432 {strides = array<i32>} : memref<33x264x1024xf32, #tpu.memory_space<vmem>>, vector<1x88x1024xf32>,
    %dot_general3A_1433 = arith.constant dense<0.000000e+00> : vector<88x1024xf32>
    %dot_general3A_1434 = tpu.matmul %mul3A_1422, %convert_element_type3A_92, %dot_general3A_1433 {dimension_numbers = #tpu.dot_dimension_numbers<[1], [0], [0], [1], [0, 0, 1, 1], [], []>, transpose_lhs_hint = false} : vector<88x32xf32>, vector<32x1024xf32>, vector<88x1024xf32> -> vector<88x1024xf32>
    %swap3A_1435 = arith.constant 11 : index
    %swap3A_1436 = arith.constant 176 : index
    %swap3A_1437 = arith.constant 0 : index
    %swap3A_1438 = vector.load %arg5[%swap3A_1435, %swap3A_1436, %swap3A_1437] : memref<33x264x1024xf32, #tpu.memory_space<vmem>>, vector<1x88x1024xf32>
    %swap3A_1439 = vector.shape_cast %swap3A_1438 : vector<1x88x1024xf32> to vector<88x1024xf32>
    %swap3A_1440 = vector.shape_cast %dot_general3A_1434 : vector<88x1024xf32> to vector<1x88x1024xf32>
    tpu.vector_store %arg5[%swap3A_1435, %swap3A_1436, %swap3A_1437], %swap3A_1440 {strides = array<i32>} : memref<33x264x1024xf32, #tpu.memory_space<vmem>>, vector<1x88x1024xf32>,
    %get3A_1441 = arith.constant 1 : index
    %get3A_1442 = arith.constant 0 : index
    %get3A_1443 = arith.constant 0 : index
    %get3A_1444 = vector.load %arg5[%get3A_1441, %get3A_1442, %get3A_1443] : memref<33x264x1024xf32, #tpu.memory_space<vmem>>, vector<22x80x1024xf32>
    %get3A_1445 = arith.constant 11 : index
    %get3A_1446 = arith.constant 184 : index
    %get3A_1447 = arith.constant 0 : index
    %get3A_1448 = vector.load %arg5[%get3A_1445, %get3A_1446, %get3A_1447] : memref<33x264x1024xf32, #tpu.memory_space<vmem>>, vector<22x80x1024xf32>
    %add3A_1449 = arith.addf %broadcast_in_dim3A_22, %add3A_1424 : vector<1x1xf32>
    %add3A_1450 = arith.addf %add3A_155, %add3A_1351 : vector<1x1xf32>
    %add3A_1451 = arith.addf %add3A_208, %add3A_1279 : vector<1x1xf32>
    %add3A_1452 = arith.addf %add3A_263, %add3A_1208 : vector<1x1xf32>
    %add3A_1453 = arith.addf %add3A_319, %add3A_1138 : vector<1x1xf32>
    %add3A_1454 = arith.addf %add3A_376, %add3A_1069 : vector<1x1xf32>
    %add3A_1455 = arith.addf %add3A_434, %add3A_1001 : vector<1x1xf32>
    %add3A_1456 = arith.addf %add3A_493, %add3A_934 : vector<1x1xf32>
    %add3A_1457 = arith.addf %add3A_553, %add3A_868 : vector<1x1xf32>
    %add3A_1458 = arith.addf %add3A_614, %add3A_803 : vector<1x1xf32>
    %add3A_1459 = arith.addf %add3A_676, %add3A_739 : vector<1x1xf32>
    %add3A_1460 = arith.addf %add3A_739, %add3A_676 : vector<1x1xf32>
    %add3A_1461 = arith.addf %add3A_803, %add3A_614 : vector<1x1xf32>
    %add3A_1462 = arith.addf %add3A_868, %add3A_553 : vector<1x1xf32>
    %add3A_1463 = arith.addf %add3A_934, %add3A_493 : vector<1x1xf32>
    %add3A_1464 = arith.addf %add3A_1001, %add3A_434 : vector<1x1xf32>
    %add3A_1465 = arith.addf %add3A_1069, %add3A_376 : vector<1x1xf32>
    %add3A_1466 = arith.addf %add3A_1138, %add3A_319 : vector<1x1xf32>
    %add3A_1467 = arith.addf %add3A_1208, %add3A_263 : vector<1x1xf32>
    %add3A_1468 = arith.addf %add3A_1279, %add3A_208 : vector<1x1xf32>
    %add3A_1469 = arith.addf %add3A_1351, %add3A_155 : vector<1x1xf32>
    %add3A_1470 = arith.addf %add3A_1424, %broadcast_in_dim3A_22 : vector<1x1xf32>
    %concatenate3A_1471 = tpu.concatenate %add3A_1449, %add3A_1450, %add3A_1451, %add3A_1452, %add3A_1453, %add3A_1454, %add3A_1455, %add3A_1456, %add3A_1457, %add3A_1458, %add3A_1459, %add3A_1460, %add3A_1461, %add3A_1462, %add3A_1463, %add3A_1464, %add3A_1465, %add3A_1466, %add3A_1467, %add3A_1468, %add3A_1469, %add3A_1470 in 0 : vector<1x1xf32>, vector<1x1xf32>, vector<1x1xf32>, vector<1x1xf32>, vector<1x1xf32>, vector<1x1xf32>, vector<1x1xf32>, vector<1x1xf32>, vector<1x1xf32>, vector<1x1xf32>, vector<1x1xf32>, vector<1x1xf32>, vector<1x1xf32>, vector<1x1xf32>, vector<1x1xf32>, vector<1x1xf32>, vector<1x1xf32>, vector<1x1xf32>, vector<1x1xf32>, vector<1x1xf32>, vector<1x1xf32>, vector<1x1xf32> -> vector<22x1xf32>
    %reduce_max3A_1472 = arith.constant dense<0xFF800000> : vector<1xf32>
    %reduce_max3A_1473 = vector.multi_reduction <maximumf>, %concatenate3A_1471, %reduce_max3A_1472 [0] : vector<22x1xf32> to vector<1xf32>
    %broadcast_in_dim3A_1474 = vector.shape_cast %reduce_max3A_1473 : vector<1xf32> to vector<1x1xf32>
    %sub3A_1475 = vector.broadcast %broadcast_in_dim3A_1474 : vector<1x1xf32> to vector<22x1xf32>
    %sub3A_1476 = arith.subf %concatenate3A_1471, %sub3A_1475 : vector<22x1xf32>
    %exp3A_1477 = math.exp %sub3A_1476 : vector<22x1xf32>
    %broadcast_in_dim3A_1478 = vector.shape_cast %exp3A_1477 : vector<22x1xf32> to vector<22x1x1xf32>
    %mul3A_1479 = arith.mulf %get3A_1444, %get3A_1448 : vector<22x80x1024xf32>
    %mul3A_1480 = vector.broadcast %broadcast_in_dim3A_1478 : vector<22x1x1xf32> to vector<22x80x1024xf32>
    %mul3A_1481 = arith.mulf %mul3A_1479, %mul3A_1480 : vector<22x80x1024xf32>
    %reduce_sum3A_1482 = arith.constant dense<0.000000e+00> : vector<80x1024xf32>
    %reduce_sum3A_1483 = vector.multi_reduction <add>, %mul3A_1481, %reduce_sum3A_1482 [0] : vector<22x80x1024xf32> to vector<80x1024xf32>
    %dot_general3A_1484 = arith.constant dense<0.000000e+00> : vector<80x32xf32>
    %dot_general3A_1485 = tpu.matmul %reduce_sum3A_1483, %div3A_38, %dot_general3A_1484 {dimension_numbers = #tpu.dot_dimension_numbers<[1], [1], [0], [0], [0, 0, 1, 0], [], []>, transpose_lhs_hint = false} : vector<80x1024xf32>, vector<32x1024xf32>, vector<80x32xf32> -> vector<80x32xf32>
    %reduce_max3A_1486 = arith.constant dense<0xFF800000> : vector<80xf32>
    %reduce_max3A_1487 = vector.multi_reduction <maximumf>, %dot_general3A_1485, %reduce_max3A_1486 [1] : vector<80x32xf32> to vector<80xf32>
    %broadcast_in_dim3A_1488 = vector.shape_cast %reduce_max3A_1487 : vector<80xf32> to vector<80x1xf32>
    %reduce_max3A_1489 = arith.constant dense<0xFF800000> : vector<1xf32>
    %reduce_max3A_1490 = vector.multi_reduction <maximumf>, %broadcast_in_dim3A_1488, %reduce_max3A_1489 [0] : vector<80x1xf32> to vector<1xf32>
    %broadcast_in_dim3A_1491 = vector.shape_cast %reduce_max3A_1490 : vector<1xf32> to vector<1x1xf32>
    %div3A_1492 = arith.constant 1.000000e+00 : f32
    %div3A_1493 = vector.broadcast %div3A_1492 : f32 to vector<1x1xf32>
    %div3A_1494 = arith.divf %div3A_1493, %broadcast_in_dim3A_1491 : vector<1x1xf32>
    %mul3A_1495 = vector.broadcast %div3A_1494 : vector<1x1xf32> to vector<80x32xf32>
    %mul3A_1496 = arith.mulf %dot_general3A_1485, %mul3A_1495 : vector<80x32xf32>
    %log3A_1497 = math.log %broadcast_in_dim3A_1491 : vector<1x1xf32>
    %add3A_1498 = arith.addf %broadcast_in_dim3A_1474, %log3A_1497 : vector<1x1xf32>
    %dot_general3A_1499 = arith.constant dense<0.000000e+00> : vector<80x1024xf32>
    %dot_general3A_1500 = tpu.matmul %mul3A_1496, %convert_element_type3A_59, %dot_general3A_1499 {dimension_numbers = #tpu.dot_dimension_numbers<[1], [0], [0], [1], [0, 0, 1, 1], [], []>, transpose_lhs_hint = false} : vector<80x32xf32>, vector<32x1024xf32>, vector<80x1024xf32> -> vector<80x1024xf32>
    %swap3A_1501 = arith.constant 23 : index
    %swap3A_1502 = arith.constant 0 : index
    %swap3A_1503 = arith.constant 0 : index
    %swap3A_1504 = vector.load %arg5[%swap3A_1501, %swap3A_1502, %swap3A_1503] : memref<33x264x1024xf32, #tpu.memory_space<vmem>>, vector<1x80x1024xf32>
    %swap3A_1505 = vector.shape_cast %swap3A_1504 : vector<1x80x1024xf32> to vector<80x1024xf32>
    %swap3A_1506 = vector.shape_cast %dot_general3A_1500 : vector<80x1024xf32> to vector<1x80x1024xf32>
    tpu.vector_store %arg5[%swap3A_1501, %swap3A_1502, %swap3A_1503], %swap3A_1506 {strides = array<i32>} : memref<33x264x1024xf32, #tpu.memory_space<vmem>>, vector<1x80x1024xf32>,
    %dot_general3A_1507 = arith.constant dense<0.000000e+00> : vector<80x1024xf32>
    %dot_general3A_1508 = tpu.matmul %mul3A_1496, %convert_element_type3A_92, %dot_general3A_1507 {dimension_numbers = #tpu.dot_dimension_numbers<[1], [0], [0], [1], [0, 0, 1, 1], [], []>, transpose_lhs_hint = false} : vector<80x32xf32>, vector<32x1024xf32>, vector<80x1024xf32> -> vector<80x1024xf32>
    %swap3A_1509 = arith.constant 10 : index
    %swap3A_1510 = arith.constant 184 : index
    %swap3A_1511 = arith.constant 0 : index
    %swap3A_1512 = vector.load %arg5[%swap3A_1509, %swap3A_1510, %swap3A_1511] : memref<33x264x1024xf32, #tpu.memory_space<vmem>>, vector<1x80x1024xf32>
    %swap3A_1513 = vector.shape_cast %swap3A_1512 : vector<1x80x1024xf32> to vector<80x1024xf32>
    %swap3A_1514 = vector.shape_cast %dot_general3A_1508 : vector<80x1024xf32> to vector<1x80x1024xf32>
    tpu.vector_store %arg5[%swap3A_1509, %swap3A_1510, %swap3A_1511], %swap3A_1514 {strides = array<i32>} : memref<33x264x1024xf32, #tpu.memory_space<vmem>>, vector<1x80x1024xf32>,
    %get3A_1515 = arith.constant 1 : index
    %get3A_1516 = arith.constant 0 : index
    %get3A_1517 = arith.constant 0 : index
    %get3A_1518 = vector.load %arg5[%get3A_1515, %get3A_1516, %get3A_1517] : memref<33x264x1024xf32, #tpu.memory_space<vmem>>, vector<23x72x1024xf32>
    %get3A_1519 = arith.constant 10 : index
    %get3A_1520 = arith.constant 192 : index
    %get3A_1521 = arith.constant 0 : index
    %get3A_1522 = vector.load %arg5[%get3A_1519, %get3A_1520, %get3A_1521] : memref<33x264x1024xf32, #tpu.memory_space<vmem>>, vector<23x72x1024xf32>
    %add3A_1523 = arith.addf %broadcast_in_dim3A_22, %add3A_1498 : vector<1x1xf32>
    %add3A_1524 = arith.addf %add3A_155, %add3A_1424 : vector<1x1xf32>
    %add3A_1525 = arith.addf %add3A_208, %add3A_1351 : vector<1x1xf32>
    %add3A_1526 = arith.addf %add3A_263, %add3A_1279 : vector<1x1xf32>
    %add3A_1527 = arith.addf %add3A_319, %add3A_1208 : vector<1x1xf32>
    %add3A_1528 = arith.addf %add3A_376, %add3A_1138 : vector<1x1xf32>
    %add3A_1529 = arith.addf %add3A_434, %add3A_1069 : vector<1x1xf32>
    %add3A_1530 = arith.addf %add3A_493, %add3A_1001 : vector<1x1xf32>
    %add3A_1531 = arith.addf %add3A_553, %add3A_934 : vector<1x1xf32>
    %add3A_1532 = arith.addf %add3A_614, %add3A_868 : vector<1x1xf32>
    %add3A_1533 = arith.addf %add3A_676, %add3A_803 : vector<1x1xf32>
    %add3A_1534 = arith.addf %add3A_739, %add3A_739 : vector<1x1xf32>
    %add3A_1535 = arith.addf %add3A_803, %add3A_676 : vector<1x1xf32>
    %add3A_1536 = arith.addf %add3A_868, %add3A_614 : vector<1x1xf32>
    %add3A_1537 = arith.addf %add3A_934, %add3A_553 : vector<1x1xf32>
    %add3A_1538 = arith.addf %add3A_1001, %add3A_493 : vector<1x1xf32>
    %add3A_1539 = arith.addf %add3A_1069, %add3A_434 : vector<1x1xf32>
    %add3A_1540 = arith.addf %add3A_1138, %add3A_376 : vector<1x1xf32>
    %add3A_1541 = arith.addf %add3A_1208, %add3A_319 : vector<1x1xf32>
    %add3A_1542 = arith.addf %add3A_1279, %add3A_263 : vector<1x1xf32>
    %add3A_1543 = arith.addf %add3A_1351, %add3A_208 : vector<1x1xf32>
    %add3A_1544 = arith.addf %add3A_1424, %add3A_155 : vector<1x1xf32>
    %add3A_1545 = arith.addf %add3A_1498, %broadcast_in_dim3A_22 : vector<1x1xf32>
    %concatenate3A_1546 = tpu.concatenate %add3A_1523, %add3A_1524, %add3A_1525, %add3A_1526, %add3A_1527, %add3A_1528, %add3A_1529, %add3A_1530, %add3A_1531, %add3A_1532, %add3A_1533, %add3A_1534, %add3A_1535, %add3A_1536, %add3A_1537, %add3A_1538, %add3A_1539, %add3A_1540, %add3A_1541, %add3A_1542, %add3A_1543, %add3A_1544, %add3A_1545 in 0 : vector<1x1xf32>, vector<1x1xf32>, vector<1x1xf32>, vector<1x1xf32>, vector<1x1xf32>, vector<1x1xf32>, vector<1x1xf32>, vector<1x1xf32>, vector<1x1xf32>, vector<1x1xf32>, vector<1x1xf32>, vector<1x1xf32>, vector<1x1xf32>, vector<1x1xf32>, vector<1x1xf32>, vector<1x1xf32>, vector<1x1xf32>, vector<1x1xf32>, vector<1x1xf32>, vector<1x1xf32>, vector<1x1xf32>, vector<1x1xf32>, vector<1x1xf32> -> vector<23x1xf32>
    %reduce_max3A_1547 = arith.constant dense<0xFF800000> : vector<1xf32>
    %reduce_max3A_1548 = vector.multi_reduction <maximumf>, %concatenate3A_1546, %reduce_max3A_1547 [0] : vector<23x1xf32> to vector<1xf32>
    %broadcast_in_dim3A_1549 = vector.shape_cast %reduce_max3A_1548 : vector<1xf32> to vector<1x1xf32>
    %sub3A_1550 = vector.broadcast %broadcast_in_dim3A_1549 : vector<1x1xf32> to vector<23x1xf32>
    %sub3A_1551 = arith.subf %concatenate3A_1546, %sub3A_1550 : vector<23x1xf32>
    %exp3A_1552 = math.exp %sub3A_1551 : vector<23x1xf32>
    %broadcast_in_dim3A_1553 = vector.shape_cast %exp3A_1552 : vector<23x1xf32> to vector<23x1x1xf32>
    %mul3A_1554 = arith.mulf %get3A_1518, %get3A_1522 : vector<23x72x1024xf32>
    %mul3A_1555 = vector.broadcast %broadcast_in_dim3A_1553 : vector<23x1x1xf32> to vector<23x72x1024xf32>
    %mul3A_1556 = arith.mulf %mul3A_1554, %mul3A_1555 : vector<23x72x1024xf32>
    %reduce_sum3A_1557 = arith.constant dense<0.000000e+00> : vector<72x1024xf32>
    %reduce_sum3A_1558 = vector.multi_reduction <add>, %mul3A_1556, %reduce_sum3A_1557 [0] : vector<23x72x1024xf32> to vector<72x1024xf32>
    %dot_general3A_1559 = arith.constant dense<0.000000e+00> : vector<72x32xf32>
    %dot_general3A_1560 = tpu.matmul %reduce_sum3A_1558, %div3A_38, %dot_general3A_1559 {dimension_numbers = #tpu.dot_dimension_numbers<[1], [1], [0], [0], [0, 0, 1, 0], [], []>, transpose_lhs_hint = false} : vector<72x1024xf32>, vector<32x1024xf32>, vector<72x32xf32> -> vector<72x32xf32>
    %reduce_max3A_1561 = arith.constant dense<0xFF800000> : vector<72xf32>
    %reduce_max3A_1562 = vector.multi_reduction <maximumf>, %dot_general3A_1560, %reduce_max3A_1561 [1] : vector<72x32xf32> to vector<72xf32>
    %broadcast_in_dim3A_1563 = vector.shape_cast %reduce_max3A_1562 : vector<72xf32> to vector<72x1xf32>
    %reduce_max3A_1564 = arith.constant dense<0xFF800000> : vector<1xf32>
    %reduce_max3A_1565 = vector.multi_reduction <maximumf>, %broadcast_in_dim3A_1563, %reduce_max3A_1564 [0] : vector<72x1xf32> to vector<1xf32>
    %broadcast_in_dim3A_1566 = vector.shape_cast %reduce_max3A_1565 : vector<1xf32> to vector<1x1xf32>
    %div3A_1567 = arith.constant 1.000000e+00 : f32
    %div3A_1568 = vector.broadcast %div3A_1567 : f32 to vector<1x1xf32>
    %div3A_1569 = arith.divf %div3A_1568, %broadcast_in_dim3A_1566 : vector<1x1xf32>
    %mul3A_1570 = vector.broadcast %div3A_1569 : vector<1x1xf32> to vector<72x32xf32>
    %mul3A_1571 = arith.mulf %dot_general3A_1560, %mul3A_1570 : vector<72x32xf32>
    %log3A_1572 = math.log %broadcast_in_dim3A_1566 : vector<1x1xf32>
    %add3A_1573 = arith.addf %broadcast_in_dim3A_1549, %log3A_1572 : vector<1x1xf32>
    %dot_general3A_1574 = arith.constant dense<0.000000e+00> : vector<72x1024xf32>
    %dot_general3A_1575 = tpu.matmul %mul3A_1571, %convert_element_type3A_59, %dot_general3A_1574 {dimension_numbers = #tpu.dot_dimension_numbers<[1], [0], [0], [1], [0, 0, 1, 1], [], []>, transpose_lhs_hint = false} : vector<72x32xf32>, vector<32x1024xf32>, vector<72x1024xf32> -> vector<72x1024xf32>
    %swap3A_1576 = arith.constant 24 : index
    %swap3A_1577 = arith.constant 0 : index
    %swap3A_1578 = arith.constant 0 : index
    %swap3A_1579 = vector.load %arg5[%swap3A_1576, %swap3A_1577, %swap3A_1578] : memref<33x264x1024xf32, #tpu.memory_space<vmem>>, vector<1x72x1024xf32>
    %swap3A_1580 = vector.shape_cast %swap3A_1579 : vector<1x72x1024xf32> to vector<72x1024xf32>
    %swap3A_1581 = vector.shape_cast %dot_general3A_1575 : vector<72x1024xf32> to vector<1x72x1024xf32>
    tpu.vector_store %arg5[%swap3A_1576, %swap3A_1577, %swap3A_1578], %swap3A_1581 {strides = array<i32>} : memref<33x264x1024xf32, #tpu.memory_space<vmem>>, vector<1x72x1024xf32>,
    %dot_general3A_1582 = arith.constant dense<0.000000e+00> : vector<72x1024xf32>
    %dot_general3A_1583 = tpu.matmul %mul3A_1571, %convert_element_type3A_92, %dot_general3A_1582 {dimension_numbers = #tpu.dot_dimension_numbers<[1], [0], [0], [1], [0, 0, 1, 1], [], []>, transpose_lhs_hint = false} : vector<72x32xf32>, vector<32x1024xf32>, vector<72x1024xf32> -> vector<72x1024xf32>
    %swap3A_1584 = arith.constant 9 : index
    %swap3A_1585 = arith.constant 192 : index
    %swap3A_1586 = arith.constant 0 : index
    %swap3A_1587 = vector.load %arg5[%swap3A_1584, %swap3A_1585, %swap3A_1586] : memref<33x264x1024xf32, #tpu.memory_space<vmem>>, vector<1x72x1024xf32>
    %swap3A_1588 = vector.shape_cast %swap3A_1587 : vector<1x72x1024xf32> to vector<72x1024xf32>
    %swap3A_1589 = vector.shape_cast %dot_general3A_1583 : vector<72x1024xf32> to vector<1x72x1024xf32>
    tpu.vector_store %arg5[%swap3A_1584, %swap3A_1585, %swap3A_1586], %swap3A_1589 {strides = array<i32>} : memref<33x264x1024xf32, #tpu.memory_space<vmem>>, vector<1x72x1024xf32>,
    %get3A_1590 = arith.constant 1 : index
    %get3A_1591 = arith.constant 0 : index
    %get3A_1592 = arith.constant 0 : index
    %get3A_1593 = vector.load %arg5[%get3A_1590, %get3A_1591, %get3A_1592] : memref<33x264x1024xf32, #tpu.memory_space<vmem>>, vector<24x64x1024xf32>
    %get3A_1594 = arith.constant 9 : index
    %get3A_1595 = arith.constant 200 : index
    %get3A_1596 = arith.constant 0 : index
    %get3A_1597 = vector.load %arg5[%get3A_1594, %get3A_1595, %get3A_1596] : memref<33x264x1024xf32, #tpu.memory_space<vmem>>, vector<24x64x1024xf32>
    %add3A_1598 = arith.addf %broadcast_in_dim3A_22, %add3A_1573 : vector<1x1xf32>
    %add3A_1599 = arith.addf %add3A_155, %add3A_1498 : vector<1x1xf32>
    %add3A_1600 = arith.addf %add3A_208, %add3A_1424 : vector<1x1xf32>
    %add3A_1601 = arith.addf %add3A_263, %add3A_1351 : vector<1x1xf32>
    %add3A_1602 = arith.addf %add3A_319, %add3A_1279 : vector<1x1xf32>
    %add3A_1603 = arith.addf %add3A_376, %add3A_1208 : vector<1x1xf32>
    %add3A_1604 = arith.addf %add3A_434, %add3A_1138 : vector<1x1xf32>
    %add3A_1605 = arith.addf %add3A_493, %add3A_1069 : vector<1x1xf32>
    %add3A_1606 = arith.addf %add3A_553, %add3A_1001 : vector<1x1xf32>
    %add3A_1607 = arith.addf %add3A_614, %add3A_934 : vector<1x1xf32>
    %add3A_1608 = arith.addf %add3A_676, %add3A_868 : vector<1x1xf32>
    %add3A_1609 = arith.addf %add3A_739, %add3A_803 : vector<1x1xf32>
    %add3A_1610 = arith.addf %add3A_803, %add3A_739 : vector<1x1xf32>
    %add3A_1611 = arith.addf %add3A_868, %add3A_676 : vector<1x1xf32>
    %add3A_1612 = arith.addf %add3A_934, %add3A_614 : vector<1x1xf32>
    %add3A_1613 = arith.addf %add3A_1001, %add3A_553 : vector<1x1xf32>
    %add3A_1614 = arith.addf %add3A_1069, %add3A_493 : vector<1x1xf32>
    %add3A_1615 = arith.addf %add3A_1138, %add3A_434 : vector<1x1xf32>
    %add3A_1616 = arith.addf %add3A_1208, %add3A_376 : vector<1x1xf32>
    %add3A_1617 = arith.addf %add3A_1279, %add3A_319 : vector<1x1xf32>
    %add3A_1618 = arith.addf %add3A_1351, %add3A_263 : vector<1x1xf32>
    %add3A_1619 = arith.addf %add3A_1424, %add3A_208 : vector<1x1xf32>
    %add3A_1620 = arith.addf %add3A_1498, %add3A_155 : vector<1x1xf32>
    %add3A_1621 = arith.addf %add3A_1573, %broadcast_in_dim3A_22 : vector<1x1xf32>
    %concatenate3A_1622 = tpu.concatenate %add3A_1598, %add3A_1599, %add3A_1600, %add3A_1601, %add3A_1602, %add3A_1603, %add3A_1604, %add3A_1605, %add3A_1606, %add3A_1607, %add3A_1608, %add3A_1609, %add3A_1610, %add3A_1611, %add3A_1612, %add3A_1613, %add3A_1614, %add3A_1615, %add3A_1616, %add3A_1617, %add3A_1618, %add3A_1619, %add3A_1620, %add3A_1621 in 0 : vector<1x1xf32>, vector<1x1xf32>, vector<1x1xf32>, vector<1x1xf32>, vector<1x1xf32>, vector<1x1xf32>, vector<1x1xf32>, vector<1x1xf32>, vector<1x1xf32>, vector<1x1xf32>, vector<1x1xf32>, vector<1x1xf32>, vector<1x1xf32>, vector<1x1xf32>, vector<1x1xf32>, vector<1x1xf32>, vector<1x1xf32>, vector<1x1xf32>, vector<1x1xf32>, vector<1x1xf32>, vector<1x1xf32>, vector<1x1xf32>, vector<1x1xf32>, vector<1x1xf32> -> vector<24x1xf32>
    %reduce_max3A_1623 = arith.constant dense<0xFF800000> : vector<1xf32>
    %reduce_max3A_1624 = vector.multi_reduction <maximumf>, %concatenate3A_1622, %reduce_max3A_1623 [0] : vector<24x1xf32> to vector<1xf32>
    %broadcast_in_dim3A_1625 = vector.shape_cast %reduce_max3A_1624 : vector<1xf32> to vector<1x1xf32>
    %sub3A_1626 = vector.broadcast %broadcast_in_dim3A_1625 : vector<1x1xf32> to vector<24x1xf32>
    %sub3A_1627 = arith.subf %concatenate3A_1622, %sub3A_1626 : vector<24x1xf32>
    %exp3A_1628 = math.exp %sub3A_1627 : vector<24x1xf32>
    %broadcast_in_dim3A_1629 = vector.shape_cast %exp3A_1628 : vector<24x1xf32> to vector<24x1x1xf32>
    %mul3A_1630 = arith.mulf %get3A_1593, %get3A_1597 : vector<24x64x1024xf32>
    %mul3A_1631 = vector.broadcast %broadcast_in_dim3A_1629 : vector<24x1x1xf32> to vector<24x64x1024xf32>
    %mul3A_1632 = arith.mulf %mul3A_1630, %mul3A_1631 : vector<24x64x1024xf32>
    %reduce_sum3A_1633 = arith.constant dense<0.000000e+00> : vector<64x1024xf32>
    %reduce_sum3A_1634 = vector.multi_reduction <add>, %mul3A_1632, %reduce_sum3A_1633 [0] : vector<24x64x1024xf32> to vector<64x1024xf32>
    %dot_general3A_1635 = arith.constant dense<0.000000e+00> : vector<64x32xf32>
    %dot_general3A_1636 = tpu.matmul %reduce_sum3A_1634, %div3A_38, %dot_general3A_1635 {dimension_numbers = #tpu.dot_dimension_numbers<[1], [1], [0], [0], [0, 0, 1, 0], [], []>, transpose_lhs_hint = false} : vector<64x1024xf32>, vector<32x1024xf32>, vector<64x32xf32> -> vector<64x32xf32>
    %reduce_max3A_1637 = arith.constant dense<0xFF800000> : vector<64xf32>
    %reduce_max3A_1638 = vector.multi_reduction <maximumf>, %dot_general3A_1636, %reduce_max3A_1637 [1] : vector<64x32xf32> to vector<64xf32>
    %broadcast_in_dim3A_1639 = vector.shape_cast %reduce_max3A_1638 : vector<64xf32> to vector<64x1xf32>
    %reduce_max3A_1640 = arith.constant dense<0xFF800000> : vector<1xf32>
    %reduce_max3A_1641 = vector.multi_reduction <maximumf>, %broadcast_in_dim3A_1639, %reduce_max3A_1640 [0] : vector<64x1xf32> to vector<1xf32>
    %broadcast_in_dim3A_1642 = vector.shape_cast %reduce_max3A_1641 : vector<1xf32> to vector<1x1xf32>
    %div3A_1643 = arith.constant 1.000000e+00 : f32
    %div3A_1644 = vector.broadcast %div3A_1643 : f32 to vector<1x1xf32>
    %div3A_1645 = arith.divf %div3A_1644, %broadcast_in_dim3A_1642 : vector<1x1xf32>
    %mul3A_1646 = vector.broadcast %div3A_1645 : vector<1x1xf32> to vector<64x32xf32>
    %mul3A_1647 = arith.mulf %dot_general3A_1636, %mul3A_1646 : vector<64x32xf32>
    %log3A_1648 = math.log %broadcast_in_dim3A_1642 : vector<1x1xf32>
    %add3A_1649 = arith.addf %broadcast_in_dim3A_1625, %log3A_1648 : vector<1x1xf32>
    %dot_general3A_1650 = arith.constant dense<0.000000e+00> : vector<64x1024xf32>
    %dot_general3A_1651 = tpu.matmul %mul3A_1647, %convert_element_type3A_59, %dot_general3A_1650 {dimension_numbers = #tpu.dot_dimension_numbers<[1], [0], [0], [1], [0, 0, 1, 1], [], []>, transpose_lhs_hint = false} : vector<64x32xf32>, vector<32x1024xf32>, vector<64x1024xf32> -> vector<64x1024xf32>
    %swap3A_1652 = arith.constant 25 : index
    %swap3A_1653 = arith.constant 0 : index
    %swap3A_1654 = arith.constant 0 : index
    %swap3A_1655 = vector.load %arg5[%swap3A_1652, %swap3A_1653, %swap3A_1654] : memref<33x264x1024xf32, #tpu.memory_space<vmem>>, vector<1x64x1024xf32>
    %swap3A_1656 = vector.shape_cast %swap3A_1655 : vector<1x64x1024xf32> to vector<64x1024xf32>
    %swap3A_1657 = vector.shape_cast %dot_general3A_1651 : vector<64x1024xf32> to vector<1x64x1024xf32>
    tpu.vector_store %arg5[%swap3A_1652, %swap3A_1653, %swap3A_1654], %swap3A_1657 {strides = array<i32>} : memref<33x264x1024xf32, #tpu.memory_space<vmem>>, vector<1x64x1024xf32>,
    %dot_general3A_1658 = arith.constant dense<0.000000e+00> : vector<64x1024xf32>
    %dot_general3A_1659 = tpu.matmul %mul3A_1647, %convert_element_type3A_92, %dot_general3A_1658 {dimension_numbers = #tpu.dot_dimension_numbers<[1], [0], [0], [1], [0, 0, 1, 1], [], []>, transpose_lhs_hint = false} : vector<64x32xf32>, vector<32x1024xf32>, vector<64x1024xf32> -> vector<64x1024xf32>
    %swap3A_1660 = arith.constant 8 : index
    %swap3A_1661 = arith.constant 200 : index
    %swap3A_1662 = arith.constant 0 : index
    %swap3A_1663 = vector.load %arg5[%swap3A_1660, %swap3A_1661, %swap3A_1662] : memref<33x264x1024xf32, #tpu.memory_space<vmem>>, vector<1x64x1024xf32>
    %swap3A_1664 = vector.shape_cast %swap3A_1663 : vector<1x64x1024xf32> to vector<64x1024xf32>
    %swap3A_1665 = vector.shape_cast %dot_general3A_1659 : vector<64x1024xf32> to vector<1x64x1024xf32>
    tpu.vector_store %arg5[%swap3A_1660, %swap3A_1661, %swap3A_1662], %swap3A_1665 {strides = array<i32>} : memref<33x264x1024xf32, #tpu.memory_space<vmem>>, vector<1x64x1024xf32>,
    %get3A_1666 = arith.constant 1 : index
    %get3A_1667 = arith.constant 0 : index
    %get3A_1668 = arith.constant 0 : index
    %get3A_1669 = vector.load %arg5[%get3A_1666, %get3A_1667, %get3A_1668] : memref<33x264x1024xf32, #tpu.memory_space<vmem>>, vector<25x56x1024xf32>
    %get3A_1670 = arith.constant 8 : index
    %get3A_1671 = arith.constant 208 : index
    %get3A_1672 = arith.constant 0 : index
    %get3A_1673 = vector.load %arg5[%get3A_1670, %get3A_1671, %get3A_1672] : memref<33x264x1024xf32, #tpu.memory_space<vmem>>, vector<25x56x1024xf32>
    %add3A_1674 = arith.addf %broadcast_in_dim3A_22, %add3A_1649 : vector<1x1xf32>
    %add3A_1675 = arith.addf %add3A_155, %add3A_1573 : vector<1x1xf32>
    %add3A_1676 = arith.addf %add3A_208, %add3A_1498 : vector<1x1xf32>
    %add3A_1677 = arith.addf %add3A_263, %add3A_1424 : vector<1x1xf32>
    %add3A_1678 = arith.addf %add3A_319, %add3A_1351 : vector<1x1xf32>
    %add3A_1679 = arith.addf %add3A_376, %add3A_1279 : vector<1x1xf32>
    %add3A_1680 = arith.addf %add3A_434, %add3A_1208 : vector<1x1xf32>
    %add3A_1681 = arith.addf %add3A_493, %add3A_1138 : vector<1x1xf32>
    %add3A_1682 = arith.addf %add3A_553, %add3A_1069 : vector<1x1xf32>
    %add3A_1683 = arith.addf %add3A_614, %add3A_1001 : vector<1x1xf32>
    %add3A_1684 = arith.addf %add3A_676, %add3A_934 : vector<1x1xf32>
    %add3A_1685 = arith.addf %add3A_739, %add3A_868 : vector<1x1xf32>
    %add3A_1686 = arith.addf %add3A_803, %add3A_803 : vector<1x1xf32>
    %add3A_1687 = arith.addf %add3A_868, %add3A_739 : vector<1x1xf32>
    %add3A_1688 = arith.addf %add3A_934, %add3A_676 : vector<1x1xf32>
    %add3A_1689 = arith.addf %add3A_1001, %add3A_614 : vector<1x1xf32>
    %add3A_1690 = arith.addf %add3A_1069, %add3A_553 : vector<1x1xf32>
    %add3A_1691 = arith.addf %add3A_1138, %add3A_493 : vector<1x1xf32>
    %add3A_1692 = arith.addf %add3A_1208, %add3A_434 : vector<1x1xf32>
    %add3A_1693 = arith.addf %add3A_1279, %add3A_376 : vector<1x1xf32>
    %add3A_1694 = arith.addf %add3A_1351, %add3A_319 : vector<1x1xf32>
    %add3A_1695 = arith.addf %add3A_1424, %add3A_263 : vector<1x1xf32>
    %add3A_1696 = arith.addf %add3A_1498, %add3A_208 : vector<1x1xf32>
    %add3A_1697 = arith.addf %add3A_1573, %add3A_155 : vector<1x1xf32>
    %add3A_1698 = arith.addf %add3A_1649, %broadcast_in_dim3A_22 : vector<1x1xf32>
    %concatenate3A_1699 = tpu.concatenate %add3A_1674, %add3A_1675, %add3A_1676, %add3A_1677, %add3A_1678, %add3A_1679, %add3A_1680, %add3A_1681, %add3A_1682, %add3A_1683, %add3A_1684, %add3A_1685, %add3A_1686, %add3A_1687, %add3A_1688, %add3A_1689, %add3A_1690, %add3A_1691, %add3A_1692, %add3A_1693, %add3A_1694, %add3A_1695, %add3A_1696, %add3A_1697, %add3A_1698 in 0 : vector<1x1xf32>, vector<1x1xf32>, vector<1x1xf32>, vector<1x1xf32>, vector<1x1xf32>, vector<1x1xf32>, vector<1x1xf32>, vector<1x1xf32>, vector<1x1xf32>, vector<1x1xf32>, vector<1x1xf32>, vector<1x1xf32>, vector<1x1xf32>, vector<1x1xf32>, vector<1x1xf32>, vector<1x1xf32>, vector<1x1xf32>, vector<1x1xf32>, vector<1x1xf32>, vector<1x1xf32>, vector<1x1xf32>, vector<1x1xf32>, vector<1x1xf32>, vector<1x1xf32>, vector<1x1xf32> -> vector<25x1xf32>
    %reduce_max3A_1700 = arith.constant dense<0xFF800000> : vector<1xf32>
    %reduce_max3A_1701 = vector.multi_reduction <maximumf>, %concatenate3A_1699, %reduce_max3A_1700 [0] : vector<25x1xf32> to vector<1xf32>
    %broadcast_in_dim3A_1702 = vector.shape_cast %reduce_max3A_1701 : vector<1xf32> to vector<1x1xf32>
    %sub3A_1703 = vector.broadcast %broadcast_in_dim3A_1702 : vector<1x1xf32> to vector<25x1xf32>
    %sub3A_1704 = arith.subf %concatenate3A_1699, %sub3A_1703 : vector<25x1xf32>
    %exp3A_1705 = math.exp %sub3A_1704 : vector<25x1xf32>
    %broadcast_in_dim3A_1706 = vector.shape_cast %exp3A_1705 : vector<25x1xf32> to vector<25x1x1xf32>
    %mul3A_1707 = arith.mulf %get3A_1669, %get3A_1673 : vector<25x56x1024xf32>
    %mul3A_1708 = vector.broadcast %broadcast_in_dim3A_1706 : vector<25x1x1xf32> to vector<25x56x1024xf32>
    %mul3A_1709 = arith.mulf %mul3A_1707, %mul3A_1708 : vector<25x56x1024xf32>
    %reduce_sum3A_1710 = arith.constant dense<0.000000e+00> : vector<56x1024xf32>
    %reduce_sum3A_1711 = vector.multi_reduction <add>, %mul3A_1709, %reduce_sum3A_1710 [0] : vector<25x56x1024xf32> to vector<56x1024xf32>
    %dot_general3A_1712 = arith.constant dense<0.000000e+00> : vector<56x32xf32>
    %dot_general3A_1713 = tpu.matmul %reduce_sum3A_1711, %div3A_38, %dot_general3A_1712 {dimension_numbers = #tpu.dot_dimension_numbers<[1], [1], [0], [0], [0, 0, 1, 0], [], []>, transpose_lhs_hint = false} : vector<56x1024xf32>, vector<32x1024xf32>, vector<56x32xf32> -> vector<56x32xf32>
    %reduce_max3A_1714 = arith.constant dense<0xFF800000> : vector<56xf32>
    %reduce_max3A_1715 = vector.multi_reduction <maximumf>, %dot_general3A_1713, %reduce_max3A_1714 [1] : vector<56x32xf32> to vector<56xf32>
    %broadcast_in_dim3A_1716 = vector.shape_cast %reduce_max3A_1715 : vector<56xf32> to vector<56x1xf32>
    %reduce_max3A_1717 = arith.constant dense<0xFF800000> : vector<1xf32>
    %reduce_max3A_1718 = vector.multi_reduction <maximumf>, %broadcast_in_dim3A_1716, %reduce_max3A_1717 [0] : vector<56x1xf32> to vector<1xf32>
    %broadcast_in_dim3A_1719 = vector.shape_cast %reduce_max3A_1718 : vector<1xf32> to vector<1x1xf32>
    %div3A_1720 = arith.constant 1.000000e+00 : f32
    %div3A_1721 = vector.broadcast %div3A_1720 : f32 to vector<1x1xf32>
    %div3A_1722 = arith.divf %div3A_1721, %broadcast_in_dim3A_1719 : vector<1x1xf32>
    %mul3A_1723 = vector.broadcast %div3A_1722 : vector<1x1xf32> to vector<56x32xf32>
    %mul3A_1724 = arith.mulf %dot_general3A_1713, %mul3A_1723 : vector<56x32xf32>
    %log3A_1725 = math.log %broadcast_in_dim3A_1719 : vector<1x1xf32>
    %add3A_1726 = arith.addf %broadcast_in_dim3A_1702, %log3A_1725 : vector<1x1xf32>
    %dot_general3A_1727 = arith.constant dense<0.000000e+00> : vector<56x1024xf32>
    %dot_general3A_1728 = tpu.matmul %mul3A_1724, %convert_element_type3A_59, %dot_general3A_1727 {dimension_numbers = #tpu.dot_dimension_numbers<[1], [0], [0], [1], [0, 0, 1, 1], [], []>, transpose_lhs_hint = false} : vector<56x32xf32>, vector<32x1024xf32>, vector<56x1024xf32> -> vector<56x1024xf32>
    %swap3A_1729 = arith.constant 26 : index
    %swap3A_1730 = arith.constant 0 : index
    %swap3A_1731 = arith.constant 0 : index
    %swap3A_1732 = vector.load %arg5[%swap3A_1729, %swap3A_1730, %swap3A_1731] : memref<33x264x1024xf32, #tpu.memory_space<vmem>>, vector<1x56x1024xf32>
    %swap3A_1733 = vector.shape_cast %swap3A_1732 : vector<1x56x1024xf32> to vector<56x1024xf32>
    %swap3A_1734 = vector.shape_cast %dot_general3A_1728 : vector<56x1024xf32> to vector<1x56x1024xf32>
    tpu.vector_store %arg5[%swap3A_1729, %swap3A_1730, %swap3A_1731], %swap3A_1734 {strides = array<i32>} : memref<33x264x1024xf32, #tpu.memory_space<vmem>>, vector<1x56x1024xf32>,
    %dot_general3A_1735 = arith.constant dense<0.000000e+00> : vector<56x1024xf32>
    %dot_general3A_1736 = tpu.matmul %mul3A_1724, %convert_element_type3A_92, %dot_general3A_1735 {dimension_numbers = #tpu.dot_dimension_numbers<[1], [0], [0], [1], [0, 0, 1, 1], [], []>, transpose_lhs_hint = false} : vector<56x32xf32>, vector<32x1024xf32>, vector<56x1024xf32> -> vector<56x1024xf32>
    %swap3A_1737 = arith.constant 7 : index
    %swap3A_1738 = arith.constant 208 : index
    %swap3A_1739 = arith.constant 0 : index
    %swap3A_1740 = vector.load %arg5[%swap3A_1737, %swap3A_1738, %swap3A_1739] : memref<33x264x1024xf32, #tpu.memory_space<vmem>>, vector<1x56x1024xf32>
    %swap3A_1741 = vector.shape_cast %swap3A_1740 : vector<1x56x1024xf32> to vector<56x1024xf32>
    %swap3A_1742 = vector.shape_cast %dot_general3A_1736 : vector<56x1024xf32> to vector<1x56x1024xf32>
    tpu.vector_store %arg5[%swap3A_1737, %swap3A_1738, %swap3A_1739], %swap3A_1742 {strides = array<i32>} : memref<33x264x1024xf32, #tpu.memory_space<vmem>>, vector<1x56x1024xf32>,
    %get3A_1743 = arith.constant 1 : index
    %get3A_1744 = arith.constant 0 : index
    %get3A_1745 = arith.constant 0 : index
    %get3A_1746 = vector.load %arg5[%get3A_1743, %get3A_1744, %get3A_1745] : memref<33x264x1024xf32, #tpu.memory_space<vmem>>, vector<26x48x1024xf32>
    %get3A_1747 = arith.constant 7 : index
    %get3A_1748 = arith.constant 216 : index
    %get3A_1749 = arith.constant 0 : index
    %get3A_1750 = vector.load %arg5[%get3A_1747, %get3A_1748, %get3A_1749] : memref<33x264x1024xf32, #tpu.memory_space<vmem>>, vector<26x48x1024xf32>
    %add3A_1751 = arith.addf %broadcast_in_dim3A_22, %add3A_1726 : vector<1x1xf32>
    %add3A_1752 = arith.addf %add3A_155, %add3A_1649 : vector<1x1xf32>
    %add3A_1753 = arith.addf %add3A_208, %add3A_1573 : vector<1x1xf32>
    %add3A_1754 = arith.addf %add3A_263, %add3A_1498 : vector<1x1xf32>
    %add3A_1755 = arith.addf %add3A_319, %add3A_1424 : vector<1x1xf32>
    %add3A_1756 = arith.addf %add3A_376, %add3A_1351 : vector<1x1xf32>
    %add3A_1757 = arith.addf %add3A_434, %add3A_1279 : vector<1x1xf32>
    %add3A_1758 = arith.addf %add3A_493, %add3A_1208 : vector<1x1xf32>
    %add3A_1759 = arith.addf %add3A_553, %add3A_1138 : vector<1x1xf32>
    %add3A_1760 = arith.addf %add3A_614, %add3A_1069 : vector<1x1xf32>
    %add3A_1761 = arith.addf %add3A_676, %add3A_1001 : vector<1x1xf32>
    %add3A_1762 = arith.addf %add3A_739, %add3A_934 : vector<1x1xf32>
    %add3A_1763 = arith.addf %add3A_803, %add3A_868 : vector<1x1xf32>
    %add3A_1764 = arith.addf %add3A_868, %add3A_803 : vector<1x1xf32>
    %add3A_1765 = arith.addf %add3A_934, %add3A_739 : vector<1x1xf32>
    %add3A_1766 = arith.addf %add3A_1001, %add3A_676 : vector<1x1xf32>
    %add3A_1767 = arith.addf %add3A_1069, %add3A_614 : vector<1x1xf32>
    %add3A_1768 = arith.addf %add3A_1138, %add3A_553 : vector<1x1xf32>
    %add3A_1769 = arith.addf %add3A_1208, %add3A_493 : vector<1x1xf32>
    %add3A_1770 = arith.addf %add3A_1279, %add3A_434 : vector<1x1xf32>
    %add3A_1771 = arith.addf %add3A_1351, %add3A_376 : vector<1x1xf32>
    %add3A_1772 = arith.addf %add3A_1424, %add3A_319 : vector<1x1xf32>
    %add3A_1773 = arith.addf %add3A_1498, %add3A_263 : vector<1x1xf32>
    %add3A_1774 = arith.addf %add3A_1573, %add3A_208 : vector<1x1xf32>
    %add3A_1775 = arith.addf %add3A_1649, %add3A_155 : vector<1x1xf32>
    %add3A_1776 = arith.addf %add3A_1726, %broadcast_in_dim3A_22 : vector<1x1xf32>
    %concatenate3A_1777 = tpu.concatenate %add3A_1751, %add3A_1752, %add3A_1753, %add3A_1754, %add3A_1755, %add3A_1756, %add3A_1757, %add3A_1758, %add3A_1759, %add3A_1760, %add3A_1761, %add3A_1762, %add3A_1763, %add3A_1764, %add3A_1765, %add3A_1766, %add3A_1767, %add3A_1768, %add3A_1769, %add3A_1770, %add3A_1771, %add3A_1772, %add3A_1773, %add3A_1774, %add3A_1775, %add3A_1776 in 0 : vector<1x1xf32>, vector<1x1xf32>, vector<1x1xf32>, vector<1x1xf32>, vector<1x1xf32>, vector<1x1xf32>, vector<1x1xf32>, vector<1x1xf32>, vector<1x1xf32>, vector<1x1xf32>, vector<1x1xf32>, vector<1x1xf32>, vector<1x1xf32>, vector<1x1xf32>, vector<1x1xf32>, vector<1x1xf32>, vector<1x1xf32>, vector<1x1xf32>, vector<1x1xf32>, vector<1x1xf32>, vector<1x1xf32>, vector<1x1xf32>, vector<1x1xf32>, vector<1x1xf32>, vector<1x1xf32>, vector<1x1xf32> -> vector<26x1xf32>
    %reduce_max3A_1778 = arith.constant dense<0xFF800000> : vector<1xf32>
    %reduce_max3A_1779 = vector.multi_reduction <maximumf>, %concatenate3A_1777, %reduce_max3A_1778 [0] : vector<26x1xf32> to vector<1xf32>
    %broadcast_in_dim3A_1780 = vector.shape_cast %reduce_max3A_1779 : vector<1xf32> to vector<1x1xf32>
    %sub3A_1781 = vector.broadcast %broadcast_in_dim3A_1780 : vector<1x1xf32> to vector<26x1xf32>
    %sub3A_1782 = arith.subf %concatenate3A_1777, %sub3A_1781 : vector<26x1xf32>
    %exp3A_1783 = math.exp %sub3A_1782 : vector<26x1xf32>
    %broadcast_in_dim3A_1784 = vector.shape_cast %exp3A_1783 : vector<26x1xf32> to vector<26x1x1xf32>
    %mul3A_1785 = arith.mulf %get3A_1746, %get3A_1750 : vector<26x48x1024xf32>
    %mul3A_1786 = vector.broadcast %broadcast_in_dim3A_1784 : vector<26x1x1xf32> to vector<26x48x1024xf32>
    %mul3A_1787 = arith.mulf %mul3A_1785, %mul3A_1786 : vector<26x48x1024xf32>
    %reduce_sum3A_1788 = arith.constant dense<0.000000e+00> : vector<48x1024xf32>
    %reduce_sum3A_1789 = vector.multi_reduction <add>, %mul3A_1787, %reduce_sum3A_1788 [0] : vector<26x48x1024xf32> to vector<48x1024xf32>
    %dot_general3A_1790 = arith.constant dense<0.000000e+00> : vector<48x32xf32>
    %dot_general3A_1791 = tpu.matmul %reduce_sum3A_1789, %div3A_38, %dot_general3A_1790 {dimension_numbers = #tpu.dot_dimension_numbers<[1], [1], [0], [0], [0, 0, 1, 0], [], []>, transpose_lhs_hint = false} : vector<48x1024xf32>, vector<32x1024xf32>, vector<48x32xf32> -> vector<48x32xf32>
    %reduce_max3A_1792 = arith.constant dense<0xFF800000> : vector<48xf32>
    %reduce_max3A_1793 = vector.multi_reduction <maximumf>, %dot_general3A_1791, %reduce_max3A_1792 [1] : vector<48x32xf32> to vector<48xf32>
    %broadcast_in_dim3A_1794 = vector.shape_cast %reduce_max3A_1793 : vector<48xf32> to vector<48x1xf32>
    %reduce_max3A_1795 = arith.constant dense<0xFF800000> : vector<1xf32>
    %reduce_max3A_1796 = vector.multi_reduction <maximumf>, %broadcast_in_dim3A_1794, %reduce_max3A_1795 [0] : vector<48x1xf32> to vector<1xf32>
    %broadcast_in_dim3A_1797 = vector.shape_cast %reduce_max3A_1796 : vector<1xf32> to vector<1x1xf32>
    %div3A_1798 = arith.constant 1.000000e+00 : f32
    %div3A_1799 = vector.broadcast %div3A_1798 : f32 to vector<1x1xf32>
    %div3A_1800 = arith.divf %div3A_1799, %broadcast_in_dim3A_1797 : vector<1x1xf32>
    %mul3A_1801 = vector.broadcast %div3A_1800 : vector<1x1xf32> to vector<48x32xf32>
    %mul3A_1802 = arith.mulf %dot_general3A_1791, %mul3A_1801 : vector<48x32xf32>
    %log3A_1803 = math.log %broadcast_in_dim3A_1797 : vector<1x1xf32>
    %add3A_1804 = arith.addf %broadcast_in_dim3A_1780, %log3A_1803 : vector<1x1xf32>
    %dot_general3A_1805 = arith.constant dense<0.000000e+00> : vector<48x1024xf32>
    %dot_general3A_1806 = tpu.matmul %mul3A_1802, %convert_element_type3A_59, %dot_general3A_1805 {dimension_numbers = #tpu.dot_dimension_numbers<[1], [0], [0], [1], [0, 0, 1, 1], [], []>, transpose_lhs_hint = false} : vector<48x32xf32>, vector<32x1024xf32>, vector<48x1024xf32> -> vector<48x1024xf32>
    %swap3A_1807 = arith.constant 27 : index
    %swap3A_1808 = arith.constant 0 : index
    %swap3A_1809 = arith.constant 0 : index
    %swap3A_1810 = vector.load %arg5[%swap3A_1807, %swap3A_1808, %swap3A_1809] : memref<33x264x1024xf32, #tpu.memory_space<vmem>>, vector<1x48x1024xf32>
    %swap3A_1811 = vector.shape_cast %swap3A_1810 : vector<1x48x1024xf32> to vector<48x1024xf32>
    %swap3A_1812 = vector.shape_cast %dot_general3A_1806 : vector<48x1024xf32> to vector<1x48x1024xf32>
    tpu.vector_store %arg5[%swap3A_1807, %swap3A_1808, %swap3A_1809], %swap3A_1812 {strides = array<i32>} : memref<33x264x1024xf32, #tpu.memory_space<vmem>>, vector<1x48x1024xf32>,
    %dot_general3A_1813 = arith.constant dense<0.000000e+00> : vector<48x1024xf32>
    %dot_general3A_1814 = tpu.matmul %mul3A_1802, %convert_element_type3A_92, %dot_general3A_1813 {dimension_numbers = #tpu.dot_dimension_numbers<[1], [0], [0], [1], [0, 0, 1, 1], [], []>, transpose_lhs_hint = false} : vector<48x32xf32>, vector<32x1024xf32>, vector<48x1024xf32> -> vector<48x1024xf32>
    %swap3A_1815 = arith.constant 6 : index
    %swap3A_1816 = arith.constant 216 : index
    %swap3A_1817 = arith.constant 0 : index
    %swap3A_1818 = vector.load %arg5[%swap3A_1815, %swap3A_1816, %swap3A_1817] : memref<33x264x1024xf32, #tpu.memory_space<vmem>>, vector<1x48x1024xf32>
    %swap3A_1819 = vector.shape_cast %swap3A_1818 : vector<1x48x1024xf32> to vector<48x1024xf32>
    %swap3A_1820 = vector.shape_cast %dot_general3A_1814 : vector<48x1024xf32> to vector<1x48x1024xf32>
    tpu.vector_store %arg5[%swap3A_1815, %swap3A_1816, %swap3A_1817], %swap3A_1820 {strides = array<i32>} : memref<33x264x1024xf32, #tpu.memory_space<vmem>>, vector<1x48x1024xf32>,
    %get3A_1821 = arith.constant 1 : index
    %get3A_1822 = arith.constant 0 : index
    %get3A_1823 = arith.constant 0 : index
    %get3A_1824 = vector.load %arg5[%get3A_1821, %get3A_1822, %get3A_1823] : memref<33x264x1024xf32, #tpu.memory_space<vmem>>, vector<27x40x1024xf32>
    %get3A_1825 = arith.constant 6 : index
    %get3A_1826 = arith.constant 224 : index
    %get3A_1827 = arith.constant 0 : index
    %get3A_1828 = vector.load %arg5[%get3A_1825, %get3A_1826, %get3A_1827] : memref<33x264x1024xf32, #tpu.memory_space<vmem>>, vector<27x40x1024xf32>
    %add3A_1829 = arith.addf %broadcast_in_dim3A_22, %add3A_1804 : vector<1x1xf32>
    %add3A_1830 = arith.addf %add3A_155, %add3A_1726 : vector<1x1xf32>
    %add3A_1831 = arith.addf %add3A_208, %add3A_1649 : vector<1x1xf32>
    %add3A_1832 = arith.addf %add3A_263, %add3A_1573 : vector<1x1xf32>
    %add3A_1833 = arith.addf %add3A_319, %add3A_1498 : vector<1x1xf32>
    %add3A_1834 = arith.addf %add3A_376, %add3A_1424 : vector<1x1xf32>
    %add3A_1835 = arith.addf %add3A_434, %add3A_1351 : vector<1x1xf32>
    %add3A_1836 = arith.addf %add3A_493, %add3A_1279 : vector<1x1xf32>
    %add3A_1837 = arith.addf %add3A_553, %add3A_1208 : vector<1x1xf32>
    %add3A_1838 = arith.addf %add3A_614, %add3A_1138 : vector<1x1xf32>
    %add3A_1839 = arith.addf %add3A_676, %add3A_1069 : vector<1x1xf32>
    %add3A_1840 = arith.addf %add3A_739, %add3A_1001 : vector<1x1xf32>
    %add3A_1841 = arith.addf %add3A_803, %add3A_934 : vector<1x1xf32>
    %add3A_1842 = arith.addf %add3A_868, %add3A_868 : vector<1x1xf32>
    %add3A_1843 = arith.addf %add3A_934, %add3A_803 : vector<1x1xf32>
    %add3A_1844 = arith.addf %add3A_1001, %add3A_739 : vector<1x1xf32>
    %add3A_1845 = arith.addf %add3A_1069, %add3A_676 : vector<1x1xf32>
    %add3A_1846 = arith.addf %add3A_1138, %add3A_614 : vector<1x1xf32>
    %add3A_1847 = arith.addf %add3A_1208, %add3A_553 : vector<1x1xf32>
    %add3A_1848 = arith.addf %add3A_1279, %add3A_493 : vector<1x1xf32>
    %add3A_1849 = arith.addf %add3A_1351, %add3A_434 : vector<1x1xf32>
    %add3A_1850 = arith.addf %add3A_1424, %add3A_376 : vector<1x1xf32>
    %add3A_1851 = arith.addf %add3A_1498, %add3A_319 : vector<1x1xf32>
    %add3A_1852 = arith.addf %add3A_1573, %add3A_263 : vector<1x1xf32>
    %add3A_1853 = arith.addf %add3A_1649, %add3A_208 : vector<1x1xf32>
    %add3A_1854 = arith.addf %add3A_1726, %add3A_155 : vector<1x1xf32>
    %add3A_1855 = arith.addf %add3A_1804, %broadcast_in_dim3A_22 : vector<1x1xf32>
    %concatenate3A_1856 = tpu.concatenate %add3A_1829, %add3A_1830, %add3A_1831, %add3A_1832, %add3A_1833, %add3A_1834, %add3A_1835, %add3A_1836, %add3A_1837, %add3A_1838, %add3A_1839, %add3A_1840, %add3A_1841, %add3A_1842, %add3A_1843, %add3A_1844, %add3A_1845, %add3A_1846, %add3A_1847, %add3A_1848, %add3A_1849, %add3A_1850, %add3A_1851, %add3A_1852, %add3A_1853, %add3A_1854, %add3A_1855 in 0 : vector<1x1xf32>, vector<1x1xf32>, vector<1x1xf32>, vector<1x1xf32>, vector<1x1xf32>, vector<1x1xf32>, vector<1x1xf32>, vector<1x1xf32>, vector<1x1xf32>, vector<1x1xf32>, vector<1x1xf32>, vector<1x1xf32>, vector<1x1xf32>, vector<1x1xf32>, vector<1x1xf32>, vector<1x1xf32>, vector<1x1xf32>, vector<1x1xf32>, vector<1x1xf32>, vector<1x1xf32>, vector<1x1xf32>, vector<1x1xf32>, vector<1x1xf32>, vector<1x1xf32>, vector<1x1xf32>, vector<1x1xf32>, vector<1x1xf32> -> vector<27x1xf32>
    %reduce_max3A_1857 = arith.constant dense<0xFF800000> : vector<1xf32>
    %reduce_max3A_1858 = vector.multi_reduction <maximumf>, %concatenate3A_1856, %reduce_max3A_1857 [0] : vector<27x1xf32> to vector<1xf32>
    %broadcast_in_dim3A_1859 = vector.shape_cast %reduce_max3A_1858 : vector<1xf32> to vector<1x1xf32>
    %sub3A_1860 = vector.broadcast %broadcast_in_dim3A_1859 : vector<1x1xf32> to vector<27x1xf32>
    %sub3A_1861 = arith.subf %concatenate3A_1856, %sub3A_1860 : vector<27x1xf32>
    %exp3A_1862 = math.exp %sub3A_1861 : vector<27x1xf32>
    %broadcast_in_dim3A_1863 = vector.shape_cast %exp3A_1862 : vector<27x1xf32> to vector<27x1x1xf32>
    %mul3A_1864 = arith.mulf %get3A_1824, %get3A_1828 : vector<27x40x1024xf32>
    %mul3A_1865 = vector.broadcast %broadcast_in_dim3A_1863 : vector<27x1x1xf32> to vector<27x40x1024xf32>
    %mul3A_1866 = arith.mulf %mul3A_1864, %mul3A_1865 : vector<27x40x1024xf32>
    %reduce_sum3A_1867 = arith.constant dense<0.000000e+00> : vector<40x1024xf32>
    %reduce_sum3A_1868 = vector.multi_reduction <add>, %mul3A_1866, %reduce_sum3A_1867 [0] : vector<27x40x1024xf32> to vector<40x1024xf32>
    %dot_general3A_1869 = arith.constant dense<0.000000e+00> : vector<40x32xf32>
    %dot_general3A_1870 = tpu.matmul %reduce_sum3A_1868, %div3A_38, %dot_general3A_1869 {dimension_numbers = #tpu.dot_dimension_numbers<[1], [1], [0], [0], [0, 0, 1, 0], [], []>, transpose_lhs_hint = false} : vector<40x1024xf32>, vector<32x1024xf32>, vector<40x32xf32> -> vector<40x32xf32>
    %reduce_max3A_1871 = arith.constant dense<0xFF800000> : vector<40xf32>
    %reduce_max3A_1872 = vector.multi_reduction <maximumf>, %dot_general3A_1870, %reduce_max3A_1871 [1] : vector<40x32xf32> to vector<40xf32>
    %broadcast_in_dim3A_1873 = vector.shape_cast %reduce_max3A_1872 : vector<40xf32> to vector<40x1xf32>
    %reduce_max3A_1874 = arith.constant dense<0xFF800000> : vector<1xf32>
    %reduce_max3A_1875 = vector.multi_reduction <maximumf>, %broadcast_in_dim3A_1873, %reduce_max3A_1874 [0] : vector<40x1xf32> to vector<1xf32>
    %broadcast_in_dim3A_1876 = vector.shape_cast %reduce_max3A_1875 : vector<1xf32> to vector<1x1xf32>
    %div3A_1877 = arith.constant 1.000000e+00 : f32
    %div3A_1878 = vector.broadcast %div3A_1877 : f32 to vector<1x1xf32>
    %div3A_1879 = arith.divf %div3A_1878, %broadcast_in_dim3A_1876 : vector<1x1xf32>
    %mul3A_1880 = vector.broadcast %div3A_1879 : vector<1x1xf32> to vector<40x32xf32>
    %mul3A_1881 = arith.mulf %dot_general3A_1870, %mul3A_1880 : vector<40x32xf32>
    %log3A_1882 = math.log %broadcast_in_dim3A_1876 : vector<1x1xf32>
    %add3A_1883 = arith.addf %broadcast_in_dim3A_1859, %log3A_1882 : vector<1x1xf32>
    %dot_general3A_1884 = arith.constant dense<0.000000e+00> : vector<40x1024xf32>
    %dot_general3A_1885 = tpu.matmul %mul3A_1881, %convert_element_type3A_59, %dot_general3A_1884 {dimension_numbers = #tpu.dot_dimension_numbers<[1], [0], [0], [1], [0, 0, 1, 1], [], []>, transpose_lhs_hint = false} : vector<40x32xf32>, vector<32x1024xf32>, vector<40x1024xf32> -> vector<40x1024xf32>
    %swap3A_1886 = arith.constant 28 : index
    %swap3A_1887 = arith.constant 0 : index
    %swap3A_1888 = arith.constant 0 : index
    %swap3A_1889 = vector.load %arg5[%swap3A_1886, %swap3A_1887, %swap3A_1888] : memref<33x264x1024xf32, #tpu.memory_space<vmem>>, vector<1x40x1024xf32>
    %swap3A_1890 = vector.shape_cast %swap3A_1889 : vector<1x40x1024xf32> to vector<40x1024xf32>
    %swap3A_1891 = vector.shape_cast %dot_general3A_1885 : vector<40x1024xf32> to vector<1x40x1024xf32>
    tpu.vector_store %arg5[%swap3A_1886, %swap3A_1887, %swap3A_1888], %swap3A_1891 {strides = array<i32>} : memref<33x264x1024xf32, #tpu.memory_space<vmem>>, vector<1x40x1024xf32>,
    %dot_general3A_1892 = arith.constant dense<0.000000e+00> : vector<40x1024xf32>
    %dot_general3A_1893 = tpu.matmul %mul3A_1881, %convert_element_type3A_92, %dot_general3A_1892 {dimension_numbers = #tpu.dot_dimension_numbers<[1], [0], [0], [1], [0, 0, 1, 1], [], []>, transpose_lhs_hint = false} : vector<40x32xf32>, vector<32x1024xf32>, vector<40x1024xf32> -> vector<40x1024xf32>
    %swap3A_1894 = arith.constant 5 : index
    %swap3A_1895 = arith.constant 224 : index
    %swap3A_1896 = arith.constant 0 : index
    %swap3A_1897 = vector.load %arg5[%swap3A_1894, %swap3A_1895, %swap3A_1896] : memref<33x264x1024xf32, #tpu.memory_space<vmem>>, vector<1x40x1024xf32>
    %swap3A_1898 = vector.shape_cast %swap3A_1897 : vector<1x40x1024xf32> to vector<40x1024xf32>
    %swap3A_1899 = vector.shape_cast %dot_general3A_1893 : vector<40x1024xf32> to vector<1x40x1024xf32>
    tpu.vector_store %arg5[%swap3A_1894, %swap3A_1895, %swap3A_1896], %swap3A_1899 {strides = array<i32>} : memref<33x264x1024xf32, #tpu.memory_space<vmem>>, vector<1x40x1024xf32>,
    %get3A_1900 = arith.constant 1 : index
    %get3A_1901 = arith.constant 0 : index
    %get3A_1902 = arith.constant 0 : index
    %get3A_1903 = vector.load %arg5[%get3A_1900, %get3A_1901, %get3A_1902] : memref<33x264x1024xf32, #tpu.memory_space<vmem>>, vector<28x32x1024xf32>
    %get3A_1904 = arith.constant 5 : index
    %get3A_1905 = arith.constant 232 : index
    %get3A_1906 = arith.constant 0 : index
    %get3A_1907 = vector.load %arg5[%get3A_1904, %get3A_1905, %get3A_1906] : memref<33x264x1024xf32, #tpu.memory_space<vmem>>, vector<28x32x1024xf32>
    %add3A_1908 = arith.addf %broadcast_in_dim3A_22, %add3A_1883 : vector<1x1xf32>
    %add3A_1909 = arith.addf %add3A_155, %add3A_1804 : vector<1x1xf32>
    %add3A_1910 = arith.addf %add3A_208, %add3A_1726 : vector<1x1xf32>
    %add3A_1911 = arith.addf %add3A_263, %add3A_1649 : vector<1x1xf32>
    %add3A_1912 = arith.addf %add3A_319, %add3A_1573 : vector<1x1xf32>
    %add3A_1913 = arith.addf %add3A_376, %add3A_1498 : vector<1x1xf32>
    %add3A_1914 = arith.addf %add3A_434, %add3A_1424 : vector<1x1xf32>
    %add3A_1915 = arith.addf %add3A_493, %add3A_1351 : vector<1x1xf32>
    %add3A_1916 = arith.addf %add3A_553, %add3A_1279 : vector<1x1xf32>
    %add3A_1917 = arith.addf %add3A_614, %add3A_1208 : vector<1x1xf32>
    %add3A_1918 = arith.addf %add3A_676, %add3A_1138 : vector<1x1xf32>
    %add3A_1919 = arith.addf %add3A_739, %add3A_1069 : vector<1x1xf32>
    %add3A_1920 = arith.addf %add3A_803, %add3A_1001 : vector<1x1xf32>
    %add3A_1921 = arith.addf %add3A_868, %add3A_934 : vector<1x1xf32>
    %add3A_1922 = arith.addf %add3A_934, %add3A_868 : vector<1x1xf32>
    %add3A_1923 = arith.addf %add3A_1001, %add3A_803 : vector<1x1xf32>
    %add3A_1924 = arith.addf %add3A_1069, %add3A_739 : vector<1x1xf32>
    %add3A_1925 = arith.addf %add3A_1138, %add3A_676 : vector<1x1xf32>
    %add3A_1926 = arith.addf %add3A_1208, %add3A_614 : vector<1x1xf32>
    %add3A_1927 = arith.addf %add3A_1279, %add3A_553 : vector<1x1xf32>
    %add3A_1928 = arith.addf %add3A_1351, %add3A_493 : vector<1x1xf32>
    %add3A_1929 = arith.addf %add3A_1424, %add3A_434 : vector<1x1xf32>
    %add3A_1930 = arith.addf %add3A_1498, %add3A_376 : vector<1x1xf32>
    %add3A_1931 = arith.addf %add3A_1573, %add3A_319 : vector<1x1xf32>
    %add3A_1932 = arith.addf %add3A_1649, %add3A_263 : vector<1x1xf32>
    %add3A_1933 = arith.addf %add3A_1726, %add3A_208 : vector<1x1xf32>
    %add3A_1934 = arith.addf %add3A_1804, %add3A_155 : vector<1x1xf32>
    %add3A_1935 = arith.addf %add3A_1883, %broadcast_in_dim3A_22 : vector<1x1xf32>
    %concatenate3A_1936 = tpu.concatenate %add3A_1908, %add3A_1909, %add3A_1910, %add3A_1911, %add3A_1912, %add3A_1913, %add3A_1914, %add3A_1915, %add3A_1916, %add3A_1917, %add3A_1918, %add3A_1919, %add3A_1920, %add3A_1921, %add3A_1922, %add3A_1923, %add3A_1924, %add3A_1925, %add3A_1926, %add3A_1927, %add3A_1928, %add3A_1929, %add3A_1930, %add3A_1931, %add3A_1932, %add3A_1933, %add3A_1934, %add3A_1935 in 0 : vector<1x1xf32>, vector<1x1xf32>, vector<1x1xf32>, vector<1x1xf32>, vector<1x1xf32>, vector<1x1xf32>, vector<1x1xf32>, vector<1x1xf32>, vector<1x1xf32>, vector<1x1xf32>, vector<1x1xf32>, vector<1x1xf32>, vector<1x1xf32>, vector<1x1xf32>, vector<1x1xf32>, vector<1x1xf32>, vector<1x1xf32>, vector<1x1xf32>, vector<1x1xf32>, vector<1x1xf32>, vector<1x1xf32>, vector<1x1xf32>, vector<1x1xf32>, vector<1x1xf32>, vector<1x1xf32>, vector<1x1xf32>, vector<1x1xf32>, vector<1x1xf32> -> vector<28x1xf32>
    %reduce_max3A_1937 = arith.constant dense<0xFF800000> : vector<1xf32>
    %reduce_max3A_1938 = vector.multi_reduction <maximumf>, %concatenate3A_1936, %reduce_max3A_1937 [0] : vector<28x1xf32> to vector<1xf32>
    %broadcast_in_dim3A_1939 = vector.shape_cast %reduce_max3A_1938 : vector<1xf32> to vector<1x1xf32>
    %sub3A_1940 = vector.broadcast %broadcast_in_dim3A_1939 : vector<1x1xf32> to vector<28x1xf32>
    %sub3A_1941 = arith.subf %concatenate3A_1936, %sub3A_1940 : vector<28x1xf32>
    %exp3A_1942 = math.exp %sub3A_1941 : vector<28x1xf32>
    %broadcast_in_dim3A_1943 = vector.shape_cast %exp3A_1942 : vector<28x1xf32> to vector<28x1x1xf32>
    %mul3A_1944 = arith.mulf %get3A_1903, %get3A_1907 : vector<28x32x1024xf32>
    %mul3A_1945 = vector.broadcast %broadcast_in_dim3A_1943 : vector<28x1x1xf32> to vector<28x32x1024xf32>
    %mul3A_1946 = arith.mulf %mul3A_1944, %mul3A_1945 : vector<28x32x1024xf32>
    %reduce_sum3A_1947 = arith.constant dense<0.000000e+00> : vector<32x1024xf32>
    %reduce_sum3A_1948 = vector.multi_reduction <add>, %mul3A_1946, %reduce_sum3A_1947 [0] : vector<28x32x1024xf32> to vector<32x1024xf32>
    %dot_general3A_1949 = arith.constant dense<0.000000e+00> : vector<32x32xf32>
    %dot_general3A_1950 = tpu.matmul %reduce_sum3A_1948, %div3A_38, %dot_general3A_1949 {dimension_numbers = #tpu.dot_dimension_numbers<[1], [1], [0], [0], [0, 0, 1, 0], [], []>, transpose_lhs_hint = false} : vector<32x1024xf32>, vector<32x1024xf32>, vector<32x32xf32> -> vector<32x32xf32>
    %reduce_max3A_1951 = arith.constant dense<0xFF800000> : vector<32xf32>
    %reduce_max3A_1952 = vector.multi_reduction <maximumf>, %dot_general3A_1950, %reduce_max3A_1951 [1] : vector<32x32xf32> to vector<32xf32>
    %broadcast_in_dim3A_1953 = vector.shape_cast %reduce_max3A_1952 : vector<32xf32> to vector<32x1xf32>
    %reduce_max3A_1954 = arith.constant dense<0xFF800000> : vector<1xf32>
    %reduce_max3A_1955 = vector.multi_reduction <maximumf>, %broadcast_in_dim3A_1953, %reduce_max3A_1954 [0] : vector<32x1xf32> to vector<1xf32>
    %broadcast_in_dim3A_1956 = vector.shape_cast %reduce_max3A_1955 : vector<1xf32> to vector<1x1xf32>
    %div3A_1957 = arith.constant 1.000000e+00 : f32
    %div3A_1958 = vector.broadcast %div3A_1957 : f32 to vector<1x1xf32>
    %div3A_1959 = arith.divf %div3A_1958, %broadcast_in_dim3A_1956 : vector<1x1xf32>
    %mul3A_1960 = vector.broadcast %div3A_1959 : vector<1x1xf32> to vector<32x32xf32>
    %mul3A_1961 = arith.mulf %dot_general3A_1950, %mul3A_1960 : vector<32x32xf32>
    %log3A_1962 = math.log %broadcast_in_dim3A_1956 : vector<1x1xf32>
    %add3A_1963 = arith.addf %broadcast_in_dim3A_1939, %log3A_1962 : vector<1x1xf32>
    %dot_general3A_1964 = arith.constant dense<0.000000e+00> : vector<32x1024xf32>
    %dot_general3A_1965 = tpu.matmul %mul3A_1961, %convert_element_type3A_59, %dot_general3A_1964 {dimension_numbers = #tpu.dot_dimension_numbers<[1], [0], [0], [1], [0, 0, 1, 1], [], []>, transpose_lhs_hint = false} : vector<32x32xf32>, vector<32x1024xf32>, vector<32x1024xf32> -> vector<32x1024xf32>
    %swap3A_1966 = arith.constant 29 : index
    %swap3A_1967 = arith.constant 0 : index
    %swap3A_1968 = arith.constant 0 : index
    %swap3A_1969 = vector.load %arg5[%swap3A_1966, %swap3A_1967, %swap3A_1968] : memref<33x264x1024xf32, #tpu.memory_space<vmem>>, vector<1x32x1024xf32>
    %swap3A_1970 = vector.shape_cast %swap3A_1969 : vector<1x32x1024xf32> to vector<32x1024xf32>
    %swap3A_1971 = vector.shape_cast %dot_general3A_1965 : vector<32x1024xf32> to vector<1x32x1024xf32>
    tpu.vector_store %arg5[%swap3A_1966, %swap3A_1967, %swap3A_1968], %swap3A_1971 {strides = array<i32>} : memref<33x264x1024xf32, #tpu.memory_space<vmem>>, vector<1x32x1024xf32>,
    %dot_general3A_1972 = arith.constant dense<0.000000e+00> : vector<32x1024xf32>
    %dot_general3A_1973 = tpu.matmul %mul3A_1961, %convert_element_type3A_92, %dot_general3A_1972 {dimension_numbers = #tpu.dot_dimension_numbers<[1], [0], [0], [1], [0, 0, 1, 1], [], []>, transpose_lhs_hint = false} : vector<32x32xf32>, vector<32x1024xf32>, vector<32x1024xf32> -> vector<32x1024xf32>
    %swap3A_1974 = arith.constant 4 : index
    %swap3A_1975 = arith.constant 232 : index
    %swap3A_1976 = arith.constant 0 : index
    %swap3A_1977 = vector.load %arg5[%swap3A_1974, %swap3A_1975, %swap3A_1976] : memref<33x264x1024xf32, #tpu.memory_space<vmem>>, vector<1x32x1024xf32>
    %swap3A_1978 = vector.shape_cast %swap3A_1977 : vector<1x32x1024xf32> to vector<32x1024xf32>
    %swap3A_1979 = vector.shape_cast %dot_general3A_1973 : vector<32x1024xf32> to vector<1x32x1024xf32>
    tpu.vector_store %arg5[%swap3A_1974, %swap3A_1975, %swap3A_1976], %swap3A_1979 {strides = array<i32>} : memref<33x264x1024xf32, #tpu.memory_space<vmem>>, vector<1x32x1024xf32>,
    %get3A_1980 = arith.constant 1 : index
    %get3A_1981 = arith.constant 0 : index
    %get3A_1982 = arith.constant 0 : index
    %get3A_1983 = vector.load %arg5[%get3A_1980, %get3A_1981, %get3A_1982] : memref<33x264x1024xf32, #tpu.memory_space<vmem>>, vector<29x24x1024xf32>
    %get3A_1984 = arith.constant 4 : index
    %get3A_1985 = arith.constant 240 : index
    %get3A_1986 = arith.constant 0 : index
    %get3A_1987 = vector.load %arg5[%get3A_1984, %get3A_1985, %get3A_1986] : memref<33x264x1024xf32, #tpu.memory_space<vmem>>, vector<29x24x1024xf32>
    %add3A_1988 = arith.addf %broadcast_in_dim3A_22, %add3A_1963 : vector<1x1xf32>
    %add3A_1989 = arith.addf %add3A_155, %add3A_1883 : vector<1x1xf32>
    %add3A_1990 = arith.addf %add3A_208, %add3A_1804 : vector<1x1xf32>
    %add3A_1991 = arith.addf %add3A_263, %add3A_1726 : vector<1x1xf32>
    %add3A_1992 = arith.addf %add3A_319, %add3A_1649 : vector<1x1xf32>
    %add3A_1993 = arith.addf %add3A_376, %add3A_1573 : vector<1x1xf32>
    %add3A_1994 = arith.addf %add3A_434, %add3A_1498 : vector<1x1xf32>
    %add3A_1995 = arith.addf %add3A_493, %add3A_1424 : vector<1x1xf32>
    %add3A_1996 = arith.addf %add3A_553, %add3A_1351 : vector<1x1xf32>
    %add3A_1997 = arith.addf %add3A_614, %add3A_1279 : vector<1x1xf32>
    %add3A_1998 = arith.addf %add3A_676, %add3A_1208 : vector<1x1xf32>
    %add3A_1999 = arith.addf %add3A_739, %add3A_1138 : vector<1x1xf32>
    %add3A_2000 = arith.addf %add3A_803, %add3A_1069 : vector<1x1xf32>
    %add3A_2001 = arith.addf %add3A_868, %add3A_1001 : vector<1x1xf32>
    %add3A_2002 = arith.addf %add3A_934, %add3A_934 : vector<1x1xf32>
    %add3A_2003 = arith.addf %add3A_1001, %add3A_868 : vector<1x1xf32>
    %add3A_2004 = arith.addf %add3A_1069, %add3A_803 : vector<1x1xf32>
    %add3A_2005 = arith.addf %add3A_1138, %add3A_739 : vector<1x1xf32>
    %add3A_2006 = arith.addf %add3A_1208, %add3A_676 : vector<1x1xf32>
    %add3A_2007 = arith.addf %add3A_1279, %add3A_614 : vector<1x1xf32>
    %add3A_2008 = arith.addf %add3A_1351, %add3A_553 : vector<1x1xf32>
    %add3A_2009 = arith.addf %add3A_1424, %add3A_493 : vector<1x1xf32>
    %add3A_2010 = arith.addf %add3A_1498, %add3A_434 : vector<1x1xf32>
    %add3A_2011 = arith.addf %add3A_1573, %add3A_376 : vector<1x1xf32>
    %add3A_2012 = arith.addf %add3A_1649, %add3A_319 : vector<1x1xf32>
    %add3A_2013 = arith.addf %add3A_1726, %add3A_263 : vector<1x1xf32>
    %add3A_2014 = arith.addf %add3A_1804, %add3A_208 : vector<1x1xf32>
    %add3A_2015 = arith.addf %add3A_1883, %add3A_155 : vector<1x1xf32>
    %add3A_2016 = arith.addf %add3A_1963, %broadcast_in_dim3A_22 : vector<1x1xf32>
    %concatenate3A_2017 = tpu.concatenate %add3A_1988, %add3A_1989, %add3A_1990, %add3A_1991, %add3A_1992, %add3A_1993, %add3A_1994, %add3A_1995, %add3A_1996, %add3A_1997, %add3A_1998, %add3A_1999, %add3A_2000, %add3A_2001, %add3A_2002, %add3A_2003, %add3A_2004, %add3A_2005, %add3A_2006, %add3A_2007, %add3A_2008, %add3A_2009, %add3A_2010, %add3A_2011, %add3A_2012, %add3A_2013, %add3A_2014, %add3A_2015, %add3A_2016 in 0 : vector<1x1xf32>, vector<1x1xf32>, vector<1x1xf32>, vector<1x1xf32>, vector<1x1xf32>, vector<1x1xf32>, vector<1x1xf32>, vector<1x1xf32>, vector<1x1xf32>, vector<1x1xf32>, vector<1x1xf32>, vector<1x1xf32>, vector<1x1xf32>, vector<1x1xf32>, vector<1x1xf32>, vector<1x1xf32>, vector<1x1xf32>, vector<1x1xf32>, vector<1x1xf32>, vector<1x1xf32>, vector<1x1xf32>, vector<1x1xf32>, vector<1x1xf32>, vector<1x1xf32>, vector<1x1xf32>, vector<1x1xf32>, vector<1x1xf32>, vector<1x1xf32>, vector<1x1xf32> -> vector<29x1xf32>
    %reduce_max3A_2018 = arith.constant dense<0xFF800000> : vector<1xf32>
    %reduce_max3A_2019 = vector.multi_reduction <maximumf>, %concatenate3A_2017, %reduce_max3A_2018 [0] : vector<29x1xf32> to vector<1xf32>
    %broadcast_in_dim3A_2020 = vector.shape_cast %reduce_max3A_2019 : vector<1xf32> to vector<1x1xf32>
    %sub3A_2021 = vector.broadcast %broadcast_in_dim3A_2020 : vector<1x1xf32> to vector<29x1xf32>
    %sub3A_2022 = arith.subf %concatenate3A_2017, %sub3A_2021 : vector<29x1xf32>
    %exp3A_2023 = math.exp %sub3A_2022 : vector<29x1xf32>
    %broadcast_in_dim3A_2024 = vector.shape_cast %exp3A_2023 : vector<29x1xf32> to vector<29x1x1xf32>
    %mul3A_2025 = arith.mulf %get3A_1983, %get3A_1987 : vector<29x24x1024xf32>
    %mul3A_2026 = vector.broadcast %broadcast_in_dim3A_2024 : vector<29x1x1xf32> to vector<29x24x1024xf32>
    %mul3A_2027 = arith.mulf %mul3A_2025, %mul3A_2026 : vector<29x24x1024xf32>
    %reduce_sum3A_2028 = arith.constant dense<0.000000e+00> : vector<24x1024xf32>
    %reduce_sum3A_2029 = vector.multi_reduction <add>, %mul3A_2027, %reduce_sum3A_2028 [0] : vector<29x24x1024xf32> to vector<24x1024xf32>
    %dot_general3A_2030 = arith.constant dense<0.000000e+00> : vector<24x32xf32>
    %dot_general3A_2031 = tpu.matmul %reduce_sum3A_2029, %div3A_38, %dot_general3A_2030 {dimension_numbers = #tpu.dot_dimension_numbers<[1], [1], [0], [0], [0, 0, 1, 0], [], []>, transpose_lhs_hint = false} : vector<24x1024xf32>, vector<32x1024xf32>, vector<24x32xf32> -> vector<24x32xf32>
    %reduce_max3A_2032 = arith.constant dense<0xFF800000> : vector<24xf32>
    %reduce_max3A_2033 = vector.multi_reduction <maximumf>, %dot_general3A_2031, %reduce_max3A_2032 [1] : vector<24x32xf32> to vector<24xf32>
    %broadcast_in_dim3A_2034 = vector.shape_cast %reduce_max3A_2033 : vector<24xf32> to vector<24x1xf32>
    %reduce_max3A_2035 = arith.constant dense<0xFF800000> : vector<1xf32>
    %reduce_max3A_2036 = vector.multi_reduction <maximumf>, %broadcast_in_dim3A_2034, %reduce_max3A_2035 [0] : vector<24x1xf32> to vector<1xf32>
    %broadcast_in_dim3A_2037 = vector.shape_cast %reduce_max3A_2036 : vector<1xf32> to vector<1x1xf32>
    %div3A_2038 = arith.constant 1.000000e+00 : f32
    %div3A_2039 = vector.broadcast %div3A_2038 : f32 to vector<1x1xf32>
    %div3A_2040 = arith.divf %div3A_2039, %broadcast_in_dim3A_2037 : vector<1x1xf32>
    %mul3A_2041 = vector.broadcast %div3A_2040 : vector<1x1xf32> to vector<24x32xf32>
    %mul3A_2042 = arith.mulf %dot_general3A_2031, %mul3A_2041 : vector<24x32xf32>
    %log3A_2043 = math.log %broadcast_in_dim3A_2037 : vector<1x1xf32>
    %add3A_2044 = arith.addf %broadcast_in_dim3A_2020, %log3A_2043 : vector<1x1xf32>
    %dot_general3A_2045 = arith.constant dense<0.000000e+00> : vector<24x1024xf32>
    %dot_general3A_2046 = tpu.matmul %mul3A_2042, %convert_element_type3A_59, %dot_general3A_2045 {dimension_numbers = #tpu.dot_dimension_numbers<[1], [0], [0], [1], [0, 0, 1, 1], [], []>, transpose_lhs_hint = false} : vector<24x32xf32>, vector<32x1024xf32>, vector<24x1024xf32> -> vector<24x1024xf32>
    %swap3A_2047 = arith.constant 30 : index
    %swap3A_2048 = arith.constant 0 : index
    %swap3A_2049 = arith.constant 0 : index
    %swap3A_2050 = vector.load %arg5[%swap3A_2047, %swap3A_2048, %swap3A_2049] : memref<33x264x1024xf32, #tpu.memory_space<vmem>>, vector<1x24x1024xf32>
    %swap3A_2051 = vector.shape_cast %swap3A_2050 : vector<1x24x1024xf32> to vector<24x1024xf32>
    %swap3A_2052 = vector.shape_cast %dot_general3A_2046 : vector<24x1024xf32> to vector<1x24x1024xf32>
    tpu.vector_store %arg5[%swap3A_2047, %swap3A_2048, %swap3A_2049], %swap3A_2052 {strides = array<i32>} : memref<33x264x1024xf32, #tpu.memory_space<vmem>>, vector<1x24x1024xf32>,
    %dot_general3A_2053 = arith.constant dense<0.000000e+00> : vector<24x1024xf32>
    %dot_general3A_2054 = tpu.matmul %mul3A_2042, %convert_element_type3A_92, %dot_general3A_2053 {dimension_numbers = #tpu.dot_dimension_numbers<[1], [0], [0], [1], [0, 0, 1, 1], [], []>, transpose_lhs_hint = false} : vector<24x32xf32>, vector<32x1024xf32>, vector<24x1024xf32> -> vector<24x1024xf32>
    %swap3A_2055 = arith.constant 3 : index
    %swap3A_2056 = arith.constant 240 : index
    %swap3A_2057 = arith.constant 0 : index
    %swap3A_2058 = vector.load %arg5[%swap3A_2055, %swap3A_2056, %swap3A_2057] : memref<33x264x1024xf32, #tpu.memory_space<vmem>>, vector<1x24x1024xf32>
    %swap3A_2059 = vector.shape_cast %swap3A_2058 : vector<1x24x1024xf32> to vector<24x1024xf32>
    %swap3A_2060 = vector.shape_cast %dot_general3A_2054 : vector<24x1024xf32> to vector<1x24x1024xf32>
    tpu.vector_store %arg5[%swap3A_2055, %swap3A_2056, %swap3A_2057], %swap3A_2060 {strides = array<i32>} : memref<33x264x1024xf32, #tpu.memory_space<vmem>>, vector<1x24x1024xf32>,
    %get3A_2061 = arith.constant 1 : index
    %get3A_2062 = arith.constant 0 : index
    %get3A_2063 = arith.constant 0 : index
    %get3A_2064 = vector.load %arg5[%get3A_2061, %get3A_2062, %get3A_2063] : memref<33x264x1024xf32, #tpu.memory_space<vmem>>, vector<30x16x1024xf32>
    %get3A_2065 = arith.constant 3 : index
    %get3A_2066 = arith.constant 248 : index
    %get3A_2067 = arith.constant 0 : index
    %get3A_2068 = vector.load %arg5[%get3A_2065, %get3A_2066, %get3A_2067] : memref<33x264x1024xf32, #tpu.memory_space<vmem>>, vector<30x16x1024xf32>
    %add3A_2069 = arith.addf %broadcast_in_dim3A_22, %add3A_2044 : vector<1x1xf32>
    %add3A_2070 = arith.addf %add3A_155, %add3A_1963 : vector<1x1xf32>
    %add3A_2071 = arith.addf %add3A_208, %add3A_1883 : vector<1x1xf32>
    %add3A_2072 = arith.addf %add3A_263, %add3A_1804 : vector<1x1xf32>
    %add3A_2073 = arith.addf %add3A_319, %add3A_1726 : vector<1x1xf32>
    %add3A_2074 = arith.addf %add3A_376, %add3A_1649 : vector<1x1xf32>
    %add3A_2075 = arith.addf %add3A_434, %add3A_1573 : vector<1x1xf32>
    %add3A_2076 = arith.addf %add3A_493, %add3A_1498 : vector<1x1xf32>
    %add3A_2077 = arith.addf %add3A_553, %add3A_1424 : vector<1x1xf32>
    %add3A_2078 = arith.addf %add3A_614, %add3A_1351 : vector<1x1xf32>
    %add3A_2079 = arith.addf %add3A_676, %add3A_1279 : vector<1x1xf32>
    %add3A_2080 = arith.addf %add3A_739, %add3A_1208 : vector<1x1xf32>
    %add3A_2081 = arith.addf %add3A_803, %add3A_1138 : vector<1x1xf32>
    %add3A_2082 = arith.addf %add3A_868, %add3A_1069 : vector<1x1xf32>
    %add3A_2083 = arith.addf %add3A_934, %add3A_1001 : vector<1x1xf32>
    %add3A_2084 = arith.addf %add3A_1001, %add3A_934 : vector<1x1xf32>
    %add3A_2085 = arith.addf %add3A_1069, %add3A_868 : vector<1x1xf32>
    %add3A_2086 = arith.addf %add3A_1138, %add3A_803 : vector<1x1xf32>
    %add3A_2087 = arith.addf %add3A_1208, %add3A_739 : vector<1x1xf32>
    %add3A_2088 = arith.addf %add3A_1279, %add3A_676 : vector<1x1xf32>
    %add3A_2089 = arith.addf %add3A_1351, %add3A_614 : vector<1x1xf32>
    %add3A_2090 = arith.addf %add3A_1424, %add3A_553 : vector<1x1xf32>
    %add3A_2091 = arith.addf %add3A_1498, %add3A_493 : vector<1x1xf32>
    %add3A_2092 = arith.addf %add3A_1573, %add3A_434 : vector<1x1xf32>
    %add3A_2093 = arith.addf %add3A_1649, %add3A_376 : vector<1x1xf32>
    %add3A_2094 = arith.addf %add3A_1726, %add3A_319 : vector<1x1xf32>
    %add3A_2095 = arith.addf %add3A_1804, %add3A_263 : vector<1x1xf32>
    %add3A_2096 = arith.addf %add3A_1883, %add3A_208 : vector<1x1xf32>
    %add3A_2097 = arith.addf %add3A_1963, %add3A_155 : vector<1x1xf32>
    %add3A_2098 = arith.addf %add3A_2044, %broadcast_in_dim3A_22 : vector<1x1xf32>
    %concatenate3A_2099 = tpu.concatenate %add3A_2069, %add3A_2070, %add3A_2071, %add3A_2072, %add3A_2073, %add3A_2074, %add3A_2075, %add3A_2076, %add3A_2077, %add3A_2078, %add3A_2079, %add3A_2080, %add3A_2081, %add3A_2082, %add3A_2083, %add3A_2084, %add3A_2085, %add3A_2086, %add3A_2087, %add3A_2088, %add3A_2089, %add3A_2090, %add3A_2091, %add3A_2092, %add3A_2093, %add3A_2094, %add3A_2095, %add3A_2096, %add3A_2097, %add3A_2098 in 0 : vector<1x1xf32>, vector<1x1xf32>, vector<1x1xf32>, vector<1x1xf32>, vector<1x1xf32>, vector<1x1xf32>, vector<1x1xf32>, vector<1x1xf32>, vector<1x1xf32>, vector<1x1xf32>, vector<1x1xf32>, vector<1x1xf32>, vector<1x1xf32>, vector<1x1xf32>, vector<1x1xf32>, vector<1x1xf32>, vector<1x1xf32>, vector<1x1xf32>, vector<1x1xf32>, vector<1x1xf32>, vector<1x1xf32>, vector<1x1xf32>, vector<1x1xf32>, vector<1x1xf32>, vector<1x1xf32>, vector<1x1xf32>, vector<1x1xf32>, vector<1x1xf32>, vector<1x1xf32>, vector<1x1xf32> -> vector<30x1xf32>
    %reduce_max3A_2100 = arith.constant dense<0xFF800000> : vector<1xf32>
    %reduce_max3A_2101 = vector.multi_reduction <maximumf>, %concatenate3A_2099, %reduce_max3A_2100 [0] : vector<30x1xf32> to vector<1xf32>
    %broadcast_in_dim3A_2102 = vector.shape_cast %reduce_max3A_2101 : vector<1xf32> to vector<1x1xf32>
    %sub3A_2103 = vector.broadcast %broadcast_in_dim3A_2102 : vector<1x1xf32> to vector<30x1xf32>
    %sub3A_2104 = arith.subf %concatenate3A_2099, %sub3A_2103 : vector<30x1xf32>
    %exp3A_2105 = math.exp %sub3A_2104 : vector<30x1xf32>
    %broadcast_in_dim3A_2106 = vector.shape_cast %exp3A_2105 : vector<30x1xf32> to vector<30x1x1xf32>
    %mul3A_2107 = arith.mulf %get3A_2064, %get3A_2068 : vector<30x16x1024xf32>
    %mul3A_2108 = vector.broadcast %broadcast_in_dim3A_2106 : vector<30x1x1xf32> to vector<30x16x1024xf32>
    %mul3A_2109 = arith.mulf %mul3A_2107, %mul3A_2108 : vector<30x16x1024xf32>
    %reduce_sum3A_2110 = arith.constant dense<0.000000e+00> : vector<16x1024xf32>
    %reduce_sum3A_2111 = vector.multi_reduction <add>, %mul3A_2109, %reduce_sum3A_2110 [0] : vector<30x16x1024xf32> to vector<16x1024xf32>
    %dot_general3A_2112 = arith.constant dense<0.000000e+00> : vector<16x32xf32>
    %dot_general3A_2113 = tpu.matmul %reduce_sum3A_2111, %div3A_38, %dot_general3A_2112 {dimension_numbers = #tpu.dot_dimension_numbers<[1], [1], [0], [0], [0, 0, 1, 0], [], []>, transpose_lhs_hint = false} : vector<16x1024xf32>, vector<32x1024xf32>, vector<16x32xf32> -> vector<16x32xf32>
    %reduce_max3A_2114 = arith.constant dense<0xFF800000> : vector<16xf32>
    %reduce_max3A_2115 = vector.multi_reduction <maximumf>, %dot_general3A_2113, %reduce_max3A_2114 [1] : vector<16x32xf32> to vector<16xf32>
    %broadcast_in_dim3A_2116 = vector.shape_cast %reduce_max3A_2115 : vector<16xf32> to vector<16x1xf32>
    %reduce_max3A_2117 = arith.constant dense<0xFF800000> : vector<1xf32>
    %reduce_max3A_2118 = vector.multi_reduction <maximumf>, %broadcast_in_dim3A_2116, %reduce_max3A_2117 [0] : vector<16x1xf32> to vector<1xf32>
    %broadcast_in_dim3A_2119 = vector.shape_cast %reduce_max3A_2118 : vector<1xf32> to vector<1x1xf32>
    %div3A_2120 = arith.constant 1.000000e+00 : f32
    %div3A_2121 = vector.broadcast %div3A_2120 : f32 to vector<1x1xf32>
    %div3A_2122 = arith.divf %div3A_2121, %broadcast_in_dim3A_2119 : vector<1x1xf32>
    %mul3A_2123 = vector.broadcast %div3A_2122 : vector<1x1xf32> to vector<16x32xf32>
    %mul3A_2124 = arith.mulf %dot_general3A_2113, %mul3A_2123 : vector<16x32xf32>
    %log3A_2125 = math.log %broadcast_in_dim3A_2119 : vector<1x1xf32>
    %add3A_2126 = arith.addf %broadcast_in_dim3A_2102, %log3A_2125 : vector<1x1xf32>
    %dot_general3A_2127 = arith.constant dense<0.000000e+00> : vector<16x1024xf32>
    %dot_general3A_2128 = tpu.matmul %mul3A_2124, %convert_element_type3A_59, %dot_general3A_2127 {dimension_numbers = #tpu.dot_dimension_numbers<[1], [0], [0], [1], [0, 0, 1, 1], [], []>, transpose_lhs_hint = false} : vector<16x32xf32>, vector<32x1024xf32>, vector<16x1024xf32> -> vector<16x1024xf32>
    %swap3A_2129 = arith.constant 31 : index
    %swap3A_2130 = arith.constant 0 : index
    %swap3A_2131 = arith.constant 0 : index
    %swap3A_2132 = vector.load %arg5[%swap3A_2129, %swap3A_2130, %swap3A_2131] : memref<33x264x1024xf32, #tpu.memory_space<vmem>>, vector<1x16x1024xf32>
    %swap3A_2133 = vector.shape_cast %swap3A_2132 : vector<1x16x1024xf32> to vector<16x1024xf32>
    %swap3A_2134 = vector.shape_cast %dot_general3A_2128 : vector<16x1024xf32> to vector<1x16x1024xf32>
    tpu.vector_store %arg5[%swap3A_2129, %swap3A_2130, %swap3A_2131], %swap3A_2134 {strides = array<i32>} : memref<33x264x1024xf32, #tpu.memory_space<vmem>>, vector<1x16x1024xf32>,
    %dot_general3A_2135 = arith.constant dense<0.000000e+00> : vector<16x1024xf32>
    %dot_general3A_2136 = tpu.matmul %mul3A_2124, %convert_element_type3A_92, %dot_general3A_2135 {dimension_numbers = #tpu.dot_dimension_numbers<[1], [0], [0], [1], [0, 0, 1, 1], [], []>, transpose_lhs_hint = false} : vector<16x32xf32>, vector<32x1024xf32>, vector<16x1024xf32> -> vector<16x1024xf32>
    %swap3A_2137 = arith.constant 2 : index
    %swap3A_2138 = arith.constant 248 : index
    %swap3A_2139 = arith.constant 0 : index
    %swap3A_2140 = vector.load %arg5[%swap3A_2137, %swap3A_2138, %swap3A_2139] : memref<33x264x1024xf32, #tpu.memory_space<vmem>>, vector<1x16x1024xf32>
    %swap3A_2141 = vector.shape_cast %swap3A_2140 : vector<1x16x1024xf32> to vector<16x1024xf32>
    %swap3A_2142 = vector.shape_cast %dot_general3A_2136 : vector<16x1024xf32> to vector<1x16x1024xf32>
    tpu.vector_store %arg5[%swap3A_2137, %swap3A_2138, %swap3A_2139], %swap3A_2142 {strides = array<i32>} : memref<33x264x1024xf32, #tpu.memory_space<vmem>>, vector<1x16x1024xf32>,
    %get3A_2143 = arith.constant 1 : index
    %get3A_2144 = arith.constant 0 : index
    %get3A_2145 = arith.constant 0 : index
    %get3A_2146 = vector.load %arg5[%get3A_2143, %get3A_2144, %get3A_2145] : memref<33x264x1024xf32, #tpu.memory_space<vmem>>, vector<31x8x1024xf32>
    %get3A_2147 = arith.constant 2 : index
    %get3A_2148 = arith.constant 256 : index
    %get3A_2149 = arith.constant 0 : index
    %get3A_2150 = vector.load %arg5[%get3A_2147, %get3A_2148, %get3A_2149] : memref<33x264x1024xf32, #tpu.memory_space<vmem>>, vector<31x8x1024xf32>
    %add3A_2151 = arith.addf %broadcast_in_dim3A_22, %add3A_2126 : vector<1x1xf32>
    %add3A_2152 = arith.addf %add3A_155, %add3A_2044 : vector<1x1xf32>
    %add3A_2153 = arith.addf %add3A_208, %add3A_1963 : vector<1x1xf32>
    %add3A_2154 = arith.addf %add3A_263, %add3A_1883 : vector<1x1xf32>
    %add3A_2155 = arith.addf %add3A_319, %add3A_1804 : vector<1x1xf32>
    %add3A_2156 = arith.addf %add3A_376, %add3A_1726 : vector<1x1xf32>
    %add3A_2157 = arith.addf %add3A_434, %add3A_1649 : vector<1x1xf32>
    %add3A_2158 = arith.addf %add3A_493, %add3A_1573 : vector<1x1xf32>
    %add3A_2159 = arith.addf %add3A_553, %add3A_1498 : vector<1x1xf32>
    %add3A_2160 = arith.addf %add3A_614, %add3A_1424 : vector<1x1xf32>
    %add3A_2161 = arith.addf %add3A_676, %add3A_1351 : vector<1x1xf32>
    %add3A_2162 = arith.addf %add3A_739, %add3A_1279 : vector<1x1xf32>
    %add3A_2163 = arith.addf %add3A_803, %add3A_1208 : vector<1x1xf32>
    %add3A_2164 = arith.addf %add3A_868, %add3A_1138 : vector<1x1xf32>
    %add3A_2165 = arith.addf %add3A_934, %add3A_1069 : vector<1x1xf32>
    %add3A_2166 = arith.addf %add3A_1001, %add3A_1001 : vector<1x1xf32>
    %add3A_2167 = arith.addf %add3A_1069, %add3A_934 : vector<1x1xf32>
    %add3A_2168 = arith.addf %add3A_1138, %add3A_868 : vector<1x1xf32>
    %add3A_2169 = arith.addf %add3A_1208, %add3A_803 : vector<1x1xf32>
    %add3A_2170 = arith.addf %add3A_1279, %add3A_739 : vector<1x1xf32>
    %add3A_2171 = arith.addf %add3A_1351, %add3A_676 : vector<1x1xf32>
    %add3A_2172 = arith.addf %add3A_1424, %add3A_614 : vector<1x1xf32>
    %add3A_2173 = arith.addf %add3A_1498, %add3A_553 : vector<1x1xf32>
    %add3A_2174 = arith.addf %add3A_1573, %add3A_493 : vector<1x1xf32>
    %add3A_2175 = arith.addf %add3A_1649, %add3A_434 : vector<1x1xf32>
    %add3A_2176 = arith.addf %add3A_1726, %add3A_376 : vector<1x1xf32>
    %add3A_2177 = arith.addf %add3A_1804, %add3A_319 : vector<1x1xf32>
    %add3A_2178 = arith.addf %add3A_1883, %add3A_263 : vector<1x1xf32>
    %add3A_2179 = arith.addf %add3A_1963, %add3A_208 : vector<1x1xf32>
    %add3A_2180 = arith.addf %add3A_2044, %add3A_155 : vector<1x1xf32>
    %add3A_2181 = arith.addf %add3A_2126, %broadcast_in_dim3A_22 : vector<1x1xf32>
    %concatenate3A_2182 = tpu.concatenate %add3A_2151, %add3A_2152, %add3A_2153, %add3A_2154, %add3A_2155, %add3A_2156, %add3A_2157, %add3A_2158, %add3A_2159, %add3A_2160, %add3A_2161, %add3A_2162, %add3A_2163, %add3A_2164, %add3A_2165, %add3A_2166, %add3A_2167, %add3A_2168, %add3A_2169, %add3A_2170, %add3A_2171, %add3A_2172, %add3A_2173, %add3A_2174, %add3A_2175, %add3A_2176, %add3A_2177, %add3A_2178, %add3A_2179, %add3A_2180, %add3A_2181 in 0 : vector<1x1xf32>, vector<1x1xf32>, vector<1x1xf32>, vector<1x1xf32>, vector<1x1xf32>, vector<1x1xf32>, vector<1x1xf32>, vector<1x1xf32>, vector<1x1xf32>, vector<1x1xf32>, vector<1x1xf32>, vector<1x1xf32>, vector<1x1xf32>, vector<1x1xf32>, vector<1x1xf32>, vector<1x1xf32>, vector<1x1xf32>, vector<1x1xf32>, vector<1x1xf32>, vector<1x1xf32>, vector<1x1xf32>, vector<1x1xf32>, vector<1x1xf32>, vector<1x1xf32>, vector<1x1xf32>, vector<1x1xf32>, vector<1x1xf32>, vector<1x1xf32>, vector<1x1xf32>, vector<1x1xf32>, vector<1x1xf32> -> vector<31x1xf32>
    %reduce_max3A_2183 = arith.constant dense<0xFF800000> : vector<1xf32>
    %reduce_max3A_2184 = vector.multi_reduction <maximumf>, %concatenate3A_2182, %reduce_max3A_2183 [0] : vector<31x1xf32> to vector<1xf32>
    %broadcast_in_dim3A_2185 = vector.shape_cast %reduce_max3A_2184 : vector<1xf32> to vector<1x1xf32>
    %sub3A_2186 = vector.broadcast %broadcast_in_dim3A_2185 : vector<1x1xf32> to vector<31x1xf32>
    %sub3A_2187 = arith.subf %concatenate3A_2182, %sub3A_2186 : vector<31x1xf32>
    %exp3A_2188 = math.exp %sub3A_2187 : vector<31x1xf32>
    %broadcast_in_dim3A_2189 = vector.shape_cast %exp3A_2188 : vector<31x1xf32> to vector<31x1x1xf32>
    %mul3A_2190 = arith.mulf %get3A_2146, %get3A_2150 : vector<31x8x1024xf32>
    %mul3A_2191 = vector.broadcast %broadcast_in_dim3A_2189 : vector<31x1x1xf32> to vector<31x8x1024xf32>
    %mul3A_2192 = arith.mulf %mul3A_2190, %mul3A_2191 : vector<31x8x1024xf32>
    %reduce_sum3A_2193 = arith.constant dense<0.000000e+00> : vector<8x1024xf32>
    %reduce_sum3A_2194 = vector.multi_reduction <add>, %mul3A_2192, %reduce_sum3A_2193 [0] : vector<31x8x1024xf32> to vector<8x1024xf32>
    %dot_general3A_2195 = arith.constant dense<0.000000e+00> : vector<8x32xf32>
    %dot_general3A_2196 = tpu.matmul %reduce_sum3A_2194, %div3A_38, %dot_general3A_2195 {dimension_numbers = #tpu.dot_dimension_numbers<[1], [1], [0], [0], [0, 0, 1, 0], [], []>, transpose_lhs_hint = false} : vector<8x1024xf32>, vector<32x1024xf32>, vector<8x32xf32> -> vector<8x32xf32>
    %mul3A_2197 = vector.broadcast %div3A_121 : vector<1x32xf32> to vector<8x32xf32>
    %mul3A_2198 = arith.mulf %dot_general3A_2196, %mul3A_2197 : vector<8x32xf32>
    %reduce_sum3A_2199 = arith.constant dense<0.000000e+00> : vector<8xf32>
    %reduce_sum3A_2200 = vector.multi_reduction <add>, %mul3A_2198, %reduce_sum3A_2199 [1] : vector<8x32xf32> to vector<8xf32>
    %broadcast_in_dim3A_2201 = vector.shape_cast %reduce_sum3A_2200 : vector<8xf32> to vector<8x1xf32>
    %log3A_2202 = math.log %broadcast_in_dim3A_2201 : vector<8x1xf32>
    %add3A_2203 = vector.broadcast %broadcast_in_dim3A_2185 : vector<1x1xf32> to vector<8x1xf32>
    %add3A_2204 = arith.addf %add3A_2203, %log3A_2202 : vector<8x1xf32>
    %swap3A_2205 = arith.constant 0 : index
    %swap3A_2206 = arith.constant 0 : index
    %swap3A_2207 = vector.load %arg4[%swap3A_2205, %swap3A_2206] : memref<8x1xf32, #tpu.memory_space<vmem>>, vector<8x1xf32>
    tpu.vector_store %arg4[%swap3A_2205, %swap3A_2206], %add3A_2204 {strides = array<i32>} : memref<8x1xf32, #tpu.memory_space<vmem>>, vector<8x1xf32>,
    return
  }
}

</mosaic_0001>

<sc_bundles>
// kernel: kernel.4.cloned.1.call-start
scs
__scs_entry_jumppad:
0x0: {  	(pc) =	sbr.rel $0x88, $3  }
0x1: {  	(tag) =	ssettag $0x0;
	lr =	simm.s32 $0x1  }
0x2: {  	[smem:$0x3F9D] =	sst lr;
	_ =	strace $0xD0000000  }
0x3: {  	_ = 	snop  }
0x4: {  	_ = 	snop  }
0x5: {  	_ = 	snop  }
0x6: {  	_ = 	snop  }
0x7: {  	_ = 	snop  }
__scs_overlays_trampoline_lowered:
0x8: {  	[smem:$0x3FAC] =	sst s0  }
0x9: {  	[smem:$0x3FAD] =	sst s1  }
0xa: {  	[smem:$0x3FAE] =	sst s2  }
0xb: {  	[smem:$0x3FAF] =	sst s3  }
0xc: {  	[smem:$0x3FB0] =	sst s4  }
0xd: {  	[smem:$0x3FB1] =	sst s5  }
0xe: {  	[smem:$0x3FB2] =	sst s6  }
0xf: {  	[smem:$0x3FB3] =	sst s7  }
0x10: {  	[smem:$0x3FB4] =	sst s8  }
0x11: {  	[smem:$0x3FB5] =	sst s9;
	s0 =	simm.s32 @!p0 $0x0  }
0x12: {  	s1 =	sld [smem:$0x3F9B];
	s0 =	simm.s32 @p0 $0x1  }
0x13: {  	[smem:$0x3FB6] =	sst s0;
	s0 =	simm.s32 @!p1 $0x0  }
0x14: {  	s2 =	sld [smem:$0x3F9A];
	s0 =	simm.s32 @p1 $0x1  }
0x15: {  	[smem:$0x3FB7] =	sst s0;
	s0 =	simm.s32 @!p2 $0x0  }
0x16: {  	s3 =	sld [smem:$0x3FDB];
	s0 =	simm.s32 @p2 $0x1  }
0x17: {  	s4 =	simm.s32 $0x1BF5;
	[smem:$0x3FB9] =	sst s0  }
0x18: {  	s0 =	sld [smem:$0x3F9C];
	_ =	swait.ge [sflag:s4], $0x0  }
0x19: {  	s7 =	sld [smem:$0x3F9D]  }
0x1a: {  	s8 =	sadd.s32 $0xFFFFE003, lr  }
0x1b: {  	s9 =	sadd.s32 $0xFFFFFEF7, lr;
	s5 =	simm.s32 $0xFFFFFFFF;
	p2 =	slt.u32 s8, $0xFFFFF086  }
0x1c: {  	p1 =	slt.u32 s9, $0xF7A;
	s5 =	simm.s32 @!p2 $0x0  }
0x1d: {  	s5 =	simm.s32 @p1 $0x1;
	p0 =	seq.s32 s7, s2  }
0x1e: {  	s7 =	smul.u32 @!p0 $0xF7A, s2;
	p2 =	seq.s32 @!p0 s5, $0x0  }
0x1f: {  	s9 =	smul.u32 $0xF7A, s1;
	s8 =	simm.s32 @!p0 $0x1BF5;
	p2 =	por !p2, p0  }
0x20: {  	[sflag:s8] =	ssyncset.s32 @!p0 $0xFFFFF086;
	s6 =	sadd.s32 @!p0 s3, s7;
	s7 =	simm.s32 @!p0 $0x108  }
0x21: {  	s3 =	sadd.s32 s3, s9;
	s6 =	sadd.s32 @!p0 $0x88, s6;
	s7 =	simm.s32 @p2 $0x1082  }
0x22: {  	[simem:s7], [sflag:s8] =	dma.local @!p0 [hbm:s6], $0xF7A  }
0x23: {  	s9 =	sor.u32 $0xD0000000, s2;
	s6 =	simm.s32 $0x108;
	_ =	swait.ge @!p0 [sflag:s8], $0x0  }
0x24: {  	s3 =	sadd.s32 $0x88, s3;
	s6 =	simm.s32 @!p1 $0x1082;
	[sflag:s4] =	ssyncset.s32 $0xFFFFF086  }
0x25: {  	[simem:s6], [sflag:s4] =	dma.local [hbm:s3], $0xF7A  }
0x26: {  	[smem:$0x3F9D] =	sst s1;
	(tag) =	ssettag s2;
	_ =	strace s9  }
0x27: {  	s1 =	sld [smem:$0x3FAD]  }
0x28: {  	s2 =	sld [smem:$0x3FAE]  }
0x29: {  	s4 =	sld [smem:$0x3FB0]  }
0x2a: {  	p0 =	seq.s32 s5, $0x0;
	s5 =	sld [smem:$0x3FB1]  }
0x2b: {  	s6 =	sld [smem:$0x3FB2]  }
0x2c: {  	s7 =	sld [smem:$0x3FB3]  }
0x2d: {  	s3 =	simm.s32 $0x108;
	s8 =	sld [smem:$0x3FB4]  }
0x2e: {  	s3 =	simm.s32 @!p0 $0x1082;
	s9 =	sld [smem:$0x3FB5]  }
0x2f: {  	lr =	sadd.s32 s0, s3;
	s0 =	sld [smem:$0x3FAC]  }
0x30: {  	s3 =	sld [smem:$0x3FAF]  }
0x31: {  	[smem:$0x3FB8] =	sst s10  }
0x32: {  	s10 =	sld [smem:$0x3FB6];
	_ =	sdelay $0x3  }
0x33: {  	p0 =	seq.s32 s10, $0x1;
	s10 =	sld [smem:$0x3FB8];
	_ =	sdelay $0x3  }
0x34: {  	[smem:$0x3FB8] =	sst s10  }
0x35: {  	s10 =	sld [smem:$0x3FB7];
	_ =	sdelay $0x3  }
0x36: {  	p1 =	seq.s32 s10, $0x1;
	s10 =	sld [smem:$0x3FB8];
	_ =	sdelay $0x3  }
0x37: {  	[smem:$0x3FB8] =	sst s10  }
0x38: {  	s10 =	sld [smem:$0x3FB9]  }
0x39: {  	_ = 	snop;
	(pc) =	sbr.ind lr, $3  }
0x3a: {  	_ = 	snop  }
0x3b: {  	_ = 	snop  }
0x3c: {  	p2 =	seq.s32 s10, $0x1;
	s10 =	sld [smem:$0x3FB8]  }
0x3d: {  	_ =	shalt  }
0x3e: {  	_ =	shalt  }
0x3f: {  	_ =	shalt  }
0x40: {  	_ =	shalt  }
0x41: {  	_ =	shalt  }
0x42: {  	_ =	shalt  }
0x43: {  	_ =	shalt  }
0x44: {  	_ =	shalt  }
0x45: {  	_ =	shalt  }
0x46: {  	_ =	shalt  }
0x47: {  	_ =	shalt  }
0x48: {  	_ =	shalt  }
0x49: {  	_ =	shalt  }
0x4a: {  	_ =	shalt  }
0x4b: {  	_ =	shalt  }
0x4c: {  	_ =	shalt  }
0x4d: {  	_ =	shalt  }
0x4e: {  	_ =	shalt  }
0x4f: {  	_ =	shalt  }
0x50: {  	_ =	shalt  }
0x51: {  	_ =	shalt  }
0x52: {  	_ =	shalt  }
0x53: {  	_ =	shalt  }
0x54: {  	_ =	shalt  }
0x55: {  	_ =	shalt  }
0x56: {  	_ =	shalt  }
0x57: {  	_ =	shalt  }
0x58: {  	_ =	shalt  }
0x59: {  	_ =	shalt  }
0x5a: {  	_ =	shalt  }
0x5b: {  	_ =	shalt  }
0x5c: {  	_ =	shalt  }
0x5d: {  	_ =	shalt  }
0x5e: {  	_ =	shalt  }
0x5f: {  	_ =	shalt  }
0x60: {  	_ =	shalt  }
0x61: {  	_ =	shalt  }
0x62: {  	_ =	shalt  }
0x63: {  	_ =	shalt  }
0x64: {  	_ =	shalt  }
0x65: {  	_ =	shalt  }
0x66: {  	_ =	shalt  }
0x67: {  	_ =	shalt  }
0x68: {  	_ =	shalt  }
0x69: {  	_ =	shalt  }
0x6a: {  	_ =	shalt  }
0x6b: {  	_ =	shalt  }
0x6c: {  	_ =	shalt  }
0x6d: {  	_ =	shalt  }
0x6e: {  	_ =	shalt  }
0x6f: {  	_ =	shalt  }
0x70: {  	_ =	shalt  }
0x71: {  	_ =	shalt  }
0x72: {  	_ =	shalt  }
0x73: {  	_ =	shalt  }
0x74: {  	_ =	shalt  }
0x75: {  	_ =	shalt  }
0x76: {  	_ =	shalt  }
0x77: {  	_ =	shalt  }
0x78: {  	_ =	shalt  }
0x79: {  	_ =	shalt  }
0x7a: {  	_ =	shalt  }
0x7b: {  	_ =	shalt  }
0x7c: {  	_ =	shalt  }
0x7d: {  	_ =	shalt  }
0x7e: {  	_ =	shalt  }
0x7f: {  	_ =	shalt  }
0x80: {  	_ =	shalt  }
0x81: {  	_ =	shalt  }
0x82: {  	_ =	shalt  }
0x83: {  	_ =	shalt  }
0x84: {  	_ =	shalt  }
0x85: {  	_ =	shalt  }
0x86: {  	_ =	shalt  }
0x87: {  	_ =	shalt  }
.Lfunc_end0:
.L_simem_size_0:
called_computation_lowered:
.L_overlay_start_0:
0x88: {  	s2 =	sld [smem:$0x3FD9]  }
0x89: {  	s3 =	sld [smem:$0x3FFE];
	_ =	sdelay $0x1  }
0x8a: {  	s1 =	srdreg.scid  }
0x8b: {  	s0 =	sand.u32 $0x1, s1  }
0x8c: {  	s16 =	sshll.u32 s0, $0xA;
	s2 =	sadd.s32 s3, s2  }
0x8d: {  	s2 =	sadd.s32 s2, s16  }
0x8e: {  	[smem:$0x3FC4] =	sst s2  }
0x8f: {  	_ = 	snop  }
0x90: {  	(tm) =	ssettm $0x1  }
0x91: {  	s17 =	sld [smem:$0x3FFB];
	_ =	sdelay $0x3  }
0x92: {  	_ =	strace s17  }
0x93: {  	s2 =	sld [smem:$0x3FFC];
	_ =	sdelay $0x3  }
0x94: {  	_ =	strace s2  }
0x95: {  	s2 =	sld [smem:$0x3FFD];
	_ =	sdelay $0x3  }
0x96: {  	_ =	strace s2  }
0x97: {  	_ =	strace $0x8FFFFFFF  }
0x98: {  	s18 =	sld [smem:$0x3FDB];
	_ =	sdelay $0x1  }
0x99: {  	s19 =	simm.s32 $_scs_section_size  }
0x9a: {  	s4 =	simm.s32 $_size__tile_overlayer_lowered;
	s5 =	simm.s32 $_tile_overlayer_lowered  }
0x9b: {  	s22 =	simm.s32 $0x1BFF;
	s21 =	sshll.u32 s5, $0x1;
	s2 =	sadd.s32 s19, s18  }
0x9c: {  	s6 =	simm.s32 $0x0;
	s20 =	sshll.u32 s4, $0x1;
	s4 =	sadd.s32 s21, s2  }
0x9d: {  	[timem:s6], [sflag:s22] =	dma.local [hbm:s4], s20  }
0x9e: {  	_ =	swait.ge [sflag:s22], s20  }
0x9f: {  	s3 =	ssub.s32 $0x0, s20;
	[sflag:s22] =	ssyncset.done $0x0  }
0xa0: {  	[sflag:s22] =	ssyncadd.s32 s3;
	_ =	sdelay $0x1  }
0xa1: {  	s23 =	simm.s32 $0x1B8B  }
0xa2: {  	_ =	swait.ge [sflag:s23], $0x1  }
0xa3: {  	[sflag:s23] =	ssyncset.done $0x0  }
0xa4: {  	s25 =	simm.s32 $0x1B8E;
	s24 =	sld [smem:$0x3FFE];
	[sflag:s23] =	ssyncadd.s32 $0xFFFFFFFF  }
0xa5: {  	s26 =	simm.s32 $execute0_lowered;
	[smem:$0x3FD2] =	sst s25  }
0xa6: {  	s4 =	sshll.u32 s26, $0x1;
	_ =	strace $0x80000046;
	[dreg:$0x1] =	wrdreg $0xFFFFFFFF  }
0xa7: {  	s28 =	simm.s32 $_size_execute0_lowered;
	s2 =	sadd.s32 s2, s4;
	[dreg:$0x0] =	wrdreg $0x0  }
0xa8: {  	s4 =	sshll.u32 s28, $0x1;
	[dreg:$0x2] =	wrdreg s2  }
0xa9: {  	[dreg:$0x3] =	wrdreg s4  }
0xaa: {  	[dreg:$0x4] =	wrdreg $0xC0  }
0xab: {  	_ =	task [dreg:s6], $0x5FFFF  }
0xac: {  	[dreg:$0x1] =	wrdreg $0xFFFFFFFF  }
0xad: {  	[dreg:$0x0] =	wrdreg $0x60  }
0xae: {  	[dreg:$0x2] =	wrdreg s24  }
0xaf: {  	[dreg:$0x3] =	wrdreg $0x9  }
0xb0: {  	_ =	task.clear_ibuf [dreg:s6], $0x4FFFF;
	_ =	strace $0x90000046  }
0xb1: {  	s29 =	simm.s32 $0x9;
	_ =	strace $0x80000048  }
0xb2: {  	_ =	swait.ge [sflag:s29], $0x1  }
0xb3: {  	[sflag:s29] =	ssyncadd.s32 $0xFFFFFFFF  }
0xb4: {  	_ =	strace $0x90000048  }
0xb5: {  	_ =	sfence  }
0xb6: {  	s30 =	sld [smem:$0x0];
	_ =	sdelay $0x2  }
0xb7: {  	s31 =	sshll.u32 s1, $0xD;
	s1 =	sshrl.u32 s1, $0x2  }
0xb8: {  	s3 =	sand.u32 $0x4000, s31;
	s1 =	sadd.s32 s1, s30  }
0xb9: {  	s0 =	sor.u32 s3, s0;
	s1 =	sshll.u32 s1, $0x11  }
0xba: {  	s0 =	sor.u32 s1, s0  }
0xbb: {  	s0 =	sadd.s32 $0x8F2B, s0  }
0xbc: {  	[sflag:s0] =	ssyncadd.remote.s32 $0x1  }
0xbd: {  	_ =	sfence.sel $0xFFFF  }
0xbe: {  	[dreg:$0x0] =	wrdreg $0xFFFFFFFF;
	(pc) =	sbr.abs _section_cstart, $3  }
0xbf: {  	[dreg:$0x1] =	wrdreg $0xFFFFFFFF  }
0xc0: {  	_ =	task.clear_ibuf [dreg:s6], $0x2FFFF;
	_ =	strace $0x9FFFFFFF  }
0xc1: {  	(tm) =	ssettm $0x7FFFFFFF  }
tec
execute0_lowered:
.L_overlay_start_1:
0x0: {  	(tag) =	ssettag $0x1  }
0x1: {  	s1 =	srdreg.scid  }
0x2: {  	s0 =	stileid.u32;
	s5 =	rddreg [dreg:$0x0];
	s11 =	simm.s32 $0x80  }
0x3: {  	s12 =	simm.s32 $0x2880;
	s13 =	simm.s32 $0x2800;
	s14 =	simm.s32 $0x2900  }
0x4: {  	s15 =	simm.s32 $0x1;
	s16 =	simm.s32 $0x2980;
	s18 =	simm.s32 $0x400  }
0x5: {  	s19 =	simm.s32 $0x0;
	s6 =	sand.u32 $0x1, s1;
	s2 =	sshll.u32 s0, $0x1  }
0x6: {  	s1 =	rddreg [dreg:$0x1];
	s8 =	sshrl.u32 s0, $0x2;
	s7 =	sor.u32 s6, s2  }
0x7: {  	s2 =	simm.s32 $0x0;
	s4 =	sshll.u32 s8, $0xB;
	s8 =	sshll.u32 s8, $0xA  }
0x8: {  	s6 =	ssub.s32 $0x2, s6;
	s3 =	sshll.u32 s7, $0x7;
	[smem:$0x7FF] =	sst s2  }
0x9: {  	s17 =	smul.u32 $0x2710, s7;
	s30 =	sshrl.u32 s6, $0x1;
	s9 =	sand.u32 $0x380, s3  }
0xa: {  	_ =	strace $0x80000047;
	s3 =	sadd.s32 $0xE00, s5;
	s10 =	sor.u32 s4, s9  }
0xb: {  	s4 =	sadd.s32 $0xAC00, s5;
	s8 =	sor.u32 s8, s9;
	s9 =	ssub.s32 s6, s30  }
0xc: {  	s31 =	sshrl.u32 s17, $0x3;
	s10 =	sshrl.u32 s10, $0x3;
	s8 =	sshrl.u32 s8, $0x3  }
0xd: {  	v0 =	vmov s17;
	s17 =	simm.s32 $0x2;
	s29 =	sadd.s32 s10, s5;
	s8 =	sadd.s32 s8, s5  }
0xe: {  	s5 =	sadd.s32 s3, s31;
	s10 =	simm.s32 $0x3;
	s6 =	sadd.s32 $0xB200, s8  }
0xf: {  	s7 =	sadd.s32 $0xAE00, s29;
	s8 =	smax.u32 s9, $0x1;
	s9 =	simm.s32 $0x2780  }
.LBB2_1:
0x10: {  	[tilespmem:s2], [sflag:$0x1] =	stream.linear.gather [hbm4b:s5+s2], $0x2710, $0x38;
	[tilespmem:$0x2A00] =	vst v63  }
0x11: {  	_ = 	snop  }
0x12: {  	[tilespmem:s9], [sflag:$0x3] =	stream.linear.gather [hbm4b:s4+s2], $0x100, $0x38;
	[tilespmem:$0x2A00] =	vst v63  }
0x13: {  	_ =	swait.ge [sflag:s10], $0x100  }
0x14: {  	[sflag:s10] =	ssyncset.done $0x0  }
0x15: {  	[sflag:s10] =	ssyncadd.s32 $0xFFFFFF00  }
0x16: {  	v1 =	vld [tilespmem:$0x2780]  }
0x17: {  	v2 =	vld [tilespmem:$0x2790]  }
0x18: {  	v3 =	vld [tilespmem:$0x27A0]  }
0x19: {  	v4 =	vld [tilespmem:$0x27B0]  }
0x1a: {  	v5 =	vld [tilespmem:$0x27C0]  }
0x1b: {  	v6 =	vld [tilespmem:$0x27D0];
	v1 =	vadd.s32 v0, v1  }
0x1c: {  	[tilespmem:$0x2780] =	vst v1;
	v1 =	vadd.s32 v0, v2;
	v2 =	vld [tilespmem:$0x27E0]  }
0x1d: {  	[tilespmem:$0x2790] =	vst v1;
	v1 =	vadd.s32 v0, v3;
	v3 =	vld [tilespmem:$0x27F0]  }
0x1e: {  	[tilespmem:$0x27A0] =	vst v1;
	v1 =	vadd.s32 v0, v4;
	v4 =	vld [tilespmem:$0x2800]  }
0x1f: {  	[tilespmem:$0x27B0] =	vst v1;
	v1 =	vadd.s32 v0, v5;
	v5 =	vld [tilespmem:$0x2810]  }
0x20: {  	[tilespmem:$0x27C0] =	vst v1;
	v1 =	vadd.s32 v0, v6;
	v6 =	vld [tilespmem:$0x2820]  }
0x21: {  	[tilespmem:$0x27D0] =	vst v1;
	v1 =	vadd.s32 v0, v2;
	v2 =	vld [tilespmem:$0x2830]  }
0x22: {  	[tilespmem:$0x27E0] =	vst v1;
	v1 =	vadd.s32 v0, v3;
	v3 =	vld [tilespmem:$0x2840]  }
0x23: {  	[tilespmem:$0x27F0] =	vst v1;
	v1 =	vadd.s32 v0, v4;
	v4 =	vld [tilespmem:$0x2850]  }
0x24: {  	[tilespmem:$0x2800] =	vst v1;
	v1 =	vadd.s32 v0, v5;
	v5 =	vld [tilespmem:$0x2860]  }
0x25: {  	[tilespmem:$0x2810] =	vst v1;
	v1 =	vadd.s32 v0, v6;
	v6 =	vld [tilespmem:$0x2870]  }
0x26: {  	[tilespmem:$0x2820] =	vst v1;
	v1 =	vadd.s32 v0, v2  }
0x27: {  	[tilespmem:$0x2830] =	vst v1;
	v1 =	vadd.s32 v0, v3  }
0x28: {  	[tilespmem:$0x2840] =	vst v1;
	v1 =	vadd.s32 v0, v4  }
0x29: {  	[tilespmem:$0x2850] =	vst v1;
	v1 =	vadd.s32 v0, v5  }
0x2a: {  	[tilespmem:$0x2860] =	vst v1;
	v1 =	vadd.s32 v0, v6  }
0x2b: {  	[tilespmem:$0x2870] =	vst v1  }
0x2c: {  	[tilespmem:s12], [sflag:$0x2] =	stream.indirect.gather [hbm4b:s3+s11], $0x1, s9, s11, $0xb8;
	[tilespmem:$0x2A00] =	vst v63  }
0x2d: {  	_ = 	snop  }
0x2e: {  	[tilespmem:s14], [sflag:$0x2] =	stream.indirect.gather [hbm4b:s3+s11], $0x1, s13, s11, $0xb8;
	[tilespmem:$0x2A00] =	vst v63  }
0x2f: {  	_ =	swait.ge [sflag:s15], $0x2710  }
0x30: {  	[sflag:s15] =	ssyncset.done $0x0  }
0x31: {  	s20 =	simm.s32 $0xC0;
	[sflag:s15] =	ssyncadd.s32 $0xFFFFD8F0  }
0x32: {  	v1 =	vld [tilespmem:s20+$0xFFFFFF40]  }
0x33: {  	v2 =	vld [tilespmem:s20+$0xFFFFFF50]  }
0x34: {  	v3 =	vld [tilespmem:s20+$0xFFFFFF60]  }
0x35: {  	v4 =	vld [tilespmem:s20+$0xFFFFFF70]  }
0x36: {  	v5 =	vimm.f32 $-Inf;
	v6 =	vld [tilespmem:s20+$0xFFFFFF80]  }
0x37: {  	v1 =	vmax.f32 v5, v1;
	v5 =	vld [tilespmem:s20+$0xFFFFFF90]  }
0x38: {  	v1 =	vmax.f32 v1, v2;
	v2 =	vld [tilespmem:s20+$0xFFFFFFA0]  }
0x39: {  	s21 =	sand.u32 $0x3FF0, s2;
	v1 =	vmax.f32 v1, v3;
	v3 =	vld [tilespmem:s20+$0xFFFFFFB0]  }
0x3a: {  	v1 =	vmax.f32 v1, v4;
	v4 =	vld [tilespmem:s21+$0x80]  }
0x3b: {  	v1 =	vmax.f32 v1, v6;
	v6 =	vld [tilespmem:s20+$0xFFFFFFD0]  }
0x3c: {  	v1 =	vmax.f32 v1, v5;
	v5 =	vld [tilespmem:s20+$0xFFFFFFE0]  }
0x3d: {  	v1 =	vmax.f32 v1, v2;
	v2 =	vld [tilespmem:s20+$0xFFFFFFF0]  }
0x3e: {  	v1 =	vmax.f32 v1, v3;
	v3 =	vld [tilespmem:s20+$0x0]  }
0x3f: {  	v1 =	vmax.f32 v1, v4;
	v4 =	vld [tilespmem:s20+$0x10]  }
0x40: {  	v1 =	vmax.f32 v1, v6;
	v6 =	vld [tilespmem:s20+$0x20]  }
0x41: {  	v1 =	vmax.f32 v1, v5;
	v5 =	vld [tilespmem:s20+$0x30]  }
0x42: {  	v1 =	vmax.f32 v1, v2;
	v2 =	vld [tilespmem:s21+$0x100]  }
0x43: {  	v1 =	vmax.f32 v1, v3;
	v3 =	vld [tilespmem:s20+$0x50]  }
0x44: {  	v1 =	vmax.f32 v1, v4;
	v4 =	vld [tilespmem:s20+$0x60]  }
0x45: {  	v1 =	vmax.f32 v1, v6;
	v6 =	vld [tilespmem:s20+$0x70]  }
0x46: {  	v7 =	vld [tilespmem:s20+$0x80];
	v1 =	vmax.f32 v1, v5  }
0x47: {  	v2 =	vmax.f32 v1, v2;
	v1 =	vld [tilespmem:s20+$0x90]  }
0x48: {  	v3 =	vmax.f32 v2, v3;
	v2 =	vld [tilespmem:s20+$0xA0]  }
0x49: {  	v4 =	vmax.f32 v3, v4;
	v3 =	vld [tilespmem:s20+$0xB0]  }
0x4a: {  	v6 =	vmax.f32 v4, v6;
	v4 =	vld [tilespmem:s21+$0x180];
	s21 =	simm.s32 $0x250  }
0x4b: {  	s22 =	simm.s32 $0x190;
	s23 =	simm.s32 $0x320;
	v5 =	vld [tilespmem:s21+$0xFFFFFF40];
	v6 =	vmax.f32 v6, v7  }
.LBB2_2:
0x4c: {  	p0 =	sne.s32 s23, $0x2580;
	v7 =	vld [tilespmem:s21+$0xFFFFFF50];
	v1 =	vmax.f32 v6, v1  }
0x4d: {  	v6 =	vld [tilespmem:s21+$0xFFFFFF60];
	v1 =	vmax.f32 v1, v2  }
0x4e: {  	v2 =	vld [tilespmem:s21+$0xFFFFFF70];
	v1 =	vmax.f32 v1, v3  }
0x4f: {  	v3 =	vld [tilespmem:s21+$0xFFFFFF80];
	v1 =	vmax.f32 v1, v4  }
0x50: {  	v1 =	vmax.f32 v1, v5;
	v4 =	vld [tilespmem:s21+$0xFFFFFF90]  }
0x51: {  	v1 =	vmax.f32 v1, v7;
	v5 =	vld [tilespmem:s21+$0xFFFFFFA0]  }
0x52: {  	s24 =	sand.u32 $0x3FF0, s22;
	s22 =	smov.u32 s23;
	v1 =	vmax.f32 v1, v6;
	v6 =	vld [tilespmem:s21+$0xFFFFFFB0]  }
0x53: {  	v1 =	vmax.f32 v1, v2;
	v2 =	vld [tilespmem:s24+$0x80]  }
0x54: {  	v1 =	vmax.f32 v1, v3;
	v3 =	vld [tilespmem:s21+$0xFFFFFFD0]  }
0x55: {  	v1 =	vmax.f32 v1, v4;
	v4 =	vld [tilespmem:s21+$0xFFFFFFE0]  }
0x56: {  	v1 =	vmax.f32 v1, v5;
	v5 =	vld [tilespmem:s21+$0xFFFFFFF0]  }
0x57: {  	v1 =	vmax.f32 v1, v6;
	v6 =	vld [tilespmem:s21+$0x0]  }
0x58: {  	v1 =	vmax.f32 v1, v2;
	v2 =	vld [tilespmem:s21+$0x10]  }
0x59: {  	v1 =	vmax.f32 v1, v3;
	v3 =	vld [tilespmem:s21+$0x20]  }
0x5a: {  	v1 =	vmax.f32 v1, v4;
	v4 =	vld [tilespmem:s21+$0x30]  }
0x5b: {  	v1 =	vmax.f32 v1, v5;
	v5 =	vld [tilespmem:s24+$0x100]  }
0x5c: {  	v1 =	vmax.f32 v1, v6;
	v6 =	vld [tilespmem:s21+$0x50]  }
0x5d: {  	v1 =	vmax.f32 v1, v2;
	v7 =	vld [tilespmem:s21+$0x60]  }
0x5e: {  	v1 =	vmax.f32 v1, v3;
	v8 =	vld [tilespmem:s21+$0x70]  }
0x5f: {  	v1 =	vmax.f32 v1, v4;
	v9 =	vld [tilespmem:s21+$0x80]  }
.Ltmp0:
0x60: {  	v2 =	vmax.f32 v1, v5;
	v1 =	vld [tilespmem:s21+$0x90];
	(pc) =	sbr.rel @p0 .LBB2_2-.Ltmp0, $4  }
0x61: {  	v3 =	vmax.f32 v2, v6;
	v2 =	vld [tilespmem:s21+$0xA0]  }
0x62: {  	v4 =	vmax.f32 v3, v7;
	v3 =	vld [tilespmem:s21+$0xB0]  }
0x63: {  	s21 =	sadd.s32 $0x190, s21;
	v6 =	vmax.f32 v4, v8;
	v4 =	vld [tilespmem:s24+$0x180]  }
0x64: {  	s23 =	sadd.s32 $0x190, s23;
	v5 =	vld [tilespmem:s21+$0xFFFFFF40];
	v6 =	vmax.f32 v6, v9  }
0x65: {  	v7 =	vld [tilespmem:s21+$0xFFFFFF50];
	v1 =	vmax.f32 v6, v1  }
0x66: {  	v6 =	vld [tilespmem:s21+$0xFFFFFF60];
	v1 =	vmax.f32 v1, v2  }
0x67: {  	v2 =	vld [tilespmem:s21+$0xFFFFFF70];
	v1 =	vmax.f32 v1, v3  }
0x68: {  	v3 =	vld [tilespmem:s21+$0xFFFFFF80];
	v1 =	vmax.f32 v1, v4  }
0x69: {  	v4 =	vld [tilespmem:s21+$0xFFFFFF90];
	v1 =	vmax.f32 v1, v5  }
0x6a: {  	v5 =	vld [tilespmem:s21+$0xFFFFFFA0];
	v1 =	vmax.f32 v1, v7  }
0x6b: {  	s22 =	sand.u32 $0x3FF0, s22;
	v1 =	vmax.f32 v1, v6;
	v6 =	vld [tilespmem:s21+$0xFFFFFFB0]  }
0x6c: {  	v1 =	vmax.f32 v1, v2;
	v2 =	vld [tilespmem:s22+$0x80]  }
0x6d: {  	v1 =	vmax.f32 v1, v3;
	v3 =	vld [tilespmem:s21+$0xFFFFFFD0]  }
0x6e: {  	v1 =	vmax.f32 v1, v4;
	v4 =	vld [tilespmem:s21+$0xFFFFFFE0]  }
0x6f: {  	v1 =	vmax.f32 v1, v5;
	v5 =	vld [tilespmem:s21+$0xFFFFFFF0]  }
0x70: {  	v1 =	vmax.f32 v1, v6;
	v6 =	vld [tilespmem:s21+$0x0]  }
0x71: {  	v1 =	vmax.f32 v1, v2;
	v2 =	vld [tilespmem:s21+$0x10]  }
0x72: {  	v1 =	vmax.f32 v1, v3;
	v3 =	vld [tilespmem:s21+$0x20]  }
0x73: {  	v1 =	vmax.f32 v1, v4;
	v4 =	vld [tilespmem:s21+$0x30]  }
0x74: {  	v1 =	vmax.f32 v1, v5;
	v5 =	vld [tilespmem:s22+$0x100]  }
0x75: {  	v1 =	vmax.f32 v1, v6;
	v6 =	vld [tilespmem:s21+$0x50]  }
0x76: {  	v1 =	vmax.f32 v1, v2;
	v2 =	vld [tilespmem:s21+$0x60]  }
0x77: {  	v1 =	vmax.f32 v1, v3;
	v3 =	vld [tilespmem:s21+$0x70]  }
0x78: {  	v1 =	vmax.f32 v1, v4;
	v4 =	vld [tilespmem:s21+$0x80]  }
0x79: {  	v1 =	vmax.f32 v1, v5;
	v5 =	vld [tilespmem:s21+$0x90]  }
0x7a: {  	v1 =	vmax.f32 v1, v6;
	v6 =	vld [tilespmem:s21+$0xA0]  }
0x7b: {  	v1 =	vmax.f32 v1, v2;
	v2 =	vld [tilespmem:s21+$0xB0]  }
0x7c: {  	v1 =	vmax.f32 v1, v3;
	v3 =	vld [tilespmem:s22+$0x180]  }
0x7d: {  	v1 =	vmax.f32 v1, v4;
	v4 =	vld [tilespmem:s20+$0xFFFFFF40]  }
0x7e: {  	v1 =	vmax.f32 v1, v5  }
0x7f: {  	v5 =	vld [tilespmem:s20+$0xFFFFFF50];
	v1 =	vmax.f32 v1, v6  }
0x80: {  	v1 =	vmax.f32 v1, v2  }
0x81: {  	v2 =	vld [tilespmem:s20+$0xFFFFFF60];
	v1 =	vmax.f32 v1, v3  }
0x82: {  	v3 =	vsub.f32 v4, v1  }
0x83: {  	v4 =	vld [tilespmem:s20+$0xFFFFFF70]  }
0x84: {  	v5 =	vsub.f32 v5, v1;
	v3 =	vmul.f32 $1.442695020e+00, v3  }
0x85: {  	v6 =	vld [tilespmem:s20+$0xFFFFFF80]  }
0x86: {  	v2 =	vsub.f32 v2, v1;
	v5 =	vmul.f32 $1.442695020e+00, v5;
	(erf) = vpow2.f32 v3  }
0x87: {  	v3 =	vld [tilespmem:s20+$0xFFFFFF90]  }
0x88: {  	v4 =	vsub.f32 v4, v1;
	v2 =	vmul.f32 $1.442695020e+00, v2;
	(erf) = vpow2.f32 v5  }
0x89: {  	v5 =	vld [tilespmem:s20+$0xFFFFFFA0]  }
0x8a: {  	s31 =	simm.s32 $0x0;
	v7 =	vld [tilespmem:s20+$0xFFFFFFB0];
	v6 =	vsub.f32 v6, v1;
	v4 =	vmul.f32 $1.442695020e+00, v4;
	(erf) = vpow2.f32 v2  }
0x8b: {  	s21 =	sand.u32 $0x3FF0, s31  }
0x8c: {  	v2 =	vsub.f32 v3, v1;
	v3 =	vmul.f32 $1.442695020e+00, v6;
	v6 =	vld [tilespmem:s21+$0x80];
	(erf) = vpow2.f32 v4;
	_ =	sdelay $0x1  }
0x8d: {  	v4 =	vsub.f32 v5, v1;
	v5 =	vld [tilespmem:s20+$0xFFFFFFD0];
	v2 =	vmul.f32 $1.442695020e+00, v2;
	(erf) = vpow2.f32 v3  }
0x8e: {  	v7 =	vsub.f32 v7, v1;
	v3 =	vimm.f32 $0.0e+00;
	v8 =	vpop (erf)  }
0x8f: {  	v4 =	vmul.f32 $1.442695020e+00, v4;
	(erf) = vpow2.f32 v2;
	v3 =	vadd.f32 v8, v3;
	v8 =	vld [tilespmem:s20+$0xFFFFFFE0]  }
0x90: {  	v2 =	vsub.f32 v6, v1;
	v6 =	vpop (erf)  }
0x91: {  	(erf) = vpow2.f32 v4;
	v3 =	vadd.f32 v6, v3;
	v6 =	vmul.f32 $1.442695020e+00, v7;
	v7 =	vld [tilespmem:s20+$0xFFFFFFF0]  }
0x92: {  	v4 =	vsub.f32 v5, v1;
	v5 =	vpop (erf)  }
0x93: {  	v2 =	vmul.f32 $1.442695020e+00, v2;
	v3 =	vadd.f32 v5, v3;
	v5 =	vld [tilespmem:s20+$0x0];
	(erf) = vpow2.f32 v6  }
0x94: {  	v6 =	vsub.f32 v8, v1;
	v8 =	vpop (erf)  }
0x95: {  	v4 =	vmul.f32 $1.442695020e+00, v4;
	(erf) = vpow2.f32 v2;
	v3 =	vadd.f32 v8, v3;
	v8 =	vld [tilespmem:s20+$0x10]  }
0x96: {  	v2 =	vsub.f32 v7, v1;
	v7 =	vpop (erf)  }
0x97: {  	v6 =	vmul.f32 $1.442695020e+00, v6;
	(erf) = vpow2.f32 v4;
	v3 =	vadd.f32 v7, v3;
	v7 =	vld [tilespmem:s20+$0x20]  }
0x98: {  	v4 =	vsub.f32 v5, v1;
	v5 =	vpop (erf)  }
0x99: {  	v2 =	vmul.f32 $1.442695020e+00, v2;
	(erf) = vpow2.f32 v6;
	v3 =	vadd.f32 v5, v3;
	v5 =	vld [tilespmem:s20+$0x30]  }
0x9a: {  	v6 =	vsub.f32 v8, v1;
	v8 =	vpop (erf)  }
0x9b: {  	v4 =	vmul.f32 $1.442695020e+00, v4;
	(erf) = vpow2.f32 v2;
	v3 =	vadd.f32 v8, v3;
	v8 =	vld [tilespmem:s21+$0x100]  }
0x9c: {  	v2 =	vsub.f32 v7, v1;
	v7 =	vpop (erf);
	v6 =	vmul.f32 $1.442695020e+00, v6  }
0x9d: {  	(erf) = vpow2.f32 v4;
	v3 =	vadd.f32 v7, v3  }
0x9e: {  	v4 =	vsub.f32 v5, v1;
	v5 =	vpop (erf);
	v2 =	vmul.f32 $1.442695020e+00, v2  }
0x9f: {  	(erf) = vpow2.f32 v6;
	v3 =	vadd.f32 v5, v3  }
0xa0: {  	v5 =	vsub.f32 v8, v1;
	v6 =	vpop (erf);
	(erf) = vpow2.f32 v2;
	v2 =	vld [tilespmem:s20+$0x50]  }
0xa1: {  	v3 =	vadd.f32 v6, v3  }
0xa2: {  	v7 =	vld [tilespmem:s20+$0x60];
	v4 =	vmul.f32 $1.442695020e+00, v4;
	v6 =	vpop (erf);
	v5 =	vmul.f32 $1.442695020e+00, v5  }
0xa3: {  	v3 =	vadd.f32 v6, v3  }
0xa4: {  	(erf) = vpow2.f32 v4;
	v4 =	vld [tilespmem:s20+$0x70];
	v6 =	vpop (erf)  }
0xa5: {  	v8 =	vld [tilespmem:s20+$0x80];
	v3 =	vadd.f32 v6, v3;
	v2 =	vsub.f32 v2, v1  }
0xa6: {  	(erf) = vpow2.f32 v5;
	v5 =	vpop (erf)  }
0xa7: {  	v3 =	vadd.f32 v5, v3;
	v5 =	vsub.f32 v7, v1;
	v2 =	vmul.f32 $1.442695020e+00, v2  }
0xa8: {  	v6 =	vld [tilespmem:s20+$0x90]  }
0xa9: {  	v7 =	vld [tilespmem:s20+$0xA0];
	v9 =	vpop (erf);
	v4 =	vsub.f32 v4, v1;
	v5 =	vmul.f32 $1.442695020e+00, v5;
	(erf) = vpow2.f32 v2  }
0xaa: {  	v8 =	vsub.f32 v8, v1  }
0xab: {  	v3 =	vadd.f32 v9, v3;
	v9 =	vld [tilespmem:s20+$0xB0];
	v2 =	vmul.f32 $1.442695020e+00, v4;
	(erf) = vpow2.f32 v5  }
0xac: {  	v8 =	vmul.f32 $1.442695020e+00, v8;
	v10 =	vpop (erf)  }
0xad: {  	v10 =	vadd.f32 v10, v3;
	v5 =	vsub.f32 v6, v1;
	v6 =	vpop (erf);
	v3 =	vld [tilespmem:s21+$0x180];
	(erf) = vpow2.f32 v2  }
0xae: {  	s20 =	simm.s32 $0x250;
	v4 =	vsub.f32 v7, v1  }
0xaf: {  	v2 =	vld [tilespmem:s20+$0xFFFFFF40];
	v6 =	vadd.f32 v6, v10;
	v7 =	vmul.f32 $1.442695020e+00, v5;
	(erf) = vpow2.f32 v8  }
0xb0: {  	s22 =	simm.s32 $0x320;
	s21 =	simm.s32 $0x190;
	v8 =	vpop (erf);
	v5 =	vsub.f32 v9, v1  }
.LBB2_4:
0xb1: {  	p0 =	sne.s32 s22, $0x2580;
	v9 =	vld [tilespmem:s20+$0xFFFFFF50];
	v6 =	vadd.f32 v8, v6;
	v10 =	vmul.f32 $1.442695020e+00, v4;
	(erf) = vpow2.f32 v7  }
0xb2: {  	v3 =	vsub.f32 v3, v1;
	v7 =	vpop (erf)  }
0xb3: {  	v5 =	vmul.f32 $1.442695020e+00, v5;
	v8 =	vld [tilespmem:s20+$0xFFFFFF60];
	v11 =	vadd.f32 v7, v6;
	(erf) = vpow2.f32 v10  }
0xb4: {  	v2 =	vsub.f32 v2, v1;
	v4 =	vpop (erf)  }
0xb5: {  	v3 =	vmul.f32 $1.442695020e+00, v3;
	v7 =	vld [tilespmem:s20+$0xFFFFFF70];
	v4 =	vadd.f32 v4, v11;
	(erf) = vpow2.f32 v5  }
0xb6: {  	v5 =	vsub.f32 v9, v1;
	v6 =	vpop (erf)  }
0xb7: {  	v2 =	vmul.f32 $1.442695020e+00, v2;
	v9 =	vld [tilespmem:s20+$0xFFFFFF80];
	v4 =	vadd.f32 v6, v4;
	(erf) = vpow2.f32 v3  }
0xb8: {  	v3 =	vsub.f32 v8, v1;
	v6 =	vpop (erf)  }
0xb9: {  	v5 =	vmul.f32 $1.442695020e+00, v5;
	v8 =	vld [tilespmem:s20+$0xFFFFFF90];
	(erf) = vpow2.f32 v2;
	v2 =	vadd.f32 v6, v4  }
0xba: {  	v4 =	vsub.f32 v7, v1;
	v6 =	vpop (erf)  }
0xbb: {  	v3 =	vmul.f32 $1.442695020e+00, v3;
	v7 =	vld [tilespmem:s20+$0xFFFFFFA0];
	(erf) = vpow2.f32 v5;
	v2 =	vadd.f32 v6, v2  }
0xbc: {  	v5 =	vsub.f32 v9, v1;
	v6 =	vpop (erf)  }
0xbd: {  	v4 =	vmul.f32 $1.442695020e+00, v4;
	v9 =	vld [tilespmem:s20+$0xFFFFFFB0];
	(erf) = vpow2.f32 v3;
	v2 =	vadd.f32 v6, v2  }
0xbe: {  	s23 =	sand.u32 $0x3FF0, s21;
	s21 =	smov.u32 s22;
	v3 =	vsub.f32 v8, v1;
	v6 =	vpop (erf)  }
0xbf: {  	v5 =	vmul.f32 $1.442695020e+00, v5;
	v8 =	vld [tilespmem:s23+$0x80];
	(erf) = vpow2.f32 v4;
	v2 =	vadd.f32 v6, v2  }
0xc0: {  	v4 =	vsub.f32 v7, v1;
	v6 =	vpop (erf)  }
0xc1: {  	v3 =	vmul.f32 $1.442695020e+00, v3;
	v7 =	vld [tilespmem:s20+$0xFFFFFFD0];
	(erf) = vpow2.f32 v5;
	v2 =	vadd.f32 v6, v2  }
0xc2: {  	v5 =	vsub.f32 v9, v1;
	v6 =	vpop (erf)  }
0xc3: {  	v4 =	vmul.f32 $1.442695020e+00, v4;
	v2 =	vadd.f32 v6, v2;
	v6 =	vld [tilespmem:s20+$0xFFFFFFE0];
	(erf) = vpow2.f32 v3  }
0xc4: {  	v3 =	vsub.f32 v8, v1;
	v8 =	vpop (erf)  }
0xc5: {  	v5 =	vmul.f32 $1.442695020e+00, v5;
	v2 =	vadd.f32 v8, v2;
	v8 =	vld [tilespmem:s20+$0xFFFFFFF0];
	(erf) = vpow2.f32 v4  }
0xc6: {  	v4 =	vsub.f32 v7, v1;
	v7 =	vpop (erf)  }
0xc7: {  	v3 =	vmul.f32 $1.442695020e+00, v3;
	v2 =	vadd.f32 v7, v2;
	v7 =	vld [tilespmem:s20+$0x0];
	(erf) = vpow2.f32 v5  }
0xc8: {  	v5 =	vsub.f32 v6, v1;
	v6 =	vpop (erf)  }
0xc9: {  	v4 =	vmul.f32 $1.442695020e+00, v4;
	v2 =	vadd.f32 v6, v2;
	v6 =	vld [tilespmem:s20+$0x10];
	(erf) = vpow2.f32 v3  }
0xca: {  	v3 =	vsub.f32 v8, v1;
	v8 =	vpop (erf)  }
0xcb: {  	v5 =	vmul.f32 $1.442695020e+00, v5;
	v2 =	vadd.f32 v8, v2;
	v8 =	vld [tilespmem:s20+$0x20];
	(erf) = vpow2.f32 v4  }
0xcc: {  	v4 =	vsub.f32 v7, v1;
	v7 =	vpop (erf)  }
0xcd: {  	v3 =	vmul.f32 $1.442695020e+00, v3;
	v2 =	vadd.f32 v7, v2;
	v7 =	vld [tilespmem:s20+$0x30];
	(erf) = vpow2.f32 v5  }
0xce: {  	v5 =	vsub.f32 v6, v1;
	v6 =	vpop (erf)  }
0xcf: {  	v4 =	vmul.f32 $1.442695020e+00, v4;
	v2 =	vadd.f32 v6, v2;
	v6 =	vld [tilespmem:s23+$0x100];
	(erf) = vpow2.f32 v3  }
0xd0: {  	v3 =	vsub.f32 v8, v1;
	v8 =	vpop (erf)  }
0xd1: {  	v5 =	vmul.f32 $1.442695020e+00, v5;
	v2 =	vadd.f32 v8, v2;
	v8 =	vld [tilespmem:s20+$0x50];
	(erf) = vpow2.f32 v4  }
0xd2: {  	v4 =	vsub.f32 v7, v1;
	v7 =	vpop (erf)  }
0xd3: {  	v3 =	vmul.f32 $1.442695020e+00, v3;
	v2 =	vadd.f32 v7, v2;
	v7 =	vld [tilespmem:s20+$0x60];
	(erf) = vpow2.f32 v5  }
0xd4: {  	v5 =	vsub.f32 v6, v1;
	v6 =	vpop (erf)  }
0xd5: {  	v4 =	vmul.f32 $1.442695020e+00, v4;
	v2 =	vadd.f32 v6, v2;
	v6 =	vld [tilespmem:s20+$0x70];
	(erf) = vpow2.f32 v3  }
0xd6: {  	v3 =	vsub.f32 v8, v1;
	v8 =	vpop (erf)  }
0xd7: {  	v5 =	vmul.f32 $1.442695020e+00, v5;
	v2 =	vadd.f32 v8, v2;
	v8 =	vld [tilespmem:s20+$0x80];
	(erf) = vpow2.f32 v4  }
0xd8: {  	v4 =	vsub.f32 v7, v1;
	v7 =	vpop (erf)  }
0xd9: {  	v3 =	vmul.f32 $1.442695020e+00, v3;
	v2 =	vadd.f32 v7, v2;
	v7 =	vld [tilespmem:s20+$0x90];
	(erf) = vpow2.f32 v5  }
0xda: {  	v5 =	vsub.f32 v6, v1;
	v6 =	vpop (erf)  }
0xdb: {  	v9 =	vmul.f32 $1.442695020e+00, v4;
	v2 =	vadd.f32 v6, v2;
	v6 =	vld [tilespmem:s20+$0xA0];
	(erf) = vpow2.f32 v3  }
0xdc: {  	v3 =	vsub.f32 v8, v1;
	v8 =	vpop (erf)  }
0xdd: {  	v11 =	vmul.f32 $1.442695020e+00, v5;
	v2 =	vadd.f32 v8, v2;
	v8 =	vld [tilespmem:s20+$0xB0];
	(erf) = vpow2.f32 v9  }
.Ltmp1:
0xde: {  	v7 =	vsub.f32 v7, v1;
	v4 =	vpop (erf);
	(pc) =	sbr.rel @p0 .LBB2_4-.Ltmp1, $4  }
0xdf: {  	v10 =	vmul.f32 $1.442695020e+00, v3;
	v9 =	vadd.f32 v4, v2;
	v3 =	vld [tilespmem:s23+$0x180];
	(erf) = vpow2.f32 v11  }
0xe0: {  	s20 =	sadd.s32 $0x190, s20;
	v4 =	vsub.f32 v6, v1;
	v5 =	vpop (erf)  }
0xe1: {  	v7 =	vmul.f32 $1.442695020e+00, v7;
	v2 =	vld [tilespmem:s20+$0xFFFFFF40];
	v6 =	vadd.f32 v5, v9;
	(erf) = vpow2.f32 v10  }
0xe2: {  	s22 =	sadd.s32 $0x190, s22;
	v5 =	vsub.f32 v8, v1;
	v8 =	vpop (erf)  }
0xe3: {  	v9 =	vld [tilespmem:s20+$0xFFFFFF50];
	v6 =	vadd.f32 v8, v6;
	v4 =	vmul.f32 $1.442695020e+00, v4;
	(erf) = vpow2.f32 v7  }
0xe4: {  	v3 =	vsub.f32 v3, v1;
	v50 =	vpop (erf)  }
0xe5: {  	v51 =	vld [tilespmem:s20+$0xFFFFFF60];
	v5 =	vmul.f32 $1.442695020e+00, v5;
	v6 =	vadd.f32 v50, v6;
	(erf) = vpow2.f32 v4  }
0xe6: {  	v2 =	vsub.f32 v2, v1;
	v52 =	vpop (erf)  }
0xe7: {  	v53 =	vld [tilespmem:s20+$0xFFFFFF70];
	v3 =	vmul.f32 $1.442695020e+00, v3;
	(erf) = vpow2.f32 v5;
	v4 =	vadd.f32 v52, v6  }
0xe8: {  	v54 =	vsub.f32 v9, v1;
	v55 =	vpop (erf)  }
0xe9: {  	v56 =	vld [tilespmem:s20+$0xFFFFFF80];
	v2 =	vmul.f32 $1.442695020e+00, v2;
	(erf) = vpow2.f32 v3;
	v4 =	vadd.f32 v55, v4  }
0xea: {  	v3 =	vsub.f32 v51, v1;
	v57 =	vpop (erf)  }
0xeb: {  	v5 =	vmul.f32 $1.442695020e+00, v54;
	(erf) = vpow2.f32 v2;
	v2 =	vadd.f32 v57, v4  }
0xec: {  	v58 =	vld [tilespmem:s20+$0xFFFFFF90];
	v59 =	vsub.f32 v53, v1;
	v60 =	vpop (erf)  }
0xed: {  	v61 =	vld [tilespmem:s20+$0xFFFFFFA0];
	v3 =	vmul.f32 $1.442695020e+00, v3;
	(erf) = vpow2.f32 v5;
	v2 =	vadd.f32 v60, v2  }
0xee: {  	v62 =	vsub.f32 v56, v1;
	v63 =	vpop (erf)  }
0xef: {  	v12 =	vld [tilespmem:s20+$0xFFFFFFB0];
	v4 =	vmul.f32 $1.442695020e+00, v59;
	(erf) = vpow2.f32 v3;
	v2 =	vadd.f32 v63, v2  }
0xf0: {  	v5 =	vmul.f32 $1.442695020e+00, v62;
	v13 =	vpop (erf)  }
0xf1: {  	s21 =	sand.u32 $0x3FF0, s21;
	v3 =	vsub.f32 v58, v1;
	(erf) = vpow2.f32 v4;
	v2 =	vadd.f32 v13, v2  }
0xf2: {  	v14 =	vld [tilespmem:s21+$0x80];
	v15 =	vsub.f32 v61, v1;
	v16 =	vpop (erf)  }
0xf3: {  	v17 =	vld [tilespmem:s20+$0xFFFFFFD0];
	v3 =	vmul.f32 $1.442695020e+00, v3;
	(erf) = vpow2.f32 v5;
	v2 =	vadd.f32 v16, v2  }
0xf4: {  	v18 =	vsub.f32 v12, v1;
	v19 =	vpop (erf)  }
0xf5: {  	v20 =	vld [tilespmem:s20+$0xFFFFFFE0];
	v4 =	vmul.f32 $1.442695020e+00, v15;
	(erf) = vpow2.f32 v3;
	v2 =	vadd.f32 v19, v2  }
0xf6: {  	v5 =	vmul.f32 $1.442695020e+00, v18;
	v21 =	vpop (erf)  }
0xf7: {  	v3 =	vsub.f32 v14, v1;
	(erf) = vpow2.f32 v4;
	v2 =	vadd.f32 v21, v2  }
0xf8: {  	v22 =	vld [tilespmem:s20+$0xFFFFFFF0];
	v23 =	vsub.f32 v17, v1;
	v24 =	vpop (erf)  }
0xf9: {  	v25 =	vld [tilespmem:s20+$0x0];
	v3 =	vmul.f32 $1.442695020e+00, v3;
	(erf) = vpow2.f32 v5;
	v2 =	vadd.f32 v24, v2  }
0xfa: {  	v26 =	vsub.f32 v20, v1;
	v27 =	vpop (erf)  }
0xfb: {  	v28 =	vld [tilespmem:s20+$0x10];
	v4 =	vmul.f32 $1.442695020e+00, v23;
	(erf) = vpow2.f32 v3;
	v2 =	vadd.f32 v27, v2  }
0xfc: {  	v5 =	vmul.f32 $1.442695020e+00, v26;
	v29 =	vpop (erf)  }
0xfd: {  	v3 =	vsub.f32 v22, v1;
	(erf) = vpow2.f32 v4;
	v2 =	vadd.f32 v29, v2  }
0xfe: {  	v30 =	vld [tilespmem:s20+$0x20];
	v31 =	vsub.f32 v25, v1;
	v32 =	vpop (erf)  }
0xff: {  	v33 =	vld [tilespmem:s20+$0x30];
	v3 =	vmul.f32 $1.442695020e+00, v3;
	(erf) = vpow2.f32 v5;
	v2 =	vadd.f32 v32, v2  }
0x100: {  	v34 =	vsub.f32 v28, v1;
	v35 =	vpop (erf)  }
0x101: {  	v36 =	vld [tilespmem:s21+$0x100];
	v4 =	vmul.f32 $1.442695020e+00, v31;
	(erf) = vpow2.f32 v3;
	v2 =	vadd.f32 v35, v2  }
0x102: {  	v5 =	vmul.f32 $1.442695020e+00, v34;
	v37 =	vpop (erf)  }
0x103: {  	v3 =	vsub.f32 v30, v1;
	(erf) = vpow2.f32 v4;
	v2 =	vadd.f32 v37, v2  }
0x104: {  	v38 =	vld [tilespmem:s20+$0x50];
	v39 =	vsub.f32 v33, v1;
	v40 =	vpop (erf)  }
0x105: {  	v41 =	vld [tilespmem:s20+$0x60];
	v3 =	vmul.f32 $1.442695020e+00, v3;
	(erf) = vpow2.f32 v5;
	v2 =	vadd.f32 v40, v2  }
0x106: {  	v42 =	vsub.f32 v36, v1;
	v43 =	vpop (erf)  }
0x107: {  	v44 =	vld [tilespmem:s20+$0x70];
	v4 =	vmul.f32 $1.442695020e+00, v39;
	(erf) = vpow2.f32 v3;
	v2 =	vadd.f32 v43, v2  }
0x108: {  	v5 =	vmul.f32 $1.442695020e+00, v42;
	v45 =	vpop (erf)  }
0x109: {  	v3 =	vsub.f32 v38, v1;
	(erf) = vpow2.f32 v4;
	v2 =	vadd.f32 v45, v2  }
0x10a: {  	v46 =	vld [tilespmem:s20+$0x80];
	v47 =	vsub.f32 v41, v1;
	v48 =	vpop (erf)  }
0x10b: {  	v49 =	vld [tilespmem:s20+$0x90];
	v3 =	vmul.f32 $1.442695020e+00, v3;
	(erf) = vpow2.f32 v5;
	v2 =	vadd.f32 v48, v2  }
0x10c: {  	v50 =	vsub.f32 v44, v1;
	v51 =	vpop (erf)  }
0x10d: {  	v52 =	vld [tilespmem:s20+$0xA0];
	v4 =	vmul.f32 $1.442695020e+00, v47;
	(erf) = vpow2.f32 v3;
	v2 =	vadd.f32 v51, v2  }
0x10e: {  	v5 =	vmul.f32 $1.442695020e+00, v50;
	v53 =	vpop (erf)  }
0x10f: {  	v54 =	vld [tilespmem:s20+$0xB0];
	v3 =	vsub.f32 v46, v1;
	(erf) = vpow2.f32 v4;
	v2 =	vadd.f32 v53, v2  }
0x110: {  	v55 =	vsub.f32 v49, v1;
	v56 =	vpop (erf)  }
0x111: {  	v3 =	vmul.f32 $1.442695020e+00, v3;
	(erf) = vpow2.f32 v5;
	v2 =	vadd.f32 v56, v2  }
0x112: {  	v57 =	vld [tilespmem:s21+$0x180];
	v58 =	vsub.f32 v52, v1;
	v59 =	vpop (erf)  }
0x113: {  	v4 =	vmul.f32 $1.442695020e+00, v55;
	(erf) = vpow2.f32 v3;
	v2 =	vadd.f32 v59, v2  }
0x114: {  	v3 =	vsub.f32 v54, v1;
	v60 =	vpop (erf)  }
0x115: {  	v5 =	vmul.f32 $1.442695020e+00, v58;
	(erf) = vpow2.f32 v4;
	v2 =	vadd.f32 v60, v2  }
0x116: {  	v3 =	vmul.f32 $1.442695020e+00, v3;
	v62 =	vpop (erf)  }
0x117: {  	v61 =	vsub.f32 v57, v1;
	(erf) = vpow2.f32 v5;
	v2 =	vadd.f32 v62, v2  }
0x118: {  	v63 =	vpop (erf)  }
0x119: {  	v4 =	vmul.f32 $1.442695020e+00, v61;
	(erf) = vpow2.f32 v3;
	v2 =	vadd.f32 v63, v2  }
0x11a: {  	v3 =	vpop (erf)  }
0x11b: {  	(erf) = vpow2.f32 v4;
	v2 =	vadd.f32 v3, v2  }
0x11c: {  	v3 =	vpop (erf)  }
0x11d: {  	v2 =	vadd.f32 v3, v2  }
0x11e: {  	v3 =	vpop (erf)  }
0x11f: {  	v2 =	vadd.f32 v3, v2  }
0x120: {  	v3 =	vpop (erf)  }
0x121: {  	v2 =	vadd.f32 v3, v2  }
0x122: {  	v3 =	vpop (erf)  }
0x123: {  	v2 =	vadd.f32 v3, v2  }
0x124: {  	v3 =	vpop (erf)  }
0x125: {  	v2 =	vadd.f32 v3, v2  }
0x126: {  	[tilespmem:$0x2980] =	vst v1  }
0x127: {  	[tilespmem:$0x2990] =	vst v2  }
0x128: {  	[hbm4b:s6+s2] =	stream.linear.scatter [tilespmem:s16], [sflag:$0x3], $0x80, $0x38;
	[tilespmem:$0x2A00] =	vst v63  }
0x129: {  	_ =	swait.ge [sflag:s10], $0x80  }
0x12a: {  	[sflag:s10] =	ssyncset.done $0x0  }
0x12b: {  	[sflag:s10] =	ssyncadd.s32 $0xFFFFFF80  }
0x12c: {  	_ =	swait.ge [sflag:s17], $0x80  }
0x12d: {  	[sflag:s17] =	ssyncset.done $0x0  }
0x12e: {  	[sflag:s17] =	ssyncadd.s32 $0xFFFFFF80  }
0x12f: {  	s19 =	sadd.s32 $0x1, s19;
	_ =	swait.ge [sflag:s17], $0x80  }
0x130: {  	p0 =	sne.s32 s19, s8;
	[sflag:s17] =	ssyncset.done $0x0  }
.Ltmp2:
0x131: {  	[sflag:s17] =	ssyncadd.s32 $0xFFFFFF80;
	(pc) =	sbr.rel @p0 .LBB2_1-.Ltmp2, $4  }
0x132: {  	[hbm4b:s7+s11] =	stream.strided.scatter [tilespmem:s12], [sflag:$0x3], $0x100, s18, s11, $0x38;
	[tilespmem:$0x2A00] =	vst v63  }
0x133: {  	_ =	swait.ge [sflag:s10], $0x100  }
0x134: {  	[sflag:s10] =	ssyncset.done $0x0  }
0x135: {  	[sflag:s10] =	ssyncadd.s32 $0xFFFFFF00  }
0x136: {  	_ =	sfence.sel $0x180000  }
0x137: {  	[bflag:$0x0] =	sbarrier.arrive $0xFFFF  }
0x138: {  	p0 =	sne.s32 s0, $0x0;
	_ =	strace $0x90000047  }
0x139: {  	s0 =	sadd.s32 @!p0 $0x100000, s1;
	[bflag:$0x2] =	sbarrier.arrive $0xFFFF  }
0x13a: {  	[sflag:s0] =	ssyncadd.tile.s32 @!p0 $0x1;
	_ =	shalt  }
.Lfunc_end2:
_tile_overlayer_lowered:
.L_overlay_start_2:
0x13b: {  	(tag) =	ssettag $0x2  }
0x13c: {  	s0 =	rddreg [dreg:$0x0];
	s2 =	stileid.u32  }
0x13d: {  	s1 =	rddreg [dreg:$0x1];
	p0 =	sne.s32 s2, $0x0  }
0x13e: {  	s3 =	rddreg [dreg:$0x2];
	[bflag:$0x3] =	sbarrier.arrive $0xFFFF;
	s2 =	simm.s32 @!p0 $0x1C03  }
0x13f: {  	[timem:s3], [sflag:s2] =	dma.local @!p0 [hbm:s0], s1  }
0x140: {  	s0 =	simm.s32 @!p0 $0x3  }
0x141: {  	_ =	swait.ge @!p0 [sflag:s0], s1  }
0x142: {  	s1 =	ssub.s32 @!p0 $0x0, s1;
	[sflag:s0] =	ssyncset.done @!p0 $0x0  }
0x143: {  	[sflag:s0] =	ssyncadd.s32 @!p0 s1  }
0x144: {  	[bflag:$0x3] =	sbarrier.arrive $0xFFFF  }
0x145: {  	_ =	shalt  }

</sc_bundles>
